<compile_context>
chip_gen: v7x
topology: tpu7x:2x2x1
jax: 0.10.2.dev20260603
libtpu: 0.0.44.dev20260713+nightly
codegen_flags: <defaults>
</compile_context>

<pallas_src>
import functools

import jax
import jax.numpy as jnp
from jax import lax
from jax.experimental import pallas as pl
from jax.experimental.pallas import tpu as pltpu
from jax.experimental.pallas import tpu_sc as plsc

NI = 4000
NU = 6000
NR = 5
NBASE = 8
D = 128
B = 16
L = 512
E = 320000

NC = 2
NS = 16
EP = 327680
ET = EP // (NC * NS)
ECT = EP // NS
CH = 128
NCHUNK = ET // CH
CB = 2048
NCCH = ECT // CB
NVEC = ET // 16

SRC_OFF = 30720
HROWS = 272
C2_ROWS = 32
UP = 6016
IP = 4096

PAD_SRC = 4095
PAD_DST = NI + 6004
PAD_TY = 0

_SC_PARAMS = pltpu.CompilerParams(needs_layout_passes=False)
_MESH = plsc.VectorSubcoreMesh(core_axis_name="c", subcore_axis_name="s")


def _zero16():
    return jnp.zeros((16,), jnp.float32)


def _ones16():
    return jnp.ones((16,), jnp.float32)


def _hist_idx(flat):
    return [lax.shift_right_logical(flat, 7), jnp.bitwise_and(flat, 127)]


def _w2_body(comp_ref, basis_ref, out_ref):
    for r in range(NR):
        acc = comp_ref[r, 0] * basis_ref[0]
        for b in range(1, NBASE):
            acc += comp_ref[r, b] * basis_ref[b]
        out_ref[r] = acc


def _make_w2(comp, basis):
    out = pl.pallas_call(
        _w2_body,
        grid=(4,),
        in_specs=[
            pl.BlockSpec(memory_space=pltpu.SMEM),
            pl.BlockSpec((NBASE, 1000, D), lambda j: (0, j, 0)),
        ],
        out_specs=pl.BlockSpec((NR, 1000, D), lambda j: (0, j, 0)),
        out_shape=jax.ShapeDtypeStruct((NR, NI, D), jnp.float32),
    )(comp, basis)
    return out.reshape(NR * NI, D)


@functools.partial(
    pl.kernel,
    out_type=(
        jax.ShapeDtypeStruct((NC, UP, D), jnp.float32),
        jax.ShapeDtypeStruct((C2_ROWS, D), jnp.float32),
    ),
    mesh=_MESH,
    compiler_params=_SC_PARAMS,
    scratch_types=[
        pltpu.VMEM((CB,), jnp.int32),
        pltpu.VMEM((CB,), jnp.int32),
        pltpu.VMEM((2 * CH,), jnp.int32),
        pltpu.VMEM((2 * CH,), jnp.int32),
        pltpu.VMEM((2 * CH,), jnp.int32),
        pltpu.VMEM((CH,), jnp.int32),
        pltpu.VMEM((CH,), jnp.int32),
        pltpu.VMEM((2 * CH,), jnp.float32),
        pltpu.VMEM((HROWS, D), jnp.float32),
        pltpu.VMEM((CH, D), jnp.float32),
        pltpu.VMEM((CH, D), jnp.float32),
        pltpu.VMEM((16,), jnp.int32),
        pltpu.VMEM_SHARED((UP, D), jnp.float32),
        pltpu.VMEM_SHARED((HROWS, D), jnp.float32),
        pltpu.SemaphoreType.DMA,
        pltpu.SemaphoreType.DMA,
        pltpu.SemaphoreType.DMA,
    ],
)
def _sc_stage_a(es_hbm, ed_hbm, et_hbm, w2_hbm, accp_hbm, cnt2_hbm,
                cbufA, cbufB, mtyg, msrg, mdsg, uix0, uix1, mwg,
                c1l, gb0, gb1, ixr, ush, c1sh, semi, semg, sems):
    cid = lax.axis_index("c")
    sid = lax.axis_index("s")
    uix = (uix0, uix1)
    gb = (gb0, gb1)

    @pl.loop(0, HROWS)
    def _(i):
        for j in range(8):
            c1l[i, pl.ds(j * 16, 16)] = _zero16()

    @pl.loop(0, CH)
    def _(i):
        for j in range(8):
            gb0[i, pl.ds(j * 16, 16)] = _zero16()

    u0 = sid * (UP // NS)
    pltpu.sync_copy(gb0, ush.at[pl.ds(u0, CH)])
    pltpu.sync_copy(gb0, ush.at[pl.ds(u0 + CH, CH)])
    pltpu.sync_copy(gb0.at[pl.ds(0, UP // NS - 2 * CH)],
                    ush.at[pl.ds(u0 + 2 * CH, UP // NS - 2 * CH)])

    @pl.when(sid == 0)
    def _():
        pltpu.sync_copy(gb0, c1sh.at[pl.ds(0, CH)])
        pltpu.sync_copy(gb0, c1sh.at[pl.ds(CH, CH)])
        pltpu.sync_copy(gb0.at[pl.ds(0, HROWS - 2 * CH)],
                        c1sh.at[pl.ds(2 * CH, HROWS - 2 * CH)])

    plsc.subcore_barrier()

    for h in range(NCCH):
        base = sid * ECT + h * CB
        ca = pltpu.async_copy(et_hbm.at[pl.ds(base, CB)], cbufA, semi)
        cb = pltpu.async_copy(ed_hbm.at[pl.ds(base, CB)], cbufB, semi)
        ca.wait()
        cb.wait()

        @pl.loop(0, CB // 16)
        def _(i):
            ty = cbufA[pl.ds(i * 16, 16)]
            dv = cbufB[pl.ds(i * 16, 16)]
            seg = (dv - NI) * NR + ty
            plsc.addupdate_scatter(c1l, _hist_idx(seg), _ones16())

    for h in range(NCCH):
        base = sid * ECT + h * CB
        pltpu.sync_copy(es_hbm.at[pl.ds(base, CB)], cbufA)

        @pl.loop(0, CB // 16)
        def _(i):
            sr = cbufA[pl.ds(i * 16, 16)] + SRC_OFF
            plsc.addupdate_scatter(c1l, _hist_idx(sr), _ones16())

    for k in range(HROWS // 16):
        ixr[...] = lax.iota(jnp.int32, 16) + 16 * k
        pltpu.sync_copy(c1l.at[pl.ds(16 * k, 16)], c1sh.at[ixr], add=True)
    plsc.subcore_barrier()
    pltpu.sync_copy(c1sh, c1l)

    @pl.when(jnp.logical_and(cid == 0, sid == 0))
    def _():
        pltpu.sync_copy(c1l.at[pl.ds(SRC_OFF // D, C2_ROWS)], cnt2_hbm)

    mbase = cid * (EP // NC) + sid * ET

    def _prep():
        @pl.loop(0, 2 * CH // 16)
        def _(i):
            ty = mtyg[pl.ds(i * 16, 16)]
            sr = msrg[pl.ds(i * 16, 16)]
            dv = mdsg[pl.ds(i * 16, 16)]
            seg = (dv - NI) * NR + ty
            cnt = plsc.load_gather(c1l, _hist_idx(seg))
            mwg[pl.ds(i * 16, 16)] = 1.0 / cnt
            mtyg[pl.ds(i * 16, 16)] = ty * NI + sr

        @pl.loop(0, CH // 16)
        def _(i):
            uix0[pl.ds(i * 16, 16)] = mdsg[pl.ds(i * 16, 16)] - NI
        @pl.loop(0, CH // 16)
        def _(i):
            uix1[pl.ds(i * 16, 16)] = mdsg[pl.ds(CH + i * 16, 16)] - NI

    def _scale(b):
        @functools.partial(plsc.parallel_loop, 0, CH, unroll=2)
        def _(e):
            w = plsc.load_gather(
                mwg, [jnp.full((16,), 1, jnp.int32) * (b * CH + e)])
            for k2 in range(8):
                val = gb[b][e, pl.ds(k2 * 16, 16)]
                gb[b][e, pl.ds(k2 * 16, 16)] = val * w

    @pl.loop(0, NCHUNK // 2)
    def _(j0):
        ebase = mbase + j0 * 2 * CH
        copies = [
            pltpu.async_copy(et_hbm.at[pl.ds(ebase, 2 * CH)], mtyg, semi),
            pltpu.async_copy(es_hbm.at[pl.ds(ebase, 2 * CH)], msrg, semi),
            pltpu.async_copy(ed_hbm.at[pl.ds(ebase, 2 * CH)], mdsg, semi),
        ]
        for c in copies:
            c.wait()
        _prep()
        g0 = pltpu.async_copy(w2_hbm.at[mtyg.at[pl.ds(0, CH)]], gb[0], semg)
        g1 = pltpu.async_copy(w2_hbm.at[mtyg.at[pl.ds(CH, CH)]], gb[1], semg)
        g0.wait()
        _scale(0)
        s0 = pltpu.async_copy(gb[0], ush.at[uix[0]], sems, add=True)
        g1.wait()
        _scale(1)
        s1 = pltpu.async_copy(gb[1], ush.at[uix[1]], sems, add=True)
        s0.wait()
        s1.wait()

    plsc.subcore_barrier()

    pltpu.sync_copy(ush.at[pl.ds(u0, CH)], gb0)
    pltpu.sync_copy(gb0, accp_hbm.at[cid, pl.ds(u0, CH)])
    pltpu.sync_copy(ush.at[pl.ds(u0 + CH, CH)], gb0)
    pltpu.sync_copy(gb0, accp_hbm.at[cid, pl.ds(u0 + CH, CH)])
    rem = UP // NS - 2 * CH
    pltpu.sync_copy(ush.at[pl.ds(u0 + 2 * CH, rem)], gb0.at[pl.ds(0, rem)])
    pltpu.sync_copy(gb0.at[pl.ds(0, rem)],
                    accp_hbm.at[cid, pl.ds(u0 + 2 * CH, rem)])


def _user_emb_body(p_ref, root_ref, bias_ref, out_ref):
    out_ref[...] = p_ref[0] + p_ref[1] + root_ref[...] + bias_ref[...]


def _make_user_emb(accp, root_u, bias_row):
    return pl.pallas_call(
        _user_emb_body,
        out_shape=jax.ShapeDtypeStruct((UP, D), jnp.float32),
    )(accp, root_u, bias_row)


@functools.partial(
    pl.kernel,
    out_type=jax.ShapeDtypeStruct((NC, IP, D), jnp.float32),
    mesh=_MESH,
    compiler_params=_SC_PARAMS,
    scratch_types=[
        pltpu.VMEM((ET,), jnp.int32),
        pltpu.VMEM((ET,), jnp.int32),
        pltpu.VMEM((CH,), jnp.int32),
        pltpu.VMEM((CH,), jnp.int32),
        pltpu.VMEM((CH,), jnp.int32),
        pltpu.VMEM((CH,), jnp.int32),
        pltpu.VMEM((CH, D), jnp.float32),
        pltpu.VMEM((CH, D), jnp.float32),
        pltpu.VMEM((CH, D), jnp.float32),
        pltpu.VMEM((CH, D), jnp.float32),
        pltpu.VMEM_SHARED((IP, D), jnp.float32),
        pltpu.SemaphoreType.DMA,
        pltpu.SemaphoreType.DMA,
        pltpu.SemaphoreType.DMA,
        pltpu.SemaphoreType.DMA,
        pltpu.SemaphoreType.DMA,
        pltpu.SemaphoreType.DMA,
        pltpu.SemaphoreType.DMA,
        pltpu.SemaphoreType.DMA,
        pltpu.SemaphoreType.DMA,
    ],
)
def _sc_stage_b(es_hbm, ed_hbm, ue_hbm, qp_hbm, ib_ds, ib_sr,
                six0, six1, six2, six3, gb0, gb1, gb2, gb3, iash,
                semg0, semg1, semg2, semg3, sems0, sems1, sems2, sems3,
                semi):
    cid = lax.axis_index("c")
    sid = lax.axis_index("s")
    six = (six0, six1, six2, six3)
    gb = (gb0, gb1, gb2, gb3)
    semg = (semg0, semg1, semg2, semg3)
    sems = (sems0, sems1, sems2, sems3)

    @pl.loop(0, CH)
    def _(i):
        for j in range(8):
            gb0[i, pl.ds(j * 16, 16)] = _zero16()

    i0 = sid * (IP // NS)
    pltpu.sync_copy(gb0, iash.at[pl.ds(i0, CH)])
    pltpu.sync_copy(gb0, iash.at[pl.ds(i0 + CH, CH)])
    plsc.subcore_barrier()

    mbase = cid * (EP // NC) + sid * ET
    cd = pltpu.async_copy(ed_hbm.at[pl.ds(mbase, ET)], ib_ds, semi)
    cs = pltpu.async_copy(es_hbm.at[pl.ds(mbase, ET)], ib_sr, semi)
    cd.wait()
    cs.wait()

    @pl.loop(0, NVEC)
    def _(i):
        ib_ds[pl.ds(i * 16, 16)] = ib_ds[pl.ds(i * 16, 16)] - NI

    def _fill(b, j):
        @pl.loop(0, CH // 16)
        def _(i):
            six[b][pl.ds(i * 16, 16)] = ib_sr[pl.ds(j * CH + i * 16, 16)]

    def _gather(b, j):
        return pltpu.async_copy(
            ue_hbm.at[ib_ds.at[pl.ds(j * CH, CH)]], gb[b], semg[b])

    for b in range(4):
        _gather(b, b)

    @pl.loop(0, NCHUNK // 4 - 1)
    def _(j0):
        for b in range(4):
            j = j0 * 4 + b
            pltpu.make_async_copy(
                ue_hbm.at[ib_ds.at[pl.ds(j * CH, CH)]], gb[b],
                semg[b]).wait()
            _fill(b, j)
            pltpu.async_copy(gb[b], iash.at[six[b]], sems[b], add=True)
        for b in range(4):
            j = j0 * 4 + b
            pltpu.make_async_copy(
                gb[b], iash.at[six[b]], sems[b]).wait()
            _gather(b, j + 4)

    for b in range(4):
        j = NCHUNK - 4 + b
        pltpu.make_async_copy(
            ue_hbm.at[ib_ds.at[pl.ds(j * CH, CH)]], gb[b], semg[b]).wait()
        _fill(b, j)
        pltpu.async_copy(gb[b], iash.at[six[b]], sems[b], add=True)
    for b in range(4):
        pltpu.make_async_copy(gb[b], iash.at[six[b]], sems[b]).wait()

    plsc.subcore_barrier()

    pltpu.sync_copy(iash.at[pl.ds(i0, CH)], gb0)
    pltpu.sync_copy(gb0, qp_hbm.at[cid, pl.ds(i0, CH)])
    pltpu.sync_copy(iash.at[pl.ds(i0 + CH, CH)], gb0)
    pltpu.sync_copy(gb0, qp_hbm.at[cid, pl.ds(i0 + CH, CH)])


def _item_mean_body(q_ref, c_ref, out_ref):
    out_ref[...] = (q_ref[0] + q_ref[1]) / jnp.maximum(c_ref[...], 1.0)


def _make_item_mean(qp, cnt_col):
    return pl.pallas_call(
        _item_mean_body,
        out_shape=jax.ShapeDtypeStruct((IP, D), jnp.float32),
    )(qp, cnt_col)


@functools.partial(
    pl.kernel,
    out_type=jax.ShapeDtypeStruct((B * L, D), jnp.float32),
    mesh=_MESH,
    compiler_params=_SC_PARAMS,
    scratch_types=[
        pltpu.VMEM((B * L // (NC * NS),), jnp.int32),
        pltpu.VMEM((CH, D), jnp.float32),
        pltpu.SemaphoreType.DMA,
    ],
)
def _sc_ctx_gather(im_hbm, ctx_hbm, h_hbm, ib, gb, sem):
    cid = lax.axis_index("c")
    sid = lax.axis_index("s")
    wid = sid * NC + cid
    per = B * L // (NC * NS)
    base = wid * per
    pltpu.sync_copy(ctx_hbm.at[pl.ds(base, per)], ib)
    for k in range(per // CH):
        pltpu.async_copy(im_hbm.at[ib.at[pl.ds(k * CH, CH)]], gb, sem).wait()
        pltpu.sync_copy(gb, h_hbm.at[pl.ds(base + k * CH, CH)])


def _attn_body(h_ref, ctx_ref, a_ref, b_ref, w1_ref, b1_ref, w2_ref, b2_ref,
               social_ref, proj_ref):
    h = h_ref[0]
    t = jnp.tanh(jnp.dot(h, a_ref[...], preferred_element_type=jnp.float32))
    e = jnp.sum(t * b_ref[...], axis=1, keepdims=True)
    valid = ctx_ref[0] >= 0
    e = jnp.where(valid, e, -1e9)
    m = jnp.max(e, axis=0, keepdims=True)
    ex = jnp.exp(e - m)
    s = jnp.sum(ex, axis=0, keepdims=True)
    alpha = ex / s
    social = h * alpha
    social_ref[0] = social
    pooled = jnp.sum(social, axis=0, keepdims=True)
    x = jnp.maximum(
        jnp.dot(pooled, w1_ref[...], preferred_element_type=jnp.float32)
        + b1_ref[...], 0.0)
    proj_ref[0] = jnp.maximum(
        jnp.dot(x, w2_ref[...], preferred_element_type=jnp.float32)
        + b2_ref[...], 0.0)


def _make_attn(h3, ctx3, attn_a, attn_b_row, fc1_w, fc1_b_row, fc2_w,
               fc2_b_row):
    return pl.pallas_call(
        _attn_body,
        grid=(B,),
        in_specs=[
            pl.BlockSpec((1, L, D), lambda i: (i, 0, 0)),
            pl.BlockSpec((1, L, 1), lambda i: (i, 0, 0)),
            pl.BlockSpec((D, D), lambda i: (0, 0)),
            pl.BlockSpec((1, D), lambda i: (0, 0)),
            pl.BlockSpec((D, D), lambda i: (0, 0)),
            pl.BlockSpec((1, D), lambda i: (0, 0)),
            pl.BlockSpec((D, D), lambda i: (0, 0)),
            pl.BlockSpec((1, D), lambda i: (0, 0)),
        ],
        out_specs=[
            pl.BlockSpec((1, L, D), lambda i: (i, 0, 0)),
            pl.BlockSpec((1, 1, D), lambda i: (i, 0, 0)),
        ],
        out_shape=[
            jax.ShapeDtypeStruct((B, L, D), jnp.float32),
            jax.ShapeDtypeStruct((B, 1, D), jnp.float32),
        ],
    )(h3, ctx3, attn_a, attn_b_row, fc1_w, fc1_b_row, fc2_w, fc2_b_row)


def kernel(context_items, edge_src, edge_dst, edge_type, basis, comp, root,
           rgcn_bias, attn_a, attn_b, fc1_w, fc1_b, fc2_w, fc2_b):
    pad = EP - E
    es = jnp.concatenate(
        [edge_src, jnp.full((pad,), PAD_SRC, jnp.int32)])
    ed = jnp.concatenate(
        [edge_dst, jnp.full((pad,), PAD_DST, jnp.int32)])
    et = jnp.concatenate(
        [edge_type, jnp.full((pad,), PAD_TY, jnp.int32)])

    w2 = _make_w2(comp, basis)

    accp, cnt2 = _sc_stage_a(es, ed, et, w2)

    root_u = jnp.concatenate(
        [root[NI:], jnp.zeros((UP - NU, D), jnp.float32)])
    user_emb = _make_user_emb(accp, root_u, rgcn_bias[None, :])

    qp = _sc_stage_b(es, ed, user_emb)

    cnt_col = cnt2.reshape(IP)[:, None]
    item_mean = _make_item_mean(qp, cnt_col)

    ctx_flat = context_items.reshape(B * L)
    h_flat = _sc_ctx_gather(item_mean, ctx_flat)

    h3 = h_flat.reshape(B, L, D)
    ctx3 = context_items.reshape(B, L, 1)
    social_reps, proj3 = _make_attn(
        h3, ctx3, attn_a, attn_b[None, :], fc1_w, fc1_b[None, :], fc2_w,
        fc2_b[None, :])
    return proj3.reshape(B, D), social_reps

# --- scband reference (transcript-rebuilt; emitter-appended) ---
"""Pipeline reference for scband-social-graph-72730976191047 (READ-ONLY COPY).

The authoritative reference and input builder live on the scoring server;
editing this copy changes nothing except your own understanding.
"""

import jax, jax.numpy as jnp
import numpy as np

NUM_ITEMS = 4000
NUM_USERS = 6000
N_NODES = NUM_ITEMS + NUM_USERS
N_EDGES = 320000
N_REL = 5
NUM_BASES = 8
EMBED_DIM = 128
USER_EMBED_DIM = 128
B = 16
L = 512


def setup_inputs(seed: int = 0) -> dict:
    key = jax.random.key(seed)
    ks = jax.random.split(key, 14)
    s = 0.02
    edge_src = jax.random.randint(ks[0], (N_EDGES,), 0, NUM_ITEMS, dtype=jnp.int32)
    edge_dst = jax.random.randint(ks[1], (N_EDGES,), NUM_ITEMS, N_NODES, dtype=jnp.int32)
    edge_type = jax.random.randint(ks[2], (N_EDGES,), 0, N_REL, dtype=jnp.int32)
    context_items = jax.random.randint(ks[3], (B, L), 0, NUM_ITEMS, dtype=jnp.int32)
    basis = jax.random.normal(ks[4], (NUM_BASES, N_NODES, EMBED_DIM), jnp.float32) * s
    comp = jax.random.normal(ks[5], (N_REL, NUM_BASES), jnp.float32) * s
    root = jax.random.normal(ks[6], (N_NODES, EMBED_DIM), jnp.float32) * s
    rgcn_bias = jax.random.normal(ks[7], (EMBED_DIM,), jnp.float32) * s
    attn_a = jax.random.normal(ks[8], (EMBED_DIM, EMBED_DIM), jnp.float32) * s
    attn_b = jax.random.normal(ks[9], (EMBED_DIM,), jnp.float32) * s
    fc1_w = jax.random.normal(ks[10], (EMBED_DIM, EMBED_DIM), jnp.float32) * s
    fc1_b = jax.random.normal(ks[11], (EMBED_DIM,), jnp.float32) * s
    fc2_w = jax.random.normal(ks[12], (EMBED_DIM, USER_EMBED_DIM), jnp.float32) * s
    fc2_b = jax.random.normal(ks[13], (USER_EMBED_DIM,), jnp.float32) * s
    return {
        'context_items': context_items,
        'edge_src': edge_src,
        'edge_dst': edge_dst,
        'edge_type': edge_type,
        'basis': basis,
        'comp': comp,
        'root': root,
        'rgcn_bias': rgcn_bias,
        'attn_a': attn_a,
        'attn_b': attn_b,
        'fc1_w': fc1_w,
        'fc1_b': fc1_b,
        'fc2_w': fc2_w,
        'fc2_b': fc2_b,
    }


def reference(context_items, edge_src, edge_dst, edge_type, basis, comp, root,
              rgcn_bias, attn_a, attn_b, fc1_w, fc1_b, fc2_w, fc2_b):
    # --- RGCNConv with x=None (identity features), basis decomposition ---
    # W_r = sum_b comp[r,b] * basis[b]; message from src node j on relation r is W_r[j]
    W = jnp.einsum('rb,bnd->rnd', comp, basis)  # [R, N, d]
    msg = W[edge_type, edge_src]                # [E, d] gather
    # mean aggregation per (dst, relation), then sum over relations
    seg = edge_dst * N_REL + edge_type
    sums = jax.ops.segment_sum(msg, seg, num_segments=N_NODES * N_REL)
    cnts = jax.ops.segment_sum(jnp.ones((N_EDGES,), jnp.float32), seg, num_segments=N_NODES * N_REL)
    mean = sums / jnp.maximum(cnts, 1.0)[:, None]
    social_embeddings = mean.reshape(N_NODES, N_REL, EMBED_DIM).sum(axis=1) + root + rgcn_bias  # [N, d]
    # --- per-item mean pooling over connected users (edge_idx[0]==item) ---
    u_emb = social_embeddings[edge_dst]  # [E, d] gather
    item_sum = jax.ops.segment_sum(u_emb, edge_src, num_segments=NUM_ITEMS)
    item_cnt = jax.ops.segment_sum(jnp.ones((N_EDGES,), jnp.float32), edge_src, num_segments=NUM_ITEMS)
    item_mean = item_sum / jnp.maximum(item_cnt, 1.0)[:, None]  # [NUM_ITEMS, d]
    # --- gather per-user context item reps ---
    h = item_mean[context_items]  # [B, L, d]
    valid = context_items >= 0    # -1 padding mask (all valid with this fill)
    # --- SelfAttentionBatch: e = tanh(h @ a) @ b, softmax over items, pooled rep ---
    e = jnp.einsum('ble,e->bl', jnp.tanh(jnp.einsum('bld,de->ble', h, attn_a)), attn_b)
    e = jnp.where(valid, e, -1e9)
    alpha = jax.nn.softmax(e, axis=1)
    pooled = jnp.einsum('bl,bld->bd', alpha, h)          # social_repr per user
    social_reps = h * alpha[..., None]                    # attended item sequence
    # --- projection head (batch_norm1 defined but unused in torch forward) ---
    x = jax.nn.relu(pooled @ fc1_w + fc1_b)
    proj = jax.nn.relu(x @ fc2_w + fc2_b)
    return proj, social_reps

if __name__ == "__main__":
    import jax
    _d = setup_inputs()
    print(jax.jit(kernel)(*tuple(_d.values())))

</pallas_src>

<mosaic_0001>
#map = affine_map<(d0, d1) -> (0)>
#map1 = affine_map<(d0, d1) -> (0, 0)>
#map2 = affine_map<(d0, d1) -> (0, 0, 0)>
module attributes {stable_mosaic.version = 14 : i64} {
  func.func @_sc_stage_b(%arg0: i32, %arg1: i32, %arg2: memref<327680xi32, #tpu.memory_space<hbm>>, %arg3: memref<327680xi32, #tpu.memory_space<hbm>>, %arg4: memref<6016x128xf32, #tpu.memory_space<hbm>>, %arg5: memref<2x4096x128xf32, #tpu.memory_space<hbm>>, %arg6: memref<10240xi32, #tpu.memory_space<vmem>>, %arg7: memref<10240xi32, #tpu.memory_space<vmem>>, %arg8: memref<128xi32, #tpu.memory_space<vmem>>, %arg9: memref<128xi32, #tpu.memory_space<vmem>>, %arg10: memref<128xi32, #tpu.memory_space<vmem>>, %arg11: memref<128xi32, #tpu.memory_space<vmem>>, %arg12: memref<128x128xf32, #tpu.memory_space<vmem>>, %arg13: memref<128x128xf32, #tpu.memory_space<vmem>>, %arg14: memref<128x128xf32, #tpu.memory_space<vmem>>, %arg15: memref<128x128xf32, #tpu.memory_space<vmem>>, %arg16: memref<4096x128xf32, #tpu.memory_space<vmem_shared>>, %arg17: memref<!tpu.dma_semaphore, #tpu.memory_space<semaphore_mem>>, %arg18: memref<!tpu.dma_semaphore, #tpu.memory_space<semaphore_mem>>, %arg19: memref<!tpu.dma_semaphore, #tpu.memory_space<semaphore_mem>>, %arg20: memref<!tpu.dma_semaphore, #tpu.memory_space<semaphore_mem>>, %arg21: memref<!tpu.dma_semaphore, #tpu.memory_space<semaphore_mem>>, %arg22: memref<!tpu.dma_semaphore, #tpu.memory_space<semaphore_mem>>, %arg23: memref<!tpu.dma_semaphore, #tpu.memory_space<semaphore_mem>>, %arg24: memref<!tpu.dma_semaphore, #tpu.memory_space<semaphore_mem>>, %arg25: memref<!tpu.dma_semaphore, #tpu.memory_space<semaphore_mem>>) attributes {dimension_semantics = [#tpu.dimension_semantics<core_parallel>, #tpu.dimension_semantics<subcore_parallel>], iteration_bounds = array<i64: 2, 16>, scalar_prefetch = 0 : i64, scratch_operands = 20 : i64, tpu.core_type = #tpu.core_type<sc_vector_subcore>, window_params = [{transform_indices = #map}, {transform_indices = #map}, {transform_indices = #map1}, {transform_indices = #map2}]} {
    %scan3A = arith.constant 0 : i32
    %scan3A_0 = arith.constant 128 : i32
    %scan3A_1 = arith.addi %scan3A, %scan3A_0 : i32
    %scan3A_2 = arith.constant 1 : i32
    scf.for %scan3A_116 = %scan3A to %scan3A_1 step %scan3A_2  : i32 {
      %mul3A_117 = arith.constant 1 : i32
      %mul3A_118 = arith.muli %scan3A_116, %mul3A_117 : i32
      %add3A_119 = arith.constant 0 : i32
      %add3A_120 = arith.addi %add3A_119, %mul3A_118 : i32
      %broadcast_in_dim3A = arith.constant 0.000000e+00 : f32
      %broadcast_in_dim3A_121 = vector.broadcast %broadcast_in_dim3A : f32 to vector<16xf32>
      %swap3A = arith.index_cast %add3A_120 : i32 to index
      %swap3A_122 = arith.constant 0 : index
      %swap3A_123 = tpu.vector_load %arg12[%swap3A, %swap3A_122] {strides = array<i32>} : memref<128x128xf32, #tpu.memory_space<vmem>>, vector<16xf32>,
      tpu.vector_store %arg12[%swap3A, %swap3A_122], %broadcast_in_dim3A_121 {strides = array<i32>} : memref<128x128xf32, #tpu.memory_space<vmem>>, vector<16xf32>,
      %broadcast_in_dim3A_124 = arith.constant 0.000000e+00 : f32
      %broadcast_in_dim3A_125 = vector.broadcast %broadcast_in_dim3A_124 : f32 to vector<16xf32>
      %swap3A_126 = arith.index_cast %add3A_120 : i32 to index
      %swap3A_127 = arith.constant 16 : index
      %swap3A_128 = tpu.vector_load %arg12[%swap3A_126, %swap3A_127] {strides = array<i32>} : memref<128x128xf32, #tpu.memory_space<vmem>>, vector<16xf32>,
      tpu.vector_store %arg12[%swap3A_126, %swap3A_127], %broadcast_in_dim3A_125 {strides = array<i32>} : memref<128x128xf32, #tpu.memory_space<vmem>>, vector<16xf32>,
      %broadcast_in_dim3A_129 = arith.constant 0.000000e+00 : f32
      %broadcast_in_dim3A_130 = vector.broadcast %broadcast_in_dim3A_129 : f32 to vector<16xf32>
      %swap3A_131 = arith.index_cast %add3A_120 : i32 to index
      %swap3A_132 = arith.constant 32 : index
      %swap3A_133 = tpu.vector_load %arg12[%swap3A_131, %swap3A_132] {strides = array<i32>} : memref<128x128xf32, #tpu.memory_space<vmem>>, vector<16xf32>,
      tpu.vector_store %arg12[%swap3A_131, %swap3A_132], %broadcast_in_dim3A_130 {strides = array<i32>} : memref<128x128xf32, #tpu.memory_space<vmem>>, vector<16xf32>,
      %broadcast_in_dim3A_134 = arith.constant 0.000000e+00 : f32
      %broadcast_in_dim3A_135 = vector.broadcast %broadcast_in_dim3A_134 : f32 to vector<16xf32>
      %swap3A_136 = arith.index_cast %add3A_120 : i32 to index
      %swap3A_137 = arith.constant 48 : index
      %swap3A_138 = tpu.vector_load %arg12[%swap3A_136, %swap3A_137] {strides = array<i32>} : memref<128x128xf32, #tpu.memory_space<vmem>>, vector<16xf32>,
      tpu.vector_store %arg12[%swap3A_136, %swap3A_137], %broadcast_in_dim3A_135 {strides = array<i32>} : memref<128x128xf32, #tpu.memory_space<vmem>>, vector<16xf32>,
      %broadcast_in_dim3A_139 = arith.constant 0.000000e+00 : f32
      %broadcast_in_dim3A_140 = vector.broadcast %broadcast_in_dim3A_139 : f32 to vector<16xf32>
      %swap3A_141 = arith.index_cast %add3A_120 : i32 to index
      %swap3A_142 = arith.constant 64 : index
      %swap3A_143 = tpu.vector_load %arg12[%swap3A_141, %swap3A_142] {strides = array<i32>} : memref<128x128xf32, #tpu.memory_space<vmem>>, vector<16xf32>,
      tpu.vector_store %arg12[%swap3A_141, %swap3A_142], %broadcast_in_dim3A_140 {strides = array<i32>} : memref<128x128xf32, #tpu.memory_space<vmem>>, vector<16xf32>,
      %broadcast_in_dim3A_144 = arith.constant 0.000000e+00 : f32
      %broadcast_in_dim3A_145 = vector.broadcast %broadcast_in_dim3A_144 : f32 to vector<16xf32>
      %swap3A_146 = arith.index_cast %add3A_120 : i32 to index
      %swap3A_147 = arith.constant 80 : index
      %swap3A_148 = tpu.vector_load %arg12[%swap3A_146, %swap3A_147] {strides = array<i32>} : memref<128x128xf32, #tpu.memory_space<vmem>>, vector<16xf32>,
      tpu.vector_store %arg12[%swap3A_146, %swap3A_147], %broadcast_in_dim3A_145 {strides = array<i32>} : memref<128x128xf32, #tpu.memory_space<vmem>>, vector<16xf32>,
      %broadcast_in_dim3A_149 = arith.constant 0.000000e+00 : f32
      %broadcast_in_dim3A_150 = vector.broadcast %broadcast_in_dim3A_149 : f32 to vector<16xf32>
      %swap3A_151 = arith.index_cast %add3A_120 : i32 to index
      %swap3A_152 = arith.constant 96 : index
      %swap3A_153 = tpu.vector_load %arg12[%swap3A_151, %swap3A_152] {strides = array<i32>} : memref<128x128xf32, #tpu.memory_space<vmem>>, vector<16xf32>,
      tpu.vector_store %arg12[%swap3A_151, %swap3A_152], %broadcast_in_dim3A_150 {strides = array<i32>} : memref<128x128xf32, #tpu.memory_space<vmem>>, vector<16xf32>,
      %broadcast_in_dim3A_154 = arith.constant 0.000000e+00 : f32
      %broadcast_in_dim3A_155 = vector.broadcast %broadcast_in_dim3A_154 : f32 to vector<16xf32>
      %swap3A_156 = arith.index_cast %add3A_120 : i32 to index
      %swap3A_157 = arith.constant 112 : index
      %swap3A_158 = tpu.vector_load %arg12[%swap3A_156, %swap3A_157] {strides = array<i32>} : memref<128x128xf32, #tpu.memory_space<vmem>>, vector<16xf32>,
      tpu.vector_store %arg12[%swap3A_156, %swap3A_157], %broadcast_in_dim3A_155 {strides = array<i32>} : memref<128x128xf32, #tpu.memory_space<vmem>>, vector<16xf32>,
    }
    %scan3A_3 = arith.constant 128 : i32
    %mul3A = arith.constant 256 : i32
    %mul3A_4 = arith.muli %arg1, %mul3A : i32
    "tpu.region"() ({
      %run_scoped3A = tpu.sem_alloc : memref<!tpu.dma_semaphore, #tpu.memory_space<semaphore_mem>>
      %dma_start3A_116 = arith.constant 0 : i32
      %dma_start3A_117 = tpu.memref_slice %arg16[%mul3A_4, %dma_start3A_116] : memref<4096x128xf32, #tpu.memory_space<vmem_shared>> -> memref<128x128xf32, #tpu.memory_space<vmem_shared>>
      %dma_start3A_118 = arith.constant 0 : i32
      %dma_start3A_119 = tpu.memref_slice %arg16[%mul3A_4, %dma_start3A_118] : memref<4096x128xf32, #tpu.memory_space<vmem_shared>> -> memref<128x128xf32, #tpu.memory_space<vmem_shared>>
      tpu.enqueue_dma source(%arg12 : memref<128x128xf32, #tpu.memory_space<vmem>>) target(%dma_start3A_119 : memref<128x128xf32, #tpu.memory_space<vmem_shared>>) target_semaphore(%run_scoped3A : memref<!tpu.dma_semaphore, #tpu.memory_space<semaphore_mem>>)
      %dma_wait3A_120 = arith.constant 0 : i32
      %dma_wait3A_121 = tpu.memref_slice %arg16[%mul3A_4, %dma_wait3A_120] : memref<4096x128xf32, #tpu.memory_space<vmem_shared>> -> memref<128x128xf32, #tpu.memory_space<vmem_shared>>
      %dma_wait3A_122 = arith.constant 0 : i32
      %dma_wait3A_123 = tpu.memref_slice %arg16[%mul3A_4, %dma_wait3A_122] : memref<4096x128xf32, #tpu.memory_space<vmem_shared>> -> memref<128x128xf32, #tpu.memory_space<vmem_shared>>
      tpu.wait_dma2 semaphore(%run_scoped3A : memref<!tpu.dma_semaphore, #tpu.memory_space<semaphore_mem>>) src(%arg12 : memref<128x128xf32, #tpu.memory_space<vmem>>) dst(%dma_wait3A_123 : memref<128x128xf32, #tpu.memory_space<vmem_shared>>)
      tpu.yield
    }) : () -> ()
    %add3A = arith.constant 128 : i32
    %add3A_5 = arith.addi %mul3A_4, %add3A : i32
    "tpu.region"() ({
      %run_scoped3A = tpu.sem_alloc : memref<!tpu.dma_semaphore, #tpu.memory_space<semaphore_mem>>
      %dma_start3A_116 = arith.constant 0 : i32
      %dma_start3A_117 = tpu.memref_slice %arg16[%add3A_5, %dma_start3A_116] : memref<4096x128xf32, #tpu.memory_space<vmem_shared>> -> memref<128x128xf32, #tpu.memory_space<vmem_shared>>
      %dma_start3A_118 = arith.constant 0 : i32
      %dma_start3A_119 = tpu.memref_slice %arg16[%add3A_5, %dma_start3A_118] : memref<4096x128xf32, #tpu.memory_space<vmem_shared>> -> memref<128x128xf32, #tpu.memory_space<vmem_shared>>
      tpu.enqueue_dma source(%arg12 : memref<128x128xf32, #tpu.memory_space<vmem>>) target(%dma_start3A_119 : memref<128x128xf32, #tpu.memory_space<vmem_shared>>) target_semaphore(%run_scoped3A : memref<!tpu.dma_semaphore, #tpu.memory_space<semaphore_mem>>)
      %dma_wait3A_120 = arith.constant 0 : i32
      %dma_wait3A_121 = tpu.memref_slice %arg16[%add3A_5, %dma_wait3A_120] : memref<4096x128xf32, #tpu.memory_space<vmem_shared>> -> memref<128x128xf32, #tpu.memory_space<vmem_shared>>
      %dma_wait3A_122 = arith.constant 0 : i32
      %dma_wait3A_123 = tpu.memref_slice %arg16[%add3A_5, %dma_wait3A_122] : memref<4096x128xf32, #tpu.memory_space<vmem_shared>> -> memref<128x128xf32, #tpu.memory_space<vmem_shared>>
      tpu.wait_dma2 semaphore(%run_scoped3A : memref<!tpu.dma_semaphore, #tpu.memory_space<semaphore_mem>>) src(%arg12 : memref<128x128xf32, #tpu.memory_space<vmem>>) dst(%dma_wait3A_123 : memref<128x128xf32, #tpu.memory_space<vmem_shared>>)
      tpu.yield
    }) : () -> ()
    %barrier3A = arith.constant 0 : index
    tpu.barrier barrier_id(%barrier3A)
    %mul3A_6 = arith.constant 163840 : i32
    %mul3A_7 = arith.muli %arg0, %mul3A_6 : i32
    %mul3A_8 = arith.constant 10240 : i32
    %mul3A_9 = arith.muli %arg1, %mul3A_8 : i32
    %add3A_10 = arith.addi %mul3A_7, %mul3A_9 : i32
    %dma_start3A = tpu.memref_slice %arg3[%add3A_10] : memref<327680xi32, #tpu.memory_space<hbm>> -> memref<10240xi32, #tpu.memory_space<hbm>>
    %dma_start3A_11 = tpu.memref_slice %arg3[%add3A_10] : memref<327680xi32, #tpu.memory_space<hbm>> -> memref<10240xi32, #tpu.memory_space<hbm>>
    tpu.enqueue_dma source(%dma_start3A_11 : memref<10240xi32, #tpu.memory_space<hbm>>) target(%arg6 : memref<10240xi32, #tpu.memory_space<vmem>>) target_semaphore(%arg25 : memref<!tpu.dma_semaphore, #tpu.memory_space<semaphore_mem>>)
    %dma_start3A_12 = tpu.memref_slice %arg2[%add3A_10] : memref<327680xi32, #tpu.memory_space<hbm>> -> memref<10240xi32, #tpu.memory_space<hbm>>
    %dma_start3A_13 = tpu.memref_slice %arg2[%add3A_10] : memref<327680xi32, #tpu.memory_space<hbm>> -> memref<10240xi32, #tpu.memory_space<hbm>>
    tpu.enqueue_dma source(%dma_start3A_13 : memref<10240xi32, #tpu.memory_space<hbm>>) target(%arg7 : memref<10240xi32, #tpu.memory_space<vmem>>) target_semaphore(%arg25 : memref<!tpu.dma_semaphore, #tpu.memory_space<semaphore_mem>>)
    %dma_wait3A = tpu.memref_slice %arg3[%add3A_10] : memref<327680xi32, #tpu.memory_space<hbm>> -> memref<10240xi32, #tpu.memory_space<hbm>>
    %dma_wait3A_14 = tpu.memref_slice %arg3[%add3A_10] : memref<327680xi32, #tpu.memory_space<hbm>> -> memref<10240xi32, #tpu.memory_space<hbm>>
    tpu.wait_dma2 semaphore(%arg25 : memref<!tpu.dma_semaphore, #tpu.memory_space<semaphore_mem>>) src(%dma_wait3A_14 : memref<10240xi32, #tpu.memory_space<hbm>>) dst(%arg6 : memref<10240xi32, #tpu.memory_space<vmem>>)
    %dma_wait3A_15 = tpu.memref_slice %arg2[%add3A_10] : memref<327680xi32, #tpu.memory_space<hbm>> -> memref<10240xi32, #tpu.memory_space<hbm>>
    %dma_wait3A_16 = tpu.memref_slice %arg2[%add3A_10] : memref<327680xi32, #tpu.memory_space<hbm>> -> memref<10240xi32, #tpu.memory_space<hbm>>
    tpu.wait_dma2 semaphore(%arg25 : memref<!tpu.dma_semaphore, #tpu.memory_space<semaphore_mem>>) src(%dma_wait3A_16 : memref<10240xi32, #tpu.memory_space<hbm>>) dst(%arg7 : memref<10240xi32, #tpu.memory_space<vmem>>)
    %scan3A_17 = arith.constant 0 : i32
    %scan3A_18 = arith.constant 640 : i32
    %scan3A_19 = arith.addi %scan3A_17, %scan3A_18 : i32
    %scan3A_20 = arith.constant 1 : i32
    scf.for %scan3A_116 = %scan3A_17 to %scan3A_19 step %scan3A_20  : i32 {
      %mul3A_117 = arith.constant 1 : i32
      %mul3A_118 = arith.muli %scan3A_116, %mul3A_117 : i32
      %add3A_119 = arith.constant 0 : i32
      %add3A_120 = arith.addi %add3A_119, %mul3A_118 : i32
      %mul3A_121 = arith.constant 16 : i32
      %mul3A_122 = arith.muli %add3A_120, %mul3A_121 : i32
      %get3A = arith.index_cast %mul3A_122 : i32 to index
      %get3A_123 = tpu.vector_load %arg6[%get3A] {strides = array<i32>} : memref<10240xi32, #tpu.memory_space<vmem>>, vector<16xi32>,
      %sub3A = arith.constant 4000 : i32
      %sub3A_124 = vector.broadcast %sub3A : i32 to vector<16xi32>
      %sub3A_125 = arith.subi %get3A_123, %sub3A_124 : vector<16xi32>
      %mul3A_126 = arith.constant 16 : i32
      %mul3A_127 = arith.muli %add3A_120, %mul3A_126 : i32
      %swap3A = arith.index_cast %mul3A_127 : i32 to index
      %swap3A_128 = tpu.vector_load %arg6[%swap3A] {strides = array<i32>} : memref<10240xi32, #tpu.memory_space<vmem>>, vector<16xi32>,
      tpu.vector_store %arg6[%swap3A], %sub3A_125 {strides = array<i32>} : memref<10240xi32, #tpu.memory_space<vmem>>, vector<16xi32>,
    }
    %scan3A_21 = arith.constant 640 : i32
    %dma_start3A_22 = arith.constant 0 : i32
    %dma_start3A_23 = tpu.memref_slice %arg6[%dma_start3A_22] : memref<10240xi32, #tpu.memory_space<vmem>> -> memref<128xi32, #tpu.memory_space<vmem>>
    %dma_start3A_24 = arith.constant 0 : i32
    %dma_start3A_25 = arith.constant 0 : i32
    %dma_start3A_26 = tpu.memref_slice %arg4[%dma_start3A_24, %dma_start3A_25] : memref<6016x128xf32, #tpu.memory_space<hbm>> -> memref<6016x128xf32, #tpu.memory_space<hbm>>
    tpu.enqueue_indirect_dma source(%dma_start3A_26 : memref<6016x128xf32, #tpu.memory_space<hbm>>) target(%arg12 : memref<128x128xf32, #tpu.memory_space<vmem>>) offsets(%dma_start3A_23 : memref<128xi32, #tpu.memory_space<vmem>>) semaphore(%arg17 : memref<!tpu.dma_semaphore, #tpu.memory_space<semaphore_mem>>)
    %dma_start3A_27 = arith.constant 128 : i32
    %dma_start3A_28 = tpu.memref_slice %arg6[%dma_start3A_27] : memref<10240xi32, #tpu.memory_space<vmem>> -> memref<128xi32, #tpu.memory_space<vmem>>
    %dma_start3A_29 = arith.constant 0 : i32
    %dma_start3A_30 = arith.constant 0 : i32
    %dma_start3A_31 = tpu.memref_slice %arg4[%dma_start3A_29, %dma_start3A_30] : memref<6016x128xf32, #tpu.memory_space<hbm>> -> memref<6016x128xf32, #tpu.memory_space<hbm>>
    tpu.enqueue_indirect_dma source(%dma_start3A_31 : memref<6016x128xf32, #tpu.memory_space<hbm>>) target(%arg13 : memref<128x128xf32, #tpu.memory_space<vmem>>) offsets(%dma_start3A_28 : memref<128xi32, #tpu.memory_space<vmem>>) semaphore(%arg18 : memref<!tpu.dma_semaphore, #tpu.memory_space<semaphore_mem>>)
    %dma_start3A_32 = arith.constant 256 : i32
    %dma_start3A_33 = tpu.memref_slice %arg6[%dma_start3A_32] : memref<10240xi32, #tpu.memory_space<vmem>> -> memref<128xi32, #tpu.memory_space<vmem>>
    %dma_start3A_34 = arith.constant 0 : i32
    %dma_start3A_35 = arith.constant 0 : i32
    %dma_start3A_36 = tpu.memref_slice %arg4[%dma_start3A_34, %dma_start3A_35] : memref<6016x128xf32, #tpu.memory_space<hbm>> -> memref<6016x128xf32, #tpu.memory_space<hbm>>
    tpu.enqueue_indirect_dma source(%dma_start3A_36 : memref<6016x128xf32, #tpu.memory_space<hbm>>) target(%arg14 : memref<128x128xf32, #tpu.memory_space<vmem>>) offsets(%dma_start3A_33 : memref<128xi32, #tpu.memory_space<vmem>>) semaphore(%arg19 : memref<!tpu.dma_semaphore, #tpu.memory_space<semaphore_mem>>)
    %dma_start3A_37 = arith.constant 384 : i32
    %dma_start3A_38 = tpu.memref_slice %arg6[%dma_start3A_37] : memref<10240xi32, #tpu.memory_space<vmem>> -> memref<128xi32, #tpu.memory_space<vmem>>
    %dma_start3A_39 = arith.constant 0 : i32
    %dma_start3A_40 = arith.constant 0 : i32
    %dma_start3A_41 = tpu.memref_slice %arg4[%dma_start3A_39, %dma_start3A_40] : memref<6016x128xf32, #tpu.memory_space<hbm>> -> memref<6016x128xf32, #tpu.memory_space<hbm>>
    tpu.enqueue_indirect_dma source(%dma_start3A_41 : memref<6016x128xf32, #tpu.memory_space<hbm>>) target(%arg15 : memref<128x128xf32, #tpu.memory_space<vmem>>) offsets(%dma_start3A_38 : memref<128xi32, #tpu.memory_space<vmem>>) semaphore(%arg20 : memref<!tpu.dma_semaphore, #tpu.memory_space<semaphore_mem>>)
    %scan3A_42 = arith.constant 0 : i32
    %scan3A_43 = arith.constant 19 : i32
    %scan3A_44 = arith.addi %scan3A_42, %scan3A_43 : i32
    %scan3A_45 = arith.constant 1 : i32
    scf.for %scan3A_116 = %scan3A_42 to %scan3A_44 step %scan3A_45  : i32 {
      %mul3A_117 = arith.constant 1 : i32
      %mul3A_118 = arith.muli %scan3A_116, %mul3A_117 : i32
      %add3A_119 = arith.constant 0 : i32
      %add3A_120 = arith.addi %add3A_119, %mul3A_118 : i32
      %mul3A_121 = arith.constant 4 : i32
      %mul3A_122 = arith.muli %add3A_120, %mul3A_121 : i32
      %add3A_123 = arith.constant 0 : i32
      %add3A_124 = arith.addi %mul3A_122, %add3A_123 : i32
      %mul3A_125 = arith.constant 128 : i32
      %mul3A_126 = arith.muli %add3A_124, %mul3A_125 : i32
      %dma_wait3A_127 = tpu.memref_slice %arg6[%mul3A_126] : memref<10240xi32, #tpu.memory_space<vmem>> -> memref<128xi32, #tpu.memory_space<vmem>>
      %dma_wait3A_128 = arith.constant 0 : i32
      %dma_wait3A_129 = arith.constant 0 : i32
      %dma_wait3A_130 = tpu.memref_slice %arg4[%dma_wait3A_128, %dma_wait3A_129] : memref<6016x128xf32, #tpu.memory_space<hbm>> -> memref<6016x128xf32, #tpu.memory_space<hbm>>
      tpu.wait_indirect_dma semaphore(%arg17 : memref<!tpu.dma_semaphore, #tpu.memory_space<semaphore_mem>>) src(%dma_wait3A_130 : memref<6016x128xf32, #tpu.memory_space<hbm>>) dst(%arg12 : memref<128x128xf32, #tpu.memory_space<vmem>>)
      %scan3A_131 = arith.constant 0 : i32
      %scan3A_132 = arith.constant 8 : i32
      %scan3A_133 = arith.addi %scan3A_131, %scan3A_132 : i32
      %scan3A_134 = arith.constant 1 : i32
      scf.for %scan3A_253 = %scan3A_131 to %scan3A_133 step %scan3A_134  : i32 {
        %mul3A_254 = arith.constant 1 : i32
        %mul3A_255 = arith.muli %scan3A_253, %mul3A_254 : i32
        %add3A_256 = arith.constant 0 : i32
        %add3A_257 = arith.addi %add3A_256, %mul3A_255 : i32
        %mul3A_258 = arith.constant 128 : i32
        %mul3A_259 = arith.muli %add3A_124, %mul3A_258 : i32
        %mul3A_260 = arith.constant 16 : i32
        %mul3A_261 = arith.muli %add3A_257, %mul3A_260 : i32
        %add3A_262 = arith.addi %mul3A_259, %mul3A_261 : i32
        %get3A = arith.index_cast %add3A_262 : i32 to index
        %get3A_263 = tpu.vector_load %arg7[%get3A] {strides = array<i32>} : memref<10240xi32, #tpu.memory_space<vmem>>, vector<16xi32>,
        %mul3A_264 = arith.constant 16 : i32
        %mul3A_265 = arith.muli %add3A_257, %mul3A_264 : i32
        %swap3A = arith.index_cast %mul3A_265 : i32 to index
        %swap3A_266 = tpu.vector_load %arg8[%swap3A] {strides = array<i32>} : memref<128xi32, #tpu.memory_space<vmem>>, vector<16xi32>,
        tpu.vector_store %arg8[%swap3A], %get3A_263 {strides = array<i32>} : memref<128xi32, #tpu.memory_space<vmem>>, vector<16xi32>,
      }
      %scan3A_135 = arith.constant 8 : i32
      %dma_start3A_136 = arith.constant 0 : i32
      %dma_start3A_137 = arith.constant 0 : i32
      %dma_start3A_138 = tpu.memref_slice %arg16[%dma_start3A_136, %dma_start3A_137] : memref<4096x128xf32, #tpu.memory_space<vmem_shared>> -> memref<4096x128xf32, #tpu.memory_space<vmem_shared>>
      tpu.enqueue_indirect_dma source(%arg12 : memref<128x128xf32, #tpu.memory_space<vmem>>) target(%dma_start3A_138 : memref<4096x128xf32, #tpu.memory_space<vmem_shared>>) offsets(%arg8 : memref<128xi32, #tpu.memory_space<vmem>>) semaphore(%arg21 : memref<!tpu.dma_semaphore, #tpu.memory_space<semaphore_mem>>) {add = true}
      %mul3A_139 = arith.constant 4 : i32
      %mul3A_140 = arith.muli %add3A_120, %mul3A_139 : i32
      %add3A_141 = arith.constant 1 : i32
      %add3A_142 = arith.addi %mul3A_140, %add3A_141 : i32
      %mul3A_143 = arith.constant 128 : i32
      %mul3A_144 = arith.muli %add3A_142, %mul3A_143 : i32
      %dma_wait3A_145 = tpu.memref_slice %arg6[%mul3A_144] : memref<10240xi32, #tpu.memory_space<vmem>> -> memref<128xi32, #tpu.memory_space<vmem>>
      %dma_wait3A_146 = arith.constant 0 : i32
      %dma_wait3A_147 = arith.constant 0 : i32
      %dma_wait3A_148 = tpu.memref_slice %arg4[%dma_wait3A_146, %dma_wait3A_147] : memref<6016x128xf32, #tpu.memory_space<hbm>> -> memref<6016x128xf32, #tpu.memory_space<hbm>>
      tpu.wait_indirect_dma semaphore(%arg18 : memref<!tpu.dma_semaphore, #tpu.memory_space<semaphore_mem>>) src(%dma_wait3A_148 : memref<6016x128xf32, #tpu.memory_space<hbm>>) dst(%arg13 : memref<128x128xf32, #tpu.memory_space<vmem>>)
      %scan3A_149 = arith.constant 0 : i32
      %scan3A_150 = arith.constant 8 : i32
      %scan3A_151 = arith.addi %scan3A_149, %scan3A_150 : i32
      %scan3A_152 = arith.constant 1 : i32
      scf.for %scan3A_253 = %scan3A_149 to %scan3A_151 step %scan3A_152  : i32 {
        %mul3A_254 = arith.constant 1 : i32
        %mul3A_255 = arith.muli %scan3A_253, %mul3A_254 : i32
        %add3A_256 = arith.constant 0 : i32
        %add3A_257 = arith.addi %add3A_256, %mul3A_255 : i32
        %mul3A_258 = arith.constant 128 : i32
        %mul3A_259 = arith.muli %add3A_142, %mul3A_258 : i32
        %mul3A_260 = arith.constant 16 : i32
        %mul3A_261 = arith.muli %add3A_257, %mul3A_260 : i32
        %add3A_262 = arith.addi %mul3A_259, %mul3A_261 : i32
        %get3A = arith.index_cast %add3A_262 : i32 to index
        %get3A_263 = tpu.vector_load %arg7[%get3A] {strides = array<i32>} : memref<10240xi32, #tpu.memory_space<vmem>>, vector<16xi32>,
        %mul3A_264 = arith.constant 16 : i32
        %mul3A_265 = arith.muli %add3A_257, %mul3A_264 : i32
        %swap3A = arith.index_cast %mul3A_265 : i32 to index
        %swap3A_266 = tpu.vector_load %arg9[%swap3A] {strides = array<i32>} : memref<128xi32, #tpu.memory_space<vmem>>, vector<16xi32>,
        tpu.vector_store %arg9[%swap3A], %get3A_263 {strides = array<i32>} : memref<128xi32, #tpu.memory_space<vmem>>, vector<16xi32>,
      }
      %scan3A_153 = arith.constant 8 : i32
      %dma_start3A_154 = arith.constant 0 : i32
      %dma_start3A_155 = arith.constant 0 : i32
      %dma_start3A_156 = tpu.memref_slice %arg16[%dma_start3A_154, %dma_start3A_155] : memref<4096x128xf32, #tpu.memory_space<vmem_shared>> -> memref<4096x128xf32, #tpu.memory_space<vmem_shared>>
      tpu.enqueue_indirect_dma source(%arg13 : memref<128x128xf32, #tpu.memory_space<vmem>>) target(%dma_start3A_156 : memref<4096x128xf32, #tpu.memory_space<vmem_shared>>) offsets(%arg9 : memref<128xi32, #tpu.memory_space<vmem>>) semaphore(%arg22 : memref<!tpu.dma_semaphore, #tpu.memory_space<semaphore_mem>>) {add = true}
      %mul3A_157 = arith.constant 4 : i32
      %mul3A_158 = arith.muli %add3A_120, %mul3A_157 : i32
      %add3A_159 = arith.constant 2 : i32
      %add3A_160 = arith.addi %mul3A_158, %add3A_159 : i32
      %mul3A_161 = arith.constant 128 : i32
      %mul3A_162 = arith.muli %add3A_160, %mul3A_161 : i32
      %dma_wait3A_163 = tpu.memref_slice %arg6[%mul3A_162] : memref<10240xi32, #tpu.memory_space<vmem>> -> memref<128xi32, #tpu.memory_space<vmem>>
      %dma_wait3A_164 = arith.constant 0 : i32
      %dma_wait3A_165 = arith.constant 0 : i32
      %dma_wait3A_166 = tpu.memref_slice %arg4[%dma_wait3A_164, %dma_wait3A_165] : memref<6016x128xf32, #tpu.memory_space<hbm>> -> memref<6016x128xf32, #tpu.memory_space<hbm>>
      tpu.wait_indirect_dma semaphore(%arg19 : memref<!tpu.dma_semaphore, #tpu.memory_space<semaphore_mem>>) src(%dma_wait3A_166 : memref<6016x128xf32, #tpu.memory_space<hbm>>) dst(%arg14 : memref<128x128xf32, #tpu.memory_space<vmem>>)
      %scan3A_167 = arith.constant 0 : i32
      %scan3A_168 = arith.constant 8 : i32
      %scan3A_169 = arith.addi %scan3A_167, %scan3A_168 : i32
      %scan3A_170 = arith.constant 1 : i32
      scf.for %scan3A_253 = %scan3A_167 to %scan3A_169 step %scan3A_170  : i32 {
        %mul3A_254 = arith.constant 1 : i32
        %mul3A_255 = arith.muli %scan3A_253, %mul3A_254 : i32
        %add3A_256 = arith.constant 0 : i32
        %add3A_257 = arith.addi %add3A_256, %mul3A_255 : i32
        %mul3A_258 = arith.constant 128 : i32
        %mul3A_259 = arith.muli %add3A_160, %mul3A_258 : i32
        %mul3A_260 = arith.constant 16 : i32
        %mul3A_261 = arith.muli %add3A_257, %mul3A_260 : i32
        %add3A_262 = arith.addi %mul3A_259, %mul3A_261 : i32
        %get3A = arith.index_cast %add3A_262 : i32 to index
        %get3A_263 = tpu.vector_load %arg7[%get3A] {strides = array<i32>} : memref<10240xi32, #tpu.memory_space<vmem>>, vector<16xi32>,
        %mul3A_264 = arith.constant 16 : i32
        %mul3A_265 = arith.muli %add3A_257, %mul3A_264 : i32
        %swap3A = arith.index_cast %mul3A_265 : i32 to index
        %swap3A_266 = tpu.vector_load %arg10[%swap3A] {strides = array<i32>} : memref<128xi32, #tpu.memory_space<vmem>>, vector<16xi32>,
        tpu.vector_store %arg10[%swap3A], %get3A_263 {strides = array<i32>} : memref<128xi32, #tpu.memory_space<vmem>>, vector<16xi32>,
      }
      %scan3A_171 = arith.constant 8 : i32
      %dma_start3A_172 = arith.constant 0 : i32
      %dma_start3A_173 = arith.constant 0 : i32
      %dma_start3A_174 = tpu.memref_slice %arg16[%dma_start3A_172, %dma_start3A_173] : memref<4096x128xf32, #tpu.memory_space<vmem_shared>> -> memref<4096x128xf32, #tpu.memory_space<vmem_shared>>
      tpu.enqueue_indirect_dma source(%arg14 : memref<128x128xf32, #tpu.memory_space<vmem>>) target(%dma_start3A_174 : memref<4096x128xf32, #tpu.memory_space<vmem_shared>>) offsets(%arg10 : memref<128xi32, #tpu.memory_space<vmem>>) semaphore(%arg23 : memref<!tpu.dma_semaphore, #tpu.memory_space<semaphore_mem>>) {add = true}
      %mul3A_175 = arith.constant 4 : i32
      %mul3A_176 = arith.muli %add3A_120, %mul3A_175 : i32
      %add3A_177 = arith.constant 3 : i32
      %add3A_178 = arith.addi %mul3A_176, %add3A_177 : i32
      %mul3A_179 = arith.constant 128 : i32
      %mul3A_180 = arith.muli %add3A_178, %mul3A_179 : i32
      %dma_wait3A_181 = tpu.memref_slice %arg6[%mul3A_180] : memref<10240xi32, #tpu.memory_space<vmem>> -> memref<128xi32, #tpu.memory_space<vmem>>
      %dma_wait3A_182 = arith.constant 0 : i32
      %dma_wait3A_183 = arith.constant 0 : i32
      %dma_wait3A_184 = tpu.memref_slice %arg4[%dma_wait3A_182, %dma_wait3A_183] : memref<6016x128xf32, #tpu.memory_space<hbm>> -> memref<6016x128xf32, #tpu.memory_space<hbm>>
      tpu.wait_indirect_dma semaphore(%arg20 : memref<!tpu.dma_semaphore, #tpu.memory_space<semaphore_mem>>) src(%dma_wait3A_184 : memref<6016x128xf32, #tpu.memory_space<hbm>>) dst(%arg15 : memref<128x128xf32, #tpu.memory_space<vmem>>)
      %scan3A_185 = arith.constant 0 : i32
      %scan3A_186 = arith.constant 8 : i32
      %scan3A_187 = arith.addi %scan3A_185, %scan3A_186 : i32
      %scan3A_188 = arith.constant 1 : i32
      scf.for %scan3A_253 = %scan3A_185 to %scan3A_187 step %scan3A_188  : i32 {
        %mul3A_254 = arith.constant 1 : i32
        %mul3A_255 = arith.muli %scan3A_253, %mul3A_254 : i32
        %add3A_256 = arith.constant 0 : i32
        %add3A_257 = arith.addi %add3A_256, %mul3A_255 : i32
        %mul3A_258 = arith.constant 128 : i32
        %mul3A_259 = arith.muli %add3A_178, %mul3A_258 : i32
        %mul3A_260 = arith.constant 16 : i32
        %mul3A_261 = arith.muli %add3A_257, %mul3A_260 : i32
        %add3A_262 = arith.addi %mul3A_259, %mul3A_261 : i32
        %get3A = arith.index_cast %add3A_262 : i32 to index
        %get3A_263 = tpu.vector_load %arg7[%get3A] {strides = array<i32>} : memref<10240xi32, #tpu.memory_space<vmem>>, vector<16xi32>,
        %mul3A_264 = arith.constant 16 : i32
        %mul3A_265 = arith.muli %add3A_257, %mul3A_264 : i32
        %swap3A = arith.index_cast %mul3A_265 : i32 to index
        %swap3A_266 = tpu.vector_load %arg11[%swap3A] {strides = array<i32>} : memref<128xi32, #tpu.memory_space<vmem>>, vector<16xi32>,
        tpu.vector_store %arg11[%swap3A], %get3A_263 {strides = array<i32>} : memref<128xi32, #tpu.memory_space<vmem>>, vector<16xi32>,
      }
      %scan3A_189 = arith.constant 8 : i32
      %dma_start3A_190 = arith.constant 0 : i32
      %dma_start3A_191 = arith.constant 0 : i32
      %dma_start3A_192 = tpu.memref_slice %arg16[%dma_start3A_190, %dma_start3A_191] : memref<4096x128xf32, #tpu.memory_space<vmem_shared>> -> memref<4096x128xf32, #tpu.memory_space<vmem_shared>>
      tpu.enqueue_indirect_dma source(%arg15 : memref<128x128xf32, #tpu.memory_space<vmem>>) target(%dma_start3A_192 : memref<4096x128xf32, #tpu.memory_space<vmem_shared>>) offsets(%arg11 : memref<128xi32, #tpu.memory_space<vmem>>) semaphore(%arg24 : memref<!tpu.dma_semaphore, #tpu.memory_space<semaphore_mem>>) {add = true}
      %mul3A_193 = arith.constant 4 : i32
      %mul3A_194 = arith.muli %add3A_120, %mul3A_193 : i32
      %add3A_195 = arith.constant 0 : i32
      %add3A_196 = arith.addi %mul3A_194, %add3A_195 : i32
      %dma_wait3A_197 = arith.constant 0 : i32
      %dma_wait3A_198 = arith.constant 0 : i32
      %dma_wait3A_199 = tpu.memref_slice %arg16[%dma_wait3A_197, %dma_wait3A_198] : memref<4096x128xf32, #tpu.memory_space<vmem_shared>> -> memref<4096x128xf32, #tpu.memory_space<vmem_shared>>
      tpu.wait_indirect_dma semaphore(%arg21 : memref<!tpu.dma_semaphore, #tpu.memory_space<semaphore_mem>>) src(%arg12 : memref<128x128xf32, #tpu.memory_space<vmem>>) dst(%dma_wait3A_199 : memref<4096x128xf32, #tpu.memory_space<vmem_shared>>)
      %add3A_200 = arith.constant 4 : i32
      %add3A_201 = arith.addi %add3A_196, %add3A_200 : i32
      %mul3A_202 = arith.constant 128 : i32
      %mul3A_203 = arith.muli %add3A_201, %mul3A_202 : i32
      %dma_start3A_204 = tpu.memref_slice %arg6[%mul3A_203] : memref<10240xi32, #tpu.memory_space<vmem>> -> memref<128xi32, #tpu.memory_space<vmem>>
      %dma_start3A_205 = arith.constant 0 : i32
      %dma_start3A_206 = arith.constant 0 : i32
      %dma_start3A_207 = tpu.memref_slice %arg4[%dma_start3A_205, %dma_start3A_206] : memref<6016x128xf32, #tpu.memory_space<hbm>> -> memref<6016x128xf32, #tpu.memory_space<hbm>>
      tpu.enqueue_indirect_dma source(%dma_start3A_207 : memref<6016x128xf32, #tpu.memory_space<hbm>>) target(%arg12 : memref<128x128xf32, #tpu.memory_space<vmem>>) offsets(%dma_start3A_204 : memref<128xi32, #tpu.memory_space<vmem>>) semaphore(%arg17 : memref<!tpu.dma_semaphore, #tpu.memory_space<semaphore_mem>>)
      %mul3A_208 = arith.constant 4 : i32
      %mul3A_209 = arith.muli %add3A_120, %mul3A_208 : i32
      %add3A_210 = arith.constant 1 : i32
      %add3A_211 = arith.addi %mul3A_209, %add3A_210 : i32
      %dma_wait3A_212 = arith.constant 0 : i32
      %dma_wait3A_213 = arith.constant 0 : i32
      %dma_wait3A_214 = tpu.memref_slice %arg16[%dma_wait3A_212, %dma_wait3A_213] : memref<4096x128xf32, #tpu.memory_space<vmem_shared>> -> memref<4096x128xf32, #tpu.memory_space<vmem_shared>>
      tpu.wait_indirect_dma semaphore(%arg22 : memref<!tpu.dma_semaphore, #tpu.memory_space<semaphore_mem>>) src(%arg13 : memref<128x128xf32, #tpu.memory_space<vmem>>) dst(%dma_wait3A_214 : memref<4096x128xf32, #tpu.memory_space<vmem_shared>>)
      %add3A_215 = arith.constant 4 : i32
      %add3A_216 = arith.addi %add3A_211, %add3A_215 : i32
      %mul3A_217 = arith.constant 128 : i32
      %mul3A_218 = arith.muli %add3A_216, %mul3A_217 : i32
      %dma_start3A_219 = tpu.memref_slice %arg6[%mul3A_218] : memref<10240xi32, #tpu.memory_space<vmem>> -> memref<128xi32, #tpu.memory_space<vmem>>
      %dma_start3A_220 = arith.constant 0 : i32
      %dma_start3A_221 = arith.constant 0 : i32
      %dma_start3A_222 = tpu.memref_slice %arg4[%dma_start3A_220, %dma_start3A_221] : memref<6016x128xf32, #tpu.memory_space<hbm>> -> memref<6016x128xf32, #tpu.memory_space<hbm>>
      tpu.enqueue_indirect_dma source(%dma_start3A_222 : memref<6016x128xf32, #tpu.memory_space<hbm>>) target(%arg13 : memref<128x128xf32, #tpu.memory_space<vmem>>) offsets(%dma_start3A_219 : memref<128xi32, #tpu.memory_space<vmem>>) semaphore(%arg18 : memref<!tpu.dma_semaphore, #tpu.memory_space<semaphore_mem>>)
      %mul3A_223 = arith.constant 4 : i32
      %mul3A_224 = arith.muli %add3A_120, %mul3A_223 : i32
      %add3A_225 = arith.constant 2 : i32
      %add3A_226 = arith.addi %mul3A_224, %add3A_225 : i32
      %dma_wait3A_227 = arith.constant 0 : i32
      %dma_wait3A_228 = arith.constant 0 : i32
      %dma_wait3A_229 = tpu.memref_slice %arg16[%dma_wait3A_227, %dma_wait3A_228] : memref<4096x128xf32, #tpu.memory_space<vmem_shared>> -> memref<4096x128xf32, #tpu.memory_space<vmem_shared>>
      tpu.wait_indirect_dma semaphore(%arg23 : memref<!tpu.dma_semaphore, #tpu.memory_space<semaphore_mem>>) src(%arg14 : memref<128x128xf32, #tpu.memory_space<vmem>>) dst(%dma_wait3A_229 : memref<4096x128xf32, #tpu.memory_space<vmem_shared>>)
      %add3A_230 = arith.constant 4 : i32
      %add3A_231 = arith.addi %add3A_226, %add3A_230 : i32
      %mul3A_232 = arith.constant 128 : i32
      %mul3A_233 = arith.muli %add3A_231, %mul3A_232 : i32
      %dma_start3A_234 = tpu.memref_slice %arg6[%mul3A_233] : memref<10240xi32, #tpu.memory_space<vmem>> -> memref<128xi32, #tpu.memory_space<vmem>>
      %dma_start3A_235 = arith.constant 0 : i32
      %dma_start3A_236 = arith.constant 0 : i32
      %dma_start3A_237 = tpu.memref_slice %arg4[%dma_start3A_235, %dma_start3A_236] : memref<6016x128xf32, #tpu.memory_space<hbm>> -> memref<6016x128xf32, #tpu.memory_space<hbm>>
      tpu.enqueue_indirect_dma source(%dma_start3A_237 : memref<6016x128xf32, #tpu.memory_space<hbm>>) target(%arg14 : memref<128x128xf32, #tpu.memory_space<vmem>>) offsets(%dma_start3A_234 : memref<128xi32, #tpu.memory_space<vmem>>) semaphore(%arg19 : memref<!tpu.dma_semaphore, #tpu.memory_space<semaphore_mem>>)
      %mul3A_238 = arith.constant 4 : i32
      %mul3A_239 = arith.muli %add3A_120, %mul3A_238 : i32
      %add3A_240 = arith.constant 3 : i32
      %add3A_241 = arith.addi %mul3A_239, %add3A_240 : i32
      %dma_wait3A_242 = arith.constant 0 : i32
      %dma_wait3A_243 = arith.constant 0 : i32
      %dma_wait3A_244 = tpu.memref_slice %arg16[%dma_wait3A_242, %dma_wait3A_243] : memref<4096x128xf32, #tpu.memory_space<vmem_shared>> -> memref<4096x128xf32, #tpu.memory_space<vmem_shared>>
      tpu.wait_indirect_dma semaphore(%arg24 : memref<!tpu.dma_semaphore, #tpu.memory_space<semaphore_mem>>) src(%arg15 : memref<128x128xf32, #tpu.memory_space<vmem>>) dst(%dma_wait3A_244 : memref<4096x128xf32, #tpu.memory_space<vmem_shared>>)
      %add3A_245 = arith.constant 4 : i32
      %add3A_246 = arith.addi %add3A_241, %add3A_245 : i32
      %mul3A_247 = arith.constant 128 : i32
      %mul3A_248 = arith.muli %add3A_246, %mul3A_247 : i32
      %dma_start3A_249 = tpu.memref_slice %arg6[%mul3A_248] : memref<10240xi32, #tpu.memory_space<vmem>> -> memref<128xi32, #tpu.memory_space<vmem>>
      %dma_start3A_250 = arith.constant 0 : i32
      %dma_start3A_251 = arith.constant 0 : i32
      %dma_start3A_252 = tpu.memref_slice %arg4[%dma_start3A_250, %dma_start3A_251] : memref<6016x128xf32, #tpu.memory_space<hbm>> -> memref<6016x128xf32, #tpu.memory_space<hbm>>
      tpu.enqueue_indirect_dma source(%dma_start3A_252 : memref<6016x128xf32, #tpu.memory_space<hbm>>) target(%arg15 : memref<128x128xf32, #tpu.memory_space<vmem>>) offsets(%dma_start3A_249 : memref<128xi32, #tpu.memory_space<vmem>>) semaphore(%arg20 : memref<!tpu.dma_semaphore, #tpu.memory_space<semaphore_mem>>)
    }
    %scan3A_46 = arith.constant 19 : i32
    %dma_wait3A_47 = arith.constant 9728 : i32
    %dma_wait3A_48 = tpu.memref_slice %arg6[%dma_wait3A_47] : memref<10240xi32, #tpu.memory_space<vmem>> -> memref<128xi32, #tpu.memory_space<vmem>>
    %dma_wait3A_49 = arith.constant 0 : i32
    %dma_wait3A_50 = arith.constant 0 : i32
    %dma_wait3A_51 = tpu.memref_slice %arg4[%dma_wait3A_49, %dma_wait3A_50] : memref<6016x128xf32, #tpu.memory_space<hbm>> -> memref<6016x128xf32, #tpu.memory_space<hbm>>
    tpu.wait_indirect_dma semaphore(%arg17 : memref<!tpu.dma_semaphore, #tpu.memory_space<semaphore_mem>>) src(%dma_wait3A_51 : memref<6016x128xf32, #tpu.memory_space<hbm>>) dst(%arg12 : memref<128x128xf32, #tpu.memory_space<vmem>>)
    %scan3A_52 = arith.constant 0 : i32
    %scan3A_53 = arith.constant 8 : i32
    %scan3A_54 = arith.addi %scan3A_52, %scan3A_53 : i32
    %scan3A_55 = arith.constant 1 : i32
    scf.for %scan3A_116 = %scan3A_52 to %scan3A_54 step %scan3A_55  : i32 {
      %mul3A_117 = arith.constant 1 : i32
      %mul3A_118 = arith.muli %scan3A_116, %mul3A_117 : i32
      %add3A_119 = arith.constant 0 : i32
      %add3A_120 = arith.addi %add3A_119, %mul3A_118 : i32
      %mul3A_121 = arith.constant 16 : i32
      %mul3A_122 = arith.muli %add3A_120, %mul3A_121 : i32
      %add3A_123 = arith.constant 9728 : i32
      %add3A_124 = arith.addi %add3A_123, %mul3A_122 : i32
      %get3A = arith.index_cast %add3A_124 : i32 to index
      %get3A_125 = tpu.vector_load %arg7[%get3A] {strides = array<i32>} : memref<10240xi32, #tpu.memory_space<vmem>>, vector<16xi32>,
      %mul3A_126 = arith.constant 16 : i32
      %mul3A_127 = arith.muli %add3A_120, %mul3A_126 : i32
      %swap3A = arith.index_cast %mul3A_127 : i32 to index
      %swap3A_128 = tpu.vector_load %arg8[%swap3A] {strides = array<i32>} : memref<128xi32, #tpu.memory_space<vmem>>, vector<16xi32>,
      tpu.vector_store %arg8[%swap3A], %get3A_125 {strides = array<i32>} : memref<128xi32, #tpu.memory_space<vmem>>, vector<16xi32>,
    }
    %scan3A_56 = arith.constant 8 : i32
    %dma_start3A_57 = arith.constant 0 : i32
    %dma_start3A_58 = arith.constant 0 : i32
    %dma_start3A_59 = tpu.memref_slice %arg16[%dma_start3A_57, %dma_start3A_58] : memref<4096x128xf32, #tpu.memory_space<vmem_shared>> -> memref<4096x128xf32, #tpu.memory_space<vmem_shared>>
    tpu.enqueue_indirect_dma source(%arg12 : memref<128x128xf32, #tpu.memory_space<vmem>>) target(%dma_start3A_59 : memref<4096x128xf32, #tpu.memory_space<vmem_shared>>) offsets(%arg8 : memref<128xi32, #tpu.memory_space<vmem>>) semaphore(%arg21 : memref<!tpu.dma_semaphore, #tpu.memory_space<semaphore_mem>>) {add = true}
    %dma_wait3A_60 = arith.constant 9856 : i32
    %dma_wait3A_61 = tpu.memref_slice %arg6[%dma_wait3A_60] : memref<10240xi32, #tpu.memory_space<vmem>> -> memref<128xi32, #tpu.memory_space<vmem>>
    %dma_wait3A_62 = arith.constant 0 : i32
    %dma_wait3A_63 = arith.constant 0 : i32
    %dma_wait3A_64 = tpu.memref_slice %arg4[%dma_wait3A_62, %dma_wait3A_63] : memref<6016x128xf32, #tpu.memory_space<hbm>> -> memref<6016x128xf32, #tpu.memory_space<hbm>>
    tpu.wait_indirect_dma semaphore(%arg18 : memref<!tpu.dma_semaphore, #tpu.memory_space<semaphore_mem>>) src(%dma_wait3A_64 : memref<6016x128xf32, #tpu.memory_space<hbm>>) dst(%arg13 : memref<128x128xf32, #tpu.memory_space<vmem>>)
    %scan3A_65 = arith.constant 0 : i32
    %scan3A_66 = arith.constant 8 : i32
    %scan3A_67 = arith.addi %scan3A_65, %scan3A_66 : i32
    %scan3A_68 = arith.constant 1 : i32
    scf.for %scan3A_116 = %scan3A_65 to %scan3A_67 step %scan3A_68  : i32 {
      %mul3A_117 = arith.constant 1 : i32
      %mul3A_118 = arith.muli %scan3A_116, %mul3A_117 : i32
      %add3A_119 = arith.constant 0 : i32
      %add3A_120 = arith.addi %add3A_119, %mul3A_118 : i32
      %mul3A_121 = arith.constant 16 : i32
      %mul3A_122 = arith.muli %add3A_120, %mul3A_121 : i32
      %add3A_123 = arith.constant 9856 : i32
      %add3A_124 = arith.addi %add3A_123, %mul3A_122 : i32
      %get3A = arith.index_cast %add3A_124 : i32 to index
      %get3A_125 = tpu.vector_load %arg7[%get3A] {strides = array<i32>} : memref<10240xi32, #tpu.memory_space<vmem>>, vector<16xi32>,
      %mul3A_126 = arith.constant 16 : i32
      %mul3A_127 = arith.muli %add3A_120, %mul3A_126 : i32
      %swap3A = arith.index_cast %mul3A_127 : i32 to index
      %swap3A_128 = tpu.vector_load %arg9[%swap3A] {strides = array<i32>} : memref<128xi32, #tpu.memory_space<vmem>>, vector<16xi32>,
      tpu.vector_store %arg9[%swap3A], %get3A_125 {strides = array<i32>} : memref<128xi32, #tpu.memory_space<vmem>>, vector<16xi32>,
    }
    %scan3A_69 = arith.constant 8 : i32
    %dma_start3A_70 = arith.constant 0 : i32
    %dma_start3A_71 = arith.constant 0 : i32
    %dma_start3A_72 = tpu.memref_slice %arg16[%dma_start3A_70, %dma_start3A_71] : memref<4096x128xf32, #tpu.memory_space<vmem_shared>> -> memref<4096x128xf32, #tpu.memory_space<vmem_shared>>
    tpu.enqueue_indirect_dma source(%arg13 : memref<128x128xf32, #tpu.memory_space<vmem>>) target(%dma_start3A_72 : memref<4096x128xf32, #tpu.memory_space<vmem_shared>>) offsets(%arg9 : memref<128xi32, #tpu.memory_space<vmem>>) semaphore(%arg22 : memref<!tpu.dma_semaphore, #tpu.memory_space<semaphore_mem>>) {add = true}
    %dma_wait3A_73 = arith.constant 9984 : i32
    %dma_wait3A_74 = tpu.memref_slice %arg6[%dma_wait3A_73] : memref<10240xi32, #tpu.memory_space<vmem>> -> memref<128xi32, #tpu.memory_space<vmem>>
    %dma_wait3A_75 = arith.constant 0 : i32
    %dma_wait3A_76 = arith.constant 0 : i32
    %dma_wait3A_77 = tpu.memref_slice %arg4[%dma_wait3A_75, %dma_wait3A_76] : memref<6016x128xf32, #tpu.memory_space<hbm>> -> memref<6016x128xf32, #tpu.memory_space<hbm>>
    tpu.wait_indirect_dma semaphore(%arg19 : memref<!tpu.dma_semaphore, #tpu.memory_space<semaphore_mem>>) src(%dma_wait3A_77 : memref<6016x128xf32, #tpu.memory_space<hbm>>) dst(%arg14 : memref<128x128xf32, #tpu.memory_space<vmem>>)
    %scan3A_78 = arith.constant 0 : i32
    %scan3A_79 = arith.constant 8 : i32
    %scan3A_80 = arith.addi %scan3A_78, %scan3A_79 : i32
    %scan3A_81 = arith.constant 1 : i32
    scf.for %scan3A_116 = %scan3A_78 to %scan3A_80 step %scan3A_81  : i32 {
      %mul3A_117 = arith.constant 1 : i32
      %mul3A_118 = arith.muli %scan3A_116, %mul3A_117 : i32
      %add3A_119 = arith.constant 0 : i32
      %add3A_120 = arith.addi %add3A_119, %mul3A_118 : i32
      %mul3A_121 = arith.constant 16 : i32
      %mul3A_122 = arith.muli %add3A_120, %mul3A_121 : i32
      %add3A_123 = arith.constant 9984 : i32
      %add3A_124 = arith.addi %add3A_123, %mul3A_122 : i32
      %get3A = arith.index_cast %add3A_124 : i32 to index
      %get3A_125 = tpu.vector_load %arg7[%get3A] {strides = array<i32>} : memref<10240xi32, #tpu.memory_space<vmem>>, vector<16xi32>,
      %mul3A_126 = arith.constant 16 : i32
      %mul3A_127 = arith.muli %add3A_120, %mul3A_126 : i32
      %swap3A = arith.index_cast %mul3A_127 : i32 to index
      %swap3A_128 = tpu.vector_load %arg10[%swap3A] {strides = array<i32>} : memref<128xi32, #tpu.memory_space<vmem>>, vector<16xi32>,
      tpu.vector_store %arg10[%swap3A], %get3A_125 {strides = array<i32>} : memref<128xi32, #tpu.memory_space<vmem>>, vector<16xi32>,
    }
    %scan3A_82 = arith.constant 8 : i32
    %dma_start3A_83 = arith.constant 0 : i32
    %dma_start3A_84 = arith.constant 0 : i32
    %dma_start3A_85 = tpu.memref_slice %arg16[%dma_start3A_83, %dma_start3A_84] : memref<4096x128xf32, #tpu.memory_space<vmem_shared>> -> memref<4096x128xf32, #tpu.memory_space<vmem_shared>>
    tpu.enqueue_indirect_dma source(%arg14 : memref<128x128xf32, #tpu.memory_space<vmem>>) target(%dma_start3A_85 : memref<4096x128xf32, #tpu.memory_space<vmem_shared>>) offsets(%arg10 : memref<128xi32, #tpu.memory_space<vmem>>) semaphore(%arg23 : memref<!tpu.dma_semaphore, #tpu.memory_space<semaphore_mem>>) {add = true}
    %dma_wait3A_86 = arith.constant 10112 : i32
    %dma_wait3A_87 = tpu.memref_slice %arg6[%dma_wait3A_86] : memref<10240xi32, #tpu.memory_space<vmem>> -> memref<128xi32, #tpu.memory_space<vmem>>
    %dma_wait3A_88 = arith.constant 0 : i32
    %dma_wait3A_89 = arith.constant 0 : i32
    %dma_wait3A_90 = tpu.memref_slice %arg4[%dma_wait3A_88, %dma_wait3A_89] : memref<6016x128xf32, #tpu.memory_space<hbm>> -> memref<6016x128xf32, #tpu.memory_space<hbm>>
    tpu.wait_indirect_dma semaphore(%arg20 : memref<!tpu.dma_semaphore, #tpu.memory_space<semaphore_mem>>) src(%dma_wait3A_90 : memref<6016x128xf32, #tpu.memory_space<hbm>>) dst(%arg15 : memref<128x128xf32, #tpu.memory_space<vmem>>)
    %scan3A_91 = arith.constant 0 : i32
    %scan3A_92 = arith.constant 8 : i32
    %scan3A_93 = arith.addi %scan3A_91, %scan3A_92 : i32
    %scan3A_94 = arith.constant 1 : i32
    scf.for %scan3A_116 = %scan3A_91 to %scan3A_93 step %scan3A_94  : i32 {
      %mul3A_117 = arith.constant 1 : i32
      %mul3A_118 = arith.muli %scan3A_116, %mul3A_117 : i32
      %add3A_119 = arith.constant 0 : i32
      %add3A_120 = arith.addi %add3A_119, %mul3A_118 : i32
      %mul3A_121 = arith.constant 16 : i32
      %mul3A_122 = arith.muli %add3A_120, %mul3A_121 : i32
      %add3A_123 = arith.constant 10112 : i32
      %add3A_124 = arith.addi %add3A_123, %mul3A_122 : i32
      %get3A = arith.index_cast %add3A_124 : i32 to index
      %get3A_125 = tpu.vector_load %arg7[%get3A] {strides = array<i32>} : memref<10240xi32, #tpu.memory_space<vmem>>, vector<16xi32>,
      %mul3A_126 = arith.constant 16 : i32
      %mul3A_127 = arith.muli %add3A_120, %mul3A_126 : i32
      %swap3A = arith.index_cast %mul3A_127 : i32 to index
      %swap3A_128 = tpu.vector_load %arg11[%swap3A] {strides = array<i32>} : memref<128xi32, #tpu.memory_space<vmem>>, vector<16xi32>,
      tpu.vector_store %arg11[%swap3A], %get3A_125 {strides = array<i32>} : memref<128xi32, #tpu.memory_space<vmem>>, vector<16xi32>,
    }
    %scan3A_95 = arith.constant 8 : i32
    %dma_start3A_96 = arith.constant 0 : i32
    %dma_start3A_97 = arith.constant 0 : i32
    %dma_start3A_98 = tpu.memref_slice %arg16[%dma_start3A_96, %dma_start3A_97] : memref<4096x128xf32, #tpu.memory_space<vmem_shared>> -> memref<4096x128xf32, #tpu.memory_space<vmem_shared>>
    tpu.enqueue_indirect_dma source(%arg15 : memref<128x128xf32, #tpu.memory_space<vmem>>) target(%dma_start3A_98 : memref<4096x128xf32, #tpu.memory_space<vmem_shared>>) offsets(%arg11 : memref<128xi32, #tpu.memory_space<vmem>>) semaphore(%arg24 : memref<!tpu.dma_semaphore, #tpu.memory_space<semaphore_mem>>) {add = true}
    %dma_wait3A_99 = arith.constant 0 : i32
    %dma_wait3A_100 = arith.constant 0 : i32
    %dma_wait3A_101 = tpu.memref_slice %arg16[%dma_wait3A_99, %dma_wait3A_100] : memref<4096x128xf32, #tpu.memory_space<vmem_shared>> -> memref<4096x128xf32, #tpu.memory_space<vmem_shared>>
    tpu.wait_indirect_dma semaphore(%arg21 : memref<!tpu.dma_semaphore, #tpu.memory_space<semaphore_mem>>) src(%arg12 : memref<128x128xf32, #tpu.memory_space<vmem>>) dst(%dma_wait3A_101 : memref<4096x128xf32, #tpu.memory_space<vmem_shared>>)
    %dma_wait3A_102 = arith.constant 0 : i32
    %dma_wait3A_103 = arith.constant 0 : i32
    %dma_wait3A_104 = tpu.memref_slice %arg16[%dma_wait3A_102, %dma_wait3A_103] : memref<4096x128xf32, #tpu.memory_space<vmem_shared>> -> memref<4096x128xf32, #tpu.memory_space<vmem_shared>>
    tpu.wait_indirect_dma semaphore(%arg22 : memref<!tpu.dma_semaphore, #tpu.memory_space<semaphore_mem>>) src(%arg13 : memref<128x128xf32, #tpu.memory_space<vmem>>) dst(%dma_wait3A_104 : memref<4096x128xf32, #tpu.memory_space<vmem_shared>>)
    %dma_wait3A_105 = arith.constant 0 : i32
    %dma_wait3A_106 = arith.constant 0 : i32
    %dma_wait3A_107 = tpu.memref_slice %arg16[%dma_wait3A_105, %dma_wait3A_106] : memref<4096x128xf32, #tpu.memory_space<vmem_shared>> -> memref<4096x128xf32, #tpu.memory_space<vmem_shared>>
    tpu.wait_indirect_dma semaphore(%arg23 : memref<!tpu.dma_semaphore, #tpu.memory_space<semaphore_mem>>) src(%arg14 : memref<128x128xf32, #tpu.memory_space<vmem>>) dst(%dma_wait3A_107 : memref<4096x128xf32, #tpu.memory_space<vmem_shared>>)
    %dma_wait3A_108 = arith.constant 0 : i32
    %dma_wait3A_109 = arith.constant 0 : i32
    %dma_wait3A_110 = tpu.memref_slice %arg16[%dma_wait3A_108, %dma_wait3A_109] : memref<4096x128xf32, #tpu.memory_space<vmem_shared>> -> memref<4096x128xf32, #tpu.memory_space<vmem_shared>>
    tpu.wait_indirect_dma semaphore(%arg24 : memref<!tpu.dma_semaphore, #tpu.memory_space<semaphore_mem>>) src(%arg15 : memref<128x128xf32, #tpu.memory_space<vmem>>) dst(%dma_wait3A_110 : memref<4096x128xf32, #tpu.memory_space<vmem_shared>>)
    %barrier3A_111 = arith.constant 0 : index
    tpu.barrier barrier_id(%barrier3A_111)
    "tpu.region"() ({
      %run_scoped3A = tpu.sem_alloc : memref<!tpu.dma_semaphore, #tpu.memory_space<semaphore_mem>>
      %dma_start3A_116 = arith.constant 0 : i32
      %dma_start3A_117 = tpu.memref_slice %arg16[%mul3A_4, %dma_start3A_116] : memref<4096x128xf32, #tpu.memory_space<vmem_shared>> -> memref<128x128xf32, #tpu.memory_space<vmem_shared>>
      %dma_start3A_118 = arith.constant 0 : i32
      %dma_start3A_119 = tpu.memref_slice %arg16[%mul3A_4, %dma_start3A_118] : memref<4096x128xf32, #tpu.memory_space<vmem_shared>> -> memref<128x128xf32, #tpu.memory_space<vmem_shared>>
      tpu.enqueue_dma source(%dma_start3A_119 : memref<128x128xf32, #tpu.memory_space<vmem_shared>>) target(%arg12 : memref<128x128xf32, #tpu.memory_space<vmem>>) target_semaphore(%run_scoped3A : memref<!tpu.dma_semaphore, #tpu.memory_space<semaphore_mem>>)
      %dma_wait3A_120 = arith.constant 0 : i32
      %dma_wait3A_121 = tpu.memref_slice %arg16[%mul3A_4, %dma_wait3A_120] : memref<4096x128xf32, #tpu.memory_space<vmem_shared>> -> memref<128x128xf32, #tpu.memory_space<vmem_shared>>
      %dma_wait3A_122 = arith.constant 0 : i32
      %dma_wait3A_123 = tpu.memref_slice %arg16[%mul3A_4, %dma_wait3A_122] : memref<4096x128xf32, #tpu.memory_space<vmem_shared>> -> memref<128x128xf32, #tpu.memory_space<vmem_shared>>
      tpu.wait_dma2 semaphore(%run_scoped3A : memref<!tpu.dma_semaphore, #tpu.memory_space<semaphore_mem>>) src(%dma_wait3A_123 : memref<128x128xf32, #tpu.memory_space<vmem_shared>>) dst(%arg12 : memref<128x128xf32, #tpu.memory_space<vmem>>)
      tpu.yield
    }) : () -> ()
    "tpu.region"() ({
      %run_scoped3A = tpu.sem_alloc : memref<!tpu.dma_semaphore, #tpu.memory_space<semaphore_mem>>
      %dma_start3A_116 = arith.constant 0 : i32
      %dma_start3A_117 = tpu.memref_slice %arg5[%arg0, %mul3A_4, %dma_start3A_116] : memref<2x4096x128xf32, #tpu.memory_space<hbm>> -> memref<1x128x128xf32, #tpu.memory_space<hbm>>
      %dma_start3A_118 = tpu.memref_squeeze %dma_start3A_117 : memref<1x128x128xf32, #tpu.memory_space<hbm>> -> memref<128x128xf32, #tpu.memory_space<hbm>>
      %dma_start3A_119 = arith.constant 0 : i32
      %dma_start3A_120 = tpu.memref_slice %arg5[%arg0, %mul3A_4, %dma_start3A_119] : memref<2x4096x128xf32, #tpu.memory_space<hbm>> -> memref<1x128x128xf32, #tpu.memory_space<hbm>>
      %dma_start3A_121 = tpu.memref_squeeze %dma_start3A_120 : memref<1x128x128xf32, #tpu.memory_space<hbm>> -> memref<128x128xf32, #tpu.memory_space<hbm>>
      tpu.enqueue_dma source(%arg12 : memref<128x128xf32, #tpu.memory_space<vmem>>) target(%dma_start3A_121 : memref<128x128xf32, #tpu.memory_space<hbm>>) target_semaphore(%run_scoped3A : memref<!tpu.dma_semaphore, #tpu.memory_space<semaphore_mem>>)
      %dma_wait3A_122 = arith.constant 0 : i32
      %dma_wait3A_123 = tpu.memref_slice %arg5[%arg0, %mul3A_4, %dma_wait3A_122] : memref<2x4096x128xf32, #tpu.memory_space<hbm>> -> memref<1x128x128xf32, #tpu.memory_space<hbm>>
      %dma_wait3A_124 = tpu.memref_squeeze %dma_wait3A_123 : memref<1x128x128xf32, #tpu.memory_space<hbm>> -> memref<128x128xf32, #tpu.memory_space<hbm>>
      %dma_wait3A_125 = arith.constant 0 : i32
      %dma_wait3A_126 = tpu.memref_slice %arg5[%arg0, %mul3A_4, %dma_wait3A_125] : memref<2x4096x128xf32, #tpu.memory_space<hbm>> -> memref<1x128x128xf32, #tpu.memory_space<hbm>>
      %dma_wait3A_127 = tpu.memref_squeeze %dma_wait3A_126 : memref<1x128x128xf32, #tpu.memory_space<hbm>> -> memref<128x128xf32, #tpu.memory_space<hbm>>
      tpu.wait_dma2 semaphore(%run_scoped3A : memref<!tpu.dma_semaphore, #tpu.memory_space<semaphore_mem>>) src(%arg12 : memref<128x128xf32, #tpu.memory_space<vmem>>) dst(%dma_wait3A_127 : memref<128x128xf32, #tpu.memory_space<hbm>>)
      tpu.yield
    }) : () -> ()
    %add3A_112 = arith.constant 128 : i32
    %add3A_113 = arith.addi %mul3A_4, %add3A_112 : i32
    "tpu.region"() ({
      %run_scoped3A = tpu.sem_alloc : memref<!tpu.dma_semaphore, #tpu.memory_space<semaphore_mem>>
      %dma_start3A_116 = arith.constant 0 : i32
      %dma_start3A_117 = tpu.memref_slice %arg16[%add3A_113, %dma_start3A_116] : memref<4096x128xf32, #tpu.memory_space<vmem_shared>> -> memref<128x128xf32, #tpu.memory_space<vmem_shared>>
      %dma_start3A_118 = arith.constant 0 : i32
      %dma_start3A_119 = tpu.memref_slice %arg16[%add3A_113, %dma_start3A_118] : memref<4096x128xf32, #tpu.memory_space<vmem_shared>> -> memref<128x128xf32, #tpu.memory_space<vmem_shared>>
      tpu.enqueue_dma source(%dma_start3A_119 : memref<128x128xf32, #tpu.memory_space<vmem_shared>>) target(%arg12 : memref<128x128xf32, #tpu.memory_space<vmem>>) target_semaphore(%run_scoped3A : memref<!tpu.dma_semaphore, #tpu.memory_space<semaphore_mem>>)
      %dma_wait3A_120 = arith.constant 0 : i32
      %dma_wait3A_121 = tpu.memref_slice %arg16[%add3A_113, %dma_wait3A_120] : memref<4096x128xf32, #tpu.memory_space<vmem_shared>> -> memref<128x128xf32, #tpu.memory_space<vmem_shared>>
      %dma_wait3A_122 = arith.constant 0 : i32
      %dma_wait3A_123 = tpu.memref_slice %arg16[%add3A_113, %dma_wait3A_122] : memref<4096x128xf32, #tpu.memory_space<vmem_shared>> -> memref<128x128xf32, #tpu.memory_space<vmem_shared>>
      tpu.wait_dma2 semaphore(%run_scoped3A : memref<!tpu.dma_semaphore, #tpu.memory_space<semaphore_mem>>) src(%dma_wait3A_123 : memref<128x128xf32, #tpu.memory_space<vmem_shared>>) dst(%arg12 : memref<128x128xf32, #tpu.memory_space<vmem>>)
      tpu.yield
    }) : () -> ()
    %add3A_114 = arith.constant 128 : i32
    %add3A_115 = arith.addi %mul3A_4, %add3A_114 : i32
    "tpu.region"() ({
      %run_scoped3A = tpu.sem_alloc : memref<!tpu.dma_semaphore, #tpu.memory_space<semaphore_mem>>
      %dma_start3A_116 = arith.constant 0 : i32
      %dma_start3A_117 = tpu.memref_slice %arg5[%arg0, %add3A_115, %dma_start3A_116] : memref<2x4096x128xf32, #tpu.memory_space<hbm>> -> memref<1x128x128xf32, #tpu.memory_space<hbm>>
      %dma_start3A_118 = tpu.memref_squeeze %dma_start3A_117 : memref<1x128x128xf32, #tpu.memory_space<hbm>> -> memref<128x128xf32, #tpu.memory_space<hbm>>
      %dma_start3A_119 = arith.constant 0 : i32
      %dma_start3A_120 = tpu.memref_slice %arg5[%arg0, %add3A_115, %dma_start3A_119] : memref<2x4096x128xf32, #tpu.memory_space<hbm>> -> memref<1x128x128xf32, #tpu.memory_space<hbm>>
      %dma_start3A_121 = tpu.memref_squeeze %dma_start3A_120 : memref<1x128x128xf32, #tpu.memory_space<hbm>> -> memref<128x128xf32, #tpu.memory_space<hbm>>
      tpu.enqueue_dma source(%arg12 : memref<128x128xf32, #tpu.memory_space<vmem>>) target(%dma_start3A_121 : memref<128x128xf32, #tpu.memory_space<hbm>>) target_semaphore(%run_scoped3A : memref<!tpu.dma_semaphore, #tpu.memory_space<semaphore_mem>>)
      %dma_wait3A_122 = arith.constant 0 : i32
      %dma_wait3A_123 = tpu.memref_slice %arg5[%arg0, %add3A_115, %dma_wait3A_122] : memref<2x4096x128xf32, #tpu.memory_space<hbm>> -> memref<1x128x128xf32, #tpu.memory_space<hbm>>
      %dma_wait3A_124 = tpu.memref_squeeze %dma_wait3A_123 : memref<1x128x128xf32, #tpu.memory_space<hbm>> -> memref<128x128xf32, #tpu.memory_space<hbm>>
      %dma_wait3A_125 = arith.constant 0 : i32
      %dma_wait3A_126 = tpu.memref_slice %arg5[%arg0, %add3A_115, %dma_wait3A_125] : memref<2x4096x128xf32, #tpu.memory_space<hbm>> -> memref<1x128x128xf32, #tpu.memory_space<hbm>>
      %dma_wait3A_127 = tpu.memref_squeeze %dma_wait3A_126 : memref<1x128x128xf32, #tpu.memory_space<hbm>> -> memref<128x128xf32, #tpu.memory_space<hbm>>
      tpu.wait_dma2 semaphore(%run_scoped3A : memref<!tpu.dma_semaphore, #tpu.memory_space<semaphore_mem>>) src(%arg12 : memref<128x128xf32, #tpu.memory_space<vmem>>) dst(%dma_wait3A_127 : memref<128x128xf32, #tpu.memory_space<hbm>>)
      tpu.yield
    }) : () -> ()
    return
  }
}

#map = affine_map<(d0, d1) -> (0, 0)>
#map1 = affine_map<(d0, d1) -> (0)>
module attributes {stable_mosaic.version = 14 : i64} {
  func.func @_sc_ctx_gather(%arg0: i32, %arg1: i32, %arg2: memref<4096x128xf32, #tpu.memory_space<hbm>>, %arg3: memref<8192xi32, #tpu.memory_space<hbm>>, %arg4: memref<8192x128xf32, #tpu.memory_space<hbm>>, %arg5: memref<256xi32, #tpu.memory_space<vmem>>, %arg6: memref<128x128xf32, #tpu.memory_space<vmem>>, %arg7: memref<!tpu.dma_semaphore, #tpu.memory_space<semaphore_mem>>) attributes {dimension_semantics = [#tpu.dimension_semantics<core_parallel>, #tpu.dimension_semantics<subcore_parallel>], iteration_bounds = array<i64: 2, 16>, scalar_prefetch = 0 : i64, scratch_operands = 3 : i64, tpu.core_type = #tpu.core_type<sc_vector_subcore>, window_params = [{transform_indices = #map}, {transform_indices = #map1}, {transform_indices = #map}]} {
    %mul3A = arith.constant 2 : i32
    %mul3A_0 = arith.muli %arg1, %mul3A : i32
    %add3A = arith.addi %mul3A_0, %arg0 : i32
    %mul3A_1 = arith.constant 256 : i32
    %mul3A_2 = arith.muli %add3A, %mul3A_1 : i32
    "tpu.region"() ({
      %run_scoped3A = tpu.sem_alloc : memref<!tpu.dma_semaphore, #tpu.memory_space<semaphore_mem>>
      %dma_start3A_25 = tpu.memref_slice %arg3[%mul3A_2] : memref<8192xi32, #tpu.memory_space<hbm>> -> memref<256xi32, #tpu.memory_space<hbm>>
      %dma_start3A_26 = tpu.memref_slice %arg3[%mul3A_2] : memref<8192xi32, #tpu.memory_space<hbm>> -> memref<256xi32, #tpu.memory_space<hbm>>
      tpu.enqueue_dma source(%dma_start3A_26 : memref<256xi32, #tpu.memory_space<hbm>>) target(%arg5 : memref<256xi32, #tpu.memory_space<vmem>>) target_semaphore(%run_scoped3A : memref<!tpu.dma_semaphore, #tpu.memory_space<semaphore_mem>>)
      %dma_wait3A_27 = tpu.memref_slice %arg3[%mul3A_2] : memref<8192xi32, #tpu.memory_space<hbm>> -> memref<256xi32, #tpu.memory_space<hbm>>
      %dma_wait3A_28 = tpu.memref_slice %arg3[%mul3A_2] : memref<8192xi32, #tpu.memory_space<hbm>> -> memref<256xi32, #tpu.memory_space<hbm>>
      tpu.wait_dma2 semaphore(%run_scoped3A : memref<!tpu.dma_semaphore, #tpu.memory_space<semaphore_mem>>) src(%dma_wait3A_28 : memref<256xi32, #tpu.memory_space<hbm>>) dst(%arg5 : memref<256xi32, #tpu.memory_space<vmem>>)
      tpu.yield
    }) : () -> ()
    %dma_start3A = arith.constant 0 : i32
    %dma_start3A_3 = tpu.memref_slice %arg5[%dma_start3A] : memref<256xi32, #tpu.memory_space<vmem>> -> memref<128xi32, #tpu.memory_space<vmem>>
    %dma_start3A_4 = arith.constant 0 : i32
    %dma_start3A_5 = arith.constant 0 : i32
    %dma_start3A_6 = tpu.memref_slice %arg2[%dma_start3A_4, %dma_start3A_5] : memref<4096x128xf32, #tpu.memory_space<hbm>> -> memref<4096x128xf32, #tpu.memory_space<hbm>>
    tpu.enqueue_indirect_dma source(%dma_start3A_6 : memref<4096x128xf32, #tpu.memory_space<hbm>>) target(%arg6 : memref<128x128xf32, #tpu.memory_space<vmem>>) offsets(%dma_start3A_3 : memref<128xi32, #tpu.memory_space<vmem>>) semaphore(%arg7 : memref<!tpu.dma_semaphore, #tpu.memory_space<semaphore_mem>>)
    %dma_wait3A = arith.constant 0 : i32
    %dma_wait3A_7 = tpu.memref_slice %arg5[%dma_wait3A] : memref<256xi32, #tpu.memory_space<vmem>> -> memref<128xi32, #tpu.memory_space<vmem>>
    %dma_wait3A_8 = arith.constant 0 : i32
    %dma_wait3A_9 = arith.constant 0 : i32
    %dma_wait3A_10 = tpu.memref_slice %arg2[%dma_wait3A_8, %dma_wait3A_9] : memref<4096x128xf32, #tpu.memory_space<hbm>> -> memref<4096x128xf32, #tpu.memory_space<hbm>>
    tpu.wait_indirect_dma semaphore(%arg7 : memref<!tpu.dma_semaphore, #tpu.memory_space<semaphore_mem>>) src(%dma_wait3A_10 : memref<4096x128xf32, #tpu.memory_space<hbm>>) dst(%arg6 : memref<128x128xf32, #tpu.memory_space<vmem>>)
    %add3A_11 = arith.constant 0 : i32
    %add3A_12 = arith.addi %mul3A_2, %add3A_11 : i32
    "tpu.region"() ({
      %run_scoped3A = tpu.sem_alloc : memref<!tpu.dma_semaphore, #tpu.memory_space<semaphore_mem>>
      %dma_start3A_25 = arith.constant 0 : i32
      %dma_start3A_26 = tpu.memref_slice %arg4[%add3A_12, %dma_start3A_25] : memref<8192x128xf32, #tpu.memory_space<hbm>> -> memref<128x128xf32, #tpu.memory_space<hbm>>
      %dma_start3A_27 = arith.constant 0 : i32
      %dma_start3A_28 = tpu.memref_slice %arg4[%add3A_12, %dma_start3A_27] : memref<8192x128xf32, #tpu.memory_space<hbm>> -> memref<128x128xf32, #tpu.memory_space<hbm>>
      tpu.enqueue_dma source(%arg6 : memref<128x128xf32, #tpu.memory_space<vmem>>) target(%dma_start3A_28 : memref<128x128xf32, #tpu.memory_space<hbm>>) target_semaphore(%run_scoped3A : memref<!tpu.dma_semaphore, #tpu.memory_space<semaphore_mem>>)
      %dma_wait3A_29 = arith.constant 0 : i32
      %dma_wait3A_30 = tpu.memref_slice %arg4[%add3A_12, %dma_wait3A_29] : memref<8192x128xf32, #tpu.memory_space<hbm>> -> memref<128x128xf32, #tpu.memory_space<hbm>>
      %dma_wait3A_31 = arith.constant 0 : i32
      %dma_wait3A_32 = tpu.memref_slice %arg4[%add3A_12, %dma_wait3A_31] : memref<8192x128xf32, #tpu.memory_space<hbm>> -> memref<128x128xf32, #tpu.memory_space<hbm>>
      tpu.wait_dma2 semaphore(%run_scoped3A : memref<!tpu.dma_semaphore, #tpu.memory_space<semaphore_mem>>) src(%arg6 : memref<128x128xf32, #tpu.memory_space<vmem>>) dst(%dma_wait3A_32 : memref<128x128xf32, #tpu.memory_space<hbm>>)
      tpu.yield
    }) : () -> ()
    %dma_start3A_13 = arith.constant 128 : i32
    %dma_start3A_14 = tpu.memref_slice %arg5[%dma_start3A_13] : memref<256xi32, #tpu.memory_space<vmem>> -> memref<128xi32, #tpu.memory_space<vmem>>
    %dma_start3A_15 = arith.constant 0 : i32
    %dma_start3A_16 = arith.constant 0 : i32
    %dma_start3A_17 = tpu.memref_slice %arg2[%dma_start3A_15, %dma_start3A_16] : memref<4096x128xf32, #tpu.memory_space<hbm>> -> memref<4096x128xf32, #tpu.memory_space<hbm>>
    tpu.enqueue_indirect_dma source(%dma_start3A_17 : memref<4096x128xf32, #tpu.memory_space<hbm>>) target(%arg6 : memref<128x128xf32, #tpu.memory_space<vmem>>) offsets(%dma_start3A_14 : memref<128xi32, #tpu.memory_space<vmem>>) semaphore(%arg7 : memref<!tpu.dma_semaphore, #tpu.memory_space<semaphore_mem>>)
    %dma_wait3A_18 = arith.constant 128 : i32
    %dma_wait3A_19 = tpu.memref_slice %arg5[%dma_wait3A_18] : memref<256xi32, #tpu.memory_space<vmem>> -> memref<128xi32, #tpu.memory_space<vmem>>
    %dma_wait3A_20 = arith.constant 0 : i32
    %dma_wait3A_21 = arith.constant 0 : i32
    %dma_wait3A_22 = tpu.memref_slice %arg2[%dma_wait3A_20, %dma_wait3A_21] : memref<4096x128xf32, #tpu.memory_space<hbm>> -> memref<4096x128xf32, #tpu.memory_space<hbm>>
    tpu.wait_indirect_dma semaphore(%arg7 : memref<!tpu.dma_semaphore, #tpu.memory_space<semaphore_mem>>) src(%dma_wait3A_22 : memref<4096x128xf32, #tpu.memory_space<hbm>>) dst(%arg6 : memref<128x128xf32, #tpu.memory_space<vmem>>)
    %add3A_23 = arith.constant 128 : i32
    %add3A_24 = arith.addi %mul3A_2, %add3A_23 : i32
    "tpu.region"() ({
      %run_scoped3A = tpu.sem_alloc : memref<!tpu.dma_semaphore, #tpu.memory_space<semaphore_mem>>
      %dma_start3A_25 = arith.constant 0 : i32
      %dma_start3A_26 = tpu.memref_slice %arg4[%add3A_24, %dma_start3A_25] : memref<8192x128xf32, #tpu.memory_space<hbm>> -> memref<128x128xf32, #tpu.memory_space<hbm>>
      %dma_start3A_27 = arith.constant 0 : i32
      %dma_start3A_28 = tpu.memref_slice %arg4[%add3A_24, %dma_start3A_27] : memref<8192x128xf32, #tpu.memory_space<hbm>> -> memref<128x128xf32, #tpu.memory_space<hbm>>
      tpu.enqueue_dma source(%arg6 : memref<128x128xf32, #tpu.memory_space<vmem>>) target(%dma_start3A_28 : memref<128x128xf32, #tpu.memory_space<hbm>>) target_semaphore(%run_scoped3A : memref<!tpu.dma_semaphore, #tpu.memory_space<semaphore_mem>>)
      %dma_wait3A_29 = arith.constant 0 : i32
      %dma_wait3A_30 = tpu.memref_slice %arg4[%add3A_24, %dma_wait3A_29] : memref<8192x128xf32, #tpu.memory_space<hbm>> -> memref<128x128xf32, #tpu.memory_space<hbm>>
      %dma_wait3A_31 = arith.constant 0 : i32
      %dma_wait3A_32 = tpu.memref_slice %arg4[%add3A_24, %dma_wait3A_31] : memref<8192x128xf32, #tpu.memory_space<hbm>> -> memref<128x128xf32, #tpu.memory_space<hbm>>
      tpu.wait_dma2 semaphore(%run_scoped3A : memref<!tpu.dma_semaphore, #tpu.memory_space<semaphore_mem>>) src(%arg6 : memref<128x128xf32, #tpu.memory_space<vmem>>) dst(%dma_wait3A_32 : memref<128x128xf32, #tpu.memory_space<hbm>>)
      tpu.yield
    }) : () -> ()
    return
  }
}

#map = affine_map<(d0, d1) -> (0)>
#map1 = affine_map<(d0, d1) -> (0, 0)>
#map2 = affine_map<(d0, d1) -> (0, 0, 0)>
module attributes {stable_mosaic.version = 14 : i64} {
  func.func @_sc_stage_a(%arg0: i32, %arg1: i32, %arg2: memref<327680xi32, #tpu.memory_space<hbm>>, %arg3: memref<327680xi32, #tpu.memory_space<hbm>>, %arg4: memref<327680xi32, #tpu.memory_space<hbm>>, %arg5: memref<20000x128xf32, #tpu.memory_space<hbm>>, %arg6: memref<2x6016x128xf32, #tpu.memory_space<hbm>>, %arg7: memref<32x128xf32, #tpu.memory_space<hbm>>, %arg8: memref<2048xi32, #tpu.memory_space<vmem>>, %arg9: memref<2048xi32, #tpu.memory_space<vmem>>, %arg10: memref<256xi32, #tpu.memory_space<vmem>>, %arg11: memref<256xi32, #tpu.memory_space<vmem>>, %arg12: memref<256xi32, #tpu.memory_space<vmem>>, %arg13: memref<128xi32, #tpu.memory_space<vmem>>, %arg14: memref<128xi32, #tpu.memory_space<vmem>>, %arg15: memref<256xf32, #tpu.memory_space<vmem>>, %arg16: memref<272x128xf32, #tpu.memory_space<vmem>>, %arg17: memref<128x128xf32, #tpu.memory_space<vmem>>, %arg18: memref<128x128xf32, #tpu.memory_space<vmem>>, %arg19: memref<16xi32, #tpu.memory_space<vmem>>, %arg20: memref<6016x128xf32, #tpu.memory_space<vmem_shared>>, %arg21: memref<272x128xf32, #tpu.memory_space<vmem_shared>>, %arg22: memref<!tpu.dma_semaphore, #tpu.memory_space<semaphore_mem>>, %arg23: memref<!tpu.dma_semaphore, #tpu.memory_space<semaphore_mem>>, %arg24: memref<!tpu.dma_semaphore, #tpu.memory_space<semaphore_mem>>) attributes {dimension_semantics = [#tpu.dimension_semantics<core_parallel>, #tpu.dimension_semantics<subcore_parallel>], iteration_bounds = array<i64: 2, 16>, scalar_prefetch = 0 : i64, scratch_operands = 17 : i64, tpu.core_type = #tpu.core_type<sc_vector_subcore>, window_params = [{transform_indices = #map}, {transform_indices = #map}, {transform_indices = #map}, {transform_indices = #map1}, {transform_indices = #map2}, {transform_indices = #map1}]} {
    %scan3A = arith.constant 0 : i32
    %scan3A_0 = arith.constant 272 : i32
    %scan3A_1 = arith.addi %scan3A, %scan3A_0 : i32
    %scan3A_2 = arith.constant 1 : i32
    scf.for %scan3A_400 = %scan3A to %scan3A_1 step %scan3A_2  : i32 {
      %mul3A_401 = arith.constant 1 : i32
      %mul3A_402 = arith.muli %scan3A_400, %mul3A_401 : i32
      %add3A_403 = arith.constant 0 : i32
      %add3A_404 = arith.addi %add3A_403, %mul3A_402 : i32
      %broadcast_in_dim3A = arith.constant 0.000000e+00 : f32
      %broadcast_in_dim3A_405 = vector.broadcast %broadcast_in_dim3A : f32 to vector<16xf32>
      %swap3A_406 = arith.index_cast %add3A_404 : i32 to index
      %swap3A_407 = arith.constant 0 : index
      %swap3A_408 = tpu.vector_load %arg16[%swap3A_406, %swap3A_407] {strides = array<i32>} : memref<272x128xf32, #tpu.memory_space<vmem>>, vector<16xf32>,
      tpu.vector_store %arg16[%swap3A_406, %swap3A_407], %broadcast_in_dim3A_405 {strides = array<i32>} : memref<272x128xf32, #tpu.memory_space<vmem>>, vector<16xf32>,
      %broadcast_in_dim3A_409 = arith.constant 0.000000e+00 : f32
      %broadcast_in_dim3A_410 = vector.broadcast %broadcast_in_dim3A_409 : f32 to vector<16xf32>
      %swap3A_411 = arith.index_cast %add3A_404 : i32 to index
      %swap3A_412 = arith.constant 16 : index
      %swap3A_413 = tpu.vector_load %arg16[%swap3A_411, %swap3A_412] {strides = array<i32>} : memref<272x128xf32, #tpu.memory_space<vmem>>, vector<16xf32>,
      tpu.vector_store %arg16[%swap3A_411, %swap3A_412], %broadcast_in_dim3A_410 {strides = array<i32>} : memref<272x128xf32, #tpu.memory_space<vmem>>, vector<16xf32>,
      %broadcast_in_dim3A_414 = arith.constant 0.000000e+00 : f32
      %broadcast_in_dim3A_415 = vector.broadcast %broadcast_in_dim3A_414 : f32 to vector<16xf32>
      %swap3A_416 = arith.index_cast %add3A_404 : i32 to index
      %swap3A_417 = arith.constant 32 : index
      %swap3A_418 = tpu.vector_load %arg16[%swap3A_416, %swap3A_417] {strides = array<i32>} : memref<272x128xf32, #tpu.memory_space<vmem>>, vector<16xf32>,
      tpu.vector_store %arg16[%swap3A_416, %swap3A_417], %broadcast_in_dim3A_415 {strides = array<i32>} : memref<272x128xf32, #tpu.memory_space<vmem>>, vector<16xf32>,
      %broadcast_in_dim3A_419 = arith.constant 0.000000e+00 : f32
      %broadcast_in_dim3A_420 = vector.broadcast %broadcast_in_dim3A_419 : f32 to vector<16xf32>
      %swap3A_421 = arith.index_cast %add3A_404 : i32 to index
      %swap3A_422 = arith.constant 48 : index
      %swap3A_423 = tpu.vector_load %arg16[%swap3A_421, %swap3A_422] {strides = array<i32>} : memref<272x128xf32, #tpu.memory_space<vmem>>, vector<16xf32>,
      tpu.vector_store %arg16[%swap3A_421, %swap3A_422], %broadcast_in_dim3A_420 {strides = array<i32>} : memref<272x128xf32, #tpu.memory_space<vmem>>, vector<16xf32>,
      %broadcast_in_dim3A_424 = arith.constant 0.000000e+00 : f32
      %broadcast_in_dim3A_425 = vector.broadcast %broadcast_in_dim3A_424 : f32 to vector<16xf32>
      %swap3A_426 = arith.index_cast %add3A_404 : i32 to index
      %swap3A_427 = arith.constant 64 : index
      %swap3A_428 = tpu.vector_load %arg16[%swap3A_426, %swap3A_427] {strides = array<i32>} : memref<272x128xf32, #tpu.memory_space<vmem>>, vector<16xf32>,
      tpu.vector_store %arg16[%swap3A_426, %swap3A_427], %broadcast_in_dim3A_425 {strides = array<i32>} : memref<272x128xf32, #tpu.memory_space<vmem>>, vector<16xf32>,
      %broadcast_in_dim3A_429 = arith.constant 0.000000e+00 : f32
      %broadcast_in_dim3A_430 = vector.broadcast %broadcast_in_dim3A_429 : f32 to vector<16xf32>
      %swap3A_431 = arith.index_cast %add3A_404 : i32 to index
      %swap3A_432 = arith.constant 80 : index
      %swap3A_433 = tpu.vector_load %arg16[%swap3A_431, %swap3A_432] {strides = array<i32>} : memref<272x128xf32, #tpu.memory_space<vmem>>, vector<16xf32>,
      tpu.vector_store %arg16[%swap3A_431, %swap3A_432], %broadcast_in_dim3A_430 {strides = array<i32>} : memref<272x128xf32, #tpu.memory_space<vmem>>, vector<16xf32>,
      %broadcast_in_dim3A_434 = arith.constant 0.000000e+00 : f32
      %broadcast_in_dim3A_435 = vector.broadcast %broadcast_in_dim3A_434 : f32 to vector<16xf32>
      %swap3A_436 = arith.index_cast %add3A_404 : i32 to index
      %swap3A_437 = arith.constant 96 : index
      %swap3A_438 = tpu.vector_load %arg16[%swap3A_436, %swap3A_437] {strides = array<i32>} : memref<272x128xf32, #tpu.memory_space<vmem>>, vector<16xf32>,
      tpu.vector_store %arg16[%swap3A_436, %swap3A_437], %broadcast_in_dim3A_435 {strides = array<i32>} : memref<272x128xf32, #tpu.memory_space<vmem>>, vector<16xf32>,
      %broadcast_in_dim3A_439 = arith.constant 0.000000e+00 : f32
      %broadcast_in_dim3A_440 = vector.broadcast %broadcast_in_dim3A_439 : f32 to vector<16xf32>
      %swap3A_441 = arith.index_cast %add3A_404 : i32 to index
      %swap3A_442 = arith.constant 112 : index
      %swap3A_443 = tpu.vector_load %arg16[%swap3A_441, %swap3A_442] {strides = array<i32>} : memref<272x128xf32, #tpu.memory_space<vmem>>, vector<16xf32>,
      tpu.vector_store %arg16[%swap3A_441, %swap3A_442], %broadcast_in_dim3A_440 {strides = array<i32>} : memref<272x128xf32, #tpu.memory_space<vmem>>, vector<16xf32>,
    }
    %scan3A_3 = arith.constant 272 : i32
    %scan3A_4 = arith.constant 0 : i32
    %scan3A_5 = arith.constant 128 : i32
    %scan3A_6 = arith.addi %scan3A_4, %scan3A_5 : i32
    %scan3A_7 = arith.constant 1 : i32
    scf.for %scan3A_400 = %scan3A_4 to %scan3A_6 step %scan3A_7  : i32 {
      %mul3A_401 = arith.constant 1 : i32
      %mul3A_402 = arith.muli %scan3A_400, %mul3A_401 : i32
      %add3A_403 = arith.constant 0 : i32
      %add3A_404 = arith.addi %add3A_403, %mul3A_402 : i32
      %broadcast_in_dim3A = arith.constant 0.000000e+00 : f32
      %broadcast_in_dim3A_405 = vector.broadcast %broadcast_in_dim3A : f32 to vector<16xf32>
      %swap3A_406 = arith.index_cast %add3A_404 : i32 to index
      %swap3A_407 = arith.constant 0 : index
      %swap3A_408 = tpu.vector_load %arg17[%swap3A_406, %swap3A_407] {strides = array<i32>} : memref<128x128xf32, #tpu.memory_space<vmem>>, vector<16xf32>,
      tpu.vector_store %arg17[%swap3A_406, %swap3A_407], %broadcast_in_dim3A_405 {strides = array<i32>} : memref<128x128xf32, #tpu.memory_space<vmem>>, vector<16xf32>,
      %broadcast_in_dim3A_409 = arith.constant 0.000000e+00 : f32
      %broadcast_in_dim3A_410 = vector.broadcast %broadcast_in_dim3A_409 : f32 to vector<16xf32>
      %swap3A_411 = arith.index_cast %add3A_404 : i32 to index
      %swap3A_412 = arith.constant 16 : index
      %swap3A_413 = tpu.vector_load %arg17[%swap3A_411, %swap3A_412] {strides = array<i32>} : memref<128x128xf32, #tpu.memory_space<vmem>>, vector<16xf32>,
      tpu.vector_store %arg17[%swap3A_411, %swap3A_412], %broadcast_in_dim3A_410 {strides = array<i32>} : memref<128x128xf32, #tpu.memory_space<vmem>>, vector<16xf32>,
      %broadcast_in_dim3A_414 = arith.constant 0.000000e+00 : f32
      %broadcast_in_dim3A_415 = vector.broadcast %broadcast_in_dim3A_414 : f32 to vector<16xf32>
      %swap3A_416 = arith.index_cast %add3A_404 : i32 to index
      %swap3A_417 = arith.constant 32 : index
      %swap3A_418 = tpu.vector_load %arg17[%swap3A_416, %swap3A_417] {strides = array<i32>} : memref<128x128xf32, #tpu.memory_space<vmem>>, vector<16xf32>,
      tpu.vector_store %arg17[%swap3A_416, %swap3A_417], %broadcast_in_dim3A_415 {strides = array<i32>} : memref<128x128xf32, #tpu.memory_space<vmem>>, vector<16xf32>,
      %broadcast_in_dim3A_419 = arith.constant 0.000000e+00 : f32
      %broadcast_in_dim3A_420 = vector.broadcast %broadcast_in_dim3A_419 : f32 to vector<16xf32>
      %swap3A_421 = arith.index_cast %add3A_404 : i32 to index
      %swap3A_422 = arith.constant 48 : index
      %swap3A_423 = tpu.vector_load %arg17[%swap3A_421, %swap3A_422] {strides = array<i32>} : memref<128x128xf32, #tpu.memory_space<vmem>>, vector<16xf32>,
      tpu.vector_store %arg17[%swap3A_421, %swap3A_422], %broadcast_in_dim3A_420 {strides = array<i32>} : memref<128x128xf32, #tpu.memory_space<vmem>>, vector<16xf32>,
      %broadcast_in_dim3A_424 = arith.constant 0.000000e+00 : f32
      %broadcast_in_dim3A_425 = vector.broadcast %broadcast_in_dim3A_424 : f32 to vector<16xf32>
      %swap3A_426 = arith.index_cast %add3A_404 : i32 to index
      %swap3A_427 = arith.constant 64 : index
      %swap3A_428 = tpu.vector_load %arg17[%swap3A_426, %swap3A_427] {strides = array<i32>} : memref<128x128xf32, #tpu.memory_space<vmem>>, vector<16xf32>,
      tpu.vector_store %arg17[%swap3A_426, %swap3A_427], %broadcast_in_dim3A_425 {strides = array<i32>} : memref<128x128xf32, #tpu.memory_space<vmem>>, vector<16xf32>,
      %broadcast_in_dim3A_429 = arith.constant 0.000000e+00 : f32
      %broadcast_in_dim3A_430 = vector.broadcast %broadcast_in_dim3A_429 : f32 to vector<16xf32>
      %swap3A_431 = arith.index_cast %add3A_404 : i32 to index
      %swap3A_432 = arith.constant 80 : index
      %swap3A_433 = tpu.vector_load %arg17[%swap3A_431, %swap3A_432] {strides = array<i32>} : memref<128x128xf32, #tpu.memory_space<vmem>>, vector<16xf32>,
      tpu.vector_store %arg17[%swap3A_431, %swap3A_432], %broadcast_in_dim3A_430 {strides = array<i32>} : memref<128x128xf32, #tpu.memory_space<vmem>>, vector<16xf32>,
      %broadcast_in_dim3A_434 = arith.constant 0.000000e+00 : f32
      %broadcast_in_dim3A_435 = vector.broadcast %broadcast_in_dim3A_434 : f32 to vector<16xf32>
      %swap3A_436 = arith.index_cast %add3A_404 : i32 to index
      %swap3A_437 = arith.constant 96 : index
      %swap3A_438 = tpu.vector_load %arg17[%swap3A_436, %swap3A_437] {strides = array<i32>} : memref<128x128xf32, #tpu.memory_space<vmem>>, vector<16xf32>,
      tpu.vector_store %arg17[%swap3A_436, %swap3A_437], %broadcast_in_dim3A_435 {strides = array<i32>} : memref<128x128xf32, #tpu.memory_space<vmem>>, vector<16xf32>,
      %broadcast_in_dim3A_439 = arith.constant 0.000000e+00 : f32
      %broadcast_in_dim3A_440 = vector.broadcast %broadcast_in_dim3A_439 : f32 to vector<16xf32>
      %swap3A_441 = arith.index_cast %add3A_404 : i32 to index
      %swap3A_442 = arith.constant 112 : index
      %swap3A_443 = tpu.vector_load %arg17[%swap3A_441, %swap3A_442] {strides = array<i32>} : memref<128x128xf32, #tpu.memory_space<vmem>>, vector<16xf32>,
      tpu.vector_store %arg17[%swap3A_441, %swap3A_442], %broadcast_in_dim3A_440 {strides = array<i32>} : memref<128x128xf32, #tpu.memory_space<vmem>>, vector<16xf32>,
    }
    %scan3A_8 = arith.constant 128 : i32
    %mul3A = arith.constant 376 : i32
    %mul3A_9 = arith.muli %arg1, %mul3A : i32
    "tpu.region"() ({
      %run_scoped3A = tpu.sem_alloc : memref<!tpu.dma_semaphore, #tpu.memory_space<semaphore_mem>>
      %dma_start3A_400 = arith.constant 0 : i32
      %dma_start3A_401 = tpu.memref_slice %arg20[%mul3A_9, %dma_start3A_400] : memref<6016x128xf32, #tpu.memory_space<vmem_shared>> -> memref<128x128xf32, #tpu.memory_space<vmem_shared>>
      %dma_start3A_402 = arith.constant 0 : i32
      %dma_start3A_403 = tpu.memref_slice %arg20[%mul3A_9, %dma_start3A_402] : memref<6016x128xf32, #tpu.memory_space<vmem_shared>> -> memref<128x128xf32, #tpu.memory_space<vmem_shared>>
      tpu.enqueue_dma source(%arg17 : memref<128x128xf32, #tpu.memory_space<vmem>>) target(%dma_start3A_403 : memref<128x128xf32, #tpu.memory_space<vmem_shared>>) target_semaphore(%run_scoped3A : memref<!tpu.dma_semaphore, #tpu.memory_space<semaphore_mem>>)
      %dma_wait3A_404 = arith.constant 0 : i32
      %dma_wait3A_405 = tpu.memref_slice %arg20[%mul3A_9, %dma_wait3A_404] : memref<6016x128xf32, #tpu.memory_space<vmem_shared>> -> memref<128x128xf32, #tpu.memory_space<vmem_shared>>
      %dma_wait3A_406 = arith.constant 0 : i32
      %dma_wait3A_407 = tpu.memref_slice %arg20[%mul3A_9, %dma_wait3A_406] : memref<6016x128xf32, #tpu.memory_space<vmem_shared>> -> memref<128x128xf32, #tpu.memory_space<vmem_shared>>
      tpu.wait_dma2 semaphore(%run_scoped3A : memref<!tpu.dma_semaphore, #tpu.memory_space<semaphore_mem>>) src(%arg17 : memref<128x128xf32, #tpu.memory_space<vmem>>) dst(%dma_wait3A_407 : memref<128x128xf32, #tpu.memory_space<vmem_shared>>)
      tpu.yield
    }) : () -> ()
    %add3A = arith.constant 128 : i32
    %add3A_10 = arith.addi %mul3A_9, %add3A : i32
    "tpu.region"() ({
      %run_scoped3A = tpu.sem_alloc : memref<!tpu.dma_semaphore, #tpu.memory_space<semaphore_mem>>
      %dma_start3A_400 = arith.constant 0 : i32
      %dma_start3A_401 = tpu.memref_slice %arg20[%add3A_10, %dma_start3A_400] : memref<6016x128xf32, #tpu.memory_space<vmem_shared>> -> memref<128x128xf32, #tpu.memory_space<vmem_shared>>
      %dma_start3A_402 = arith.constant 0 : i32
      %dma_start3A_403 = tpu.memref_slice %arg20[%add3A_10, %dma_start3A_402] : memref<6016x128xf32, #tpu.memory_space<vmem_shared>> -> memref<128x128xf32, #tpu.memory_space<vmem_shared>>
      tpu.enqueue_dma source(%arg17 : memref<128x128xf32, #tpu.memory_space<vmem>>) target(%dma_start3A_403 : memref<128x128xf32, #tpu.memory_space<vmem_shared>>) target_semaphore(%run_scoped3A : memref<!tpu.dma_semaphore, #tpu.memory_space<semaphore_mem>>)
      %dma_wait3A_404 = arith.constant 0 : i32
      %dma_wait3A_405 = tpu.memref_slice %arg20[%add3A_10, %dma_wait3A_404] : memref<6016x128xf32, #tpu.memory_space<vmem_shared>> -> memref<128x128xf32, #tpu.memory_space<vmem_shared>>
      %dma_wait3A_406 = arith.constant 0 : i32
      %dma_wait3A_407 = tpu.memref_slice %arg20[%add3A_10, %dma_wait3A_406] : memref<6016x128xf32, #tpu.memory_space<vmem_shared>> -> memref<128x128xf32, #tpu.memory_space<vmem_shared>>
      tpu.wait_dma2 semaphore(%run_scoped3A : memref<!tpu.dma_semaphore, #tpu.memory_space<semaphore_mem>>) src(%arg17 : memref<128x128xf32, #tpu.memory_space<vmem>>) dst(%dma_wait3A_407 : memref<128x128xf32, #tpu.memory_space<vmem_shared>>)
      tpu.yield
    }) : () -> ()
    %add3A_11 = arith.constant 256 : i32
    %add3A_12 = arith.addi %mul3A_9, %add3A_11 : i32
    "tpu.region"() ({
      %run_scoped3A = tpu.sem_alloc : memref<!tpu.dma_semaphore, #tpu.memory_space<semaphore_mem>>
      %dma_start3A_400 = arith.constant 0 : i32
      %dma_start3A_401 = arith.constant 0 : i32
      %dma_start3A_402 = tpu.memref_slice %arg17[%dma_start3A_400, %dma_start3A_401] : memref<128x128xf32, #tpu.memory_space<vmem>> -> memref<120x128xf32, #tpu.memory_space<vmem>>
      %dma_start3A_403 = arith.constant 0 : i32
      %dma_start3A_404 = tpu.memref_slice %arg20[%add3A_12, %dma_start3A_403] : memref<6016x128xf32, #tpu.memory_space<vmem_shared>> -> memref<120x128xf32, #tpu.memory_space<vmem_shared>>
      %dma_start3A_405 = arith.constant 0 : i32
      %dma_start3A_406 = tpu.memref_slice %arg20[%add3A_12, %dma_start3A_405] : memref<6016x128xf32, #tpu.memory_space<vmem_shared>> -> memref<120x128xf32, #tpu.memory_space<vmem_shared>>
      %dma_start3A_407 = arith.constant 0 : i32
      %dma_start3A_408 = arith.constant 0 : i32
      %dma_start3A_409 = tpu.memref_slice %arg17[%dma_start3A_407, %dma_start3A_408] : memref<128x128xf32, #tpu.memory_space<vmem>> -> memref<120x128xf32, #tpu.memory_space<vmem>>
      tpu.enqueue_dma source(%dma_start3A_409 : memref<120x128xf32, #tpu.memory_space<vmem>>) target(%dma_start3A_406 : memref<120x128xf32, #tpu.memory_space<vmem_shared>>) target_semaphore(%run_scoped3A : memref<!tpu.dma_semaphore, #tpu.memory_space<semaphore_mem>>)
      %dma_wait3A_410 = arith.constant 0 : i32
      %dma_wait3A_411 = arith.constant 0 : i32
      %dma_wait3A_412 = tpu.memref_slice %arg17[%dma_wait3A_410, %dma_wait3A_411] : memref<128x128xf32, #tpu.memory_space<vmem>> -> memref<120x128xf32, #tpu.memory_space<vmem>>
      %dma_wait3A_413 = arith.constant 0 : i32
      %dma_wait3A_414 = tpu.memref_slice %arg20[%add3A_12, %dma_wait3A_413] : memref<6016x128xf32, #tpu.memory_space<vmem_shared>> -> memref<120x128xf32, #tpu.memory_space<vmem_shared>>
      %dma_wait3A_415 = arith.constant 0 : i32
      %dma_wait3A_416 = tpu.memref_slice %arg20[%add3A_12, %dma_wait3A_415] : memref<6016x128xf32, #tpu.memory_space<vmem_shared>> -> memref<120x128xf32, #tpu.memory_space<vmem_shared>>
      %dma_wait3A_417 = arith.constant 0 : i32
      %dma_wait3A_418 = arith.constant 0 : i32
      %dma_wait3A_419 = tpu.memref_slice %arg17[%dma_wait3A_417, %dma_wait3A_418] : memref<128x128xf32, #tpu.memory_space<vmem>> -> memref<120x128xf32, #tpu.memory_space<vmem>>
      tpu.wait_dma2 semaphore(%run_scoped3A : memref<!tpu.dma_semaphore, #tpu.memory_space<semaphore_mem>>) src(%dma_wait3A_419 : memref<120x128xf32, #tpu.memory_space<vmem>>) dst(%dma_wait3A_416 : memref<120x128xf32, #tpu.memory_space<vmem_shared>>)
      tpu.yield
    }) : () -> ()
    %eq3A = arith.constant 0 : i32
    %eq3A_13 = arith.cmpi eq, %arg1, %eq3A : i32
    %convert_element_type3A = arith.extui %eq3A_13 : i1 to i32
    %cond3A = arith.constant 0 : i32
    %cond3A_14 = arith.cmpi ne, %convert_element_type3A, %cond3A : i32
    scf.if %cond3A_14 {
      "tpu.region"() ({
        %run_scoped3A = tpu.sem_alloc : memref<!tpu.dma_semaphore, #tpu.memory_space<semaphore_mem>>
        %dma_start3A_400 = arith.constant 0 : i32
        %dma_start3A_401 = arith.constant 0 : i32
        %dma_start3A_402 = tpu.memref_slice %arg21[%dma_start3A_400, %dma_start3A_401] : memref<272x128xf32, #tpu.memory_space<vmem_shared>> -> memref<128x128xf32, #tpu.memory_space<vmem_shared>>
        %dma_start3A_403 = arith.constant 0 : i32
        %dma_start3A_404 = arith.constant 0 : i32
        %dma_start3A_405 = tpu.memref_slice %arg21[%dma_start3A_403, %dma_start3A_404] : memref<272x128xf32, #tpu.memory_space<vmem_shared>> -> memref<128x128xf32, #tpu.memory_space<vmem_shared>>
        tpu.enqueue_dma source(%arg17 : memref<128x128xf32, #tpu.memory_space<vmem>>) target(%dma_start3A_405 : memref<128x128xf32, #tpu.memory_space<vmem_shared>>) target_semaphore(%run_scoped3A : memref<!tpu.dma_semaphore, #tpu.memory_space<semaphore_mem>>)
        %dma_wait3A_406 = arith.constant 0 : i32
        %dma_wait3A_407 = arith.constant 0 : i32
        %dma_wait3A_408 = tpu.memref_slice %arg21[%dma_wait3A_406, %dma_wait3A_407] : memref<272x128xf32, #tpu.memory_space<vmem_shared>> -> memref<128x128xf32, #tpu.memory_space<vmem_shared>>
        %dma_wait3A_409 = arith.constant 0 : i32
        %dma_wait3A_410 = arith.constant 0 : i32
        %dma_wait3A_411 = tpu.memref_slice %arg21[%dma_wait3A_409, %dma_wait3A_410] : memref<272x128xf32, #tpu.memory_space<vmem_shared>> -> memref<128x128xf32, #tpu.memory_space<vmem_shared>>
        tpu.wait_dma2 semaphore(%run_scoped3A : memref<!tpu.dma_semaphore, #tpu.memory_space<semaphore_mem>>) src(%arg17 : memref<128x128xf32, #tpu.memory_space<vmem>>) dst(%dma_wait3A_411 : memref<128x128xf32, #tpu.memory_space<vmem_shared>>)
        tpu.yield
      }) : () -> ()
      "tpu.region"() ({
        %run_scoped3A = tpu.sem_alloc : memref<!tpu.dma_semaphore, #tpu.memory_space<semaphore_mem>>
        %dma_start3A_400 = arith.constant 128 : i32
        %dma_start3A_401 = arith.constant 0 : i32
        %dma_start3A_402 = tpu.memref_slice %arg21[%dma_start3A_400, %dma_start3A_401] : memref<272x128xf32, #tpu.memory_space<vmem_shared>> -> memref<128x128xf32, #tpu.memory_space<vmem_shared>>
        %dma_start3A_403 = arith.constant 128 : i32
        %dma_start3A_404 = arith.constant 0 : i32
        %dma_start3A_405 = tpu.memref_slice %arg21[%dma_start3A_403, %dma_start3A_404] : memref<272x128xf32, #tpu.memory_space<vmem_shared>> -> memref<128x128xf32, #tpu.memory_space<vmem_shared>>
        tpu.enqueue_dma source(%arg17 : memref<128x128xf32, #tpu.memory_space<vmem>>) target(%dma_start3A_405 : memref<128x128xf32, #tpu.memory_space<vmem_shared>>) target_semaphore(%run_scoped3A : memref<!tpu.dma_semaphore, #tpu.memory_space<semaphore_mem>>)
        %dma_wait3A_406 = arith.constant 128 : i32
        %dma_wait3A_407 = arith.constant 0 : i32
        %dma_wait3A_408 = tpu.memref_slice %arg21[%dma_wait3A_406, %dma_wait3A_407] : memref<272x128xf32, #tpu.memory_space<vmem_shared>> -> memref<128x128xf32, #tpu.memory_space<vmem_shared>>
        %dma_wait3A_409 = arith.constant 128 : i32
        %dma_wait3A_410 = arith.constant 0 : i32
        %dma_wait3A_411 = tpu.memref_slice %arg21[%dma_wait3A_409, %dma_wait3A_410] : memref<272x128xf32, #tpu.memory_space<vmem_shared>> -> memref<128x128xf32, #tpu.memory_space<vmem_shared>>
        tpu.wait_dma2 semaphore(%run_scoped3A : memref<!tpu.dma_semaphore, #tpu.memory_space<semaphore_mem>>) src(%arg17 : memref<128x128xf32, #tpu.memory_space<vmem>>) dst(%dma_wait3A_411 : memref<128x128xf32, #tpu.memory_space<vmem_shared>>)
        tpu.yield
      }) : () -> ()
      "tpu.region"() ({
        %run_scoped3A = tpu.sem_alloc : memref<!tpu.dma_semaphore, #tpu.memory_space<semaphore_mem>>
        %dma_start3A_400 = arith.constant 0 : i32
        %dma_start3A_401 = arith.constant 0 : i32
        %dma_start3A_402 = tpu.memref_slice %arg17[%dma_start3A_400, %dma_start3A_401] : memref<128x128xf32, #tpu.memory_space<vmem>> -> memref<16x128xf32, #tpu.memory_space<vmem>>
        %dma_start3A_403 = arith.constant 256 : i32
        %dma_start3A_404 = arith.constant 0 : i32
        %dma_start3A_405 = tpu.memref_slice %arg21[%dma_start3A_403, %dma_start3A_404] : memref<272x128xf32, #tpu.memory_space<vmem_shared>> -> memref<16x128xf32, #tpu.memory_space<vmem_shared>>
        %dma_start3A_406 = arith.constant 256 : i32
        %dma_start3A_407 = arith.constant 0 : i32
        %dma_start3A_408 = tpu.memref_slice %arg21[%dma_start3A_406, %dma_start3A_407] : memref<272x128xf32, #tpu.memory_space<vmem_shared>> -> memref<16x128xf32, #tpu.memory_space<vmem_shared>>
        %dma_start3A_409 = arith.constant 0 : i32
        %dma_start3A_410 = arith.constant 0 : i32
        %dma_start3A_411 = tpu.memref_slice %arg17[%dma_start3A_409, %dma_start3A_410] : memref<128x128xf32, #tpu.memory_space<vmem>> -> memref<16x128xf32, #tpu.memory_space<vmem>>
        tpu.enqueue_dma source(%dma_start3A_411 : memref<16x128xf32, #tpu.memory_space<vmem>>) target(%dma_start3A_408 : memref<16x128xf32, #tpu.memory_space<vmem_shared>>) target_semaphore(%run_scoped3A : memref<!tpu.dma_semaphore, #tpu.memory_space<semaphore_mem>>)
        %dma_wait3A_412 = arith.constant 0 : i32
        %dma_wait3A_413 = arith.constant 0 : i32
        %dma_wait3A_414 = tpu.memref_slice %arg17[%dma_wait3A_412, %dma_wait3A_413] : memref<128x128xf32, #tpu.memory_space<vmem>> -> memref<16x128xf32, #tpu.memory_space<vmem>>
        %dma_wait3A_415 = arith.constant 256 : i32
        %dma_wait3A_416 = arith.constant 0 : i32
        %dma_wait3A_417 = tpu.memref_slice %arg21[%dma_wait3A_415, %dma_wait3A_416] : memref<272x128xf32, #tpu.memory_space<vmem_shared>> -> memref<16x128xf32, #tpu.memory_space<vmem_shared>>
        %dma_wait3A_418 = arith.constant 256 : i32
        %dma_wait3A_419 = arith.constant 0 : i32
        %dma_wait3A_420 = tpu.memref_slice %arg21[%dma_wait3A_418, %dma_wait3A_419] : memref<272x128xf32, #tpu.memory_space<vmem_shared>> -> memref<16x128xf32, #tpu.memory_space<vmem_shared>>
        %dma_wait3A_421 = arith.constant 0 : i32
        %dma_wait3A_422 = arith.constant 0 : i32
        %dma_wait3A_423 = tpu.memref_slice %arg17[%dma_wait3A_421, %dma_wait3A_422] : memref<128x128xf32, #tpu.memory_space<vmem>> -> memref<16x128xf32, #tpu.memory_space<vmem>>
        tpu.wait_dma2 semaphore(%run_scoped3A : memref<!tpu.dma_semaphore, #tpu.memory_space<semaphore_mem>>) src(%dma_wait3A_423 : memref<16x128xf32, #tpu.memory_space<vmem>>) dst(%dma_wait3A_420 : memref<16x128xf32, #tpu.memory_space<vmem_shared>>)
        tpu.yield
      }) : () -> ()
    } else {
    }
    %barrier3A = arith.constant 0 : index
    tpu.barrier barrier_id(%barrier3A)
    %mul3A_15 = arith.constant 20480 : i32
    %mul3A_16 = arith.muli %arg1, %mul3A_15 : i32
    %add3A_17 = arith.constant 0 : i32
    %add3A_18 = arith.addi %mul3A_16, %add3A_17 : i32
    %dma_start3A = tpu.memref_slice %arg4[%add3A_18] : memref<327680xi32, #tpu.memory_space<hbm>> -> memref<2048xi32, #tpu.memory_space<hbm>>
    %dma_start3A_19 = tpu.memref_slice %arg4[%add3A_18] : memref<327680xi32, #tpu.memory_space<hbm>> -> memref<2048xi32, #tpu.memory_space<hbm>>
    tpu.enqueue_dma source(%dma_start3A_19 : memref<2048xi32, #tpu.memory_space<hbm>>) target(%arg8 : memref<2048xi32, #tpu.memory_space<vmem>>) target_semaphore(%arg22 : memref<!tpu.dma_semaphore, #tpu.memory_space<semaphore_mem>>)
    %dma_start3A_20 = tpu.memref_slice %arg3[%add3A_18] : memref<327680xi32, #tpu.memory_space<hbm>> -> memref<2048xi32, #tpu.memory_space<hbm>>
    %dma_start3A_21 = tpu.memref_slice %arg3[%add3A_18] : memref<327680xi32, #tpu.memory_space<hbm>> -> memref<2048xi32, #tpu.memory_space<hbm>>
    tpu.enqueue_dma source(%dma_start3A_21 : memref<2048xi32, #tpu.memory_space<hbm>>) target(%arg9 : memref<2048xi32, #tpu.memory_space<vmem>>) target_semaphore(%arg22 : memref<!tpu.dma_semaphore, #tpu.memory_space<semaphore_mem>>)
    %dma_wait3A = tpu.memref_slice %arg4[%add3A_18] : memref<327680xi32, #tpu.memory_space<hbm>> -> memref<2048xi32, #tpu.memory_space<hbm>>
    %dma_wait3A_22 = tpu.memref_slice %arg4[%add3A_18] : memref<327680xi32, #tpu.memory_space<hbm>> -> memref<2048xi32, #tpu.memory_space<hbm>>
    tpu.wait_dma2 semaphore(%arg22 : memref<!tpu.dma_semaphore, #tpu.memory_space<semaphore_mem>>) src(%dma_wait3A_22 : memref<2048xi32, #tpu.memory_space<hbm>>) dst(%arg8 : memref<2048xi32, #tpu.memory_space<vmem>>)
    %dma_wait3A_23 = tpu.memref_slice %arg3[%add3A_18] : memref<327680xi32, #tpu.memory_space<hbm>> -> memref<2048xi32, #tpu.memory_space<hbm>>
    %dma_wait3A_24 = tpu.memref_slice %arg3[%add3A_18] : memref<327680xi32, #tpu.memory_space<hbm>> -> memref<2048xi32, #tpu.memory_space<hbm>>
    tpu.wait_dma2 semaphore(%arg22 : memref<!tpu.dma_semaphore, #tpu.memory_space<semaphore_mem>>) src(%dma_wait3A_24 : memref<2048xi32, #tpu.memory_space<hbm>>) dst(%arg9 : memref<2048xi32, #tpu.memory_space<vmem>>)
    %scan3A_25 = arith.constant 0 : i32
    %scan3A_26 = arith.constant 128 : i32
    %scan3A_27 = arith.addi %scan3A_25, %scan3A_26 : i32
    %scan3A_28 = arith.constant 1 : i32
    scf.for %scan3A_400 = %scan3A_25 to %scan3A_27 step %scan3A_28  : i32 {
      %mul3A_401 = arith.constant 1 : i32
      %mul3A_402 = arith.muli %scan3A_400, %mul3A_401 : i32
      %add3A_403 = arith.constant 0 : i32
      %add3A_404 = arith.addi %add3A_403, %mul3A_402 : i32
      %mul3A_405 = arith.constant 16 : i32
      %mul3A_406 = arith.muli %add3A_404, %mul3A_405 : i32
      %get3A = arith.index_cast %mul3A_406 : i32 to index
      %get3A_407 = tpu.vector_load %arg8[%get3A] {strides = array<i32>} : memref<2048xi32, #tpu.memory_space<vmem>>, vector<16xi32>,
      %mul3A_408 = arith.constant 16 : i32
      %mul3A_409 = arith.muli %add3A_404, %mul3A_408 : i32
      %get3A_410 = arith.index_cast %mul3A_409 : i32 to index
      %get3A_411 = tpu.vector_load %arg9[%get3A_410] {strides = array<i32>} : memref<2048xi32, #tpu.memory_space<vmem>>, vector<16xi32>,
      %sub3A = arith.constant 4000 : i32
      %sub3A_412 = vector.broadcast %sub3A : i32 to vector<16xi32>
      %sub3A_413 = arith.subi %get3A_411, %sub3A_412 : vector<16xi32>
      %mul3A_414 = arith.constant 5 : i32
      %mul3A_415 = vector.broadcast %mul3A_414 : i32 to vector<16xi32>
      %mul3A_416 = arith.muli %sub3A_413, %mul3A_415 : vector<16xi32>
      %add3A_417 = arith.addi %mul3A_416, %get3A_407 : vector<16xi32>
      %shift_right_logical3A = arith.constant 7 : i32
      %shift_right_logical3A_418 = vector.broadcast %shift_right_logical3A : i32 to vector<16xi32>
      %shift_right_logical3A_419 = arith.shrui %add3A_417, %shift_right_logical3A_418 : vector<16xi32>
      %and3A_420 = arith.constant 127 : i32
      %and3A_421 = vector.broadcast %and3A_420 : i32 to vector<16xi32>
      %and3A_422 = arith.andi %add3A_417, %and3A_421 : vector<16xi32>
      %broadcast_in_dim3A = arith.constant 1.000000e+00 : f32
      %broadcast_in_dim3A_423 = vector.broadcast %broadcast_in_dim3A : f32 to vector<16xf32>
      tpu.vector_store_idx %arg16[%shift_right_logical3A_419, %and3A_422], %broadcast_in_dim3A_423 {add = true} : memref<272x128xf32, #tpu.memory_space<vmem>>[vector<16xi32>, vector<16xi32>], vector<16xf32>,
    }
    %scan3A_29 = arith.constant 128 : i32
    %mul3A_30 = arith.constant 20480 : i32
    %mul3A_31 = arith.muli %arg1, %mul3A_30 : i32
    %add3A_32 = arith.constant 2048 : i32
    %add3A_33 = arith.addi %mul3A_31, %add3A_32 : i32
    %dma_start3A_34 = tpu.memref_slice %arg4[%add3A_33] : memref<327680xi32, #tpu.memory_space<hbm>> -> memref<2048xi32, #tpu.memory_space<hbm>>
    %dma_start3A_35 = tpu.memref_slice %arg4[%add3A_33] : memref<327680xi32, #tpu.memory_space<hbm>> -> memref<2048xi32, #tpu.memory_space<hbm>>
    tpu.enqueue_dma source(%dma_start3A_35 : memref<2048xi32, #tpu.memory_space<hbm>>) target(%arg8 : memref<2048xi32, #tpu.memory_space<vmem>>) target_semaphore(%arg22 : memref<!tpu.dma_semaphore, #tpu.memory_space<semaphore_mem>>)
    %dma_start3A_36 = tpu.memref_slice %arg3[%add3A_33] : memref<327680xi32, #tpu.memory_space<hbm>> -> memref<2048xi32, #tpu.memory_space<hbm>>
    %dma_start3A_37 = tpu.memref_slice %arg3[%add3A_33] : memref<327680xi32, #tpu.memory_space<hbm>> -> memref<2048xi32, #tpu.memory_space<hbm>>
    tpu.enqueue_dma source(%dma_start3A_37 : memref<2048xi32, #tpu.memory_space<hbm>>) target(%arg9 : memref<2048xi32, #tpu.memory_space<vmem>>) target_semaphore(%arg22 : memref<!tpu.dma_semaphore, #tpu.memory_space<semaphore_mem>>)
    %dma_wait3A_38 = tpu.memref_slice %arg4[%add3A_33] : memref<327680xi32, #tpu.memory_space<hbm>> -> memref<2048xi32, #tpu.memory_space<hbm>>
    %dma_wait3A_39 = tpu.memref_slice %arg4[%add3A_33] : memref<327680xi32, #tpu.memory_space<hbm>> -> memref<2048xi32, #tpu.memory_space<hbm>>
    tpu.wait_dma2 semaphore(%arg22 : memref<!tpu.dma_semaphore, #tpu.memory_space<semaphore_mem>>) src(%dma_wait3A_39 : memref<2048xi32, #tpu.memory_space<hbm>>) dst(%arg8 : memref<2048xi32, #tpu.memory_space<vmem>>)
    %dma_wait3A_40 = tpu.memref_slice %arg3[%add3A_33] : memref<327680xi32, #tpu.memory_space<hbm>> -> memref<2048xi32, #tpu.memory_space<hbm>>
    %dma_wait3A_41 = tpu.memref_slice %arg3[%add3A_33] : memref<327680xi32, #tpu.memory_space<hbm>> -> memref<2048xi32, #tpu.memory_space<hbm>>
    tpu.wait_dma2 semaphore(%arg22 : memref<!tpu.dma_semaphore, #tpu.memory_space<semaphore_mem>>) src(%dma_wait3A_41 : memref<2048xi32, #tpu.memory_space<hbm>>) dst(%arg9 : memref<2048xi32, #tpu.memory_space<vmem>>)
    %scan3A_42 = arith.constant 0 : i32
    %scan3A_43 = arith.constant 128 : i32
    %scan3A_44 = arith.addi %scan3A_42, %scan3A_43 : i32
    %scan3A_45 = arith.constant 1 : i32
    scf.for %scan3A_400 = %scan3A_42 to %scan3A_44 step %scan3A_45  : i32 {
      %mul3A_401 = arith.constant 1 : i32
      %mul3A_402 = arith.muli %scan3A_400, %mul3A_401 : i32
      %add3A_403 = arith.constant 0 : i32
      %add3A_404 = arith.addi %add3A_403, %mul3A_402 : i32
      %mul3A_405 = arith.constant 16 : i32
      %mul3A_406 = arith.muli %add3A_404, %mul3A_405 : i32
      %get3A = arith.index_cast %mul3A_406 : i32 to index
      %get3A_407 = tpu.vector_load %arg8[%get3A] {strides = array<i32>} : memref<2048xi32, #tpu.memory_space<vmem>>, vector<16xi32>,
      %mul3A_408 = arith.constant 16 : i32
      %mul3A_409 = arith.muli %add3A_404, %mul3A_408 : i32
      %get3A_410 = arith.index_cast %mul3A_409 : i32 to index
      %get3A_411 = tpu.vector_load %arg9[%get3A_410] {strides = array<i32>} : memref<2048xi32, #tpu.memory_space<vmem>>, vector<16xi32>,
      %sub3A = arith.constant 4000 : i32
      %sub3A_412 = vector.broadcast %sub3A : i32 to vector<16xi32>
      %sub3A_413 = arith.subi %get3A_411, %sub3A_412 : vector<16xi32>
      %mul3A_414 = arith.constant 5 : i32
      %mul3A_415 = vector.broadcast %mul3A_414 : i32 to vector<16xi32>
      %mul3A_416 = arith.muli %sub3A_413, %mul3A_415 : vector<16xi32>
      %add3A_417 = arith.addi %mul3A_416, %get3A_407 : vector<16xi32>
      %shift_right_logical3A = arith.constant 7 : i32
      %shift_right_logical3A_418 = vector.broadcast %shift_right_logical3A : i32 to vector<16xi32>
      %shift_right_logical3A_419 = arith.shrui %add3A_417, %shift_right_logical3A_418 : vector<16xi32>
      %and3A_420 = arith.constant 127 : i32
      %and3A_421 = vector.broadcast %and3A_420 : i32 to vector<16xi32>
      %and3A_422 = arith.andi %add3A_417, %and3A_421 : vector<16xi32>
      %broadcast_in_dim3A = arith.constant 1.000000e+00 : f32
      %broadcast_in_dim3A_423 = vector.broadcast %broadcast_in_dim3A : f32 to vector<16xf32>
      tpu.vector_store_idx %arg16[%shift_right_logical3A_419, %and3A_422], %broadcast_in_dim3A_423 {add = true} : memref<272x128xf32, #tpu.memory_space<vmem>>[vector<16xi32>, vector<16xi32>], vector<16xf32>,
    }
    %scan3A_46 = arith.constant 128 : i32
    %mul3A_47 = arith.constant 20480 : i32
    %mul3A_48 = arith.muli %arg1, %mul3A_47 : i32
    %add3A_49 = arith.constant 4096 : i32
    %add3A_50 = arith.addi %mul3A_48, %add3A_49 : i32
    %dma_start3A_51 = tpu.memref_slice %arg4[%add3A_50] : memref<327680xi32, #tpu.memory_space<hbm>> -> memref<2048xi32, #tpu.memory_space<hbm>>
    %dma_start3A_52 = tpu.memref_slice %arg4[%add3A_50] : memref<327680xi32, #tpu.memory_space<hbm>> -> memref<2048xi32, #tpu.memory_space<hbm>>
    tpu.enqueue_dma source(%dma_start3A_52 : memref<2048xi32, #tpu.memory_space<hbm>>) target(%arg8 : memref<2048xi32, #tpu.memory_space<vmem>>) target_semaphore(%arg22 : memref<!tpu.dma_semaphore, #tpu.memory_space<semaphore_mem>>)
    %dma_start3A_53 = tpu.memref_slice %arg3[%add3A_50] : memref<327680xi32, #tpu.memory_space<hbm>> -> memref<2048xi32, #tpu.memory_space<hbm>>
    %dma_start3A_54 = tpu.memref_slice %arg3[%add3A_50] : memref<327680xi32, #tpu.memory_space<hbm>> -> memref<2048xi32, #tpu.memory_space<hbm>>
    tpu.enqueue_dma source(%dma_start3A_54 : memref<2048xi32, #tpu.memory_space<hbm>>) target(%arg9 : memref<2048xi32, #tpu.memory_space<vmem>>) target_semaphore(%arg22 : memref<!tpu.dma_semaphore, #tpu.memory_space<semaphore_mem>>)
    %dma_wait3A_55 = tpu.memref_slice %arg4[%add3A_50] : memref<327680xi32, #tpu.memory_space<hbm>> -> memref<2048xi32, #tpu.memory_space<hbm>>
    %dma_wait3A_56 = tpu.memref_slice %arg4[%add3A_50] : memref<327680xi32, #tpu.memory_space<hbm>> -> memref<2048xi32, #tpu.memory_space<hbm>>
    tpu.wait_dma2 semaphore(%arg22 : memref<!tpu.dma_semaphore, #tpu.memory_space<semaphore_mem>>) src(%dma_wait3A_56 : memref<2048xi32, #tpu.memory_space<hbm>>) dst(%arg8 : memref<2048xi32, #tpu.memory_space<vmem>>)
    %dma_wait3A_57 = tpu.memref_slice %arg3[%add3A_50] : memref<327680xi32, #tpu.memory_space<hbm>> -> memref<2048xi32, #tpu.memory_space<hbm>>
    %dma_wait3A_58 = tpu.memref_slice %arg3[%add3A_50] : memref<327680xi32, #tpu.memory_space<hbm>> -> memref<2048xi32, #tpu.memory_space<hbm>>
    tpu.wait_dma2 semaphore(%arg22 : memref<!tpu.dma_semaphore, #tpu.memory_space<semaphore_mem>>) src(%dma_wait3A_58 : memref<2048xi32, #tpu.memory_space<hbm>>) dst(%arg9 : memref<2048xi32, #tpu.memory_space<vmem>>)
    %scan3A_59 = arith.constant 0 : i32
    %scan3A_60 = arith.constant 128 : i32
    %scan3A_61 = arith.addi %scan3A_59, %scan3A_60 : i32
    %scan3A_62 = arith.constant 1 : i32
    scf.for %scan3A_400 = %scan3A_59 to %scan3A_61 step %scan3A_62  : i32 {
      %mul3A_401 = arith.constant 1 : i32
      %mul3A_402 = arith.muli %scan3A_400, %mul3A_401 : i32
      %add3A_403 = arith.constant 0 : i32
      %add3A_404 = arith.addi %add3A_403, %mul3A_402 : i32
      %mul3A_405 = arith.constant 16 : i32
      %mul3A_406 = arith.muli %add3A_404, %mul3A_405 : i32
      %get3A = arith.index_cast %mul3A_406 : i32 to index
      %get3A_407 = tpu.vector_load %arg8[%get3A] {strides = array<i32>} : memref<2048xi32, #tpu.memory_space<vmem>>, vector<16xi32>,
      %mul3A_408 = arith.constant 16 : i32
      %mul3A_409 = arith.muli %add3A_404, %mul3A_408 : i32
      %get3A_410 = arith.index_cast %mul3A_409 : i32 to index
      %get3A_411 = tpu.vector_load %arg9[%get3A_410] {strides = array<i32>} : memref<2048xi32, #tpu.memory_space<vmem>>, vector<16xi32>,
      %sub3A = arith.constant 4000 : i32
      %sub3A_412 = vector.broadcast %sub3A : i32 to vector<16xi32>
      %sub3A_413 = arith.subi %get3A_411, %sub3A_412 : vector<16xi32>
      %mul3A_414 = arith.constant 5 : i32
      %mul3A_415 = vector.broadcast %mul3A_414 : i32 to vector<16xi32>
      %mul3A_416 = arith.muli %sub3A_413, %mul3A_415 : vector<16xi32>
      %add3A_417 = arith.addi %mul3A_416, %get3A_407 : vector<16xi32>
      %shift_right_logical3A = arith.constant 7 : i32
      %shift_right_logical3A_418 = vector.broadcast %shift_right_logical3A : i32 to vector<16xi32>
      %shift_right_logical3A_419 = arith.shrui %add3A_417, %shift_right_logical3A_418 : vector<16xi32>
      %and3A_420 = arith.constant 127 : i32
      %and3A_421 = vector.broadcast %and3A_420 : i32 to vector<16xi32>
      %and3A_422 = arith.andi %add3A_417, %and3A_421 : vector<16xi32>
      %broadcast_in_dim3A = arith.constant 1.000000e+00 : f32
      %broadcast_in_dim3A_423 = vector.broadcast %broadcast_in_dim3A : f32 to vector<16xf32>
      tpu.vector_store_idx %arg16[%shift_right_logical3A_419, %and3A_422], %broadcast_in_dim3A_423 {add = true} : memref<272x128xf32, #tpu.memory_space<vmem>>[vector<16xi32>, vector<16xi32>], vector<16xf32>,
    }
    %scan3A_63 = arith.constant 128 : i32
    %mul3A_64 = arith.constant 20480 : i32
    %mul3A_65 = arith.muli %arg1, %mul3A_64 : i32
    %add3A_66 = arith.constant 6144 : i32
    %add3A_67 = arith.addi %mul3A_65, %add3A_66 : i32
    %dma_start3A_68 = tpu.memref_slice %arg4[%add3A_67] : memref<327680xi32, #tpu.memory_space<hbm>> -> memref<2048xi32, #tpu.memory_space<hbm>>
    %dma_start3A_69 = tpu.memref_slice %arg4[%add3A_67] : memref<327680xi32, #tpu.memory_space<hbm>> -> memref<2048xi32, #tpu.memory_space<hbm>>
    tpu.enqueue_dma source(%dma_start3A_69 : memref<2048xi32, #tpu.memory_space<hbm>>) target(%arg8 : memref<2048xi32, #tpu.memory_space<vmem>>) target_semaphore(%arg22 : memref<!tpu.dma_semaphore, #tpu.memory_space<semaphore_mem>>)
    %dma_start3A_70 = tpu.memref_slice %arg3[%add3A_67] : memref<327680xi32, #tpu.memory_space<hbm>> -> memref<2048xi32, #tpu.memory_space<hbm>>
    %dma_start3A_71 = tpu.memref_slice %arg3[%add3A_67] : memref<327680xi32, #tpu.memory_space<hbm>> -> memref<2048xi32, #tpu.memory_space<hbm>>
    tpu.enqueue_dma source(%dma_start3A_71 : memref<2048xi32, #tpu.memory_space<hbm>>) target(%arg9 : memref<2048xi32, #tpu.memory_space<vmem>>) target_semaphore(%arg22 : memref<!tpu.dma_semaphore, #tpu.memory_space<semaphore_mem>>)
    %dma_wait3A_72 = tpu.memref_slice %arg4[%add3A_67] : memref<327680xi32, #tpu.memory_space<hbm>> -> memref<2048xi32, #tpu.memory_space<hbm>>
    %dma_wait3A_73 = tpu.memref_slice %arg4[%add3A_67] : memref<327680xi32, #tpu.memory_space<hbm>> -> memref<2048xi32, #tpu.memory_space<hbm>>
    tpu.wait_dma2 semaphore(%arg22 : memref<!tpu.dma_semaphore, #tpu.memory_space<semaphore_mem>>) src(%dma_wait3A_73 : memref<2048xi32, #tpu.memory_space<hbm>>) dst(%arg8 : memref<2048xi32, #tpu.memory_space<vmem>>)
    %dma_wait3A_74 = tpu.memref_slice %arg3[%add3A_67] : memref<327680xi32, #tpu.memory_space<hbm>> -> memref<2048xi32, #tpu.memory_space<hbm>>
    %dma_wait3A_75 = tpu.memref_slice %arg3[%add3A_67] : memref<327680xi32, #tpu.memory_space<hbm>> -> memref<2048xi32, #tpu.memory_space<hbm>>
    tpu.wait_dma2 semaphore(%arg22 : memref<!tpu.dma_semaphore, #tpu.memory_space<semaphore_mem>>) src(%dma_wait3A_75 : memref<2048xi32, #tpu.memory_space<hbm>>) dst(%arg9 : memref<2048xi32, #tpu.memory_space<vmem>>)
    %scan3A_76 = arith.constant 0 : i32
    %scan3A_77 = arith.constant 128 : i32
    %scan3A_78 = arith.addi %scan3A_76, %scan3A_77 : i32
    %scan3A_79 = arith.constant 1 : i32
    scf.for %scan3A_400 = %scan3A_76 to %scan3A_78 step %scan3A_79  : i32 {
      %mul3A_401 = arith.constant 1 : i32
      %mul3A_402 = arith.muli %scan3A_400, %mul3A_401 : i32
      %add3A_403 = arith.constant 0 : i32
      %add3A_404 = arith.addi %add3A_403, %mul3A_402 : i32
      %mul3A_405 = arith.constant 16 : i32
      %mul3A_406 = arith.muli %add3A_404, %mul3A_405 : i32
      %get3A = arith.index_cast %mul3A_406 : i32 to index
      %get3A_407 = tpu.vector_load %arg8[%get3A] {strides = array<i32>} : memref<2048xi32, #tpu.memory_space<vmem>>, vector<16xi32>,
      %mul3A_408 = arith.constant 16 : i32
      %mul3A_409 = arith.muli %add3A_404, %mul3A_408 : i32
      %get3A_410 = arith.index_cast %mul3A_409 : i32 to index
      %get3A_411 = tpu.vector_load %arg9[%get3A_410] {strides = array<i32>} : memref<2048xi32, #tpu.memory_space<vmem>>, vector<16xi32>,
      %sub3A = arith.constant 4000 : i32
      %sub3A_412 = vector.broadcast %sub3A : i32 to vector<16xi32>
      %sub3A_413 = arith.subi %get3A_411, %sub3A_412 : vector<16xi32>
      %mul3A_414 = arith.constant 5 : i32
      %mul3A_415 = vector.broadcast %mul3A_414 : i32 to vector<16xi32>
      %mul3A_416 = arith.muli %sub3A_413, %mul3A_415 : vector<16xi32>
      %add3A_417 = arith.addi %mul3A_416, %get3A_407 : vector<16xi32>
      %shift_right_logical3A = arith.constant 7 : i32
      %shift_right_logical3A_418 = vector.broadcast %shift_right_logical3A : i32 to vector<16xi32>
      %shift_right_logical3A_419 = arith.shrui %add3A_417, %shift_right_logical3A_418 : vector<16xi32>
      %and3A_420 = arith.constant 127 : i32
      %and3A_421 = vector.broadcast %and3A_420 : i32 to vector<16xi32>
      %and3A_422 = arith.andi %add3A_417, %and3A_421 : vector<16xi32>
      %broadcast_in_dim3A = arith.constant 1.000000e+00 : f32
      %broadcast_in_dim3A_423 = vector.broadcast %broadcast_in_dim3A : f32 to vector<16xf32>
      tpu.vector_store_idx %arg16[%shift_right_logical3A_419, %and3A_422], %broadcast_in_dim3A_423 {add = true} : memref<272x128xf32, #tpu.memory_space<vmem>>[vector<16xi32>, vector<16xi32>], vector<16xf32>,
    }
    %scan3A_80 = arith.constant 128 : i32
    %mul3A_81 = arith.constant 20480 : i32
    %mul3A_82 = arith.muli %arg1, %mul3A_81 : i32
    %add3A_83 = arith.constant 8192 : i32
    %add3A_84 = arith.addi %mul3A_82, %add3A_83 : i32
    %dma_start3A_85 = tpu.memref_slice %arg4[%add3A_84] : memref<327680xi32, #tpu.memory_space<hbm>> -> memref<2048xi32, #tpu.memory_space<hbm>>
    %dma_start3A_86 = tpu.memref_slice %arg4[%add3A_84] : memref<327680xi32, #tpu.memory_space<hbm>> -> memref<2048xi32, #tpu.memory_space<hbm>>
    tpu.enqueue_dma source(%dma_start3A_86 : memref<2048xi32, #tpu.memory_space<hbm>>) target(%arg8 : memref<2048xi32, #tpu.memory_space<vmem>>) target_semaphore(%arg22 : memref<!tpu.dma_semaphore, #tpu.memory_space<semaphore_mem>>)
    %dma_start3A_87 = tpu.memref_slice %arg3[%add3A_84] : memref<327680xi32, #tpu.memory_space<hbm>> -> memref<2048xi32, #tpu.memory_space<hbm>>
    %dma_start3A_88 = tpu.memref_slice %arg3[%add3A_84] : memref<327680xi32, #tpu.memory_space<hbm>> -> memref<2048xi32, #tpu.memory_space<hbm>>
    tpu.enqueue_dma source(%dma_start3A_88 : memref<2048xi32, #tpu.memory_space<hbm>>) target(%arg9 : memref<2048xi32, #tpu.memory_space<vmem>>) target_semaphore(%arg22 : memref<!tpu.dma_semaphore, #tpu.memory_space<semaphore_mem>>)
    %dma_wait3A_89 = tpu.memref_slice %arg4[%add3A_84] : memref<327680xi32, #tpu.memory_space<hbm>> -> memref<2048xi32, #tpu.memory_space<hbm>>
    %dma_wait3A_90 = tpu.memref_slice %arg4[%add3A_84] : memref<327680xi32, #tpu.memory_space<hbm>> -> memref<2048xi32, #tpu.memory_space<hbm>>
    tpu.wait_dma2 semaphore(%arg22 : memref<!tpu.dma_semaphore, #tpu.memory_space<semaphore_mem>>) src(%dma_wait3A_90 : memref<2048xi32, #tpu.memory_space<hbm>>) dst(%arg8 : memref<2048xi32, #tpu.memory_space<vmem>>)
    %dma_wait3A_91 = tpu.memref_slice %arg3[%add3A_84] : memref<327680xi32, #tpu.memory_space<hbm>> -> memref<2048xi32, #tpu.memory_space<hbm>>
    %dma_wait3A_92 = tpu.memref_slice %arg3[%add3A_84] : memref<327680xi32, #tpu.memory_space<hbm>> -> memref<2048xi32, #tpu.memory_space<hbm>>
    tpu.wait_dma2 semaphore(%arg22 : memref<!tpu.dma_semaphore, #tpu.memory_space<semaphore_mem>>) src(%dma_wait3A_92 : memref<2048xi32, #tpu.memory_space<hbm>>) dst(%arg9 : memref<2048xi32, #tpu.memory_space<vmem>>)
    %scan3A_93 = arith.constant 0 : i32
    %scan3A_94 = arith.constant 128 : i32
    %scan3A_95 = arith.addi %scan3A_93, %scan3A_94 : i32
    %scan3A_96 = arith.constant 1 : i32
    scf.for %scan3A_400 = %scan3A_93 to %scan3A_95 step %scan3A_96  : i32 {
      %mul3A_401 = arith.constant 1 : i32
      %mul3A_402 = arith.muli %scan3A_400, %mul3A_401 : i32
      %add3A_403 = arith.constant 0 : i32
      %add3A_404 = arith.addi %add3A_403, %mul3A_402 : i32
      %mul3A_405 = arith.constant 16 : i32
      %mul3A_406 = arith.muli %add3A_404, %mul3A_405 : i32
      %get3A = arith.index_cast %mul3A_406 : i32 to index
      %get3A_407 = tpu.vector_load %arg8[%get3A] {strides = array<i32>} : memref<2048xi32, #tpu.memory_space<vmem>>, vector<16xi32>,
      %mul3A_408 = arith.constant 16 : i32
      %mul3A_409 = arith.muli %add3A_404, %mul3A_408 : i32
      %get3A_410 = arith.index_cast %mul3A_409 : i32 to index
      %get3A_411 = tpu.vector_load %arg9[%get3A_410] {strides = array<i32>} : memref<2048xi32, #tpu.memory_space<vmem>>, vector<16xi32>,
      %sub3A = arith.constant 4000 : i32
      %sub3A_412 = vector.broadcast %sub3A : i32 to vector<16xi32>
      %sub3A_413 = arith.subi %get3A_411, %sub3A_412 : vector<16xi32>
      %mul3A_414 = arith.constant 5 : i32
      %mul3A_415 = vector.broadcast %mul3A_414 : i32 to vector<16xi32>
      %mul3A_416 = arith.muli %sub3A_413, %mul3A_415 : vector<16xi32>
      %add3A_417 = arith.addi %mul3A_416, %get3A_407 : vector<16xi32>
      %shift_right_logical3A = arith.constant 7 : i32
      %shift_right_logical3A_418 = vector.broadcast %shift_right_logical3A : i32 to vector<16xi32>
      %shift_right_logical3A_419 = arith.shrui %add3A_417, %shift_right_logical3A_418 : vector<16xi32>
      %and3A_420 = arith.constant 127 : i32
      %and3A_421 = vector.broadcast %and3A_420 : i32 to vector<16xi32>
      %and3A_422 = arith.andi %add3A_417, %and3A_421 : vector<16xi32>
      %broadcast_in_dim3A = arith.constant 1.000000e+00 : f32
      %broadcast_in_dim3A_423 = vector.broadcast %broadcast_in_dim3A : f32 to vector<16xf32>
      tpu.vector_store_idx %arg16[%shift_right_logical3A_419, %and3A_422], %broadcast_in_dim3A_423 {add = true} : memref<272x128xf32, #tpu.memory_space<vmem>>[vector<16xi32>, vector<16xi32>], vector<16xf32>,
    }
    %scan3A_97 = arith.constant 128 : i32
    %mul3A_98 = arith.constant 20480 : i32
    %mul3A_99 = arith.muli %arg1, %mul3A_98 : i32
    %add3A_100 = arith.constant 10240 : i32
    %add3A_101 = arith.addi %mul3A_99, %add3A_100 : i32
    %dma_start3A_102 = tpu.memref_slice %arg4[%add3A_101] : memref<327680xi32, #tpu.memory_space<hbm>> -> memref<2048xi32, #tpu.memory_space<hbm>>
    %dma_start3A_103 = tpu.memref_slice %arg4[%add3A_101] : memref<327680xi32, #tpu.memory_space<hbm>> -> memref<2048xi32, #tpu.memory_space<hbm>>
    tpu.enqueue_dma source(%dma_start3A_103 : memref<2048xi32, #tpu.memory_space<hbm>>) target(%arg8 : memref<2048xi32, #tpu.memory_space<vmem>>) target_semaphore(%arg22 : memref<!tpu.dma_semaphore, #tpu.memory_space<semaphore_mem>>)
    %dma_start3A_104 = tpu.memref_slice %arg3[%add3A_101] : memref<327680xi32, #tpu.memory_space<hbm>> -> memref<2048xi32, #tpu.memory_space<hbm>>
    %dma_start3A_105 = tpu.memref_slice %arg3[%add3A_101] : memref<327680xi32, #tpu.memory_space<hbm>> -> memref<2048xi32, #tpu.memory_space<hbm>>
    tpu.enqueue_dma source(%dma_start3A_105 : memref<2048xi32, #tpu.memory_space<hbm>>) target(%arg9 : memref<2048xi32, #tpu.memory_space<vmem>>) target_semaphore(%arg22 : memref<!tpu.dma_semaphore, #tpu.memory_space<semaphore_mem>>)
    %dma_wait3A_106 = tpu.memref_slice %arg4[%add3A_101] : memref<327680xi32, #tpu.memory_space<hbm>> -> memref<2048xi32, #tpu.memory_space<hbm>>
    %dma_wait3A_107 = tpu.memref_slice %arg4[%add3A_101] : memref<327680xi32, #tpu.memory_space<hbm>> -> memref<2048xi32, #tpu.memory_space<hbm>>
    tpu.wait_dma2 semaphore(%arg22 : memref<!tpu.dma_semaphore, #tpu.memory_space<semaphore_mem>>) src(%dma_wait3A_107 : memref<2048xi32, #tpu.memory_space<hbm>>) dst(%arg8 : memref<2048xi32, #tpu.memory_space<vmem>>)
    %dma_wait3A_108 = tpu.memref_slice %arg3[%add3A_101] : memref<327680xi32, #tpu.memory_space<hbm>> -> memref<2048xi32, #tpu.memory_space<hbm>>
    %dma_wait3A_109 = tpu.memref_slice %arg3[%add3A_101] : memref<327680xi32, #tpu.memory_space<hbm>> -> memref<2048xi32, #tpu.memory_space<hbm>>
    tpu.wait_dma2 semaphore(%arg22 : memref<!tpu.dma_semaphore, #tpu.memory_space<semaphore_mem>>) src(%dma_wait3A_109 : memref<2048xi32, #tpu.memory_space<hbm>>) dst(%arg9 : memref<2048xi32, #tpu.memory_space<vmem>>)
    %scan3A_110 = arith.constant 0 : i32
    %scan3A_111 = arith.constant 128 : i32
    %scan3A_112 = arith.addi %scan3A_110, %scan3A_111 : i32
    %scan3A_113 = arith.constant 1 : i32
    scf.for %scan3A_400 = %scan3A_110 to %scan3A_112 step %scan3A_113  : i32 {
      %mul3A_401 = arith.constant 1 : i32
      %mul3A_402 = arith.muli %scan3A_400, %mul3A_401 : i32
      %add3A_403 = arith.constant 0 : i32
      %add3A_404 = arith.addi %add3A_403, %mul3A_402 : i32
      %mul3A_405 = arith.constant 16 : i32
      %mul3A_406 = arith.muli %add3A_404, %mul3A_405 : i32
      %get3A = arith.index_cast %mul3A_406 : i32 to index
      %get3A_407 = tpu.vector_load %arg8[%get3A] {strides = array<i32>} : memref<2048xi32, #tpu.memory_space<vmem>>, vector<16xi32>,
      %mul3A_408 = arith.constant 16 : i32
      %mul3A_409 = arith.muli %add3A_404, %mul3A_408 : i32
      %get3A_410 = arith.index_cast %mul3A_409 : i32 to index
      %get3A_411 = tpu.vector_load %arg9[%get3A_410] {strides = array<i32>} : memref<2048xi32, #tpu.memory_space<vmem>>, vector<16xi32>,
      %sub3A = arith.constant 4000 : i32
      %sub3A_412 = vector.broadcast %sub3A : i32 to vector<16xi32>
      %sub3A_413 = arith.subi %get3A_411, %sub3A_412 : vector<16xi32>
      %mul3A_414 = arith.constant 5 : i32
      %mul3A_415 = vector.broadcast %mul3A_414 : i32 to vector<16xi32>
      %mul3A_416 = arith.muli %sub3A_413, %mul3A_415 : vector<16xi32>
      %add3A_417 = arith.addi %mul3A_416, %get3A_407 : vector<16xi32>
      %shift_right_logical3A = arith.constant 7 : i32
      %shift_right_logical3A_418 = vector.broadcast %shift_right_logical3A : i32 to vector<16xi32>
      %shift_right_logical3A_419 = arith.shrui %add3A_417, %shift_right_logical3A_418 : vector<16xi32>
      %and3A_420 = arith.constant 127 : i32
      %and3A_421 = vector.broadcast %and3A_420 : i32 to vector<16xi32>
      %and3A_422 = arith.andi %add3A_417, %and3A_421 : vector<16xi32>
      %broadcast_in_dim3A = arith.constant 1.000000e+00 : f32
      %broadcast_in_dim3A_423 = vector.broadcast %broadcast_in_dim3A : f32 to vector<16xf32>
      tpu.vector_store_idx %arg16[%shift_right_logical3A_419, %and3A_422], %broadcast_in_dim3A_423 {add = true} : memref<272x128xf32, #tpu.memory_space<vmem>>[vector<16xi32>, vector<16xi32>], vector<16xf32>,
    }
    %scan3A_114 = arith.constant 128 : i32
    %mul3A_115 = arith.constant 20480 : i32
    %mul3A_116 = arith.muli %arg1, %mul3A_115 : i32
    %add3A_117 = arith.constant 12288 : i32
    %add3A_118 = arith.addi %mul3A_116, %add3A_117 : i32
    %dma_start3A_119 = tpu.memref_slice %arg4[%add3A_118] : memref<327680xi32, #tpu.memory_space<hbm>> -> memref<2048xi32, #tpu.memory_space<hbm>>
    %dma_start3A_120 = tpu.memref_slice %arg4[%add3A_118] : memref<327680xi32, #tpu.memory_space<hbm>> -> memref<2048xi32, #tpu.memory_space<hbm>>
    tpu.enqueue_dma source(%dma_start3A_120 : memref<2048xi32, #tpu.memory_space<hbm>>) target(%arg8 : memref<2048xi32, #tpu.memory_space<vmem>>) target_semaphore(%arg22 : memref<!tpu.dma_semaphore, #tpu.memory_space<semaphore_mem>>)
    %dma_start3A_121 = tpu.memref_slice %arg3[%add3A_118] : memref<327680xi32, #tpu.memory_space<hbm>> -> memref<2048xi32, #tpu.memory_space<hbm>>
    %dma_start3A_122 = tpu.memref_slice %arg3[%add3A_118] : memref<327680xi32, #tpu.memory_space<hbm>> -> memref<2048xi32, #tpu.memory_space<hbm>>
    tpu.enqueue_dma source(%dma_start3A_122 : memref<2048xi32, #tpu.memory_space<hbm>>) target(%arg9 : memref<2048xi32, #tpu.memory_space<vmem>>) target_semaphore(%arg22 : memref<!tpu.dma_semaphore, #tpu.memory_space<semaphore_mem>>)
    %dma_wait3A_123 = tpu.memref_slice %arg4[%add3A_118] : memref<327680xi32, #tpu.memory_space<hbm>> -> memref<2048xi32, #tpu.memory_space<hbm>>
    %dma_wait3A_124 = tpu.memref_slice %arg4[%add3A_118] : memref<327680xi32, #tpu.memory_space<hbm>> -> memref<2048xi32, #tpu.memory_space<hbm>>
    tpu.wait_dma2 semaphore(%arg22 : memref<!tpu.dma_semaphore, #tpu.memory_space<semaphore_mem>>) src(%dma_wait3A_124 : memref<2048xi32, #tpu.memory_space<hbm>>) dst(%arg8 : memref<2048xi32, #tpu.memory_space<vmem>>)
    %dma_wait3A_125 = tpu.memref_slice %arg3[%add3A_118] : memref<327680xi32, #tpu.memory_space<hbm>> -> memref<2048xi32, #tpu.memory_space<hbm>>
    %dma_wait3A_126 = tpu.memref_slice %arg3[%add3A_118] : memref<327680xi32, #tpu.memory_space<hbm>> -> memref<2048xi32, #tpu.memory_space<hbm>>
    tpu.wait_dma2 semaphore(%arg22 : memref<!tpu.dma_semaphore, #tpu.memory_space<semaphore_mem>>) src(%dma_wait3A_126 : memref<2048xi32, #tpu.memory_space<hbm>>) dst(%arg9 : memref<2048xi32, #tpu.memory_space<vmem>>)
    %scan3A_127 = arith.constant 0 : i32
    %scan3A_128 = arith.constant 128 : i32
    %scan3A_129 = arith.addi %scan3A_127, %scan3A_128 : i32
    %scan3A_130 = arith.constant 1 : i32
    scf.for %scan3A_400 = %scan3A_127 to %scan3A_129 step %scan3A_130  : i32 {
      %mul3A_401 = arith.constant 1 : i32
      %mul3A_402 = arith.muli %scan3A_400, %mul3A_401 : i32
      %add3A_403 = arith.constant 0 : i32
      %add3A_404 = arith.addi %add3A_403, %mul3A_402 : i32
      %mul3A_405 = arith.constant 16 : i32
      %mul3A_406 = arith.muli %add3A_404, %mul3A_405 : i32
      %get3A = arith.index_cast %mul3A_406 : i32 to index
      %get3A_407 = tpu.vector_load %arg8[%get3A] {strides = array<i32>} : memref<2048xi32, #tpu.memory_space<vmem>>, vector<16xi32>,
      %mul3A_408 = arith.constant 16 : i32
      %mul3A_409 = arith.muli %add3A_404, %mul3A_408 : i32
      %get3A_410 = arith.index_cast %mul3A_409 : i32 to index
      %get3A_411 = tpu.vector_load %arg9[%get3A_410] {strides = array<i32>} : memref<2048xi32, #tpu.memory_space<vmem>>, vector<16xi32>,
      %sub3A = arith.constant 4000 : i32
      %sub3A_412 = vector.broadcast %sub3A : i32 to vector<16xi32>
      %sub3A_413 = arith.subi %get3A_411, %sub3A_412 : vector<16xi32>
      %mul3A_414 = arith.constant 5 : i32
      %mul3A_415 = vector.broadcast %mul3A_414 : i32 to vector<16xi32>
      %mul3A_416 = arith.muli %sub3A_413, %mul3A_415 : vector<16xi32>
      %add3A_417 = arith.addi %mul3A_416, %get3A_407 : vector<16xi32>
      %shift_right_logical3A = arith.constant 7 : i32
      %shift_right_logical3A_418 = vector.broadcast %shift_right_logical3A : i32 to vector<16xi32>
      %shift_right_logical3A_419 = arith.shrui %add3A_417, %shift_right_logical3A_418 : vector<16xi32>
      %and3A_420 = arith.constant 127 : i32
      %and3A_421 = vector.broadcast %and3A_420 : i32 to vector<16xi32>
      %and3A_422 = arith.andi %add3A_417, %and3A_421 : vector<16xi32>
      %broadcast_in_dim3A = arith.constant 1.000000e+00 : f32
      %broadcast_in_dim3A_423 = vector.broadcast %broadcast_in_dim3A : f32 to vector<16xf32>
      tpu.vector_store_idx %arg16[%shift_right_logical3A_419, %and3A_422], %broadcast_in_dim3A_423 {add = true} : memref<272x128xf32, #tpu.memory_space<vmem>>[vector<16xi32>, vector<16xi32>], vector<16xf32>,
    }
    %scan3A_131 = arith.constant 128 : i32
    %mul3A_132 = arith.constant 20480 : i32
    %mul3A_133 = arith.muli %arg1, %mul3A_132 : i32
    %add3A_134 = arith.constant 14336 : i32
    %add3A_135 = arith.addi %mul3A_133, %add3A_134 : i32
    %dma_start3A_136 = tpu.memref_slice %arg4[%add3A_135] : memref<327680xi32, #tpu.memory_space<hbm>> -> memref<2048xi32, #tpu.memory_space<hbm>>
    %dma_start3A_137 = tpu.memref_slice %arg4[%add3A_135] : memref<327680xi32, #tpu.memory_space<hbm>> -> memref<2048xi32, #tpu.memory_space<hbm>>
    tpu.enqueue_dma source(%dma_start3A_137 : memref<2048xi32, #tpu.memory_space<hbm>>) target(%arg8 : memref<2048xi32, #tpu.memory_space<vmem>>) target_semaphore(%arg22 : memref<!tpu.dma_semaphore, #tpu.memory_space<semaphore_mem>>)
    %dma_start3A_138 = tpu.memref_slice %arg3[%add3A_135] : memref<327680xi32, #tpu.memory_space<hbm>> -> memref<2048xi32, #tpu.memory_space<hbm>>
    %dma_start3A_139 = tpu.memref_slice %arg3[%add3A_135] : memref<327680xi32, #tpu.memory_space<hbm>> -> memref<2048xi32, #tpu.memory_space<hbm>>
    tpu.enqueue_dma source(%dma_start3A_139 : memref<2048xi32, #tpu.memory_space<hbm>>) target(%arg9 : memref<2048xi32, #tpu.memory_space<vmem>>) target_semaphore(%arg22 : memref<!tpu.dma_semaphore, #tpu.memory_space<semaphore_mem>>)
    %dma_wait3A_140 = tpu.memref_slice %arg4[%add3A_135] : memref<327680xi32, #tpu.memory_space<hbm>> -> memref<2048xi32, #tpu.memory_space<hbm>>
    %dma_wait3A_141 = tpu.memref_slice %arg4[%add3A_135] : memref<327680xi32, #tpu.memory_space<hbm>> -> memref<2048xi32, #tpu.memory_space<hbm>>
    tpu.wait_dma2 semaphore(%arg22 : memref<!tpu.dma_semaphore, #tpu.memory_space<semaphore_mem>>) src(%dma_wait3A_141 : memref<2048xi32, #tpu.memory_space<hbm>>) dst(%arg8 : memref<2048xi32, #tpu.memory_space<vmem>>)
    %dma_wait3A_142 = tpu.memref_slice %arg3[%add3A_135] : memref<327680xi32, #tpu.memory_space<hbm>> -> memref<2048xi32, #tpu.memory_space<hbm>>
    %dma_wait3A_143 = tpu.memref_slice %arg3[%add3A_135] : memref<327680xi32, #tpu.memory_space<hbm>> -> memref<2048xi32, #tpu.memory_space<hbm>>
    tpu.wait_dma2 semaphore(%arg22 : memref<!tpu.dma_semaphore, #tpu.memory_space<semaphore_mem>>) src(%dma_wait3A_143 : memref<2048xi32, #tpu.memory_space<hbm>>) dst(%arg9 : memref<2048xi32, #tpu.memory_space<vmem>>)
    %scan3A_144 = arith.constant 0 : i32
    %scan3A_145 = arith.constant 128 : i32
    %scan3A_146 = arith.addi %scan3A_144, %scan3A_145 : i32
    %scan3A_147 = arith.constant 1 : i32
    scf.for %scan3A_400 = %scan3A_144 to %scan3A_146 step %scan3A_147  : i32 {
      %mul3A_401 = arith.constant 1 : i32
      %mul3A_402 = arith.muli %scan3A_400, %mul3A_401 : i32
      %add3A_403 = arith.constant 0 : i32
      %add3A_404 = arith.addi %add3A_403, %mul3A_402 : i32
      %mul3A_405 = arith.constant 16 : i32
      %mul3A_406 = arith.muli %add3A_404, %mul3A_405 : i32
      %get3A = arith.index_cast %mul3A_406 : i32 to index
      %get3A_407 = tpu.vector_load %arg8[%get3A] {strides = array<i32>} : memref<2048xi32, #tpu.memory_space<vmem>>, vector<16xi32>,
      %mul3A_408 = arith.constant 16 : i32
      %mul3A_409 = arith.muli %add3A_404, %mul3A_408 : i32
      %get3A_410 = arith.index_cast %mul3A_409 : i32 to index
      %get3A_411 = tpu.vector_load %arg9[%get3A_410] {strides = array<i32>} : memref<2048xi32, #tpu.memory_space<vmem>>, vector<16xi32>,
      %sub3A = arith.constant 4000 : i32
      %sub3A_412 = vector.broadcast %sub3A : i32 to vector<16xi32>
      %sub3A_413 = arith.subi %get3A_411, %sub3A_412 : vector<16xi32>
      %mul3A_414 = arith.constant 5 : i32
      %mul3A_415 = vector.broadcast %mul3A_414 : i32 to vector<16xi32>
      %mul3A_416 = arith.muli %sub3A_413, %mul3A_415 : vector<16xi32>
      %add3A_417 = arith.addi %mul3A_416, %get3A_407 : vector<16xi32>
      %shift_right_logical3A = arith.constant 7 : i32
      %shift_right_logical3A_418 = vector.broadcast %shift_right_logical3A : i32 to vector<16xi32>
      %shift_right_logical3A_419 = arith.shrui %add3A_417, %shift_right_logical3A_418 : vector<16xi32>
      %and3A_420 = arith.constant 127 : i32
      %and3A_421 = vector.broadcast %and3A_420 : i32 to vector<16xi32>
      %and3A_422 = arith.andi %add3A_417, %and3A_421 : vector<16xi32>
      %broadcast_in_dim3A = arith.constant 1.000000e+00 : f32
      %broadcast_in_dim3A_423 = vector.broadcast %broadcast_in_dim3A : f32 to vector<16xf32>
      tpu.vector_store_idx %arg16[%shift_right_logical3A_419, %and3A_422], %broadcast_in_dim3A_423 {add = true} : memref<272x128xf32, #tpu.memory_space<vmem>>[vector<16xi32>, vector<16xi32>], vector<16xf32>,
    }
    %scan3A_148 = arith.constant 128 : i32
    %mul3A_149 = arith.constant 20480 : i32
    %mul3A_150 = arith.muli %arg1, %mul3A_149 : i32
    %add3A_151 = arith.constant 16384 : i32
    %add3A_152 = arith.addi %mul3A_150, %add3A_151 : i32
    %dma_start3A_153 = tpu.memref_slice %arg4[%add3A_152] : memref<327680xi32, #tpu.memory_space<hbm>> -> memref<2048xi32, #tpu.memory_space<hbm>>
    %dma_start3A_154 = tpu.memref_slice %arg4[%add3A_152] : memref<327680xi32, #tpu.memory_space<hbm>> -> memref<2048xi32, #tpu.memory_space<hbm>>
    tpu.enqueue_dma source(%dma_start3A_154 : memref<2048xi32, #tpu.memory_space<hbm>>) target(%arg8 : memref<2048xi32, #tpu.memory_space<vmem>>) target_semaphore(%arg22 : memref<!tpu.dma_semaphore, #tpu.memory_space<semaphore_mem>>)
    %dma_start3A_155 = tpu.memref_slice %arg3[%add3A_152] : memref<327680xi32, #tpu.memory_space<hbm>> -> memref<2048xi32, #tpu.memory_space<hbm>>
    %dma_start3A_156 = tpu.memref_slice %arg3[%add3A_152] : memref<327680xi32, #tpu.memory_space<hbm>> -> memref<2048xi32, #tpu.memory_space<hbm>>
    tpu.enqueue_dma source(%dma_start3A_156 : memref<2048xi32, #tpu.memory_space<hbm>>) target(%arg9 : memref<2048xi32, #tpu.memory_space<vmem>>) target_semaphore(%arg22 : memref<!tpu.dma_semaphore, #tpu.memory_space<semaphore_mem>>)
    %dma_wait3A_157 = tpu.memref_slice %arg4[%add3A_152] : memref<327680xi32, #tpu.memory_space<hbm>> -> memref<2048xi32, #tpu.memory_space<hbm>>
    %dma_wait3A_158 = tpu.memref_slice %arg4[%add3A_152] : memref<327680xi32, #tpu.memory_space<hbm>> -> memref<2048xi32, #tpu.memory_space<hbm>>
    tpu.wait_dma2 semaphore(%arg22 : memref<!tpu.dma_semaphore, #tpu.memory_space<semaphore_mem>>) src(%dma_wait3A_158 : memref<2048xi32, #tpu.memory_space<hbm>>) dst(%arg8 : memref<2048xi32, #tpu.memory_space<vmem>>)
    %dma_wait3A_159 = tpu.memref_slice %arg3[%add3A_152] : memref<327680xi32, #tpu.memory_space<hbm>> -> memref<2048xi32, #tpu.memory_space<hbm>>
    %dma_wait3A_160 = tpu.memref_slice %arg3[%add3A_152] : memref<327680xi32, #tpu.memory_space<hbm>> -> memref<2048xi32, #tpu.memory_space<hbm>>
    tpu.wait_dma2 semaphore(%arg22 : memref<!tpu.dma_semaphore, #tpu.memory_space<semaphore_mem>>) src(%dma_wait3A_160 : memref<2048xi32, #tpu.memory_space<hbm>>) dst(%arg9 : memref<2048xi32, #tpu.memory_space<vmem>>)
    %scan3A_161 = arith.constant 0 : i32
    %scan3A_162 = arith.constant 128 : i32
    %scan3A_163 = arith.addi %scan3A_161, %scan3A_162 : i32
    %scan3A_164 = arith.constant 1 : i32
    scf.for %scan3A_400 = %scan3A_161 to %scan3A_163 step %scan3A_164  : i32 {
      %mul3A_401 = arith.constant 1 : i32
      %mul3A_402 = arith.muli %scan3A_400, %mul3A_401 : i32
      %add3A_403 = arith.constant 0 : i32
      %add3A_404 = arith.addi %add3A_403, %mul3A_402 : i32
      %mul3A_405 = arith.constant 16 : i32
      %mul3A_406 = arith.muli %add3A_404, %mul3A_405 : i32
      %get3A = arith.index_cast %mul3A_406 : i32 to index
      %get3A_407 = tpu.vector_load %arg8[%get3A] {strides = array<i32>} : memref<2048xi32, #tpu.memory_space<vmem>>, vector<16xi32>,
      %mul3A_408 = arith.constant 16 : i32
      %mul3A_409 = arith.muli %add3A_404, %mul3A_408 : i32
      %get3A_410 = arith.index_cast %mul3A_409 : i32 to index
      %get3A_411 = tpu.vector_load %arg9[%get3A_410] {strides = array<i32>} : memref<2048xi32, #tpu.memory_space<vmem>>, vector<16xi32>,
      %sub3A = arith.constant 4000 : i32
      %sub3A_412 = vector.broadcast %sub3A : i32 to vector<16xi32>
      %sub3A_413 = arith.subi %get3A_411, %sub3A_412 : vector<16xi32>
      %mul3A_414 = arith.constant 5 : i32
      %mul3A_415 = vector.broadcast %mul3A_414 : i32 to vector<16xi32>
      %mul3A_416 = arith.muli %sub3A_413, %mul3A_415 : vector<16xi32>
      %add3A_417 = arith.addi %mul3A_416, %get3A_407 : vector<16xi32>
      %shift_right_logical3A = arith.constant 7 : i32
      %shift_right_logical3A_418 = vector.broadcast %shift_right_logical3A : i32 to vector<16xi32>
      %shift_right_logical3A_419 = arith.shrui %add3A_417, %shift_right_logical3A_418 : vector<16xi32>
      %and3A_420 = arith.constant 127 : i32
      %and3A_421 = vector.broadcast %and3A_420 : i32 to vector<16xi32>
      %and3A_422 = arith.andi %add3A_417, %and3A_421 : vector<16xi32>
      %broadcast_in_dim3A = arith.constant 1.000000e+00 : f32
      %broadcast_in_dim3A_423 = vector.broadcast %broadcast_in_dim3A : f32 to vector<16xf32>
      tpu.vector_store_idx %arg16[%shift_right_logical3A_419, %and3A_422], %broadcast_in_dim3A_423 {add = true} : memref<272x128xf32, #tpu.memory_space<vmem>>[vector<16xi32>, vector<16xi32>], vector<16xf32>,
    }
    %scan3A_165 = arith.constant 128 : i32
    %mul3A_166 = arith.constant 20480 : i32
    %mul3A_167 = arith.muli %arg1, %mul3A_166 : i32
    %add3A_168 = arith.constant 18432 : i32
    %add3A_169 = arith.addi %mul3A_167, %add3A_168 : i32
    %dma_start3A_170 = tpu.memref_slice %arg4[%add3A_169] : memref<327680xi32, #tpu.memory_space<hbm>> -> memref<2048xi32, #tpu.memory_space<hbm>>
    %dma_start3A_171 = tpu.memref_slice %arg4[%add3A_169] : memref<327680xi32, #tpu.memory_space<hbm>> -> memref<2048xi32, #tpu.memory_space<hbm>>
    tpu.enqueue_dma source(%dma_start3A_171 : memref<2048xi32, #tpu.memory_space<hbm>>) target(%arg8 : memref<2048xi32, #tpu.memory_space<vmem>>) target_semaphore(%arg22 : memref<!tpu.dma_semaphore, #tpu.memory_space<semaphore_mem>>)
    %dma_start3A_172 = tpu.memref_slice %arg3[%add3A_169] : memref<327680xi32, #tpu.memory_space<hbm>> -> memref<2048xi32, #tpu.memory_space<hbm>>
    %dma_start3A_173 = tpu.memref_slice %arg3[%add3A_169] : memref<327680xi32, #tpu.memory_space<hbm>> -> memref<2048xi32, #tpu.memory_space<hbm>>
    tpu.enqueue_dma source(%dma_start3A_173 : memref<2048xi32, #tpu.memory_space<hbm>>) target(%arg9 : memref<2048xi32, #tpu.memory_space<vmem>>) target_semaphore(%arg22 : memref<!tpu.dma_semaphore, #tpu.memory_space<semaphore_mem>>)
    %dma_wait3A_174 = tpu.memref_slice %arg4[%add3A_169] : memref<327680xi32, #tpu.memory_space<hbm>> -> memref<2048xi32, #tpu.memory_space<hbm>>
    %dma_wait3A_175 = tpu.memref_slice %arg4[%add3A_169] : memref<327680xi32, #tpu.memory_space<hbm>> -> memref<2048xi32, #tpu.memory_space<hbm>>
    tpu.wait_dma2 semaphore(%arg22 : memref<!tpu.dma_semaphore, #tpu.memory_space<semaphore_mem>>) src(%dma_wait3A_175 : memref<2048xi32, #tpu.memory_space<hbm>>) dst(%arg8 : memref<2048xi32, #tpu.memory_space<vmem>>)
    %dma_wait3A_176 = tpu.memref_slice %arg3[%add3A_169] : memref<327680xi32, #tpu.memory_space<hbm>> -> memref<2048xi32, #tpu.memory_space<hbm>>
    %dma_wait3A_177 = tpu.memref_slice %arg3[%add3A_169] : memref<327680xi32, #tpu.memory_space<hbm>> -> memref<2048xi32, #tpu.memory_space<hbm>>
    tpu.wait_dma2 semaphore(%arg22 : memref<!tpu.dma_semaphore, #tpu.memory_space<semaphore_mem>>) src(%dma_wait3A_177 : memref<2048xi32, #tpu.memory_space<hbm>>) dst(%arg9 : memref<2048xi32, #tpu.memory_space<vmem>>)
    %scan3A_178 = arith.constant 0 : i32
    %scan3A_179 = arith.constant 128 : i32
    %scan3A_180 = arith.addi %scan3A_178, %scan3A_179 : i32
    %scan3A_181 = arith.constant 1 : i32
    scf.for %scan3A_400 = %scan3A_178 to %scan3A_180 step %scan3A_181  : i32 {
      %mul3A_401 = arith.constant 1 : i32
      %mul3A_402 = arith.muli %scan3A_400, %mul3A_401 : i32
      %add3A_403 = arith.constant 0 : i32
      %add3A_404 = arith.addi %add3A_403, %mul3A_402 : i32
      %mul3A_405 = arith.constant 16 : i32
      %mul3A_406 = arith.muli %add3A_404, %mul3A_405 : i32
      %get3A = arith.index_cast %mul3A_406 : i32 to index
      %get3A_407 = tpu.vector_load %arg8[%get3A] {strides = array<i32>} : memref<2048xi32, #tpu.memory_space<vmem>>, vector<16xi32>,
      %mul3A_408 = arith.constant 16 : i32
      %mul3A_409 = arith.muli %add3A_404, %mul3A_408 : i32
      %get3A_410 = arith.index_cast %mul3A_409 : i32 to index
      %get3A_411 = tpu.vector_load %arg9[%get3A_410] {strides = array<i32>} : memref<2048xi32, #tpu.memory_space<vmem>>, vector<16xi32>,
      %sub3A = arith.constant 4000 : i32
      %sub3A_412 = vector.broadcast %sub3A : i32 to vector<16xi32>
      %sub3A_413 = arith.subi %get3A_411, %sub3A_412 : vector<16xi32>
      %mul3A_414 = arith.constant 5 : i32
      %mul3A_415 = vector.broadcast %mul3A_414 : i32 to vector<16xi32>
      %mul3A_416 = arith.muli %sub3A_413, %mul3A_415 : vector<16xi32>
      %add3A_417 = arith.addi %mul3A_416, %get3A_407 : vector<16xi32>
      %shift_right_logical3A = arith.constant 7 : i32
      %shift_right_logical3A_418 = vector.broadcast %shift_right_logical3A : i32 to vector<16xi32>
      %shift_right_logical3A_419 = arith.shrui %add3A_417, %shift_right_logical3A_418 : vector<16xi32>
      %and3A_420 = arith.constant 127 : i32
      %and3A_421 = vector.broadcast %and3A_420 : i32 to vector<16xi32>
      %and3A_422 = arith.andi %add3A_417, %and3A_421 : vector<16xi32>
      %broadcast_in_dim3A = arith.constant 1.000000e+00 : f32
      %broadcast_in_dim3A_423 = vector.broadcast %broadcast_in_dim3A : f32 to vector<16xf32>
      tpu.vector_store_idx %arg16[%shift_right_logical3A_419, %and3A_422], %broadcast_in_dim3A_423 {add = true} : memref<272x128xf32, #tpu.memory_space<vmem>>[vector<16xi32>, vector<16xi32>], vector<16xf32>,
    }
    %scan3A_182 = arith.constant 128 : i32
    %mul3A_183 = arith.constant 20480 : i32
    %mul3A_184 = arith.muli %arg1, %mul3A_183 : i32
    %add3A_185 = arith.constant 0 : i32
    %add3A_186 = arith.addi %mul3A_184, %add3A_185 : i32
    "tpu.region"() ({
      %run_scoped3A = tpu.sem_alloc : memref<!tpu.dma_semaphore, #tpu.memory_space<semaphore_mem>>
      %dma_start3A_400 = tpu.memref_slice %arg2[%add3A_186] : memref<327680xi32, #tpu.memory_space<hbm>> -> memref<2048xi32, #tpu.memory_space<hbm>>
      %dma_start3A_401 = tpu.memref_slice %arg2[%add3A_186] : memref<327680xi32, #tpu.memory_space<hbm>> -> memref<2048xi32, #tpu.memory_space<hbm>>
      tpu.enqueue_dma source(%dma_start3A_401 : memref<2048xi32, #tpu.memory_space<hbm>>) target(%arg8 : memref<2048xi32, #tpu.memory_space<vmem>>) target_semaphore(%run_scoped3A : memref<!tpu.dma_semaphore, #tpu.memory_space<semaphore_mem>>)
      %dma_wait3A_402 = tpu.memref_slice %arg2[%add3A_186] : memref<327680xi32, #tpu.memory_space<hbm>> -> memref<2048xi32, #tpu.memory_space<hbm>>
      %dma_wait3A_403 = tpu.memref_slice %arg2[%add3A_186] : memref<327680xi32, #tpu.memory_space<hbm>> -> memref<2048xi32, #tpu.memory_space<hbm>>
      tpu.wait_dma2 semaphore(%run_scoped3A : memref<!tpu.dma_semaphore, #tpu.memory_space<semaphore_mem>>) src(%dma_wait3A_403 : memref<2048xi32, #tpu.memory_space<hbm>>) dst(%arg8 : memref<2048xi32, #tpu.memory_space<vmem>>)
      tpu.yield
    }) : () -> ()
    %scan3A_187 = arith.constant 0 : i32
    %scan3A_188 = arith.constant 128 : i32
    %scan3A_189 = arith.addi %scan3A_187, %scan3A_188 : i32
    %scan3A_190 = arith.constant 1 : i32
    scf.for %scan3A_400 = %scan3A_187 to %scan3A_189 step %scan3A_190  : i32 {
      %mul3A_401 = arith.constant 1 : i32
      %mul3A_402 = arith.muli %scan3A_400, %mul3A_401 : i32
      %add3A_403 = arith.constant 0 : i32
      %add3A_404 = arith.addi %add3A_403, %mul3A_402 : i32
      %mul3A_405 = arith.constant 16 : i32
      %mul3A_406 = arith.muli %add3A_404, %mul3A_405 : i32
      %get3A = arith.index_cast %mul3A_406 : i32 to index
      %get3A_407 = tpu.vector_load %arg8[%get3A] {strides = array<i32>} : memref<2048xi32, #tpu.memory_space<vmem>>, vector<16xi32>,
      %add3A_408 = arith.constant 30720 : i32
      %add3A_409 = vector.broadcast %add3A_408 : i32 to vector<16xi32>
      %add3A_410 = arith.addi %get3A_407, %add3A_409 : vector<16xi32>
      %shift_right_logical3A = arith.constant 7 : i32
      %shift_right_logical3A_411 = vector.broadcast %shift_right_logical3A : i32 to vector<16xi32>
      %shift_right_logical3A_412 = arith.shrui %add3A_410, %shift_right_logical3A_411 : vector<16xi32>
      %and3A_413 = arith.constant 127 : i32
      %and3A_414 = vector.broadcast %and3A_413 : i32 to vector<16xi32>
      %and3A_415 = arith.andi %add3A_410, %and3A_414 : vector<16xi32>
      %broadcast_in_dim3A = arith.constant 1.000000e+00 : f32
      %broadcast_in_dim3A_416 = vector.broadcast %broadcast_in_dim3A : f32 to vector<16xf32>
      tpu.vector_store_idx %arg16[%shift_right_logical3A_412, %and3A_415], %broadcast_in_dim3A_416 {add = true} : memref<272x128xf32, #tpu.memory_space<vmem>>[vector<16xi32>, vector<16xi32>], vector<16xf32>,
    }
    %scan3A_191 = arith.constant 128 : i32
    %mul3A_192 = arith.constant 20480 : i32
    %mul3A_193 = arith.muli %arg1, %mul3A_192 : i32
    %add3A_194 = arith.constant 2048 : i32
    %add3A_195 = arith.addi %mul3A_193, %add3A_194 : i32
    "tpu.region"() ({
      %run_scoped3A = tpu.sem_alloc : memref<!tpu.dma_semaphore, #tpu.memory_space<semaphore_mem>>
      %dma_start3A_400 = tpu.memref_slice %arg2[%add3A_195] : memref<327680xi32, #tpu.memory_space<hbm>> -> memref<2048xi32, #tpu.memory_space<hbm>>
      %dma_start3A_401 = tpu.memref_slice %arg2[%add3A_195] : memref<327680xi32, #tpu.memory_space<hbm>> -> memref<2048xi32, #tpu.memory_space<hbm>>
      tpu.enqueue_dma source(%dma_start3A_401 : memref<2048xi32, #tpu.memory_space<hbm>>) target(%arg8 : memref<2048xi32, #tpu.memory_space<vmem>>) target_semaphore(%run_scoped3A : memref<!tpu.dma_semaphore, #tpu.memory_space<semaphore_mem>>)
      %dma_wait3A_402 = tpu.memref_slice %arg2[%add3A_195] : memref<327680xi32, #tpu.memory_space<hbm>> -> memref<2048xi32, #tpu.memory_space<hbm>>
      %dma_wait3A_403 = tpu.memref_slice %arg2[%add3A_195] : memref<327680xi32, #tpu.memory_space<hbm>> -> memref<2048xi32, #tpu.memory_space<hbm>>
      tpu.wait_dma2 semaphore(%run_scoped3A : memref<!tpu.dma_semaphore, #tpu.memory_space<semaphore_mem>>) src(%dma_wait3A_403 : memref<2048xi32, #tpu.memory_space<hbm>>) dst(%arg8 : memref<2048xi32, #tpu.memory_space<vmem>>)
      tpu.yield
    }) : () -> ()
    %scan3A_196 = arith.constant 0 : i32
    %scan3A_197 = arith.constant 128 : i32
    %scan3A_198 = arith.addi %scan3A_196, %scan3A_197 : i32
    %scan3A_199 = arith.constant 1 : i32
    scf.for %scan3A_400 = %scan3A_196 to %scan3A_198 step %scan3A_199  : i32 {
      %mul3A_401 = arith.constant 1 : i32
      %mul3A_402 = arith.muli %scan3A_400, %mul3A_401 : i32
      %add3A_403 = arith.constant 0 : i32
      %add3A_404 = arith.addi %add3A_403, %mul3A_402 : i32
      %mul3A_405 = arith.constant 16 : i32
      %mul3A_406 = arith.muli %add3A_404, %mul3A_405 : i32
      %get3A = arith.index_cast %mul3A_406 : i32 to index
      %get3A_407 = tpu.vector_load %arg8[%get3A] {strides = array<i32>} : memref<2048xi32, #tpu.memory_space<vmem>>, vector<16xi32>,
      %add3A_408 = arith.constant 30720 : i32
      %add3A_409 = vector.broadcast %add3A_408 : i32 to vector<16xi32>
      %add3A_410 = arith.addi %get3A_407, %add3A_409 : vector<16xi32>
      %shift_right_logical3A = arith.constant 7 : i32
      %shift_right_logical3A_411 = vector.broadcast %shift_right_logical3A : i32 to vector<16xi32>
      %shift_right_logical3A_412 = arith.shrui %add3A_410, %shift_right_logical3A_411 : vector<16xi32>
      %and3A_413 = arith.constant 127 : i32
      %and3A_414 = vector.broadcast %and3A_413 : i32 to vector<16xi32>
      %and3A_415 = arith.andi %add3A_410, %and3A_414 : vector<16xi32>
      %broadcast_in_dim3A = arith.constant 1.000000e+00 : f32
      %broadcast_in_dim3A_416 = vector.broadcast %broadcast_in_dim3A : f32 to vector<16xf32>
      tpu.vector_store_idx %arg16[%shift_right_logical3A_412, %and3A_415], %broadcast_in_dim3A_416 {add = true} : memref<272x128xf32, #tpu.memory_space<vmem>>[vector<16xi32>, vector<16xi32>], vector<16xf32>,
    }
    %scan3A_200 = arith.constant 128 : i32
    %mul3A_201 = arith.constant 20480 : i32
    %mul3A_202 = arith.muli %arg1, %mul3A_201 : i32
    %add3A_203 = arith.constant 4096 : i32
    %add3A_204 = arith.addi %mul3A_202, %add3A_203 : i32
    "tpu.region"() ({
      %run_scoped3A = tpu.sem_alloc : memref<!tpu.dma_semaphore, #tpu.memory_space<semaphore_mem>>
      %dma_start3A_400 = tpu.memref_slice %arg2[%add3A_204] : memref<327680xi32, #tpu.memory_space<hbm>> -> memref<2048xi32, #tpu.memory_space<hbm>>
      %dma_start3A_401 = tpu.memref_slice %arg2[%add3A_204] : memref<327680xi32, #tpu.memory_space<hbm>> -> memref<2048xi32, #tpu.memory_space<hbm>>
      tpu.enqueue_dma source(%dma_start3A_401 : memref<2048xi32, #tpu.memory_space<hbm>>) target(%arg8 : memref<2048xi32, #tpu.memory_space<vmem>>) target_semaphore(%run_scoped3A : memref<!tpu.dma_semaphore, #tpu.memory_space<semaphore_mem>>)
      %dma_wait3A_402 = tpu.memref_slice %arg2[%add3A_204] : memref<327680xi32, #tpu.memory_space<hbm>> -> memref<2048xi32, #tpu.memory_space<hbm>>
      %dma_wait3A_403 = tpu.memref_slice %arg2[%add3A_204] : memref<327680xi32, #tpu.memory_space<hbm>> -> memref<2048xi32, #tpu.memory_space<hbm>>
      tpu.wait_dma2 semaphore(%run_scoped3A : memref<!tpu.dma_semaphore, #tpu.memory_space<semaphore_mem>>) src(%dma_wait3A_403 : memref<2048xi32, #tpu.memory_space<hbm>>) dst(%arg8 : memref<2048xi32, #tpu.memory_space<vmem>>)
      tpu.yield
    }) : () -> ()
    %scan3A_205 = arith.constant 0 : i32
    %scan3A_206 = arith.constant 128 : i32
    %scan3A_207 = arith.addi %scan3A_205, %scan3A_206 : i32
    %scan3A_208 = arith.constant 1 : i32
    scf.for %scan3A_400 = %scan3A_205 to %scan3A_207 step %scan3A_208  : i32 {
      %mul3A_401 = arith.constant 1 : i32
      %mul3A_402 = arith.muli %scan3A_400, %mul3A_401 : i32
      %add3A_403 = arith.constant 0 : i32
      %add3A_404 = arith.addi %add3A_403, %mul3A_402 : i32
      %mul3A_405 = arith.constant 16 : i32
      %mul3A_406 = arith.muli %add3A_404, %mul3A_405 : i32
      %get3A = arith.index_cast %mul3A_406 : i32 to index
      %get3A_407 = tpu.vector_load %arg8[%get3A] {strides = array<i32>} : memref<2048xi32, #tpu.memory_space<vmem>>, vector<16xi32>,
      %add3A_408 = arith.constant 30720 : i32
      %add3A_409 = vector.broadcast %add3A_408 : i32 to vector<16xi32>
      %add3A_410 = arith.addi %get3A_407, %add3A_409 : vector<16xi32>
      %shift_right_logical3A = arith.constant 7 : i32
      %shift_right_logical3A_411 = vector.broadcast %shift_right_logical3A : i32 to vector<16xi32>
      %shift_right_logical3A_412 = arith.shrui %add3A_410, %shift_right_logical3A_411 : vector<16xi32>
      %and3A_413 = arith.constant 127 : i32
      %and3A_414 = vector.broadcast %and3A_413 : i32 to vector<16xi32>
      %and3A_415 = arith.andi %add3A_410, %and3A_414 : vector<16xi32>
      %broadcast_in_dim3A = arith.constant 1.000000e+00 : f32
      %broadcast_in_dim3A_416 = vector.broadcast %broadcast_in_dim3A : f32 to vector<16xf32>
      tpu.vector_store_idx %arg16[%shift_right_logical3A_412, %and3A_415], %broadcast_in_dim3A_416 {add = true} : memref<272x128xf32, #tpu.memory_space<vmem>>[vector<16xi32>, vector<16xi32>], vector<16xf32>,
    }
    %scan3A_209 = arith.constant 128 : i32
    %mul3A_210 = arith.constant 20480 : i32
    %mul3A_211 = arith.muli %arg1, %mul3A_210 : i32
    %add3A_212 = arith.constant 6144 : i32
    %add3A_213 = arith.addi %mul3A_211, %add3A_212 : i32
    "tpu.region"() ({
      %run_scoped3A = tpu.sem_alloc : memref<!tpu.dma_semaphore, #tpu.memory_space<semaphore_mem>>
      %dma_start3A_400 = tpu.memref_slice %arg2[%add3A_213] : memref<327680xi32, #tpu.memory_space<hbm>> -> memref<2048xi32, #tpu.memory_space<hbm>>
      %dma_start3A_401 = tpu.memref_slice %arg2[%add3A_213] : memref<327680xi32, #tpu.memory_space<hbm>> -> memref<2048xi32, #tpu.memory_space<hbm>>
      tpu.enqueue_dma source(%dma_start3A_401 : memref<2048xi32, #tpu.memory_space<hbm>>) target(%arg8 : memref<2048xi32, #tpu.memory_space<vmem>>) target_semaphore(%run_scoped3A : memref<!tpu.dma_semaphore, #tpu.memory_space<semaphore_mem>>)
      %dma_wait3A_402 = tpu.memref_slice %arg2[%add3A_213] : memref<327680xi32, #tpu.memory_space<hbm>> -> memref<2048xi32, #tpu.memory_space<hbm>>
      %dma_wait3A_403 = tpu.memref_slice %arg2[%add3A_213] : memref<327680xi32, #tpu.memory_space<hbm>> -> memref<2048xi32, #tpu.memory_space<hbm>>
      tpu.wait_dma2 semaphore(%run_scoped3A : memref<!tpu.dma_semaphore, #tpu.memory_space<semaphore_mem>>) src(%dma_wait3A_403 : memref<2048xi32, #tpu.memory_space<hbm>>) dst(%arg8 : memref<2048xi32, #tpu.memory_space<vmem>>)
      tpu.yield
    }) : () -> ()
    %scan3A_214 = arith.constant 0 : i32
    %scan3A_215 = arith.constant 128 : i32
    %scan3A_216 = arith.addi %scan3A_214, %scan3A_215 : i32
    %scan3A_217 = arith.constant 1 : i32
    scf.for %scan3A_400 = %scan3A_214 to %scan3A_216 step %scan3A_217  : i32 {
      %mul3A_401 = arith.constant 1 : i32
      %mul3A_402 = arith.muli %scan3A_400, %mul3A_401 : i32
      %add3A_403 = arith.constant 0 : i32
      %add3A_404 = arith.addi %add3A_403, %mul3A_402 : i32
      %mul3A_405 = arith.constant 16 : i32
      %mul3A_406 = arith.muli %add3A_404, %mul3A_405 : i32
      %get3A = arith.index_cast %mul3A_406 : i32 to index
      %get3A_407 = tpu.vector_load %arg8[%get3A] {strides = array<i32>} : memref<2048xi32, #tpu.memory_space<vmem>>, vector<16xi32>,
      %add3A_408 = arith.constant 30720 : i32
      %add3A_409 = vector.broadcast %add3A_408 : i32 to vector<16xi32>
      %add3A_410 = arith.addi %get3A_407, %add3A_409 : vector<16xi32>
      %shift_right_logical3A = arith.constant 7 : i32
      %shift_right_logical3A_411 = vector.broadcast %shift_right_logical3A : i32 to vector<16xi32>
      %shift_right_logical3A_412 = arith.shrui %add3A_410, %shift_right_logical3A_411 : vector<16xi32>
      %and3A_413 = arith.constant 127 : i32
      %and3A_414 = vector.broadcast %and3A_413 : i32 to vector<16xi32>
      %and3A_415 = arith.andi %add3A_410, %and3A_414 : vector<16xi32>
      %broadcast_in_dim3A = arith.constant 1.000000e+00 : f32
      %broadcast_in_dim3A_416 = vector.broadcast %broadcast_in_dim3A : f32 to vector<16xf32>
      tpu.vector_store_idx %arg16[%shift_right_logical3A_412, %and3A_415], %broadcast_in_dim3A_416 {add = true} : memref<272x128xf32, #tpu.memory_space<vmem>>[vector<16xi32>, vector<16xi32>], vector<16xf32>,
    }
    %scan3A_218 = arith.constant 128 : i32
    %mul3A_219 = arith.constant 20480 : i32
    %mul3A_220 = arith.muli %arg1, %mul3A_219 : i32
    %add3A_221 = arith.constant 8192 : i32
    %add3A_222 = arith.addi %mul3A_220, %add3A_221 : i32
    "tpu.region"() ({
      %run_scoped3A = tpu.sem_alloc : memref<!tpu.dma_semaphore, #tpu.memory_space<semaphore_mem>>
      %dma_start3A_400 = tpu.memref_slice %arg2[%add3A_222] : memref<327680xi32, #tpu.memory_space<hbm>> -> memref<2048xi32, #tpu.memory_space<hbm>>
      %dma_start3A_401 = tpu.memref_slice %arg2[%add3A_222] : memref<327680xi32, #tpu.memory_space<hbm>> -> memref<2048xi32, #tpu.memory_space<hbm>>
      tpu.enqueue_dma source(%dma_start3A_401 : memref<2048xi32, #tpu.memory_space<hbm>>) target(%arg8 : memref<2048xi32, #tpu.memory_space<vmem>>) target_semaphore(%run_scoped3A : memref<!tpu.dma_semaphore, #tpu.memory_space<semaphore_mem>>)
      %dma_wait3A_402 = tpu.memref_slice %arg2[%add3A_222] : memref<327680xi32, #tpu.memory_space<hbm>> -> memref<2048xi32, #tpu.memory_space<hbm>>
      %dma_wait3A_403 = tpu.memref_slice %arg2[%add3A_222] : memref<327680xi32, #tpu.memory_space<hbm>> -> memref<2048xi32, #tpu.memory_space<hbm>>
      tpu.wait_dma2 semaphore(%run_scoped3A : memref<!tpu.dma_semaphore, #tpu.memory_space<semaphore_mem>>) src(%dma_wait3A_403 : memref<2048xi32, #tpu.memory_space<hbm>>) dst(%arg8 : memref<2048xi32, #tpu.memory_space<vmem>>)
      tpu.yield
    }) : () -> ()
    %scan3A_223 = arith.constant 0 : i32
    %scan3A_224 = arith.constant 128 : i32
    %scan3A_225 = arith.addi %scan3A_223, %scan3A_224 : i32
    %scan3A_226 = arith.constant 1 : i32
    scf.for %scan3A_400 = %scan3A_223 to %scan3A_225 step %scan3A_226  : i32 {
      %mul3A_401 = arith.constant 1 : i32
      %mul3A_402 = arith.muli %scan3A_400, %mul3A_401 : i32
      %add3A_403 = arith.constant 0 : i32
      %add3A_404 = arith.addi %add3A_403, %mul3A_402 : i32
      %mul3A_405 = arith.constant 16 : i32
      %mul3A_406 = arith.muli %add3A_404, %mul3A_405 : i32
      %get3A = arith.index_cast %mul3A_406 : i32 to index
      %get3A_407 = tpu.vector_load %arg8[%get3A] {strides = array<i32>} : memref<2048xi32, #tpu.memory_space<vmem>>, vector<16xi32>,
      %add3A_408 = arith.constant 30720 : i32
      %add3A_409 = vector.broadcast %add3A_408 : i32 to vector<16xi32>
      %add3A_410 = arith.addi %get3A_407, %add3A_409 : vector<16xi32>
      %shift_right_logical3A = arith.constant 7 : i32
      %shift_right_logical3A_411 = vector.broadcast %shift_right_logical3A : i32 to vector<16xi32>
      %shift_right_logical3A_412 = arith.shrui %add3A_410, %shift_right_logical3A_411 : vector<16xi32>
      %and3A_413 = arith.constant 127 : i32
      %and3A_414 = vector.broadcast %and3A_413 : i32 to vector<16xi32>
      %and3A_415 = arith.andi %add3A_410, %and3A_414 : vector<16xi32>
      %broadcast_in_dim3A = arith.constant 1.000000e+00 : f32
      %broadcast_in_dim3A_416 = vector.broadcast %broadcast_in_dim3A : f32 to vector<16xf32>
      tpu.vector_store_idx %arg16[%shift_right_logical3A_412, %and3A_415], %broadcast_in_dim3A_416 {add = true} : memref<272x128xf32, #tpu.memory_space<vmem>>[vector<16xi32>, vector<16xi32>], vector<16xf32>,
    }
    %scan3A_227 = arith.constant 128 : i32
    %mul3A_228 = arith.constant 20480 : i32
    %mul3A_229 = arith.muli %arg1, %mul3A_228 : i32
    %add3A_230 = arith.constant 10240 : i32
    %add3A_231 = arith.addi %mul3A_229, %add3A_230 : i32
    "tpu.region"() ({
      %run_scoped3A = tpu.sem_alloc : memref<!tpu.dma_semaphore, #tpu.memory_space<semaphore_mem>>
      %dma_start3A_400 = tpu.memref_slice %arg2[%add3A_231] : memref<327680xi32, #tpu.memory_space<hbm>> -> memref<2048xi32, #tpu.memory_space<hbm>>
      %dma_start3A_401 = tpu.memref_slice %arg2[%add3A_231] : memref<327680xi32, #tpu.memory_space<hbm>> -> memref<2048xi32, #tpu.memory_space<hbm>>
      tpu.enqueue_dma source(%dma_start3A_401 : memref<2048xi32, #tpu.memory_space<hbm>>) target(%arg8 : memref<2048xi32, #tpu.memory_space<vmem>>) target_semaphore(%run_scoped3A : memref<!tpu.dma_semaphore, #tpu.memory_space<semaphore_mem>>)
      %dma_wait3A_402 = tpu.memref_slice %arg2[%add3A_231] : memref<327680xi32, #tpu.memory_space<hbm>> -> memref<2048xi32, #tpu.memory_space<hbm>>
      %dma_wait3A_403 = tpu.memref_slice %arg2[%add3A_231] : memref<327680xi32, #tpu.memory_space<hbm>> -> memref<2048xi32, #tpu.memory_space<hbm>>
      tpu.wait_dma2 semaphore(%run_scoped3A : memref<!tpu.dma_semaphore, #tpu.memory_space<semaphore_mem>>) src(%dma_wait3A_403 : memref<2048xi32, #tpu.memory_space<hbm>>) dst(%arg8 : memref<2048xi32, #tpu.memory_space<vmem>>)
      tpu.yield
    }) : () -> ()
    %scan3A_232 = arith.constant 0 : i32
    %scan3A_233 = arith.constant 128 : i32
    %scan3A_234 = arith.addi %scan3A_232, %scan3A_233 : i32
    %scan3A_235 = arith.constant 1 : i32
    scf.for %scan3A_400 = %scan3A_232 to %scan3A_234 step %scan3A_235  : i32 {
      %mul3A_401 = arith.constant 1 : i32
      %mul3A_402 = arith.muli %scan3A_400, %mul3A_401 : i32
      %add3A_403 = arith.constant 0 : i32
      %add3A_404 = arith.addi %add3A_403, %mul3A_402 : i32
      %mul3A_405 = arith.constant 16 : i32
      %mul3A_406 = arith.muli %add3A_404, %mul3A_405 : i32
      %get3A = arith.index_cast %mul3A_406 : i32 to index
      %get3A_407 = tpu.vector_load %arg8[%get3A] {strides = array<i32>} : memref<2048xi32, #tpu.memory_space<vmem>>, vector<16xi32>,
      %add3A_408 = arith.constant 30720 : i32
      %add3A_409 = vector.broadcast %add3A_408 : i32 to vector<16xi32>
      %add3A_410 = arith.addi %get3A_407, %add3A_409 : vector<16xi32>
      %shift_right_logical3A = arith.constant 7 : i32
      %shift_right_logical3A_411 = vector.broadcast %shift_right_logical3A : i32 to vector<16xi32>
      %shift_right_logical3A_412 = arith.shrui %add3A_410, %shift_right_logical3A_411 : vector<16xi32>
      %and3A_413 = arith.constant 127 : i32
      %and3A_414 = vector.broadcast %and3A_413 : i32 to vector<16xi32>
      %and3A_415 = arith.andi %add3A_410, %and3A_414 : vector<16xi32>
      %broadcast_in_dim3A = arith.constant 1.000000e+00 : f32
      %broadcast_in_dim3A_416 = vector.broadcast %broadcast_in_dim3A : f32 to vector<16xf32>
      tpu.vector_store_idx %arg16[%shift_right_logical3A_412, %and3A_415], %broadcast_in_dim3A_416 {add = true} : memref<272x128xf32, #tpu.memory_space<vmem>>[vector<16xi32>, vector<16xi32>], vector<16xf32>,
    }
    %scan3A_236 = arith.constant 128 : i32
    %mul3A_237 = arith.constant 20480 : i32
    %mul3A_238 = arith.muli %arg1, %mul3A_237 : i32
    %add3A_239 = arith.constant 12288 : i32
    %add3A_240 = arith.addi %mul3A_238, %add3A_239 : i32
    "tpu.region"() ({
      %run_scoped3A = tpu.sem_alloc : memref<!tpu.dma_semaphore, #tpu.memory_space<semaphore_mem>>
      %dma_start3A_400 = tpu.memref_slice %arg2[%add3A_240] : memref<327680xi32, #tpu.memory_space<hbm>> -> memref<2048xi32, #tpu.memory_space<hbm>>
      %dma_start3A_401 = tpu.memref_slice %arg2[%add3A_240] : memref<327680xi32, #tpu.memory_space<hbm>> -> memref<2048xi32, #tpu.memory_space<hbm>>
      tpu.enqueue_dma source(%dma_start3A_401 : memref<2048xi32, #tpu.memory_space<hbm>>) target(%arg8 : memref<2048xi32, #tpu.memory_space<vmem>>) target_semaphore(%run_scoped3A : memref<!tpu.dma_semaphore, #tpu.memory_space<semaphore_mem>>)
      %dma_wait3A_402 = tpu.memref_slice %arg2[%add3A_240] : memref<327680xi32, #tpu.memory_space<hbm>> -> memref<2048xi32, #tpu.memory_space<hbm>>
      %dma_wait3A_403 = tpu.memref_slice %arg2[%add3A_240] : memref<327680xi32, #tpu.memory_space<hbm>> -> memref<2048xi32, #tpu.memory_space<hbm>>
      tpu.wait_dma2 semaphore(%run_scoped3A : memref<!tpu.dma_semaphore, #tpu.memory_space<semaphore_mem>>) src(%dma_wait3A_403 : memref<2048xi32, #tpu.memory_space<hbm>>) dst(%arg8 : memref<2048xi32, #tpu.memory_space<vmem>>)
      tpu.yield
    }) : () -> ()
    %scan3A_241 = arith.constant 0 : i32
    %scan3A_242 = arith.constant 128 : i32
    %scan3A_243 = arith.addi %scan3A_241, %scan3A_242 : i32
    %scan3A_244 = arith.constant 1 : i32
    scf.for %scan3A_400 = %scan3A_241 to %scan3A_243 step %scan3A_244  : i32 {
      %mul3A_401 = arith.constant 1 : i32
      %mul3A_402 = arith.muli %scan3A_400, %mul3A_401 : i32
      %add3A_403 = arith.constant 0 : i32
      %add3A_404 = arith.addi %add3A_403, %mul3A_402 : i32
      %mul3A_405 = arith.constant 16 : i32
      %mul3A_406 = arith.muli %add3A_404, %mul3A_405 : i32
      %get3A = arith.index_cast %mul3A_406 : i32 to index
      %get3A_407 = tpu.vector_load %arg8[%get3A] {strides = array<i32>} : memref<2048xi32, #tpu.memory_space<vmem>>, vector<16xi32>,
      %add3A_408 = arith.constant 30720 : i32
      %add3A_409 = vector.broadcast %add3A_408 : i32 to vector<16xi32>
      %add3A_410 = arith.addi %get3A_407, %add3A_409 : vector<16xi32>
      %shift_right_logical3A = arith.constant 7 : i32
      %shift_right_logical3A_411 = vector.broadcast %shift_right_logical3A : i32 to vector<16xi32>
      %shift_right_logical3A_412 = arith.shrui %add3A_410, %shift_right_logical3A_411 : vector<16xi32>
      %and3A_413 = arith.constant 127 : i32
      %and3A_414 = vector.broadcast %and3A_413 : i32 to vector<16xi32>
      %and3A_415 = arith.andi %add3A_410, %and3A_414 : vector<16xi32>
      %broadcast_in_dim3A = arith.constant 1.000000e+00 : f32
      %broadcast_in_dim3A_416 = vector.broadcast %broadcast_in_dim3A : f32 to vector<16xf32>
      tpu.vector_store_idx %arg16[%shift_right_logical3A_412, %and3A_415], %broadcast_in_dim3A_416 {add = true} : memref<272x128xf32, #tpu.memory_space<vmem>>[vector<16xi32>, vector<16xi32>], vector<16xf32>,
    }
    %scan3A_245 = arith.constant 128 : i32
    %mul3A_246 = arith.constant 20480 : i32
    %mul3A_247 = arith.muli %arg1, %mul3A_246 : i32
    %add3A_248 = arith.constant 14336 : i32
    %add3A_249 = arith.addi %mul3A_247, %add3A_248 : i32
    "tpu.region"() ({
      %run_scoped3A = tpu.sem_alloc : memref<!tpu.dma_semaphore, #tpu.memory_space<semaphore_mem>>
      %dma_start3A_400 = tpu.memref_slice %arg2[%add3A_249] : memref<327680xi32, #tpu.memory_space<hbm>> -> memref<2048xi32, #tpu.memory_space<hbm>>
      %dma_start3A_401 = tpu.memref_slice %arg2[%add3A_249] : memref<327680xi32, #tpu.memory_space<hbm>> -> memref<2048xi32, #tpu.memory_space<hbm>>
      tpu.enqueue_dma source(%dma_start3A_401 : memref<2048xi32, #tpu.memory_space<hbm>>) target(%arg8 : memref<2048xi32, #tpu.memory_space<vmem>>) target_semaphore(%run_scoped3A : memref<!tpu.dma_semaphore, #tpu.memory_space<semaphore_mem>>)
      %dma_wait3A_402 = tpu.memref_slice %arg2[%add3A_249] : memref<327680xi32, #tpu.memory_space<hbm>> -> memref<2048xi32, #tpu.memory_space<hbm>>
      %dma_wait3A_403 = tpu.memref_slice %arg2[%add3A_249] : memref<327680xi32, #tpu.memory_space<hbm>> -> memref<2048xi32, #tpu.memory_space<hbm>>
      tpu.wait_dma2 semaphore(%run_scoped3A : memref<!tpu.dma_semaphore, #tpu.memory_space<semaphore_mem>>) src(%dma_wait3A_403 : memref<2048xi32, #tpu.memory_space<hbm>>) dst(%arg8 : memref<2048xi32, #tpu.memory_space<vmem>>)
      tpu.yield
    }) : () -> ()
    %scan3A_250 = arith.constant 0 : i32
    %scan3A_251 = arith.constant 128 : i32
    %scan3A_252 = arith.addi %scan3A_250, %scan3A_251 : i32
    %scan3A_253 = arith.constant 1 : i32
    scf.for %scan3A_400 = %scan3A_250 to %scan3A_252 step %scan3A_253  : i32 {
      %mul3A_401 = arith.constant 1 : i32
      %mul3A_402 = arith.muli %scan3A_400, %mul3A_401 : i32
      %add3A_403 = arith.constant 0 : i32
      %add3A_404 = arith.addi %add3A_403, %mul3A_402 : i32
      %mul3A_405 = arith.constant 16 : i32
      %mul3A_406 = arith.muli %add3A_404, %mul3A_405 : i32
      %get3A = arith.index_cast %mul3A_406 : i32 to index
      %get3A_407 = tpu.vector_load %arg8[%get3A] {strides = array<i32>} : memref<2048xi32, #tpu.memory_space<vmem>>, vector<16xi32>,
      %add3A_408 = arith.constant 30720 : i32
      %add3A_409 = vector.broadcast %add3A_408 : i32 to vector<16xi32>
      %add3A_410 = arith.addi %get3A_407, %add3A_409 : vector<16xi32>
      %shift_right_logical3A = arith.constant 7 : i32
      %shift_right_logical3A_411 = vector.broadcast %shift_right_logical3A : i32 to vector<16xi32>
      %shift_right_logical3A_412 = arith.shrui %add3A_410, %shift_right_logical3A_411 : vector<16xi32>
      %and3A_413 = arith.constant 127 : i32
      %and3A_414 = vector.broadcast %and3A_413 : i32 to vector<16xi32>
      %and3A_415 = arith.andi %add3A_410, %and3A_414 : vector<16xi32>
      %broadcast_in_dim3A = arith.constant 1.000000e+00 : f32
      %broadcast_in_dim3A_416 = vector.broadcast %broadcast_in_dim3A : f32 to vector<16xf32>
      tpu.vector_store_idx %arg16[%shift_right_logical3A_412, %and3A_415], %broadcast_in_dim3A_416 {add = true} : memref<272x128xf32, #tpu.memory_space<vmem>>[vector<16xi32>, vector<16xi32>], vector<16xf32>,
    }
    %scan3A_254 = arith.constant 128 : i32
    %mul3A_255 = arith.constant 20480 : i32
    %mul3A_256 = arith.muli %arg1, %mul3A_255 : i32
    %add3A_257 = arith.constant 16384 : i32
    %add3A_258 = arith.addi %mul3A_256, %add3A_257 : i32
    "tpu.region"() ({
      %run_scoped3A = tpu.sem_alloc : memref<!tpu.dma_semaphore, #tpu.memory_space<semaphore_mem>>
      %dma_start3A_400 = tpu.memref_slice %arg2[%add3A_258] : memref<327680xi32, #tpu.memory_space<hbm>> -> memref<2048xi32, #tpu.memory_space<hbm>>
      %dma_start3A_401 = tpu.memref_slice %arg2[%add3A_258] : memref<327680xi32, #tpu.memory_space<hbm>> -> memref<2048xi32, #tpu.memory_space<hbm>>
      tpu.enqueue_dma source(%dma_start3A_401 : memref<2048xi32, #tpu.memory_space<hbm>>) target(%arg8 : memref<2048xi32, #tpu.memory_space<vmem>>) target_semaphore(%run_scoped3A : memref<!tpu.dma_semaphore, #tpu.memory_space<semaphore_mem>>)
      %dma_wait3A_402 = tpu.memref_slice %arg2[%add3A_258] : memref<327680xi32, #tpu.memory_space<hbm>> -> memref<2048xi32, #tpu.memory_space<hbm>>
      %dma_wait3A_403 = tpu.memref_slice %arg2[%add3A_258] : memref<327680xi32, #tpu.memory_space<hbm>> -> memref<2048xi32, #tpu.memory_space<hbm>>
      tpu.wait_dma2 semaphore(%run_scoped3A : memref<!tpu.dma_semaphore, #tpu.memory_space<semaphore_mem>>) src(%dma_wait3A_403 : memref<2048xi32, #tpu.memory_space<hbm>>) dst(%arg8 : memref<2048xi32, #tpu.memory_space<vmem>>)
      tpu.yield
    }) : () -> ()
    %scan3A_259 = arith.constant 0 : i32
    %scan3A_260 = arith.constant 128 : i32
    %scan3A_261 = arith.addi %scan3A_259, %scan3A_260 : i32
    %scan3A_262 = arith.constant 1 : i32
    scf.for %scan3A_400 = %scan3A_259 to %scan3A_261 step %scan3A_262  : i32 {
      %mul3A_401 = arith.constant 1 : i32
      %mul3A_402 = arith.muli %scan3A_400, %mul3A_401 : i32
      %add3A_403 = arith.constant 0 : i32
      %add3A_404 = arith.addi %add3A_403, %mul3A_402 : i32
      %mul3A_405 = arith.constant 16 : i32
      %mul3A_406 = arith.muli %add3A_404, %mul3A_405 : i32
      %get3A = arith.index_cast %mul3A_406 : i32 to index
      %get3A_407 = tpu.vector_load %arg8[%get3A] {strides = array<i32>} : memref<2048xi32, #tpu.memory_space<vmem>>, vector<16xi32>,
      %add3A_408 = arith.constant 30720 : i32
      %add3A_409 = vector.broadcast %add3A_408 : i32 to vector<16xi32>
      %add3A_410 = arith.addi %get3A_407, %add3A_409 : vector<16xi32>
      %shift_right_logical3A = arith.constant 7 : i32
      %shift_right_logical3A_411 = vector.broadcast %shift_right_logical3A : i32 to vector<16xi32>
      %shift_right_logical3A_412 = arith.shrui %add3A_410, %shift_right_logical3A_411 : vector<16xi32>
      %and3A_413 = arith.constant 127 : i32
      %and3A_414 = vector.broadcast %and3A_413 : i32 to vector<16xi32>
      %and3A_415 = arith.andi %add3A_410, %and3A_414 : vector<16xi32>
      %broadcast_in_dim3A = arith.constant 1.000000e+00 : f32
      %broadcast_in_dim3A_416 = vector.broadcast %broadcast_in_dim3A : f32 to vector<16xf32>
      tpu.vector_store_idx %arg16[%shift_right_logical3A_412, %and3A_415], %broadcast_in_dim3A_416 {add = true} : memref<272x128xf32, #tpu.memory_space<vmem>>[vector<16xi32>, vector<16xi32>], vector<16xf32>,
    }
    %scan3A_263 = arith.constant 128 : i32
    %mul3A_264 = arith.constant 20480 : i32
    %mul3A_265 = arith.muli %arg1, %mul3A_264 : i32
    %add3A_266 = arith.constant 18432 : i32
    %add3A_267 = arith.addi %mul3A_265, %add3A_266 : i32
    "tpu.region"() ({
      %run_scoped3A = tpu.sem_alloc : memref<!tpu.dma_semaphore, #tpu.memory_space<semaphore_mem>>
      %dma_start3A_400 = tpu.memref_slice %arg2[%add3A_267] : memref<327680xi32, #tpu.memory_space<hbm>> -> memref<2048xi32, #tpu.memory_space<hbm>>
      %dma_start3A_401 = tpu.memref_slice %arg2[%add3A_267] : memref<327680xi32, #tpu.memory_space<hbm>> -> memref<2048xi32, #tpu.memory_space<hbm>>
      tpu.enqueue_dma source(%dma_start3A_401 : memref<2048xi32, #tpu.memory_space<hbm>>) target(%arg8 : memref<2048xi32, #tpu.memory_space<vmem>>) target_semaphore(%run_scoped3A : memref<!tpu.dma_semaphore, #tpu.memory_space<semaphore_mem>>)
      %dma_wait3A_402 = tpu.memref_slice %arg2[%add3A_267] : memref<327680xi32, #tpu.memory_space<hbm>> -> memref<2048xi32, #tpu.memory_space<hbm>>
      %dma_wait3A_403 = tpu.memref_slice %arg2[%add3A_267] : memref<327680xi32, #tpu.memory_space<hbm>> -> memref<2048xi32, #tpu.memory_space<hbm>>
      tpu.wait_dma2 semaphore(%run_scoped3A : memref<!tpu.dma_semaphore, #tpu.memory_space<semaphore_mem>>) src(%dma_wait3A_403 : memref<2048xi32, #tpu.memory_space<hbm>>) dst(%arg8 : memref<2048xi32, #tpu.memory_space<vmem>>)
      tpu.yield
    }) : () -> ()
    %scan3A_268 = arith.constant 0 : i32
    %scan3A_269 = arith.constant 128 : i32
    %scan3A_270 = arith.addi %scan3A_268, %scan3A_269 : i32
    %scan3A_271 = arith.constant 1 : i32
    scf.for %scan3A_400 = %scan3A_268 to %scan3A_270 step %scan3A_271  : i32 {
      %mul3A_401 = arith.constant 1 : i32
      %mul3A_402 = arith.muli %scan3A_400, %mul3A_401 : i32
      %add3A_403 = arith.constant 0 : i32
      %add3A_404 = arith.addi %add3A_403, %mul3A_402 : i32
      %mul3A_405 = arith.constant 16 : i32
      %mul3A_406 = arith.muli %add3A_404, %mul3A_405 : i32
      %get3A = arith.index_cast %mul3A_406 : i32 to index
      %get3A_407 = tpu.vector_load %arg8[%get3A] {strides = array<i32>} : memref<2048xi32, #tpu.memory_space<vmem>>, vector<16xi32>,
      %add3A_408 = arith.constant 30720 : i32
      %add3A_409 = vector.broadcast %add3A_408 : i32 to vector<16xi32>
      %add3A_410 = arith.addi %get3A_407, %add3A_409 : vector<16xi32>
      %shift_right_logical3A = arith.constant 7 : i32
      %shift_right_logical3A_411 = vector.broadcast %shift_right_logical3A : i32 to vector<16xi32>
      %shift_right_logical3A_412 = arith.shrui %add3A_410, %shift_right_logical3A_411 : vector<16xi32>
      %and3A_413 = arith.constant 127 : i32
      %and3A_414 = vector.broadcast %and3A_413 : i32 to vector<16xi32>
      %and3A_415 = arith.andi %add3A_410, %and3A_414 : vector<16xi32>
      %broadcast_in_dim3A = arith.constant 1.000000e+00 : f32
      %broadcast_in_dim3A_416 = vector.broadcast %broadcast_in_dim3A : f32 to vector<16xf32>
      tpu.vector_store_idx %arg16[%shift_right_logical3A_412, %and3A_415], %broadcast_in_dim3A_416 {add = true} : memref<272x128xf32, #tpu.memory_space<vmem>>[vector<16xi32>, vector<16xi32>], vector<16xf32>,
    }
    %scan3A_272 = arith.constant 128 : i32
    %iota3A = tpu.iota {dimensions = array<i32: 0>} : vector<16xi32>
    %add3A_273 = arith.constant 0 : i32
    %add3A_274 = vector.broadcast %add3A_273 : i32 to vector<16xi32>
    %add3A_275 = arith.addi %iota3A, %add3A_274 : vector<16xi32>
    %swap3A = arith.constant 0 : index
    %swap3A_276 = tpu.vector_load %arg19[%swap3A] {strides = array<i32>} : memref<16xi32, #tpu.memory_space<vmem>>, vector<16xi32>,
    tpu.vector_store %arg19[%swap3A], %add3A_275 {strides = array<i32>} : memref<16xi32, #tpu.memory_space<vmem>>, vector<16xi32>,
    "tpu.region"() ({
      %run_scoped3A = tpu.sem_alloc : memref<!tpu.dma_semaphore, #tpu.memory_space<semaphore_mem>>
      %dma_start3A_400 = arith.constant 0 : i32
      %dma_start3A_401 = arith.constant 0 : i32
      %dma_start3A_402 = tpu.memref_slice %arg16[%dma_start3A_400, %dma_start3A_401] : memref<272x128xf32, #tpu.memory_space<vmem>> -> memref<16x128xf32, #tpu.memory_space<vmem>>
      %dma_start3A_403 = arith.constant 0 : i32
      %dma_start3A_404 = arith.constant 0 : i32
      %dma_start3A_405 = tpu.memref_slice %arg21[%dma_start3A_403, %dma_start3A_404] : memref<272x128xf32, #tpu.memory_space<vmem_shared>> -> memref<272x128xf32, #tpu.memory_space<vmem_shared>>
      tpu.enqueue_indirect_dma source(%dma_start3A_402 : memref<16x128xf32, #tpu.memory_space<vmem>>) target(%dma_start3A_405 : memref<272x128xf32, #tpu.memory_space<vmem_shared>>) offsets(%arg19 : memref<16xi32, #tpu.memory_space<vmem>>) semaphore(%run_scoped3A : memref<!tpu.dma_semaphore, #tpu.memory_space<semaphore_mem>>) {add = true}
      %dma_wait3A_406 = arith.constant 0 : i32
      %dma_wait3A_407 = arith.constant 0 : i32
      %dma_wait3A_408 = tpu.memref_slice %arg16[%dma_wait3A_406, %dma_wait3A_407] : memref<272x128xf32, #tpu.memory_space<vmem>> -> memref<16x128xf32, #tpu.memory_space<vmem>>
      %dma_wait3A_409 = arith.constant 0 : i32
      %dma_wait3A_410 = arith.constant 0 : i32
      %dma_wait3A_411 = tpu.memref_slice %arg21[%dma_wait3A_409, %dma_wait3A_410] : memref<272x128xf32, #tpu.memory_space<vmem_shared>> -> memref<272x128xf32, #tpu.memory_space<vmem_shared>>
      tpu.wait_indirect_dma semaphore(%run_scoped3A : memref<!tpu.dma_semaphore, #tpu.memory_space<semaphore_mem>>) src(%dma_wait3A_408 : memref<16x128xf32, #tpu.memory_space<vmem>>) dst(%dma_wait3A_411 : memref<272x128xf32, #tpu.memory_space<vmem_shared>>)
      tpu.yield
    }) : () -> ()
    %iota3A_277 = tpu.iota {dimensions = array<i32: 0>} : vector<16xi32>
    %add3A_278 = arith.constant 16 : i32
    %add3A_279 = vector.broadcast %add3A_278 : i32 to vector<16xi32>
    %add3A_280 = arith.addi %iota3A_277, %add3A_279 : vector<16xi32>
    %swap3A_281 = arith.constant 0 : index
    %swap3A_282 = tpu.vector_load %arg19[%swap3A_281] {strides = array<i32>} : memref<16xi32, #tpu.memory_space<vmem>>, vector<16xi32>,
    tpu.vector_store %arg19[%swap3A_281], %add3A_280 {strides = array<i32>} : memref<16xi32, #tpu.memory_space<vmem>>, vector<16xi32>,
    "tpu.region"() ({
      %run_scoped3A = tpu.sem_alloc : memref<!tpu.dma_semaphore, #tpu.memory_space<semaphore_mem>>
      %dma_start3A_400 = arith.constant 16 : i32
      %dma_start3A_401 = arith.constant 0 : i32
      %dma_start3A_402 = tpu.memref_slice %arg16[%dma_start3A_400, %dma_start3A_401] : memref<272x128xf32, #tpu.memory_space<vmem>> -> memref<16x128xf32, #tpu.memory_space<vmem>>
      %dma_start3A_403 = arith.constant 0 : i32
      %dma_start3A_404 = arith.constant 0 : i32
      %dma_start3A_405 = tpu.memref_slice %arg21[%dma_start3A_403, %dma_start3A_404] : memref<272x128xf32, #tpu.memory_space<vmem_shared>> -> memref<272x128xf32, #tpu.memory_space<vmem_shared>>
      tpu.enqueue_indirect_dma source(%dma_start3A_402 : memref<16x128xf32, #tpu.memory_space<vmem>>) target(%dma_start3A_405 : memref<272x128xf32, #tpu.memory_space<vmem_shared>>) offsets(%arg19 : memref<16xi32, #tpu.memory_space<vmem>>) semaphore(%run_scoped3A : memref<!tpu.dma_semaphore, #tpu.memory_space<semaphore_mem>>) {add = true}
      %dma_wait3A_406 = arith.constant 16 : i32
      %dma_wait3A_407 = arith.constant 0 : i32
      %dma_wait3A_408 = tpu.memref_slice %arg16[%dma_wait3A_406, %dma_wait3A_407] : memref<272x128xf32, #tpu.memory_space<vmem>> -> memref<16x128xf32, #tpu.memory_space<vmem>>
      %dma_wait3A_409 = arith.constant 0 : i32
      %dma_wait3A_410 = arith.constant 0 : i32
      %dma_wait3A_411 = tpu.memref_slice %arg21[%dma_wait3A_409, %dma_wait3A_410] : memref<272x128xf32, #tpu.memory_space<vmem_shared>> -> memref<272x128xf32, #tpu.memory_space<vmem_shared>>
      tpu.wait_indirect_dma semaphore(%run_scoped3A : memref<!tpu.dma_semaphore, #tpu.memory_space<semaphore_mem>>) src(%dma_wait3A_408 : memref<16x128xf32, #tpu.memory_space<vmem>>) dst(%dma_wait3A_411 : memref<272x128xf32, #tpu.memory_space<vmem_shared>>)
      tpu.yield
    }) : () -> ()
    %iota3A_283 = tpu.iota {dimensions = array<i32: 0>} : vector<16xi32>
    %add3A_284 = arith.constant 32 : i32
    %add3A_285 = vector.broadcast %add3A_284 : i32 to vector<16xi32>
    %add3A_286 = arith.addi %iota3A_283, %add3A_285 : vector<16xi32>
    %swap3A_287 = arith.constant 0 : index
    %swap3A_288 = tpu.vector_load %arg19[%swap3A_287] {strides = array<i32>} : memref<16xi32, #tpu.memory_space<vmem>>, vector<16xi32>,
    tpu.vector_store %arg19[%swap3A_287], %add3A_286 {strides = array<i32>} : memref<16xi32, #tpu.memory_space<vmem>>, vector<16xi32>,
    "tpu.region"() ({
      %run_scoped3A = tpu.sem_alloc : memref<!tpu.dma_semaphore, #tpu.memory_space<semaphore_mem>>
      %dma_start3A_400 = arith.constant 32 : i32
      %dma_start3A_401 = arith.constant 0 : i32
      %dma_start3A_402 = tpu.memref_slice %arg16[%dma_start3A_400, %dma_start3A_401] : memref<272x128xf32, #tpu.memory_space<vmem>> -> memref<16x128xf32, #tpu.memory_space<vmem>>
      %dma_start3A_403 = arith.constant 0 : i32
      %dma_start3A_404 = arith.constant 0 : i32
      %dma_start3A_405 = tpu.memref_slice %arg21[%dma_start3A_403, %dma_start3A_404] : memref<272x128xf32, #tpu.memory_space<vmem_shared>> -> memref<272x128xf32, #tpu.memory_space<vmem_shared>>
      tpu.enqueue_indirect_dma source(%dma_start3A_402 : memref<16x128xf32, #tpu.memory_space<vmem>>) target(%dma_start3A_405 : memref<272x128xf32, #tpu.memory_space<vmem_shared>>) offsets(%arg19 : memref<16xi32, #tpu.memory_space<vmem>>) semaphore(%run_scoped3A : memref<!tpu.dma_semaphore, #tpu.memory_space<semaphore_mem>>) {add = true}
      %dma_wait3A_406 = arith.constant 32 : i32
      %dma_wait3A_407 = arith.constant 0 : i32
      %dma_wait3A_408 = tpu.memref_slice %arg16[%dma_wait3A_406, %dma_wait3A_407] : memref<272x128xf32, #tpu.memory_space<vmem>> -> memref<16x128xf32, #tpu.memory_space<vmem>>
      %dma_wait3A_409 = arith.constant 0 : i32
      %dma_wait3A_410 = arith.constant 0 : i32
      %dma_wait3A_411 = tpu.memref_slice %arg21[%dma_wait3A_409, %dma_wait3A_410] : memref<272x128xf32, #tpu.memory_space<vmem_shared>> -> memref<272x128xf32, #tpu.memory_space<vmem_shared>>
      tpu.wait_indirect_dma semaphore(%run_scoped3A : memref<!tpu.dma_semaphore, #tpu.memory_space<semaphore_mem>>) src(%dma_wait3A_408 : memref<16x128xf32, #tpu.memory_space<vmem>>) dst(%dma_wait3A_411 : memref<272x128xf32, #tpu.memory_space<vmem_shared>>)
      tpu.yield
    }) : () -> ()
    %iota3A_289 = tpu.iota {dimensions = array<i32: 0>} : vector<16xi32>
    %add3A_290 = arith.constant 48 : i32
    %add3A_291 = vector.broadcast %add3A_290 : i32 to vector<16xi32>
    %add3A_292 = arith.addi %iota3A_289, %add3A_291 : vector<16xi32>
    %swap3A_293 = arith.constant 0 : index
    %swap3A_294 = tpu.vector_load %arg19[%swap3A_293] {strides = array<i32>} : memref<16xi32, #tpu.memory_space<vmem>>, vector<16xi32>,
    tpu.vector_store %arg19[%swap3A_293], %add3A_292 {strides = array<i32>} : memref<16xi32, #tpu.memory_space<vmem>>, vector<16xi32>,
    "tpu.region"() ({
      %run_scoped3A = tpu.sem_alloc : memref<!tpu.dma_semaphore, #tpu.memory_space<semaphore_mem>>
      %dma_start3A_400 = arith.constant 48 : i32
      %dma_start3A_401 = arith.constant 0 : i32
      %dma_start3A_402 = tpu.memref_slice %arg16[%dma_start3A_400, %dma_start3A_401] : memref<272x128xf32, #tpu.memory_space<vmem>> -> memref<16x128xf32, #tpu.memory_space<vmem>>
      %dma_start3A_403 = arith.constant 0 : i32
      %dma_start3A_404 = arith.constant 0 : i32
      %dma_start3A_405 = tpu.memref_slice %arg21[%dma_start3A_403, %dma_start3A_404] : memref<272x128xf32, #tpu.memory_space<vmem_shared>> -> memref<272x128xf32, #tpu.memory_space<vmem_shared>>
      tpu.enqueue_indirect_dma source(%dma_start3A_402 : memref<16x128xf32, #tpu.memory_space<vmem>>) target(%dma_start3A_405 : memref<272x128xf32, #tpu.memory_space<vmem_shared>>) offsets(%arg19 : memref<16xi32, #tpu.memory_space<vmem>>) semaphore(%run_scoped3A : memref<!tpu.dma_semaphore, #tpu.memory_space<semaphore_mem>>) {add = true}
      %dma_wait3A_406 = arith.constant 48 : i32
      %dma_wait3A_407 = arith.constant 0 : i32
      %dma_wait3A_408 = tpu.memref_slice %arg16[%dma_wait3A_406, %dma_wait3A_407] : memref<272x128xf32, #tpu.memory_space<vmem>> -> memref<16x128xf32, #tpu.memory_space<vmem>>
      %dma_wait3A_409 = arith.constant 0 : i32
      %dma_wait3A_410 = arith.constant 0 : i32
      %dma_wait3A_411 = tpu.memref_slice %arg21[%dma_wait3A_409, %dma_wait3A_410] : memref<272x128xf32, #tpu.memory_space<vmem_shared>> -> memref<272x128xf32, #tpu.memory_space<vmem_shared>>
      tpu.wait_indirect_dma semaphore(%run_scoped3A : memref<!tpu.dma_semaphore, #tpu.memory_space<semaphore_mem>>) src(%dma_wait3A_408 : memref<16x128xf32, #tpu.memory_space<vmem>>) dst(%dma_wait3A_411 : memref<272x128xf32, #tpu.memory_space<vmem_shared>>)
      tpu.yield
    }) : () -> ()
    %iota3A_295 = tpu.iota {dimensions = array<i32: 0>} : vector<16xi32>
    %add3A_296 = arith.constant 64 : i32
    %add3A_297 = vector.broadcast %add3A_296 : i32 to vector<16xi32>
    %add3A_298 = arith.addi %iota3A_295, %add3A_297 : vector<16xi32>
    %swap3A_299 = arith.constant 0 : index
    %swap3A_300 = tpu.vector_load %arg19[%swap3A_299] {strides = array<i32>} : memref<16xi32, #tpu.memory_space<vmem>>, vector<16xi32>,
    tpu.vector_store %arg19[%swap3A_299], %add3A_298 {strides = array<i32>} : memref<16xi32, #tpu.memory_space<vmem>>, vector<16xi32>,
    "tpu.region"() ({
      %run_scoped3A = tpu.sem_alloc : memref<!tpu.dma_semaphore, #tpu.memory_space<semaphore_mem>>
      %dma_start3A_400 = arith.constant 64 : i32
      %dma_start3A_401 = arith.constant 0 : i32
      %dma_start3A_402 = tpu.memref_slice %arg16[%dma_start3A_400, %dma_start3A_401] : memref<272x128xf32, #tpu.memory_space<vmem>> -> memref<16x128xf32, #tpu.memory_space<vmem>>
      %dma_start3A_403 = arith.constant 0 : i32
      %dma_start3A_404 = arith.constant 0 : i32
      %dma_start3A_405 = tpu.memref_slice %arg21[%dma_start3A_403, %dma_start3A_404] : memref<272x128xf32, #tpu.memory_space<vmem_shared>> -> memref<272x128xf32, #tpu.memory_space<vmem_shared>>
      tpu.enqueue_indirect_dma source(%dma_start3A_402 : memref<16x128xf32, #tpu.memory_space<vmem>>) target(%dma_start3A_405 : memref<272x128xf32, #tpu.memory_space<vmem_shared>>) offsets(%arg19 : memref<16xi32, #tpu.memory_space<vmem>>) semaphore(%run_scoped3A : memref<!tpu.dma_semaphore, #tpu.memory_space<semaphore_mem>>) {add = true}
      %dma_wait3A_406 = arith.constant 64 : i32
      %dma_wait3A_407 = arith.constant 0 : i32
      %dma_wait3A_408 = tpu.memref_slice %arg16[%dma_wait3A_406, %dma_wait3A_407] : memref<272x128xf32, #tpu.memory_space<vmem>> -> memref<16x128xf32, #tpu.memory_space<vmem>>
      %dma_wait3A_409 = arith.constant 0 : i32
      %dma_wait3A_410 = arith.constant 0 : i32
      %dma_wait3A_411 = tpu.memref_slice %arg21[%dma_wait3A_409, %dma_wait3A_410] : memref<272x128xf32, #tpu.memory_space<vmem_shared>> -> memref<272x128xf32, #tpu.memory_space<vmem_shared>>
      tpu.wait_indirect_dma semaphore(%run_scoped3A : memref<!tpu.dma_semaphore, #tpu.memory_space<semaphore_mem>>) src(%dma_wait3A_408 : memref<16x128xf32, #tpu.memory_space<vmem>>) dst(%dma_wait3A_411 : memref<272x128xf32, #tpu.memory_space<vmem_shared>>)
      tpu.yield
    }) : () -> ()
    %iota3A_301 = tpu.iota {dimensions = array<i32: 0>} : vector<16xi32>
    %add3A_302 = arith.constant 80 : i32
    %add3A_303 = vector.broadcast %add3A_302 : i32 to vector<16xi32>
    %add3A_304 = arith.addi %iota3A_301, %add3A_303 : vector<16xi32>
    %swap3A_305 = arith.constant 0 : index
    %swap3A_306 = tpu.vector_load %arg19[%swap3A_305] {strides = array<i32>} : memref<16xi32, #tpu.memory_space<vmem>>, vector<16xi32>,
    tpu.vector_store %arg19[%swap3A_305], %add3A_304 {strides = array<i32>} : memref<16xi32, #tpu.memory_space<vmem>>, vector<16xi32>,
    "tpu.region"() ({
      %run_scoped3A = tpu.sem_alloc : memref<!tpu.dma_semaphore, #tpu.memory_space<semaphore_mem>>
      %dma_start3A_400 = arith.constant 80 : i32
      %dma_start3A_401 = arith.constant 0 : i32
      %dma_start3A_402 = tpu.memref_slice %arg16[%dma_start3A_400, %dma_start3A_401] : memref<272x128xf32, #tpu.memory_space<vmem>> -> memref<16x128xf32, #tpu.memory_space<vmem>>
      %dma_start3A_403 = arith.constant 0 : i32
      %dma_start3A_404 = arith.constant 0 : i32
      %dma_start3A_405 = tpu.memref_slice %arg21[%dma_start3A_403, %dma_start3A_404] : memref<272x128xf32, #tpu.memory_space<vmem_shared>> -> memref<272x128xf32, #tpu.memory_space<vmem_shared>>
      tpu.enqueue_indirect_dma source(%dma_start3A_402 : memref<16x128xf32, #tpu.memory_space<vmem>>) target(%dma_start3A_405 : memref<272x128xf32, #tpu.memory_space<vmem_shared>>) offsets(%arg19 : memref<16xi32, #tpu.memory_space<vmem>>) semaphore(%run_scoped3A : memref<!tpu.dma_semaphore, #tpu.memory_space<semaphore_mem>>) {add = true}
      %dma_wait3A_406 = arith.constant 80 : i32
      %dma_wait3A_407 = arith.constant 0 : i32
      %dma_wait3A_408 = tpu.memref_slice %arg16[%dma_wait3A_406, %dma_wait3A_407] : memref<272x128xf32, #tpu.memory_space<vmem>> -> memref<16x128xf32, #tpu.memory_space<vmem>>
      %dma_wait3A_409 = arith.constant 0 : i32
      %dma_wait3A_410 = arith.constant 0 : i32
      %dma_wait3A_411 = tpu.memref_slice %arg21[%dma_wait3A_409, %dma_wait3A_410] : memref<272x128xf32, #tpu.memory_space<vmem_shared>> -> memref<272x128xf32, #tpu.memory_space<vmem_shared>>
      tpu.wait_indirect_dma semaphore(%run_scoped3A : memref<!tpu.dma_semaphore, #tpu.memory_space<semaphore_mem>>) src(%dma_wait3A_408 : memref<16x128xf32, #tpu.memory_space<vmem>>) dst(%dma_wait3A_411 : memref<272x128xf32, #tpu.memory_space<vmem_shared>>)
      tpu.yield
    }) : () -> ()
    %iota3A_307 = tpu.iota {dimensions = array<i32: 0>} : vector<16xi32>
    %add3A_308 = arith.constant 96 : i32
    %add3A_309 = vector.broadcast %add3A_308 : i32 to vector<16xi32>
    %add3A_310 = arith.addi %iota3A_307, %add3A_309 : vector<16xi32>
    %swap3A_311 = arith.constant 0 : index
    %swap3A_312 = tpu.vector_load %arg19[%swap3A_311] {strides = array<i32>} : memref<16xi32, #tpu.memory_space<vmem>>, vector<16xi32>,
    tpu.vector_store %arg19[%swap3A_311], %add3A_310 {strides = array<i32>} : memref<16xi32, #tpu.memory_space<vmem>>, vector<16xi32>,
    "tpu.region"() ({
      %run_scoped3A = tpu.sem_alloc : memref<!tpu.dma_semaphore, #tpu.memory_space<semaphore_mem>>
      %dma_start3A_400 = arith.constant 96 : i32
      %dma_start3A_401 = arith.constant 0 : i32
      %dma_start3A_402 = tpu.memref_slice %arg16[%dma_start3A_400, %dma_start3A_401] : memref<272x128xf32, #tpu.memory_space<vmem>> -> memref<16x128xf32, #tpu.memory_space<vmem>>
      %dma_start3A_403 = arith.constant 0 : i32
      %dma_start3A_404 = arith.constant 0 : i32
      %dma_start3A_405 = tpu.memref_slice %arg21[%dma_start3A_403, %dma_start3A_404] : memref<272x128xf32, #tpu.memory_space<vmem_shared>> -> memref<272x128xf32, #tpu.memory_space<vmem_shared>>
      tpu.enqueue_indirect_dma source(%dma_start3A_402 : memref<16x128xf32, #tpu.memory_space<vmem>>) target(%dma_start3A_405 : memref<272x128xf32, #tpu.memory_space<vmem_shared>>) offsets(%arg19 : memref<16xi32, #tpu.memory_space<vmem>>) semaphore(%run_scoped3A : memref<!tpu.dma_semaphore, #tpu.memory_space<semaphore_mem>>) {add = true}
      %dma_wait3A_406 = arith.constant 96 : i32
      %dma_wait3A_407 = arith.constant 0 : i32
      %dma_wait3A_408 = tpu.memref_slice %arg16[%dma_wait3A_406, %dma_wait3A_407] : memref<272x128xf32, #tpu.memory_space<vmem>> -> memref<16x128xf32, #tpu.memory_space<vmem>>
      %dma_wait3A_409 = arith.constant 0 : i32
      %dma_wait3A_410 = arith.constant 0 : i32
      %dma_wait3A_411 = tpu.memref_slice %arg21[%dma_wait3A_409, %dma_wait3A_410] : memref<272x128xf32, #tpu.memory_space<vmem_shared>> -> memref<272x128xf32, #tpu.memory_space<vmem_shared>>
      tpu.wait_indirect_dma semaphore(%run_scoped3A : memref<!tpu.dma_semaphore, #tpu.memory_space<semaphore_mem>>) src(%dma_wait3A_408 : memref<16x128xf32, #tpu.memory_space<vmem>>) dst(%dma_wait3A_411 : memref<272x128xf32, #tpu.memory_space<vmem_shared>>)
      tpu.yield
    }) : () -> ()
    %iota3A_313 = tpu.iota {dimensions = array<i32: 0>} : vector<16xi32>
    %add3A_314 = arith.constant 112 : i32
    %add3A_315 = vector.broadcast %add3A_314 : i32 to vector<16xi32>
    %add3A_316 = arith.addi %iota3A_313, %add3A_315 : vector<16xi32>
    %swap3A_317 = arith.constant 0 : index
    %swap3A_318 = tpu.vector_load %arg19[%swap3A_317] {strides = array<i32>} : memref<16xi32, #tpu.memory_space<vmem>>, vector<16xi32>,
    tpu.vector_store %arg19[%swap3A_317], %add3A_316 {strides = array<i32>} : memref<16xi32, #tpu.memory_space<vmem>>, vector<16xi32>,
    "tpu.region"() ({
      %run_scoped3A = tpu.sem_alloc : memref<!tpu.dma_semaphore, #tpu.memory_space<semaphore_mem>>
      %dma_start3A_400 = arith.constant 112 : i32
      %dma_start3A_401 = arith.constant 0 : i32
      %dma_start3A_402 = tpu.memref_slice %arg16[%dma_start3A_400, %dma_start3A_401] : memref<272x128xf32, #tpu.memory_space<vmem>> -> memref<16x128xf32, #tpu.memory_space<vmem>>
      %dma_start3A_403 = arith.constant 0 : i32
      %dma_start3A_404 = arith.constant 0 : i32
      %dma_start3A_405 = tpu.memref_slice %arg21[%dma_start3A_403, %dma_start3A_404] : memref<272x128xf32, #tpu.memory_space<vmem_shared>> -> memref<272x128xf32, #tpu.memory_space<vmem_shared>>
      tpu.enqueue_indirect_dma source(%dma_start3A_402 : memref<16x128xf32, #tpu.memory_space<vmem>>) target(%dma_start3A_405 : memref<272x128xf32, #tpu.memory_space<vmem_shared>>) offsets(%arg19 : memref<16xi32, #tpu.memory_space<vmem>>) semaphore(%run_scoped3A : memref<!tpu.dma_semaphore, #tpu.memory_space<semaphore_mem>>) {add = true}
      %dma_wait3A_406 = arith.constant 112 : i32
      %dma_wait3A_407 = arith.constant 0 : i32
      %dma_wait3A_408 = tpu.memref_slice %arg16[%dma_wait3A_406, %dma_wait3A_407] : memref<272x128xf32, #tpu.memory_space<vmem>> -> memref<16x128xf32, #tpu.memory_space<vmem>>
      %dma_wait3A_409 = arith.constant 0 : i32
      %dma_wait3A_410 = arith.constant 0 : i32
      %dma_wait3A_411 = tpu.memref_slice %arg21[%dma_wait3A_409, %dma_wait3A_410] : memref<272x128xf32, #tpu.memory_space<vmem_shared>> -> memref<272x128xf32, #tpu.memory_space<vmem_shared>>
      tpu.wait_indirect_dma semaphore(%run_scoped3A : memref<!tpu.dma_semaphore, #tpu.memory_space<semaphore_mem>>) src(%dma_wait3A_408 : memref<16x128xf32, #tpu.memory_space<vmem>>) dst(%dma_wait3A_411 : memref<272x128xf32, #tpu.memory_space<vmem_shared>>)
      tpu.yield
    }) : () -> ()
    %iota3A_319 = tpu.iota {dimensions = array<i32: 0>} : vector<16xi32>
    %add3A_320 = arith.constant 128 : i32
    %add3A_321 = vector.broadcast %add3A_320 : i32 to vector<16xi32>
    %add3A_322 = arith.addi %iota3A_319, %add3A_321 : vector<16xi32>
    %swap3A_323 = arith.constant 0 : index
    %swap3A_324 = tpu.vector_load %arg19[%swap3A_323] {strides = array<i32>} : memref<16xi32, #tpu.memory_space<vmem>>, vector<16xi32>,
    tpu.vector_store %arg19[%swap3A_323], %add3A_322 {strides = array<i32>} : memref<16xi32, #tpu.memory_space<vmem>>, vector<16xi32>,
    "tpu.region"() ({
      %run_scoped3A = tpu.sem_alloc : memref<!tpu.dma_semaphore, #tpu.memory_space<semaphore_mem>>
      %dma_start3A_400 = arith.constant 128 : i32
      %dma_start3A_401 = arith.constant 0 : i32
      %dma_start3A_402 = tpu.memref_slice %arg16[%dma_start3A_400, %dma_start3A_401] : memref<272x128xf32, #tpu.memory_space<vmem>> -> memref<16x128xf32, #tpu.memory_space<vmem>>
      %dma_start3A_403 = arith.constant 0 : i32
      %dma_start3A_404 = arith.constant 0 : i32
      %dma_start3A_405 = tpu.memref_slice %arg21[%dma_start3A_403, %dma_start3A_404] : memref<272x128xf32, #tpu.memory_space<vmem_shared>> -> memref<272x128xf32, #tpu.memory_space<vmem_shared>>
      tpu.enqueue_indirect_dma source(%dma_start3A_402 : memref<16x128xf32, #tpu.memory_space<vmem>>) target(%dma_start3A_405 : memref<272x128xf32, #tpu.memory_space<vmem_shared>>) offsets(%arg19 : memref<16xi32, #tpu.memory_space<vmem>>) semaphore(%run_scoped3A : memref<!tpu.dma_semaphore, #tpu.memory_space<semaphore_mem>>) {add = true}
      %dma_wait3A_406 = arith.constant 128 : i32
      %dma_wait3A_407 = arith.constant 0 : i32
      %dma_wait3A_408 = tpu.memref_slice %arg16[%dma_wait3A_406, %dma_wait3A_407] : memref<272x128xf32, #tpu.memory_space<vmem>> -> memref<16x128xf32, #tpu.memory_space<vmem>>
      %dma_wait3A_409 = arith.constant 0 : i32
      %dma_wait3A_410 = arith.constant 0 : i32
      %dma_wait3A_411 = tpu.memref_slice %arg21[%dma_wait3A_409, %dma_wait3A_410] : memref<272x128xf32, #tpu.memory_space<vmem_shared>> -> memref<272x128xf32, #tpu.memory_space<vmem_shared>>
      tpu.wait_indirect_dma semaphore(%run_scoped3A : memref<!tpu.dma_semaphore, #tpu.memory_space<semaphore_mem>>) src(%dma_wait3A_408 : memref<16x128xf32, #tpu.memory_space<vmem>>) dst(%dma_wait3A_411 : memref<272x128xf32, #tpu.memory_space<vmem_shared>>)
      tpu.yield
    }) : () -> ()
    %iota3A_325 = tpu.iota {dimensions = array<i32: 0>} : vector<16xi32>
    %add3A_326 = arith.constant 144 : i32
    %add3A_327 = vector.broadcast %add3A_326 : i32 to vector<16xi32>
    %add3A_328 = arith.addi %iota3A_325, %add3A_327 : vector<16xi32>
    %swap3A_329 = arith.constant 0 : index
    %swap3A_330 = tpu.vector_load %arg19[%swap3A_329] {strides = array<i32>} : memref<16xi32, #tpu.memory_space<vmem>>, vector<16xi32>,
    tpu.vector_store %arg19[%swap3A_329], %add3A_328 {strides = array<i32>} : memref<16xi32, #tpu.memory_space<vmem>>, vector<16xi32>,
    "tpu.region"() ({
      %run_scoped3A = tpu.sem_alloc : memref<!tpu.dma_semaphore, #tpu.memory_space<semaphore_mem>>
      %dma_start3A_400 = arith.constant 144 : i32
      %dma_start3A_401 = arith.constant 0 : i32
      %dma_start3A_402 = tpu.memref_slice %arg16[%dma_start3A_400, %dma_start3A_401] : memref<272x128xf32, #tpu.memory_space<vmem>> -> memref<16x128xf32, #tpu.memory_space<vmem>>
      %dma_start3A_403 = arith.constant 0 : i32
      %dma_start3A_404 = arith.constant 0 : i32
      %dma_start3A_405 = tpu.memref_slice %arg21[%dma_start3A_403, %dma_start3A_404] : memref<272x128xf32, #tpu.memory_space<vmem_shared>> -> memref<272x128xf32, #tpu.memory_space<vmem_shared>>
      tpu.enqueue_indirect_dma source(%dma_start3A_402 : memref<16x128xf32, #tpu.memory_space<vmem>>) target(%dma_start3A_405 : memref<272x128xf32, #tpu.memory_space<vmem_shared>>) offsets(%arg19 : memref<16xi32, #tpu.memory_space<vmem>>) semaphore(%run_scoped3A : memref<!tpu.dma_semaphore, #tpu.memory_space<semaphore_mem>>) {add = true}
      %dma_wait3A_406 = arith.constant 144 : i32
      %dma_wait3A_407 = arith.constant 0 : i32
      %dma_wait3A_408 = tpu.memref_slice %arg16[%dma_wait3A_406, %dma_wait3A_407] : memref<272x128xf32, #tpu.memory_space<vmem>> -> memref<16x128xf32, #tpu.memory_space<vmem>>
      %dma_wait3A_409 = arith.constant 0 : i32
      %dma_wait3A_410 = arith.constant 0 : i32
      %dma_wait3A_411 = tpu.memref_slice %arg21[%dma_wait3A_409, %dma_wait3A_410] : memref<272x128xf32, #tpu.memory_space<vmem_shared>> -> memref<272x128xf32, #tpu.memory_space<vmem_shared>>
      tpu.wait_indirect_dma semaphore(%run_scoped3A : memref<!tpu.dma_semaphore, #tpu.memory_space<semaphore_mem>>) src(%dma_wait3A_408 : memref<16x128xf32, #tpu.memory_space<vmem>>) dst(%dma_wait3A_411 : memref<272x128xf32, #tpu.memory_space<vmem_shared>>)
      tpu.yield
    }) : () -> ()
    %iota3A_331 = tpu.iota {dimensions = array<i32: 0>} : vector<16xi32>
    %add3A_332 = arith.constant 160 : i32
    %add3A_333 = vector.broadcast %add3A_332 : i32 to vector<16xi32>
    %add3A_334 = arith.addi %iota3A_331, %add3A_333 : vector<16xi32>
    %swap3A_335 = arith.constant 0 : index
    %swap3A_336 = tpu.vector_load %arg19[%swap3A_335] {strides = array<i32>} : memref<16xi32, #tpu.memory_space<vmem>>, vector<16xi32>,
    tpu.vector_store %arg19[%swap3A_335], %add3A_334 {strides = array<i32>} : memref<16xi32, #tpu.memory_space<vmem>>, vector<16xi32>,
    "tpu.region"() ({
      %run_scoped3A = tpu.sem_alloc : memref<!tpu.dma_semaphore, #tpu.memory_space<semaphore_mem>>
      %dma_start3A_400 = arith.constant 160 : i32
      %dma_start3A_401 = arith.constant 0 : i32
      %dma_start3A_402 = tpu.memref_slice %arg16[%dma_start3A_400, %dma_start3A_401] : memref<272x128xf32, #tpu.memory_space<vmem>> -> memref<16x128xf32, #tpu.memory_space<vmem>>
      %dma_start3A_403 = arith.constant 0 : i32
      %dma_start3A_404 = arith.constant 0 : i32
      %dma_start3A_405 = tpu.memref_slice %arg21[%dma_start3A_403, %dma_start3A_404] : memref<272x128xf32, #tpu.memory_space<vmem_shared>> -> memref<272x128xf32, #tpu.memory_space<vmem_shared>>
      tpu.enqueue_indirect_dma source(%dma_start3A_402 : memref<16x128xf32, #tpu.memory_space<vmem>>) target(%dma_start3A_405 : memref<272x128xf32, #tpu.memory_space<vmem_shared>>) offsets(%arg19 : memref<16xi32, #tpu.memory_space<vmem>>) semaphore(%run_scoped3A : memref<!tpu.dma_semaphore, #tpu.memory_space<semaphore_mem>>) {add = true}
      %dma_wait3A_406 = arith.constant 160 : i32
      %dma_wait3A_407 = arith.constant 0 : i32
      %dma_wait3A_408 = tpu.memref_slice %arg16[%dma_wait3A_406, %dma_wait3A_407] : memref<272x128xf32, #tpu.memory_space<vmem>> -> memref<16x128xf32, #tpu.memory_space<vmem>>
      %dma_wait3A_409 = arith.constant 0 : i32
      %dma_wait3A_410 = arith.constant 0 : i32
      %dma_wait3A_411 = tpu.memref_slice %arg21[%dma_wait3A_409, %dma_wait3A_410] : memref<272x128xf32, #tpu.memory_space<vmem_shared>> -> memref<272x128xf32, #tpu.memory_space<vmem_shared>>
      tpu.wait_indirect_dma semaphore(%run_scoped3A : memref<!tpu.dma_semaphore, #tpu.memory_space<semaphore_mem>>) src(%dma_wait3A_408 : memref<16x128xf32, #tpu.memory_space<vmem>>) dst(%dma_wait3A_411 : memref<272x128xf32, #tpu.memory_space<vmem_shared>>)
      tpu.yield
    }) : () -> ()
    %iota3A_337 = tpu.iota {dimensions = array<i32: 0>} : vector<16xi32>
    %add3A_338 = arith.constant 176 : i32
    %add3A_339 = vector.broadcast %add3A_338 : i32 to vector<16xi32>
    %add3A_340 = arith.addi %iota3A_337, %add3A_339 : vector<16xi32>
    %swap3A_341 = arith.constant 0 : index
    %swap3A_342 = tpu.vector_load %arg19[%swap3A_341] {strides = array<i32>} : memref<16xi32, #tpu.memory_space<vmem>>, vector<16xi32>,
    tpu.vector_store %arg19[%swap3A_341], %add3A_340 {strides = array<i32>} : memref<16xi32, #tpu.memory_space<vmem>>, vector<16xi32>,
    "tpu.region"() ({
      %run_scoped3A = tpu.sem_alloc : memref<!tpu.dma_semaphore, #tpu.memory_space<semaphore_mem>>
      %dma_start3A_400 = arith.constant 176 : i32
      %dma_start3A_401 = arith.constant 0 : i32
      %dma_start3A_402 = tpu.memref_slice %arg16[%dma_start3A_400, %dma_start3A_401] : memref<272x128xf32, #tpu.memory_space<vmem>> -> memref<16x128xf32, #tpu.memory_space<vmem>>
      %dma_start3A_403 = arith.constant 0 : i32
      %dma_start3A_404 = arith.constant 0 : i32
      %dma_start3A_405 = tpu.memref_slice %arg21[%dma_start3A_403, %dma_start3A_404] : memref<272x128xf32, #tpu.memory_space<vmem_shared>> -> memref<272x128xf32, #tpu.memory_space<vmem_shared>>
      tpu.enqueue_indirect_dma source(%dma_start3A_402 : memref<16x128xf32, #tpu.memory_space<vmem>>) target(%dma_start3A_405 : memref<272x128xf32, #tpu.memory_space<vmem_shared>>) offsets(%arg19 : memref<16xi32, #tpu.memory_space<vmem>>) semaphore(%run_scoped3A : memref<!tpu.dma_semaphore, #tpu.memory_space<semaphore_mem>>) {add = true}
      %dma_wait3A_406 = arith.constant 176 : i32
      %dma_wait3A_407 = arith.constant 0 : i32
      %dma_wait3A_408 = tpu.memref_slice %arg16[%dma_wait3A_406, %dma_wait3A_407] : memref<272x128xf32, #tpu.memory_space<vmem>> -> memref<16x128xf32, #tpu.memory_space<vmem>>
      %dma_wait3A_409 = arith.constant 0 : i32
      %dma_wait3A_410 = arith.constant 0 : i32
      %dma_wait3A_411 = tpu.memref_slice %arg21[%dma_wait3A_409, %dma_wait3A_410] : memref<272x128xf32, #tpu.memory_space<vmem_shared>> -> memref<272x128xf32, #tpu.memory_space<vmem_shared>>
      tpu.wait_indirect_dma semaphore(%run_scoped3A : memref<!tpu.dma_semaphore, #tpu.memory_space<semaphore_mem>>) src(%dma_wait3A_408 : memref<16x128xf32, #tpu.memory_space<vmem>>) dst(%dma_wait3A_411 : memref<272x128xf32, #tpu.memory_space<vmem_shared>>)
      tpu.yield
    }) : () -> ()
    %iota3A_343 = tpu.iota {dimensions = array<i32: 0>} : vector<16xi32>
    %add3A_344 = arith.constant 192 : i32
    %add3A_345 = vector.broadcast %add3A_344 : i32 to vector<16xi32>
    %add3A_346 = arith.addi %iota3A_343, %add3A_345 : vector<16xi32>
    %swap3A_347 = arith.constant 0 : index
    %swap3A_348 = tpu.vector_load %arg19[%swap3A_347] {strides = array<i32>} : memref<16xi32, #tpu.memory_space<vmem>>, vector<16xi32>,
    tpu.vector_store %arg19[%swap3A_347], %add3A_346 {strides = array<i32>} : memref<16xi32, #tpu.memory_space<vmem>>, vector<16xi32>,
    "tpu.region"() ({
      %run_scoped3A = tpu.sem_alloc : memref<!tpu.dma_semaphore, #tpu.memory_space<semaphore_mem>>
      %dma_start3A_400 = arith.constant 192 : i32
      %dma_start3A_401 = arith.constant 0 : i32
      %dma_start3A_402 = tpu.memref_slice %arg16[%dma_start3A_400, %dma_start3A_401] : memref<272x128xf32, #tpu.memory_space<vmem>> -> memref<16x128xf32, #tpu.memory_space<vmem>>
      %dma_start3A_403 = arith.constant 0 : i32
      %dma_start3A_404 = arith.constant 0 : i32
      %dma_start3A_405 = tpu.memref_slice %arg21[%dma_start3A_403, %dma_start3A_404] : memref<272x128xf32, #tpu.memory_space<vmem_shared>> -> memref<272x128xf32, #tpu.memory_space<vmem_shared>>
      tpu.enqueue_indirect_dma source(%dma_start3A_402 : memref<16x128xf32, #tpu.memory_space<vmem>>) target(%dma_start3A_405 : memref<272x128xf32, #tpu.memory_space<vmem_shared>>) offsets(%arg19 : memref<16xi32, #tpu.memory_space<vmem>>) semaphore(%run_scoped3A : memref<!tpu.dma_semaphore, #tpu.memory_space<semaphore_mem>>) {add = true}
      %dma_wait3A_406 = arith.constant 192 : i32
      %dma_wait3A_407 = arith.constant 0 : i32
      %dma_wait3A_408 = tpu.memref_slice %arg16[%dma_wait3A_406, %dma_wait3A_407] : memref<272x128xf32, #tpu.memory_space<vmem>> -> memref<16x128xf32, #tpu.memory_space<vmem>>
      %dma_wait3A_409 = arith.constant 0 : i32
      %dma_wait3A_410 = arith.constant 0 : i32
      %dma_wait3A_411 = tpu.memref_slice %arg21[%dma_wait3A_409, %dma_wait3A_410] : memref<272x128xf32, #tpu.memory_space<vmem_shared>> -> memref<272x128xf32, #tpu.memory_space<vmem_shared>>
      tpu.wait_indirect_dma semaphore(%run_scoped3A : memref<!tpu.dma_semaphore, #tpu.memory_space<semaphore_mem>>) src(%dma_wait3A_408 : memref<16x128xf32, #tpu.memory_space<vmem>>) dst(%dma_wait3A_411 : memref<272x128xf32, #tpu.memory_space<vmem_shared>>)
      tpu.yield
    }) : () -> ()
    %iota3A_349 = tpu.iota {dimensions = array<i32: 0>} : vector<16xi32>
    %add3A_350 = arith.constant 208 : i32
    %add3A_351 = vector.broadcast %add3A_350 : i32 to vector<16xi32>
    %add3A_352 = arith.addi %iota3A_349, %add3A_351 : vector<16xi32>
    %swap3A_353 = arith.constant 0 : index
    %swap3A_354 = tpu.vector_load %arg19[%swap3A_353] {strides = array<i32>} : memref<16xi32, #tpu.memory_space<vmem>>, vector<16xi32>,
    tpu.vector_store %arg19[%swap3A_353], %add3A_352 {strides = array<i32>} : memref<16xi32, #tpu.memory_space<vmem>>, vector<16xi32>,
    "tpu.region"() ({
      %run_scoped3A = tpu.sem_alloc : memref<!tpu.dma_semaphore, #tpu.memory_space<semaphore_mem>>
      %dma_start3A_400 = arith.constant 208 : i32
      %dma_start3A_401 = arith.constant 0 : i32
      %dma_start3A_402 = tpu.memref_slice %arg16[%dma_start3A_400, %dma_start3A_401] : memref<272x128xf32, #tpu.memory_space<vmem>> -> memref<16x128xf32, #tpu.memory_space<vmem>>
      %dma_start3A_403 = arith.constant 0 : i32
      %dma_start3A_404 = arith.constant 0 : i32
      %dma_start3A_405 = tpu.memref_slice %arg21[%dma_start3A_403, %dma_start3A_404] : memref<272x128xf32, #tpu.memory_space<vmem_shared>> -> memref<272x128xf32, #tpu.memory_space<vmem_shared>>
      tpu.enqueue_indirect_dma source(%dma_start3A_402 : memref<16x128xf32, #tpu.memory_space<vmem>>) target(%dma_start3A_405 : memref<272x128xf32, #tpu.memory_space<vmem_shared>>) offsets(%arg19 : memref<16xi32, #tpu.memory_space<vmem>>) semaphore(%run_scoped3A : memref<!tpu.dma_semaphore, #tpu.memory_space<semaphore_mem>>) {add = true}
      %dma_wait3A_406 = arith.constant 208 : i32
      %dma_wait3A_407 = arith.constant 0 : i32
      %dma_wait3A_408 = tpu.memref_slice %arg16[%dma_wait3A_406, %dma_wait3A_407] : memref<272x128xf32, #tpu.memory_space<vmem>> -> memref<16x128xf32, #tpu.memory_space<vmem>>
      %dma_wait3A_409 = arith.constant 0 : i32
      %dma_wait3A_410 = arith.constant 0 : i32
      %dma_wait3A_411 = tpu.memref_slice %arg21[%dma_wait3A_409, %dma_wait3A_410] : memref<272x128xf32, #tpu.memory_space<vmem_shared>> -> memref<272x128xf32, #tpu.memory_space<vmem_shared>>
      tpu.wait_indirect_dma semaphore(%run_scoped3A : memref<!tpu.dma_semaphore, #tpu.memory_space<semaphore_mem>>) src(%dma_wait3A_408 : memref<16x128xf32, #tpu.memory_space<vmem>>) dst(%dma_wait3A_411 : memref<272x128xf32, #tpu.memory_space<vmem_shared>>)
      tpu.yield
    }) : () -> ()
    %iota3A_355 = tpu.iota {dimensions = array<i32: 0>} : vector<16xi32>
    %add3A_356 = arith.constant 224 : i32
    %add3A_357 = vector.broadcast %add3A_356 : i32 to vector<16xi32>
    %add3A_358 = arith.addi %iota3A_355, %add3A_357 : vector<16xi32>
    %swap3A_359 = arith.constant 0 : index
    %swap3A_360 = tpu.vector_load %arg19[%swap3A_359] {strides = array<i32>} : memref<16xi32, #tpu.memory_space<vmem>>, vector<16xi32>,
    tpu.vector_store %arg19[%swap3A_359], %add3A_358 {strides = array<i32>} : memref<16xi32, #tpu.memory_space<vmem>>, vector<16xi32>,
    "tpu.region"() ({
      %run_scoped3A = tpu.sem_alloc : memref<!tpu.dma_semaphore, #tpu.memory_space<semaphore_mem>>
      %dma_start3A_400 = arith.constant 224 : i32
      %dma_start3A_401 = arith.constant 0 : i32
      %dma_start3A_402 = tpu.memref_slice %arg16[%dma_start3A_400, %dma_start3A_401] : memref<272x128xf32, #tpu.memory_space<vmem>> -> memref<16x128xf32, #tpu.memory_space<vmem>>
      %dma_start3A_403 = arith.constant 0 : i32
      %dma_start3A_404 = arith.constant 0 : i32
      %dma_start3A_405 = tpu.memref_slice %arg21[%dma_start3A_403, %dma_start3A_404] : memref<272x128xf32, #tpu.memory_space<vmem_shared>> -> memref<272x128xf32, #tpu.memory_space<vmem_shared>>
      tpu.enqueue_indirect_dma source(%dma_start3A_402 : memref<16x128xf32, #tpu.memory_space<vmem>>) target(%dma_start3A_405 : memref<272x128xf32, #tpu.memory_space<vmem_shared>>) offsets(%arg19 : memref<16xi32, #tpu.memory_space<vmem>>) semaphore(%run_scoped3A : memref<!tpu.dma_semaphore, #tpu.memory_space<semaphore_mem>>) {add = true}
      %dma_wait3A_406 = arith.constant 224 : i32
      %dma_wait3A_407 = arith.constant 0 : i32
      %dma_wait3A_408 = tpu.memref_slice %arg16[%dma_wait3A_406, %dma_wait3A_407] : memref<272x128xf32, #tpu.memory_space<vmem>> -> memref<16x128xf32, #tpu.memory_space<vmem>>
      %dma_wait3A_409 = arith.constant 0 : i32
      %dma_wait3A_410 = arith.constant 0 : i32
      %dma_wait3A_411 = tpu.memref_slice %arg21[%dma_wait3A_409, %dma_wait3A_410] : memref<272x128xf32, #tpu.memory_space<vmem_shared>> -> memref<272x128xf32, #tpu.memory_space<vmem_shared>>
      tpu.wait_indirect_dma semaphore(%run_scoped3A : memref<!tpu.dma_semaphore, #tpu.memory_space<semaphore_mem>>) src(%dma_wait3A_408 : memref<16x128xf32, #tpu.memory_space<vmem>>) dst(%dma_wait3A_411 : memref<272x128xf32, #tpu.memory_space<vmem_shared>>)
      tpu.yield
    }) : () -> ()
    %iota3A_361 = tpu.iota {dimensions = array<i32: 0>} : vector<16xi32>
    %add3A_362 = arith.constant 240 : i32
    %add3A_363 = vector.broadcast %add3A_362 : i32 to vector<16xi32>
    %add3A_364 = arith.addi %iota3A_361, %add3A_363 : vector<16xi32>
    %swap3A_365 = arith.constant 0 : index
    %swap3A_366 = tpu.vector_load %arg19[%swap3A_365] {strides = array<i32>} : memref<16xi32, #tpu.memory_space<vmem>>, vector<16xi32>,
    tpu.vector_store %arg19[%swap3A_365], %add3A_364 {strides = array<i32>} : memref<16xi32, #tpu.memory_space<vmem>>, vector<16xi32>,
    "tpu.region"() ({
      %run_scoped3A = tpu.sem_alloc : memref<!tpu.dma_semaphore, #tpu.memory_space<semaphore_mem>>
      %dma_start3A_400 = arith.constant 240 : i32
      %dma_start3A_401 = arith.constant 0 : i32
      %dma_start3A_402 = tpu.memref_slice %arg16[%dma_start3A_400, %dma_start3A_401] : memref<272x128xf32, #tpu.memory_space<vmem>> -> memref<16x128xf32, #tpu.memory_space<vmem>>
      %dma_start3A_403 = arith.constant 0 : i32
      %dma_start3A_404 = arith.constant 0 : i32
      %dma_start3A_405 = tpu.memref_slice %arg21[%dma_start3A_403, %dma_start3A_404] : memref<272x128xf32, #tpu.memory_space<vmem_shared>> -> memref<272x128xf32, #tpu.memory_space<vmem_shared>>
      tpu.enqueue_indirect_dma source(%dma_start3A_402 : memref<16x128xf32, #tpu.memory_space<vmem>>) target(%dma_start3A_405 : memref<272x128xf32, #tpu.memory_space<vmem_shared>>) offsets(%arg19 : memref<16xi32, #tpu.memory_space<vmem>>) semaphore(%run_scoped3A : memref<!tpu.dma_semaphore, #tpu.memory_space<semaphore_mem>>) {add = true}
      %dma_wait3A_406 = arith.constant 240 : i32
      %dma_wait3A_407 = arith.constant 0 : i32
      %dma_wait3A_408 = tpu.memref_slice %arg16[%dma_wait3A_406, %dma_wait3A_407] : memref<272x128xf32, #tpu.memory_space<vmem>> -> memref<16x128xf32, #tpu.memory_space<vmem>>
      %dma_wait3A_409 = arith.constant 0 : i32
      %dma_wait3A_410 = arith.constant 0 : i32
      %dma_wait3A_411 = tpu.memref_slice %arg21[%dma_wait3A_409, %dma_wait3A_410] : memref<272x128xf32, #tpu.memory_space<vmem_shared>> -> memref<272x128xf32, #tpu.memory_space<vmem_shared>>
      tpu.wait_indirect_dma semaphore(%run_scoped3A : memref<!tpu.dma_semaphore, #tpu.memory_space<semaphore_mem>>) src(%dma_wait3A_408 : memref<16x128xf32, #tpu.memory_space<vmem>>) dst(%dma_wait3A_411 : memref<272x128xf32, #tpu.memory_space<vmem_shared>>)
      tpu.yield
    }) : () -> ()
    %iota3A_367 = tpu.iota {dimensions = array<i32: 0>} : vector<16xi32>
    %add3A_368 = arith.constant 256 : i32
    %add3A_369 = vector.broadcast %add3A_368 : i32 to vector<16xi32>
    %add3A_370 = arith.addi %iota3A_367, %add3A_369 : vector<16xi32>
    %swap3A_371 = arith.constant 0 : index
    %swap3A_372 = tpu.vector_load %arg19[%swap3A_371] {strides = array<i32>} : memref<16xi32, #tpu.memory_space<vmem>>, vector<16xi32>,
    tpu.vector_store %arg19[%swap3A_371], %add3A_370 {strides = array<i32>} : memref<16xi32, #tpu.memory_space<vmem>>, vector<16xi32>,
    "tpu.region"() ({
      %run_scoped3A = tpu.sem_alloc : memref<!tpu.dma_semaphore, #tpu.memory_space<semaphore_mem>>
      %dma_start3A_400 = arith.constant 256 : i32
      %dma_start3A_401 = arith.constant 0 : i32
      %dma_start3A_402 = tpu.memref_slice %arg16[%dma_start3A_400, %dma_start3A_401] : memref<272x128xf32, #tpu.memory_space<vmem>> -> memref<16x128xf32, #tpu.memory_space<vmem>>
      %dma_start3A_403 = arith.constant 0 : i32
      %dma_start3A_404 = arith.constant 0 : i32
      %dma_start3A_405 = tpu.memref_slice %arg21[%dma_start3A_403, %dma_start3A_404] : memref<272x128xf32, #tpu.memory_space<vmem_shared>> -> memref<272x128xf32, #tpu.memory_space<vmem_shared>>
      tpu.enqueue_indirect_dma source(%dma_start3A_402 : memref<16x128xf32, #tpu.memory_space<vmem>>) target(%dma_start3A_405 : memref<272x128xf32, #tpu.memory_space<vmem_shared>>) offsets(%arg19 : memref<16xi32, #tpu.memory_space<vmem>>) semaphore(%run_scoped3A : memref<!tpu.dma_semaphore, #tpu.memory_space<semaphore_mem>>) {add = true}
      %dma_wait3A_406 = arith.constant 256 : i32
      %dma_wait3A_407 = arith.constant 0 : i32
      %dma_wait3A_408 = tpu.memref_slice %arg16[%dma_wait3A_406, %dma_wait3A_407] : memref<272x128xf32, #tpu.memory_space<vmem>> -> memref<16x128xf32, #tpu.memory_space<vmem>>
      %dma_wait3A_409 = arith.constant 0 : i32
      %dma_wait3A_410 = arith.constant 0 : i32
      %dma_wait3A_411 = tpu.memref_slice %arg21[%dma_wait3A_409, %dma_wait3A_410] : memref<272x128xf32, #tpu.memory_space<vmem_shared>> -> memref<272x128xf32, #tpu.memory_space<vmem_shared>>
      tpu.wait_indirect_dma semaphore(%run_scoped3A : memref<!tpu.dma_semaphore, #tpu.memory_space<semaphore_mem>>) src(%dma_wait3A_408 : memref<16x128xf32, #tpu.memory_space<vmem>>) dst(%dma_wait3A_411 : memref<272x128xf32, #tpu.memory_space<vmem_shared>>)
      tpu.yield
    }) : () -> ()
    %barrier3A_373 = arith.constant 0 : index
    tpu.barrier barrier_id(%barrier3A_373)
    "tpu.region"() ({
      %run_scoped3A = tpu.sem_alloc : memref<!tpu.dma_semaphore, #tpu.memory_space<semaphore_mem>>
      tpu.enqueue_dma source(%arg21 : memref<272x128xf32, #tpu.memory_space<vmem_shared>>) target(%arg16 : memref<272x128xf32, #tpu.memory_space<vmem>>) target_semaphore(%run_scoped3A : memref<!tpu.dma_semaphore, #tpu.memory_space<semaphore_mem>>)
      tpu.wait_dma2 semaphore(%run_scoped3A : memref<!tpu.dma_semaphore, #tpu.memory_space<semaphore_mem>>) src(%arg21 : memref<272x128xf32, #tpu.memory_space<vmem_shared>>) dst(%arg16 : memref<272x128xf32, #tpu.memory_space<vmem>>)
      tpu.yield
    }) : () -> ()
    %eq3A_374 = arith.constant 0 : i32
    %eq3A_375 = arith.cmpi eq, %arg0, %eq3A_374 : i32
    %eq3A_376 = arith.constant 0 : i32
    %eq3A_377 = arith.cmpi eq, %arg1, %eq3A_376 : i32
    %and3A = arith.andi %eq3A_375, %eq3A_377 : i1
    %convert_element_type3A_378 = arith.extui %and3A : i1 to i32
    %cond3A_379 = arith.constant 0 : i32
    %cond3A_380 = arith.cmpi ne, %convert_element_type3A_378, %cond3A_379 : i32
    scf.if %cond3A_380 {
      "tpu.region"() ({
        %run_scoped3A = tpu.sem_alloc : memref<!tpu.dma_semaphore, #tpu.memory_space<semaphore_mem>>
        %dma_start3A_400 = arith.constant 240 : i32
        %dma_start3A_401 = arith.constant 0 : i32
        %dma_start3A_402 = tpu.memref_slice %arg16[%dma_start3A_400, %dma_start3A_401] : memref<272x128xf32, #tpu.memory_space<vmem>> -> memref<32x128xf32, #tpu.memory_space<vmem>>
        %dma_start3A_403 = arith.constant 240 : i32
        %dma_start3A_404 = arith.constant 0 : i32
        %dma_start3A_405 = tpu.memref_slice %arg16[%dma_start3A_403, %dma_start3A_404] : memref<272x128xf32, #tpu.memory_space<vmem>> -> memref<32x128xf32, #tpu.memory_space<vmem>>
        tpu.enqueue_dma source(%dma_start3A_405 : memref<32x128xf32, #tpu.memory_space<vmem>>) target(%arg7 : memref<32x128xf32, #tpu.memory_space<hbm>>) target_semaphore(%run_scoped3A : memref<!tpu.dma_semaphore, #tpu.memory_space<semaphore_mem>>)
        %dma_wait3A_406 = arith.constant 240 : i32
        %dma_wait3A_407 = arith.constant 0 : i32
        %dma_wait3A_408 = tpu.memref_slice %arg16[%dma_wait3A_406, %dma_wait3A_407] : memref<272x128xf32, #tpu.memory_space<vmem>> -> memref<32x128xf32, #tpu.memory_space<vmem>>
        %dma_wait3A_409 = arith.constant 240 : i32
        %dma_wait3A_410 = arith.constant 0 : i32
        %dma_wait3A_411 = tpu.memref_slice %arg16[%dma_wait3A_409, %dma_wait3A_410] : memref<272x128xf32, #tpu.memory_space<vmem>> -> memref<32x128xf32, #tpu.memory_space<vmem>>
        tpu.wait_dma2 semaphore(%run_scoped3A : memref<!tpu.dma_semaphore, #tpu.memory_space<semaphore_mem>>) src(%dma_wait3A_411 : memref<32x128xf32, #tpu.memory_space<vmem>>) dst(%arg7 : memref<32x128xf32, #tpu.memory_space<hbm>>)
        tpu.yield
      }) : () -> ()
    } else {
    }
    %mul3A_381 = arith.constant 163840 : i32
    %mul3A_382 = arith.muli %arg0, %mul3A_381 : i32
    %mul3A_383 = arith.constant 10240 : i32
    %mul3A_384 = arith.muli %arg1, %mul3A_383 : i32
    %add3A_385 = arith.addi %mul3A_382, %mul3A_384 : i32
    %scan3A_386 = arith.constant 0 : i32
    %scan3A_387 = arith.constant 40 : i32
    %scan3A_388 = arith.addi %scan3A_386, %scan3A_387 : i32
    %scan3A_389 = arith.constant 1 : i32
    scf.for %scan3A_400 = %scan3A_386 to %scan3A_388 step %scan3A_389  : i32 {
      %mul3A_401 = arith.constant 1 : i32
      %mul3A_402 = arith.muli %scan3A_400, %mul3A_401 : i32
      %add3A_403 = arith.constant 0 : i32
      %add3A_404 = arith.addi %add3A_403, %mul3A_402 : i32
      %mul3A_405 = arith.constant 2 : i32
      %mul3A_406 = arith.muli %add3A_404, %mul3A_405 : i32
      %mul3A_407 = arith.constant 128 : i32
      %mul3A_408 = arith.muli %mul3A_406, %mul3A_407 : i32
      %add3A_409 = arith.addi %add3A_385, %mul3A_408 : i32
      %dma_start3A_410 = tpu.memref_slice %arg4[%add3A_409] : memref<327680xi32, #tpu.memory_space<hbm>> -> memref<256xi32, #tpu.memory_space<hbm>>
      %dma_start3A_411 = tpu.memref_slice %arg4[%add3A_409] : memref<327680xi32, #tpu.memory_space<hbm>> -> memref<256xi32, #tpu.memory_space<hbm>>
      tpu.enqueue_dma source(%dma_start3A_411 : memref<256xi32, #tpu.memory_space<hbm>>) target(%arg10 : memref<256xi32, #tpu.memory_space<vmem>>) target_semaphore(%arg22 : memref<!tpu.dma_semaphore, #tpu.memory_space<semaphore_mem>>)
      %dma_start3A_412 = tpu.memref_slice %arg2[%add3A_409] : memref<327680xi32, #tpu.memory_space<hbm>> -> memref<256xi32, #tpu.memory_space<hbm>>
      %dma_start3A_413 = tpu.memref_slice %arg2[%add3A_409] : memref<327680xi32, #tpu.memory_space<hbm>> -> memref<256xi32, #tpu.memory_space<hbm>>
      tpu.enqueue_dma source(%dma_start3A_413 : memref<256xi32, #tpu.memory_space<hbm>>) target(%arg11 : memref<256xi32, #tpu.memory_space<vmem>>) target_semaphore(%arg22 : memref<!tpu.dma_semaphore, #tpu.memory_space<semaphore_mem>>)
      %dma_start3A_414 = tpu.memref_slice %arg3[%add3A_409] : memref<327680xi32, #tpu.memory_space<hbm>> -> memref<256xi32, #tpu.memory_space<hbm>>
      %dma_start3A_415 = tpu.memref_slice %arg3[%add3A_409] : memref<327680xi32, #tpu.memory_space<hbm>> -> memref<256xi32, #tpu.memory_space<hbm>>
      tpu.enqueue_dma source(%dma_start3A_415 : memref<256xi32, #tpu.memory_space<hbm>>) target(%arg12 : memref<256xi32, #tpu.memory_space<vmem>>) target_semaphore(%arg22 : memref<!tpu.dma_semaphore, #tpu.memory_space<semaphore_mem>>)
      %dma_wait3A_416 = tpu.memref_slice %arg4[%add3A_409] : memref<327680xi32, #tpu.memory_space<hbm>> -> memref<256xi32, #tpu.memory_space<hbm>>
      %dma_wait3A_417 = tpu.memref_slice %arg4[%add3A_409] : memref<327680xi32, #tpu.memory_space<hbm>> -> memref<256xi32, #tpu.memory_space<hbm>>
      tpu.wait_dma2 semaphore(%arg22 : memref<!tpu.dma_semaphore, #tpu.memory_space<semaphore_mem>>) src(%dma_wait3A_417 : memref<256xi32, #tpu.memory_space<hbm>>) dst(%arg10 : memref<256xi32, #tpu.memory_space<vmem>>)
      %dma_wait3A_418 = tpu.memref_slice %arg2[%add3A_409] : memref<327680xi32, #tpu.memory_space<hbm>> -> memref<256xi32, #tpu.memory_space<hbm>>
      %dma_wait3A_419 = tpu.memref_slice %arg2[%add3A_409] : memref<327680xi32, #tpu.memory_space<hbm>> -> memref<256xi32, #tpu.memory_space<hbm>>
      tpu.wait_dma2 semaphore(%arg22 : memref<!tpu.dma_semaphore, #tpu.memory_space<semaphore_mem>>) src(%dma_wait3A_419 : memref<256xi32, #tpu.memory_space<hbm>>) dst(%arg11 : memref<256xi32, #tpu.memory_space<vmem>>)
      %dma_wait3A_420 = tpu.memref_slice %arg3[%add3A_409] : memref<327680xi32, #tpu.memory_space<hbm>> -> memref<256xi32, #tpu.memory_space<hbm>>
      %dma_wait3A_421 = tpu.memref_slice %arg3[%add3A_409] : memref<327680xi32, #tpu.memory_space<hbm>> -> memref<256xi32, #tpu.memory_space<hbm>>
      tpu.wait_dma2 semaphore(%arg22 : memref<!tpu.dma_semaphore, #tpu.memory_space<semaphore_mem>>) src(%dma_wait3A_421 : memref<256xi32, #tpu.memory_space<hbm>>) dst(%arg12 : memref<256xi32, #tpu.memory_space<vmem>>)
      %scan3A_422 = arith.constant 0 : i32
      %scan3A_423 = arith.constant 16 : i32
      %scan3A_424 = arith.addi %scan3A_422, %scan3A_423 : i32
      %scan3A_425 = arith.constant 1 : i32
      scf.for %scan3A_469 = %scan3A_422 to %scan3A_424 step %scan3A_425  : i32 {
        %mul3A_470 = arith.constant 1 : i32
        %mul3A_471 = arith.muli %scan3A_469, %mul3A_470 : i32
        %add3A_472 = arith.constant 0 : i32
        %add3A_473 = arith.addi %add3A_472, %mul3A_471 : i32
        %mul3A_474 = arith.constant 16 : i32
        %mul3A_475 = arith.muli %add3A_473, %mul3A_474 : i32
        %get3A = arith.index_cast %mul3A_475 : i32 to index
        %get3A_476 = tpu.vector_load %arg10[%get3A] {strides = array<i32>} : memref<256xi32, #tpu.memory_space<vmem>>, vector<16xi32>,
        %mul3A_477 = arith.constant 16 : i32
        %mul3A_478 = arith.muli %add3A_473, %mul3A_477 : i32
        %get3A_479 = arith.index_cast %mul3A_478 : i32 to index
        %get3A_480 = tpu.vector_load %arg11[%get3A_479] {strides = array<i32>} : memref<256xi32, #tpu.memory_space<vmem>>, vector<16xi32>,
        %mul3A_481 = arith.constant 16 : i32
        %mul3A_482 = arith.muli %add3A_473, %mul3A_481 : i32
        %get3A_483 = arith.index_cast %mul3A_482 : i32 to index
        %get3A_484 = tpu.vector_load %arg12[%get3A_483] {strides = array<i32>} : memref<256xi32, #tpu.memory_space<vmem>>, vector<16xi32>,
        %sub3A = arith.constant 4000 : i32
        %sub3A_485 = vector.broadcast %sub3A : i32 to vector<16xi32>
        %sub3A_486 = arith.subi %get3A_484, %sub3A_485 : vector<16xi32>
        %mul3A_487 = arith.constant 5 : i32
        %mul3A_488 = vector.broadcast %mul3A_487 : i32 to vector<16xi32>
        %mul3A_489 = arith.muli %sub3A_486, %mul3A_488 : vector<16xi32>
        %add3A_490 = arith.addi %mul3A_489, %get3A_476 : vector<16xi32>
        %shift_right_logical3A = arith.constant 7 : i32
        %shift_right_logical3A_491 = vector.broadcast %shift_right_logical3A : i32 to vector<16xi32>
        %shift_right_logical3A_492 = arith.shrui %add3A_490, %shift_right_logical3A_491 : vector<16xi32>
        %and3A_493 = arith.constant 127 : i32
        %and3A_494 = vector.broadcast %and3A_493 : i32 to vector<16xi32>
        %and3A_495 = arith.andi %add3A_490, %and3A_494 : vector<16xi32>
        %gather3A = tpu.vector_load_idx %arg16[%shift_right_logical3A_492, %and3A_495] : memref<272x128xf32, #tpu.memory_space<vmem>>[vector<16xi32>, vector<16xi32>], vector<16xf32>,
        %div3A = arith.constant 1.000000e+00 : f32
        %div3A_496 = vector.broadcast %div3A : f32 to vector<16xf32>
        %div3A_497 = arith.divf %div3A_496, %gather3A : vector<16xf32>
        %mul3A_498 = arith.constant 16 : i32
        %mul3A_499 = arith.muli %add3A_473, %mul3A_498 : i32
        %swap3A_500 = arith.index_cast %mul3A_499 : i32 to index
        %swap3A_501 = tpu.vector_load %arg15[%swap3A_500] {strides = array<i32>} : memref<256xf32, #tpu.memory_space<vmem>>, vector<16xf32>,
        tpu.vector_store %arg15[%swap3A_500], %div3A_497 {strides = array<i32>} : memref<256xf32, #tpu.memory_space<vmem>>, vector<16xf32>,
        %mul3A_502 = arith.constant 4000 : i32
        %mul3A_503 = vector.broadcast %mul3A_502 : i32 to vector<16xi32>
        %mul3A_504 = arith.muli %get3A_476, %mul3A_503 : vector<16xi32>
        %add3A_505 = arith.addi %mul3A_504, %get3A_480 : vector<16xi32>
        %mul3A_506 = arith.constant 16 : i32
        %mul3A_507 = arith.muli %add3A_473, %mul3A_506 : i32
        %swap3A_508 = arith.index_cast %mul3A_507 : i32 to index
        %swap3A_509 = tpu.vector_load %arg10[%swap3A_508] {strides = array<i32>} : memref<256xi32, #tpu.memory_space<vmem>>, vector<16xi32>,
        tpu.vector_store %arg10[%swap3A_508], %add3A_505 {strides = array<i32>} : memref<256xi32, #tpu.memory_space<vmem>>, vector<16xi32>,
      }
      %scan3A_426 = arith.constant 16 : i32
      %scan3A_427 = arith.constant 0 : i32
      %scan3A_428 = arith.constant 8 : i32
      %scan3A_429 = arith.addi %scan3A_427, %scan3A_428 : i32
      %scan3A_430 = arith.constant 1 : i32
      scf.for %scan3A_469 = %scan3A_427 to %scan3A_429 step %scan3A_430  : i32 {
        %mul3A_470 = arith.constant 1 : i32
        %mul3A_471 = arith.muli %scan3A_469, %mul3A_470 : i32
        %add3A_472 = arith.constant 0 : i32
        %add3A_473 = arith.addi %add3A_472, %mul3A_471 : i32
        %mul3A_474 = arith.constant 16 : i32
        %mul3A_475 = arith.muli %add3A_473, %mul3A_474 : i32
        %get3A = arith.index_cast %mul3A_475 : i32 to index
        %get3A_476 = tpu.vector_load %arg12[%get3A] {strides = array<i32>} : memref<256xi32, #tpu.memory_space<vmem>>, vector<16xi32>,
        %sub3A = arith.constant 4000 : i32
        %sub3A_477 = vector.broadcast %sub3A : i32 to vector<16xi32>
        %sub3A_478 = arith.subi %get3A_476, %sub3A_477 : vector<16xi32>
        %mul3A_479 = arith.constant 16 : i32
        %mul3A_480 = arith.muli %add3A_473, %mul3A_479 : i32
        %swap3A_481 = arith.index_cast %mul3A_480 : i32 to index
        %swap3A_482 = tpu.vector_load %arg13[%swap3A_481] {strides = array<i32>} : memref<128xi32, #tpu.memory_space<vmem>>, vector<16xi32>,
        tpu.vector_store %arg13[%swap3A_481], %sub3A_478 {strides = array<i32>} : memref<128xi32, #tpu.memory_space<vmem>>, vector<16xi32>,
      }
      %scan3A_431 = arith.constant 8 : i32
      %scan3A_432 = arith.constant 0 : i32
      %scan3A_433 = arith.constant 8 : i32
      %scan3A_434 = arith.addi %scan3A_432, %scan3A_433 : i32
      %scan3A_435 = arith.constant 1 : i32
      scf.for %scan3A_469 = %scan3A_432 to %scan3A_434 step %scan3A_435  : i32 {
        %mul3A_470 = arith.constant 1 : i32
        %mul3A_471 = arith.muli %scan3A_469, %mul3A_470 : i32
        %add3A_472 = arith.constant 0 : i32
        %add3A_473 = arith.addi %add3A_472, %mul3A_471 : i32
        %mul3A_474 = arith.constant 16 : i32
        %mul3A_475 = arith.muli %add3A_473, %mul3A_474 : i32
        %add3A_476 = arith.constant 128 : i32
        %add3A_477 = arith.addi %add3A_476, %mul3A_475 : i32
        %get3A = arith.index_cast %add3A_477 : i32 to index
        %get3A_478 = tpu.vector_load %arg12[%get3A] {strides = array<i32>} : memref<256xi32, #tpu.memory_space<vmem>>, vector<16xi32>,
        %sub3A = arith.constant 4000 : i32
        %sub3A_479 = vector.broadcast %sub3A : i32 to vector<16xi32>
        %sub3A_480 = arith.subi %get3A_478, %sub3A_479 : vector<16xi32>
        %mul3A_481 = arith.constant 16 : i32
        %mul3A_482 = arith.muli %add3A_473, %mul3A_481 : i32
        %swap3A_483 = arith.index_cast %mul3A_482 : i32 to index
        %swap3A_484 = tpu.vector_load %arg14[%swap3A_483] {strides = array<i32>} : memref<128xi32, #tpu.memory_space<vmem>>, vector<16xi32>,
        tpu.vector_store %arg14[%swap3A_483], %sub3A_480 {strides = array<i32>} : memref<128xi32, #tpu.memory_space<vmem>>, vector<16xi32>,
      }
      %scan3A_436 = arith.constant 8 : i32
      %dma_start3A_437 = arith.constant 0 : i32
      %dma_start3A_438 = tpu.memref_slice %arg10[%dma_start3A_437] : memref<256xi32, #tpu.memory_space<vmem>> -> memref<128xi32, #tpu.memory_space<vmem>>
      %dma_start3A_439 = arith.constant 0 : i32
      %dma_start3A_440 = arith.constant 0 : i32
      %dma_start3A_441 = tpu.memref_slice %arg5[%dma_start3A_439, %dma_start3A_440] : memref<20000x128xf32, #tpu.memory_space<hbm>> -> memref<20000x128xf32, #tpu.memory_space<hbm>>
      tpu.enqueue_indirect_dma source(%dma_start3A_441 : memref<20000x128xf32, #tpu.memory_space<hbm>>) target(%arg17 : memref<128x128xf32, #tpu.memory_space<vmem>>) offsets(%dma_start3A_438 : memref<128xi32, #tpu.memory_space<vmem>>) semaphore(%arg23 : memref<!tpu.dma_semaphore, #tpu.memory_space<semaphore_mem>>)
      %dma_start3A_442 = arith.constant 128 : i32
      %dma_start3A_443 = tpu.memref_slice %arg10[%dma_start3A_442] : memref<256xi32, #tpu.memory_space<vmem>> -> memref<128xi32, #tpu.memory_space<vmem>>
      %dma_start3A_444 = arith.constant 0 : i32
      %dma_start3A_445 = arith.constant 0 : i32
      %dma_start3A_446 = tpu.memref_slice %arg5[%dma_start3A_444, %dma_start3A_445] : memref<20000x128xf32, #tpu.memory_space<hbm>> -> memref<20000x128xf32, #tpu.memory_space<hbm>>
      tpu.enqueue_indirect_dma source(%dma_start3A_446 : memref<20000x128xf32, #tpu.memory_space<hbm>>) target(%arg18 : memref<128x128xf32, #tpu.memory_space<vmem>>) offsets(%dma_start3A_443 : memref<128xi32, #tpu.memory_space<vmem>>) semaphore(%arg23 : memref<!tpu.dma_semaphore, #tpu.memory_space<semaphore_mem>>)
      %dma_wait3A_447 = arith.constant 0 : i32
      %dma_wait3A_448 = tpu.memref_slice %arg10[%dma_wait3A_447] : memref<256xi32, #tpu.memory_space<vmem>> -> memref<128xi32, #tpu.memory_space<vmem>>
      %dma_wait3A_449 = arith.constant 0 : i32
      %dma_wait3A_450 = arith.constant 0 : i32
      %dma_wait3A_451 = tpu.memref_slice %arg5[%dma_wait3A_449, %dma_wait3A_450] : memref<20000x128xf32, #tpu.memory_space<hbm>> -> memref<20000x128xf32, #tpu.memory_space<hbm>>
      tpu.wait_indirect_dma semaphore(%arg23 : memref<!tpu.dma_semaphore, #tpu.memory_space<semaphore_mem>>) src(%dma_wait3A_451 : memref<20000x128xf32, #tpu.memory_space<hbm>>) dst(%arg17 : memref<128x128xf32, #tpu.memory_space<vmem>>)
      %dma_start3A_452 = arith.constant 0 : i32
      %dma_start3A_453 = arith.constant 0 : i32
      %dma_start3A_454 = tpu.memref_slice %arg20[%dma_start3A_452, %dma_start3A_453] : memref<6016x128xf32, #tpu.memory_space<vmem_shared>> -> memref<6016x128xf32, #tpu.memory_space<vmem_shared>>
      tpu.enqueue_indirect_dma source(%arg17 : memref<128x128xf32, #tpu.memory_space<vmem>>) target(%dma_start3A_454 : memref<6016x128xf32, #tpu.memory_space<vmem_shared>>) offsets(%arg13 : memref<128xi32, #tpu.memory_space<vmem>>) semaphore(%arg24 : memref<!tpu.dma_semaphore, #tpu.memory_space<semaphore_mem>>) {add = true}
      %dma_wait3A_455 = arith.constant 128 : i32
      %dma_wait3A_456 = tpu.memref_slice %arg10[%dma_wait3A_455] : memref<256xi32, #tpu.memory_space<vmem>> -> memref<128xi32, #tpu.memory_space<vmem>>
      %dma_wait3A_457 = arith.constant 0 : i32
      %dma_wait3A_458 = arith.constant 0 : i32
      %dma_wait3A_459 = tpu.memref_slice %arg5[%dma_wait3A_457, %dma_wait3A_458] : memref<20000x128xf32, #tpu.memory_space<hbm>> -> memref<20000x128xf32, #tpu.memory_space<hbm>>
      tpu.wait_indirect_dma semaphore(%arg23 : memref<!tpu.dma_semaphore, #tpu.memory_space<semaphore_mem>>) src(%dma_wait3A_459 : memref<20000x128xf32, #tpu.memory_space<hbm>>) dst(%arg18 : memref<128x128xf32, #tpu.memory_space<vmem>>)
      %dma_start3A_460 = arith.constant 0 : i32
      %dma_start3A_461 = arith.constant 0 : i32
      %dma_start3A_462 = tpu.memref_slice %arg20[%dma_start3A_460, %dma_start3A_461] : memref<6016x128xf32, #tpu.memory_space<vmem_shared>> -> memref<6016x128xf32, #tpu.memory_space<vmem_shared>>
      tpu.enqueue_indirect_dma source(%arg18 : memref<128x128xf32, #tpu.memory_space<vmem>>) target(%dma_start3A_462 : memref<6016x128xf32, #tpu.memory_space<vmem_shared>>) offsets(%arg14 : memref<128xi32, #tpu.memory_space<vmem>>) semaphore(%arg24 : memref<!tpu.dma_semaphore, #tpu.memory_space<semaphore_mem>>) {add = true}
      %dma_wait3A_463 = arith.constant 0 : i32
      %dma_wait3A_464 = arith.constant 0 : i32
      %dma_wait3A_465 = tpu.memref_slice %arg20[%dma_wait3A_463, %dma_wait3A_464] : memref<6016x128xf32, #tpu.memory_space<vmem_shared>> -> memref<6016x128xf32, #tpu.memory_space<vmem_shared>>
      tpu.wait_indirect_dma semaphore(%arg24 : memref<!tpu.dma_semaphore, #tpu.memory_space<semaphore_mem>>) src(%arg17 : memref<128x128xf32, #tpu.memory_space<vmem>>) dst(%dma_wait3A_465 : memref<6016x128xf32, #tpu.memory_space<vmem_shared>>)
      %dma_wait3A_466 = arith.constant 0 : i32
      %dma_wait3A_467 = arith.constant 0 : i32
      %dma_wait3A_468 = tpu.memref_slice %arg20[%dma_wait3A_466, %dma_wait3A_467] : memref<6016x128xf32, #tpu.memory_space<vmem_shared>> -> memref<6016x128xf32, #tpu.memory_space<vmem_shared>>
      tpu.wait_indirect_dma semaphore(%arg24 : memref<!tpu.dma_semaphore, #tpu.memory_space<semaphore_mem>>) src(%arg18 : memref<128x128xf32, #tpu.memory_space<vmem>>) dst(%dma_wait3A_468 : memref<6016x128xf32, #tpu.memory_space<vmem_shared>>)
    }
    %scan3A_390 = arith.constant 40 : i32
    %barrier3A_391 = arith.constant 0 : index
    tpu.barrier barrier_id(%barrier3A_391)
    "tpu.region"() ({
      %run_scoped3A = tpu.sem_alloc : memref<!tpu.dma_semaphore, #tpu.memory_space<semaphore_mem>>
      %dma_start3A_400 = arith.constant 0 : i32
      %dma_start3A_401 = tpu.memref_slice %arg20[%mul3A_9, %dma_start3A_400] : memref<6016x128xf32, #tpu.memory_space<vmem_shared>> -> memref<128x128xf32, #tpu.memory_space<vmem_shared>>
      %dma_start3A_402 = arith.constant 0 : i32
      %dma_start3A_403 = tpu.memref_slice %arg20[%mul3A_9, %dma_start3A_402] : memref<6016x128xf32, #tpu.memory_space<vmem_shared>> -> memref<128x128xf32, #tpu.memory_space<vmem_shared>>
      tpu.enqueue_dma source(%dma_start3A_403 : memref<128x128xf32, #tpu.memory_space<vmem_shared>>) target(%arg17 : memref<128x128xf32, #tpu.memory_space<vmem>>) target_semaphore(%run_scoped3A : memref<!tpu.dma_semaphore, #tpu.memory_space<semaphore_mem>>)
      %dma_wait3A_404 = arith.constant 0 : i32
      %dma_wait3A_405 = tpu.memref_slice %arg20[%mul3A_9, %dma_wait3A_404] : memref<6016x128xf32, #tpu.memory_space<vmem_shared>> -> memref<128x128xf32, #tpu.memory_space<vmem_shared>>
      %dma_wait3A_406 = arith.constant 0 : i32
      %dma_wait3A_407 = tpu.memref_slice %arg20[%mul3A_9, %dma_wait3A_406] : memref<6016x128xf32, #tpu.memory_space<vmem_shared>> -> memref<128x128xf32, #tpu.memory_space<vmem_shared>>
      tpu.wait_dma2 semaphore(%run_scoped3A : memref<!tpu.dma_semaphore, #tpu.memory_space<semaphore_mem>>) src(%dma_wait3A_407 : memref<128x128xf32, #tpu.memory_space<vmem_shared>>) dst(%arg17 : memref<128x128xf32, #tpu.memory_space<vmem>>)
      tpu.yield
    }) : () -> ()
    "tpu.region"() ({
      %run_scoped3A = tpu.sem_alloc : memref<!tpu.dma_semaphore, #tpu.memory_space<semaphore_mem>>
      %dma_start3A_400 = arith.constant 0 : i32
      %dma_start3A_401 = tpu.memref_slice %arg6[%arg0, %mul3A_9, %dma_start3A_400] : memref<2x6016x128xf32, #tpu.memory_space<hbm>> -> memref<1x128x128xf32, #tpu.memory_space<hbm>>
      %dma_start3A_402 = tpu.memref_squeeze %dma_start3A_401 : memref<1x128x128xf32, #tpu.memory_space<hbm>> -> memref<128x128xf32, #tpu.memory_space<hbm>>
      %dma_start3A_403 = arith.constant 0 : i32
      %dma_start3A_404 = tpu.memref_slice %arg6[%arg0, %mul3A_9, %dma_start3A_403] : memref<2x6016x128xf32, #tpu.memory_space<hbm>> -> memref<1x128x128xf32, #tpu.memory_space<hbm>>
      %dma_start3A_405 = tpu.memref_squeeze %dma_start3A_404 : memref<1x128x128xf32, #tpu.memory_space<hbm>> -> memref<128x128xf32, #tpu.memory_space<hbm>>
      tpu.enqueue_dma source(%arg17 : memref<128x128xf32, #tpu.memory_space<vmem>>) target(%dma_start3A_405 : memref<128x128xf32, #tpu.memory_space<hbm>>) target_semaphore(%run_scoped3A : memref<!tpu.dma_semaphore, #tpu.memory_space<semaphore_mem>>)
      %dma_wait3A_406 = arith.constant 0 : i32
      %dma_wait3A_407 = tpu.memref_slice %arg6[%arg0, %mul3A_9, %dma_wait3A_406] : memref<2x6016x128xf32, #tpu.memory_space<hbm>> -> memref<1x128x128xf32, #tpu.memory_space<hbm>>
      %dma_wait3A_408 = tpu.memref_squeeze %dma_wait3A_407 : memref<1x128x128xf32, #tpu.memory_space<hbm>> -> memref<128x128xf32, #tpu.memory_space<hbm>>
      %dma_wait3A_409 = arith.constant 0 : i32
      %dma_wait3A_410 = tpu.memref_slice %arg6[%arg0, %mul3A_9, %dma_wait3A_409] : memref<2x6016x128xf32, #tpu.memory_space<hbm>> -> memref<1x128x128xf32, #tpu.memory_space<hbm>>
      %dma_wait3A_411 = tpu.memref_squeeze %dma_wait3A_410 : memref<1x128x128xf32, #tpu.memory_space<hbm>> -> memref<128x128xf32, #tpu.memory_space<hbm>>
      tpu.wait_dma2 semaphore(%run_scoped3A : memref<!tpu.dma_semaphore, #tpu.memory_space<semaphore_mem>>) src(%arg17 : memref<128x128xf32, #tpu.memory_space<vmem>>) dst(%dma_wait3A_411 : memref<128x128xf32, #tpu.memory_space<hbm>>)
      tpu.yield
    }) : () -> ()
    %add3A_392 = arith.constant 128 : i32
    %add3A_393 = arith.addi %mul3A_9, %add3A_392 : i32
    "tpu.region"() ({
      %run_scoped3A = tpu.sem_alloc : memref<!tpu.dma_semaphore, #tpu.memory_space<semaphore_mem>>
      %dma_start3A_400 = arith.constant 0 : i32
      %dma_start3A_401 = tpu.memref_slice %arg20[%add3A_393, %dma_start3A_400] : memref<6016x128xf32, #tpu.memory_space<vmem_shared>> -> memref<128x128xf32, #tpu.memory_space<vmem_shared>>
      %dma_start3A_402 = arith.constant 0 : i32
      %dma_start3A_403 = tpu.memref_slice %arg20[%add3A_393, %dma_start3A_402] : memref<6016x128xf32, #tpu.memory_space<vmem_shared>> -> memref<128x128xf32, #tpu.memory_space<vmem_shared>>
      tpu.enqueue_dma source(%dma_start3A_403 : memref<128x128xf32, #tpu.memory_space<vmem_shared>>) target(%arg17 : memref<128x128xf32, #tpu.memory_space<vmem>>) target_semaphore(%run_scoped3A : memref<!tpu.dma_semaphore, #tpu.memory_space<semaphore_mem>>)
      %dma_wait3A_404 = arith.constant 0 : i32
      %dma_wait3A_405 = tpu.memref_slice %arg20[%add3A_393, %dma_wait3A_404] : memref<6016x128xf32, #tpu.memory_space<vmem_shared>> -> memref<128x128xf32, #tpu.memory_space<vmem_shared>>
      %dma_wait3A_406 = arith.constant 0 : i32
      %dma_wait3A_407 = tpu.memref_slice %arg20[%add3A_393, %dma_wait3A_406] : memref<6016x128xf32, #tpu.memory_space<vmem_shared>> -> memref<128x128xf32, #tpu.memory_space<vmem_shared>>
      tpu.wait_dma2 semaphore(%run_scoped3A : memref<!tpu.dma_semaphore, #tpu.memory_space<semaphore_mem>>) src(%dma_wait3A_407 : memref<128x128xf32, #tpu.memory_space<vmem_shared>>) dst(%arg17 : memref<128x128xf32, #tpu.memory_space<vmem>>)
      tpu.yield
    }) : () -> ()
    %add3A_394 = arith.constant 128 : i32
    %add3A_395 = arith.addi %mul3A_9, %add3A_394 : i32
    "tpu.region"() ({
      %run_scoped3A = tpu.sem_alloc : memref<!tpu.dma_semaphore, #tpu.memory_space<semaphore_mem>>
      %dma_start3A_400 = arith.constant 0 : i32
      %dma_start3A_401 = tpu.memref_slice %arg6[%arg0, %add3A_395, %dma_start3A_400] : memref<2x6016x128xf32, #tpu.memory_space<hbm>> -> memref<1x128x128xf32, #tpu.memory_space<hbm>>
      %dma_start3A_402 = tpu.memref_squeeze %dma_start3A_401 : memref<1x128x128xf32, #tpu.memory_space<hbm>> -> memref<128x128xf32, #tpu.memory_space<hbm>>
      %dma_start3A_403 = arith.constant 0 : i32
      %dma_start3A_404 = tpu.memref_slice %arg6[%arg0, %add3A_395, %dma_start3A_403] : memref<2x6016x128xf32, #tpu.memory_space<hbm>> -> memref<1x128x128xf32, #tpu.memory_space<hbm>>
      %dma_start3A_405 = tpu.memref_squeeze %dma_start3A_404 : memref<1x128x128xf32, #tpu.memory_space<hbm>> -> memref<128x128xf32, #tpu.memory_space<hbm>>
      tpu.enqueue_dma source(%arg17 : memref<128x128xf32, #tpu.memory_space<vmem>>) target(%dma_start3A_405 : memref<128x128xf32, #tpu.memory_space<hbm>>) target_semaphore(%run_scoped3A : memref<!tpu.dma_semaphore, #tpu.memory_space<semaphore_mem>>)
      %dma_wait3A_406 = arith.constant 0 : i32
      %dma_wait3A_407 = tpu.memref_slice %arg6[%arg0, %add3A_395, %dma_wait3A_406] : memref<2x6016x128xf32, #tpu.memory_space<hbm>> -> memref<1x128x128xf32, #tpu.memory_space<hbm>>
      %dma_wait3A_408 = tpu.memref_squeeze %dma_wait3A_407 : memref<1x128x128xf32, #tpu.memory_space<hbm>> -> memref<128x128xf32, #tpu.memory_space<hbm>>
      %dma_wait3A_409 = arith.constant 0 : i32
      %dma_wait3A_410 = tpu.memref_slice %arg6[%arg0, %add3A_395, %dma_wait3A_409] : memref<2x6016x128xf32, #tpu.memory_space<hbm>> -> memref<1x128x128xf32, #tpu.memory_space<hbm>>
      %dma_wait3A_411 = tpu.memref_squeeze %dma_wait3A_410 : memref<1x128x128xf32, #tpu.memory_space<hbm>> -> memref<128x128xf32, #tpu.memory_space<hbm>>
      tpu.wait_dma2 semaphore(%run_scoped3A : memref<!tpu.dma_semaphore, #tpu.memory_space<semaphore_mem>>) src(%arg17 : memref<128x128xf32, #tpu.memory_space<vmem>>) dst(%dma_wait3A_411 : memref<128x128xf32, #tpu.memory_space<hbm>>)
      tpu.yield
    }) : () -> ()
    %add3A_396 = arith.constant 256 : i32
    %add3A_397 = arith.addi %mul3A_9, %add3A_396 : i32
    "tpu.region"() ({
      %run_scoped3A = tpu.sem_alloc : memref<!tpu.dma_semaphore, #tpu.memory_space<semaphore_mem>>
      %dma_start3A_400 = arith.constant 0 : i32
      %dma_start3A_401 = arith.constant 0 : i32
      %dma_start3A_402 = tpu.memref_slice %arg17[%dma_start3A_400, %dma_start3A_401] : memref<128x128xf32, #tpu.memory_space<vmem>> -> memref<120x128xf32, #tpu.memory_space<vmem>>
      %dma_start3A_403 = arith.constant 0 : i32
      %dma_start3A_404 = tpu.memref_slice %arg20[%add3A_397, %dma_start3A_403] : memref<6016x128xf32, #tpu.memory_space<vmem_shared>> -> memref<120x128xf32, #tpu.memory_space<vmem_shared>>
      %dma_start3A_405 = arith.constant 0 : i32
      %dma_start3A_406 = arith.constant 0 : i32
      %dma_start3A_407 = tpu.memref_slice %arg17[%dma_start3A_405, %dma_start3A_406] : memref<128x128xf32, #tpu.memory_space<vmem>> -> memref<120x128xf32, #tpu.memory_space<vmem>>
      %dma_start3A_408 = arith.constant 0 : i32
      %dma_start3A_409 = tpu.memref_slice %arg20[%add3A_397, %dma_start3A_408] : memref<6016x128xf32, #tpu.memory_space<vmem_shared>> -> memref<120x128xf32, #tpu.memory_space<vmem_shared>>
      tpu.enqueue_dma source(%dma_start3A_409 : memref<120x128xf32, #tpu.memory_space<vmem_shared>>) target(%dma_start3A_407 : memref<120x128xf32, #tpu.memory_space<vmem>>) target_semaphore(%run_scoped3A : memref<!tpu.dma_semaphore, #tpu.memory_space<semaphore_mem>>)
      %dma_wait3A_410 = arith.constant 0 : i32
      %dma_wait3A_411 = arith.constant 0 : i32
      %dma_wait3A_412 = tpu.memref_slice %arg17[%dma_wait3A_410, %dma_wait3A_411] : memref<128x128xf32, #tpu.memory_space<vmem>> -> memref<120x128xf32, #tpu.memory_space<vmem>>
      %dma_wait3A_413 = arith.constant 0 : i32
      %dma_wait3A_414 = tpu.memref_slice %arg20[%add3A_397, %dma_wait3A_413] : memref<6016x128xf32, #tpu.memory_space<vmem_shared>> -> memref<120x128xf32, #tpu.memory_space<vmem_shared>>
      %dma_wait3A_415 = arith.constant 0 : i32
      %dma_wait3A_416 = arith.constant 0 : i32
      %dma_wait3A_417 = tpu.memref_slice %arg17[%dma_wait3A_415, %dma_wait3A_416] : memref<128x128xf32, #tpu.memory_space<vmem>> -> memref<120x128xf32, #tpu.memory_space<vmem>>
      %dma_wait3A_418 = arith.constant 0 : i32
      %dma_wait3A_419 = tpu.memref_slice %arg20[%add3A_397, %dma_wait3A_418] : memref<6016x128xf32, #tpu.memory_space<vmem_shared>> -> memref<120x128xf32, #tpu.memory_space<vmem_shared>>
      tpu.wait_dma2 semaphore(%run_scoped3A : memref<!tpu.dma_semaphore, #tpu.memory_space<semaphore_mem>>) src(%dma_wait3A_419 : memref<120x128xf32, #tpu.memory_space<vmem_shared>>) dst(%dma_wait3A_417 : memref<120x128xf32, #tpu.memory_space<vmem>>)
      tpu.yield
    }) : () -> ()
    %add3A_398 = arith.constant 256 : i32
    %add3A_399 = arith.addi %mul3A_9, %add3A_398 : i32
    "tpu.region"() ({
      %run_scoped3A = tpu.sem_alloc : memref<!tpu.dma_semaphore, #tpu.memory_space<semaphore_mem>>
      %dma_start3A_400 = arith.constant 0 : i32
      %dma_start3A_401 = arith.constant 0 : i32
      %dma_start3A_402 = tpu.memref_slice %arg17[%dma_start3A_400, %dma_start3A_401] : memref<128x128xf32, #tpu.memory_space<vmem>> -> memref<120x128xf32, #tpu.memory_space<vmem>>
      %dma_start3A_403 = arith.constant 0 : i32
      %dma_start3A_404 = tpu.memref_slice %arg6[%arg0, %add3A_399, %dma_start3A_403] : memref<2x6016x128xf32, #tpu.memory_space<hbm>> -> memref<1x120x128xf32, #tpu.memory_space<hbm>>
      %dma_start3A_405 = tpu.memref_squeeze %dma_start3A_404 : memref<1x120x128xf32, #tpu.memory_space<hbm>> -> memref<120x128xf32, #tpu.memory_space<hbm>>
      %dma_start3A_406 = arith.constant 0 : i32
      %dma_start3A_407 = tpu.memref_slice %arg6[%arg0, %add3A_399, %dma_start3A_406] : memref<2x6016x128xf32, #tpu.memory_space<hbm>> -> memref<1x120x128xf32, #tpu.memory_space<hbm>>
      %dma_start3A_408 = tpu.memref_squeeze %dma_start3A_407 : memref<1x120x128xf32, #tpu.memory_space<hbm>> -> memref<120x128xf32, #tpu.memory_space<hbm>>
      %dma_start3A_409 = arith.constant 0 : i32
      %dma_start3A_410 = arith.constant 0 : i32
      %dma_start3A_411 = tpu.memref_slice %arg17[%dma_start3A_409, %dma_start3A_410] : memref<128x128xf32, #tpu.memory_space<vmem>> -> memref<120x128xf32, #tpu.memory_space<vmem>>
      tpu.enqueue_dma source(%dma_start3A_411 : memref<120x128xf32, #tpu.memory_space<vmem>>) target(%dma_start3A_408 : memref<120x128xf32, #tpu.memory_space<hbm>>) target_semaphore(%run_scoped3A : memref<!tpu.dma_semaphore, #tpu.memory_space<semaphore_mem>>)
      %dma_wait3A_412 = arith.constant 0 : i32
      %dma_wait3A_413 = arith.constant 0 : i32
      %dma_wait3A_414 = tpu.memref_slice %arg17[%dma_wait3A_412, %dma_wait3A_413] : memref<128x128xf32, #tpu.memory_space<vmem>> -> memref<120x128xf32, #tpu.memory_space<vmem>>
      %dma_wait3A_415 = arith.constant 0 : i32
      %dma_wait3A_416 = tpu.memref_slice %arg6[%arg0, %add3A_399, %dma_wait3A_415] : memref<2x6016x128xf32, #tpu.memory_space<hbm>> -> memref<1x120x128xf32, #tpu.memory_space<hbm>>
      %dma_wait3A_417 = tpu.memref_squeeze %dma_wait3A_416 : memref<1x120x128xf32, #tpu.memory_space<hbm>> -> memref<120x128xf32, #tpu.memory_space<hbm>>
      %dma_wait3A_418 = arith.constant 0 : i32
      %dma_wait3A_419 = tpu.memref_slice %arg6[%arg0, %add3A_399, %dma_wait3A_418] : memref<2x6016x128xf32, #tpu.memory_space<hbm>> -> memref<1x120x128xf32, #tpu.memory_space<hbm>>
      %dma_wait3A_420 = tpu.memref_squeeze %dma_wait3A_419 : memref<1x120x128xf32, #tpu.memory_space<hbm>> -> memref<120x128xf32, #tpu.memory_space<hbm>>
      %dma_wait3A_421 = arith.constant 0 : i32
      %dma_wait3A_422 = arith.constant 0 : i32
      %dma_wait3A_423 = tpu.memref_slice %arg17[%dma_wait3A_421, %dma_wait3A_422] : memref<128x128xf32, #tpu.memory_space<vmem>> -> memref<120x128xf32, #tpu.memory_space<vmem>>
      tpu.wait_dma2 semaphore(%run_scoped3A : memref<!tpu.dma_semaphore, #tpu.memory_space<semaphore_mem>>) src(%dma_wait3A_423 : memref<120x128xf32, #tpu.memory_space<vmem>>) dst(%dma_wait3A_420 : memref<120x128xf32, #tpu.memory_space<hbm>>)
      tpu.yield
    }) : () -> ()
    return
  }
}

module attributes {stable_mosaic.version = 14 : i64} {
  func.func @_w2_body(%arg0: i32, %arg1: memref<5x8xf32, #tpu.memory_space<smem>>, %arg2: memref<8x1000x128xf32, #tpu.memory_space<vmem>>, %arg3: memref<5x1000x128xf32, #tpu.memory_space<vmem>>) attributes {dimension_semantics = [#tpu.dimension_semantics<arbitrary>], iteration_bounds = array<i64: 4>, scalar_prefetch = 0 : i64, scratch_operands = 0 : i64, tpu.core_type = #tpu.core_type<tc>, window_params = [{transform_indices = @transform_0, window_bounds = array<i64: 5, 8>}, {transform_indices = @transform_1, window_bounds = array<i64: 8, 1000, 128>}, {transform_indices = @transform_2, window_bounds = array<i64: 5, 1000, 128>}]} {
    %get3A = arith.constant 0 : index
    %get3A_0 = arith.constant 0 : index
    %get3A_1 = memref.load %arg1[%get3A, %get3A_0] : memref<5x8xf32, #tpu.memory_space<smem>>
    %get3A_2 = arith.constant 0 : index
    %get3A_3 = arith.constant 0 : index
    %get3A_4 = arith.constant 0 : index
    %get3A_5 = vector.load %arg2[%get3A_2, %get3A_3, %get3A_4] : memref<8x1000x128xf32, #tpu.memory_space<vmem>>, vector<1x1000x128xf32>
    %get3A_6 = vector.shape_cast %get3A_5 : vector<1x1000x128xf32> to vector<1000x128xf32>
    %mul3A = vector.broadcast %get3A_1 : f32 to vector<1000x128xf32>
    %mul3A_7 = arith.mulf %mul3A, %get3A_6 : vector<1000x128xf32>
    %get3A_8 = arith.constant 0 : index
    %get3A_9 = arith.constant 1 : index
    %get3A_10 = memref.load %arg1[%get3A_8, %get3A_9] : memref<5x8xf32, #tpu.memory_space<smem>>
    %get3A_11 = arith.constant 1 : index
    %get3A_12 = arith.constant 0 : index
    %get3A_13 = arith.constant 0 : index
    %get3A_14 = vector.load %arg2[%get3A_11, %get3A_12, %get3A_13] : memref<8x1000x128xf32, #tpu.memory_space<vmem>>, vector<1x1000x128xf32>
    %get3A_15 = vector.shape_cast %get3A_14 : vector<1x1000x128xf32> to vector<1000x128xf32>
    %mul3A_16 = vector.broadcast %get3A_10 : f32 to vector<1000x128xf32>
    %mul3A_17 = arith.mulf %mul3A_16, %get3A_15 : vector<1000x128xf32>
    %add3A = arith.addf %mul3A_7, %mul3A_17 : vector<1000x128xf32>
    %get3A_18 = arith.constant 0 : index
    %get3A_19 = arith.constant 2 : index
    %get3A_20 = memref.load %arg1[%get3A_18, %get3A_19] : memref<5x8xf32, #tpu.memory_space<smem>>
    %get3A_21 = arith.constant 2 : index
    %get3A_22 = arith.constant 0 : index
    %get3A_23 = arith.constant 0 : index
    %get3A_24 = vector.load %arg2[%get3A_21, %get3A_22, %get3A_23] : memref<8x1000x128xf32, #tpu.memory_space<vmem>>, vector<1x1000x128xf32>
    %get3A_25 = vector.shape_cast %get3A_24 : vector<1x1000x128xf32> to vector<1000x128xf32>
    %mul3A_26 = vector.broadcast %get3A_20 : f32 to vector<1000x128xf32>
    %mul3A_27 = arith.mulf %mul3A_26, %get3A_25 : vector<1000x128xf32>
    %add3A_28 = arith.addf %add3A, %mul3A_27 : vector<1000x128xf32>
    %get3A_29 = arith.constant 0 : index
    %get3A_30 = arith.constant 3 : index
    %get3A_31 = memref.load %arg1[%get3A_29, %get3A_30] : memref<5x8xf32, #tpu.memory_space<smem>>
    %get3A_32 = arith.constant 3 : index
    %get3A_33 = arith.constant 0 : index
    %get3A_34 = arith.constant 0 : index
    %get3A_35 = vector.load %arg2[%get3A_32, %get3A_33, %get3A_34] : memref<8x1000x128xf32, #tpu.memory_space<vmem>>, vector<1x1000x128xf32>
    %get3A_36 = vector.shape_cast %get3A_35 : vector<1x1000x128xf32> to vector<1000x128xf32>
    %mul3A_37 = vector.broadcast %get3A_31 : f32 to vector<1000x128xf32>
    %mul3A_38 = arith.mulf %mul3A_37, %get3A_36 : vector<1000x128xf32>
    %add3A_39 = arith.addf %add3A_28, %mul3A_38 : vector<1000x128xf32>
    %get3A_40 = arith.constant 0 : index
    %get3A_41 = arith.constant 4 : index
    %get3A_42 = memref.load %arg1[%get3A_40, %get3A_41] : memref<5x8xf32, #tpu.memory_space<smem>>
    %get3A_43 = arith.constant 4 : index
    %get3A_44 = arith.constant 0 : index
    %get3A_45 = arith.constant 0 : index
    %get3A_46 = vector.load %arg2[%get3A_43, %get3A_44, %get3A_45] : memref<8x1000x128xf32, #tpu.memory_space<vmem>>, vector<1x1000x128xf32>
    %get3A_47 = vector.shape_cast %get3A_46 : vector<1x1000x128xf32> to vector<1000x128xf32>
    %mul3A_48 = vector.broadcast %get3A_42 : f32 to vector<1000x128xf32>
    %mul3A_49 = arith.mulf %mul3A_48, %get3A_47 : vector<1000x128xf32>
    %add3A_50 = arith.addf %add3A_39, %mul3A_49 : vector<1000x128xf32>
    %get3A_51 = arith.constant 0 : index
    %get3A_52 = arith.constant 5 : index
    %get3A_53 = memref.load %arg1[%get3A_51, %get3A_52] : memref<5x8xf32, #tpu.memory_space<smem>>
    %get3A_54 = arith.constant 5 : index
    %get3A_55 = arith.constant 0 : index
    %get3A_56 = arith.constant 0 : index
    %get3A_57 = vector.load %arg2[%get3A_54, %get3A_55, %get3A_56] : memref<8x1000x128xf32, #tpu.memory_space<vmem>>, vector<1x1000x128xf32>
    %get3A_58 = vector.shape_cast %get3A_57 : vector<1x1000x128xf32> to vector<1000x128xf32>
    %mul3A_59 = vector.broadcast %get3A_53 : f32 to vector<1000x128xf32>
    %mul3A_60 = arith.mulf %mul3A_59, %get3A_58 : vector<1000x128xf32>
    %add3A_61 = arith.addf %add3A_50, %mul3A_60 : vector<1000x128xf32>
    %get3A_62 = arith.constant 0 : index
    %get3A_63 = arith.constant 6 : index
    %get3A_64 = memref.load %arg1[%get3A_62, %get3A_63] : memref<5x8xf32, #tpu.memory_space<smem>>
    %get3A_65 = arith.constant 6 : index
    %get3A_66 = arith.constant 0 : index
    %get3A_67 = arith.constant 0 : index
    %get3A_68 = vector.load %arg2[%get3A_65, %get3A_66, %get3A_67] : memref<8x1000x128xf32, #tpu.memory_space<vmem>>, vector<1x1000x128xf32>
    %get3A_69 = vector.shape_cast %get3A_68 : vector<1x1000x128xf32> to vector<1000x128xf32>
    %mul3A_70 = vector.broadcast %get3A_64 : f32 to vector<1000x128xf32>
    %mul3A_71 = arith.mulf %mul3A_70, %get3A_69 : vector<1000x128xf32>
    %add3A_72 = arith.addf %add3A_61, %mul3A_71 : vector<1000x128xf32>
    %get3A_73 = arith.constant 0 : index
    %get3A_74 = arith.constant 7 : index
    %get3A_75 = memref.load %arg1[%get3A_73, %get3A_74] : memref<5x8xf32, #tpu.memory_space<smem>>
    %get3A_76 = arith.constant 7 : index
    %get3A_77 = arith.constant 0 : index
    %get3A_78 = arith.constant 0 : index
    %get3A_79 = vector.load %arg2[%get3A_76, %get3A_77, %get3A_78] : memref<8x1000x128xf32, #tpu.memory_space<vmem>>, vector<1x1000x128xf32>
    %get3A_80 = vector.shape_cast %get3A_79 : vector<1x1000x128xf32> to vector<1000x128xf32>
    %mul3A_81 = vector.broadcast %get3A_75 : f32 to vector<1000x128xf32>
    %mul3A_82 = arith.mulf %mul3A_81, %get3A_80 : vector<1000x128xf32>
    %add3A_83 = arith.addf %add3A_72, %mul3A_82 : vector<1000x128xf32>
    %swap3A = arith.constant 0 : index
    %swap3A_84 = arith.constant 0 : index
    %swap3A_85 = arith.constant 0 : index
    %swap3A_86 = vector.load %arg3[%swap3A, %swap3A_84, %swap3A_85] : memref<5x1000x128xf32, #tpu.memory_space<vmem>>, vector<1x1000x128xf32>
    %swap3A_87 = vector.shape_cast %swap3A_86 : vector<1x1000x128xf32> to vector<1000x128xf32>
    %swap3A_88 = vector.shape_cast %add3A_83 : vector<1000x128xf32> to vector<1x1000x128xf32>
    tpu.vector_store %arg3[%swap3A, %swap3A_84, %swap3A_85], %swap3A_88 {strides = array<i32>} : memref<5x1000x128xf32, #tpu.memory_space<vmem>>, vector<1x1000x128xf32>,
    %get3A_89 = arith.constant 1 : index
    %get3A_90 = arith.constant 0 : index
    %get3A_91 = memref.load %arg1[%get3A_89, %get3A_90] : memref<5x8xf32, #tpu.memory_space<smem>>
    %get3A_92 = arith.constant 0 : index
    %get3A_93 = arith.constant 0 : index
    %get3A_94 = arith.constant 0 : index
    %get3A_95 = vector.load %arg2[%get3A_92, %get3A_93, %get3A_94] : memref<8x1000x128xf32, #tpu.memory_space<vmem>>, vector<1x1000x128xf32>
    %get3A_96 = vector.shape_cast %get3A_95 : vector<1x1000x128xf32> to vector<1000x128xf32>
    %mul3A_97 = vector.broadcast %get3A_91 : f32 to vector<1000x128xf32>
    %mul3A_98 = arith.mulf %mul3A_97, %get3A_96 : vector<1000x128xf32>
    %get3A_99 = arith.constant 1 : index
    %get3A_100 = arith.constant 1 : index
    %get3A_101 = memref.load %arg1[%get3A_99, %get3A_100] : memref<5x8xf32, #tpu.memory_space<smem>>
    %get3A_102 = arith.constant 1 : index
    %get3A_103 = arith.constant 0 : index
    %get3A_104 = arith.constant 0 : index
    %get3A_105 = vector.load %arg2[%get3A_102, %get3A_103, %get3A_104] : memref<8x1000x128xf32, #tpu.memory_space<vmem>>, vector<1x1000x128xf32>
    %get3A_106 = vector.shape_cast %get3A_105 : vector<1x1000x128xf32> to vector<1000x128xf32>
    %mul3A_107 = vector.broadcast %get3A_101 : f32 to vector<1000x128xf32>
    %mul3A_108 = arith.mulf %mul3A_107, %get3A_106 : vector<1000x128xf32>
    %add3A_109 = arith.addf %mul3A_98, %mul3A_108 : vector<1000x128xf32>
    %get3A_110 = arith.constant 1 : index
    %get3A_111 = arith.constant 2 : index
    %get3A_112 = memref.load %arg1[%get3A_110, %get3A_111] : memref<5x8xf32, #tpu.memory_space<smem>>
    %get3A_113 = arith.constant 2 : index
    %get3A_114 = arith.constant 0 : index
    %get3A_115 = arith.constant 0 : index
    %get3A_116 = vector.load %arg2[%get3A_113, %get3A_114, %get3A_115] : memref<8x1000x128xf32, #tpu.memory_space<vmem>>, vector<1x1000x128xf32>
    %get3A_117 = vector.shape_cast %get3A_116 : vector<1x1000x128xf32> to vector<1000x128xf32>
    %mul3A_118 = vector.broadcast %get3A_112 : f32 to vector<1000x128xf32>
    %mul3A_119 = arith.mulf %mul3A_118, %get3A_117 : vector<1000x128xf32>
    %add3A_120 = arith.addf %add3A_109, %mul3A_119 : vector<1000x128xf32>
    %get3A_121 = arith.constant 1 : index
    %get3A_122 = arith.constant 3 : index
    %get3A_123 = memref.load %arg1[%get3A_121, %get3A_122] : memref<5x8xf32, #tpu.memory_space<smem>>
    %get3A_124 = arith.constant 3 : index
    %get3A_125 = arith.constant 0 : index
    %get3A_126 = arith.constant 0 : index
    %get3A_127 = vector.load %arg2[%get3A_124, %get3A_125, %get3A_126] : memref<8x1000x128xf32, #tpu.memory_space<vmem>>, vector<1x1000x128xf32>
    %get3A_128 = vector.shape_cast %get3A_127 : vector<1x1000x128xf32> to vector<1000x128xf32>
    %mul3A_129 = vector.broadcast %get3A_123 : f32 to vector<1000x128xf32>
    %mul3A_130 = arith.mulf %mul3A_129, %get3A_128 : vector<1000x128xf32>
    %add3A_131 = arith.addf %add3A_120, %mul3A_130 : vector<1000x128xf32>
    %get3A_132 = arith.constant 1 : index
    %get3A_133 = arith.constant 4 : index
    %get3A_134 = memref.load %arg1[%get3A_132, %get3A_133] : memref<5x8xf32, #tpu.memory_space<smem>>
    %get3A_135 = arith.constant 4 : index
    %get3A_136 = arith.constant 0 : index
    %get3A_137 = arith.constant 0 : index
    %get3A_138 = vector.load %arg2[%get3A_135, %get3A_136, %get3A_137] : memref<8x1000x128xf32, #tpu.memory_space<vmem>>, vector<1x1000x128xf32>
    %get3A_139 = vector.shape_cast %get3A_138 : vector<1x1000x128xf32> to vector<1000x128xf32>
    %mul3A_140 = vector.broadcast %get3A_134 : f32 to vector<1000x128xf32>
    %mul3A_141 = arith.mulf %mul3A_140, %get3A_139 : vector<1000x128xf32>
    %add3A_142 = arith.addf %add3A_131, %mul3A_141 : vector<1000x128xf32>
    %get3A_143 = arith.constant 1 : index
    %get3A_144 = arith.constant 5 : index
    %get3A_145 = memref.load %arg1[%get3A_143, %get3A_144] : memref<5x8xf32, #tpu.memory_space<smem>>
    %get3A_146 = arith.constant 5 : index
    %get3A_147 = arith.constant 0 : index
    %get3A_148 = arith.constant 0 : index
    %get3A_149 = vector.load %arg2[%get3A_146, %get3A_147, %get3A_148] : memref<8x1000x128xf32, #tpu.memory_space<vmem>>, vector<1x1000x128xf32>
    %get3A_150 = vector.shape_cast %get3A_149 : vector<1x1000x128xf32> to vector<1000x128xf32>
    %mul3A_151 = vector.broadcast %get3A_145 : f32 to vector<1000x128xf32>
    %mul3A_152 = arith.mulf %mul3A_151, %get3A_150 : vector<1000x128xf32>
    %add3A_153 = arith.addf %add3A_142, %mul3A_152 : vector<1000x128xf32>
    %get3A_154 = arith.constant 1 : index
    %get3A_155 = arith.constant 6 : index
    %get3A_156 = memref.load %arg1[%get3A_154, %get3A_155] : memref<5x8xf32, #tpu.memory_space<smem>>
    %get3A_157 = arith.constant 6 : index
    %get3A_158 = arith.constant 0 : index
    %get3A_159 = arith.constant 0 : index
    %get3A_160 = vector.load %arg2[%get3A_157, %get3A_158, %get3A_159] : memref<8x1000x128xf32, #tpu.memory_space<vmem>>, vector<1x1000x128xf32>
    %get3A_161 = vector.shape_cast %get3A_160 : vector<1x1000x128xf32> to vector<1000x128xf32>
    %mul3A_162 = vector.broadcast %get3A_156 : f32 to vector<1000x128xf32>
    %mul3A_163 = arith.mulf %mul3A_162, %get3A_161 : vector<1000x128xf32>
    %add3A_164 = arith.addf %add3A_153, %mul3A_163 : vector<1000x128xf32>
    %get3A_165 = arith.constant 1 : index
    %get3A_166 = arith.constant 7 : index
    %get3A_167 = memref.load %arg1[%get3A_165, %get3A_166] : memref<5x8xf32, #tpu.memory_space<smem>>
    %get3A_168 = arith.constant 7 : index
    %get3A_169 = arith.constant 0 : index
    %get3A_170 = arith.constant 0 : index
    %get3A_171 = vector.load %arg2[%get3A_168, %get3A_169, %get3A_170] : memref<8x1000x128xf32, #tpu.memory_space<vmem>>, vector<1x1000x128xf32>
    %get3A_172 = vector.shape_cast %get3A_171 : vector<1x1000x128xf32> to vector<1000x128xf32>
    %mul3A_173 = vector.broadcast %get3A_167 : f32 to vector<1000x128xf32>
    %mul3A_174 = arith.mulf %mul3A_173, %get3A_172 : vector<1000x128xf32>
    %add3A_175 = arith.addf %add3A_164, %mul3A_174 : vector<1000x128xf32>
    %swap3A_176 = arith.constant 1 : index
    %swap3A_177 = arith.constant 0 : index
    %swap3A_178 = arith.constant 0 : index
    %swap3A_179 = vector.load %arg3[%swap3A_176, %swap3A_177, %swap3A_178] : memref<5x1000x128xf32, #tpu.memory_space<vmem>>, vector<1x1000x128xf32>
    %swap3A_180 = vector.shape_cast %swap3A_179 : vector<1x1000x128xf32> to vector<1000x128xf32>
    %swap3A_181 = vector.shape_cast %add3A_175 : vector<1000x128xf32> to vector<1x1000x128xf32>
    tpu.vector_store %arg3[%swap3A_176, %swap3A_177, %swap3A_178], %swap3A_181 {strides = array<i32>} : memref<5x1000x128xf32, #tpu.memory_space<vmem>>, vector<1x1000x128xf32>,
    %get3A_182 = arith.constant 2 : index
    %get3A_183 = arith.constant 0 : index
    %get3A_184 = memref.load %arg1[%get3A_182, %get3A_183] : memref<5x8xf32, #tpu.memory_space<smem>>
    %get3A_185 = arith.constant 0 : index
    %get3A_186 = arith.constant 0 : index
    %get3A_187 = arith.constant 0 : index
    %get3A_188 = vector.load %arg2[%get3A_185, %get3A_186, %get3A_187] : memref<8x1000x128xf32, #tpu.memory_space<vmem>>, vector<1x1000x128xf32>
    %get3A_189 = vector.shape_cast %get3A_188 : vector<1x1000x128xf32> to vector<1000x128xf32>
    %mul3A_190 = vector.broadcast %get3A_184 : f32 to vector<1000x128xf32>
    %mul3A_191 = arith.mulf %mul3A_190, %get3A_189 : vector<1000x128xf32>
    %get3A_192 = arith.constant 2 : index
    %get3A_193 = arith.constant 1 : index
    %get3A_194 = memref.load %arg1[%get3A_192, %get3A_193] : memref<5x8xf32, #tpu.memory_space<smem>>
    %get3A_195 = arith.constant 1 : index
    %get3A_196 = arith.constant 0 : index
    %get3A_197 = arith.constant 0 : index
    %get3A_198 = vector.load %arg2[%get3A_195, %get3A_196, %get3A_197] : memref<8x1000x128xf32, #tpu.memory_space<vmem>>, vector<1x1000x128xf32>
    %get3A_199 = vector.shape_cast %get3A_198 : vector<1x1000x128xf32> to vector<1000x128xf32>
    %mul3A_200 = vector.broadcast %get3A_194 : f32 to vector<1000x128xf32>
    %mul3A_201 = arith.mulf %mul3A_200, %get3A_199 : vector<1000x128xf32>
    %add3A_202 = arith.addf %mul3A_191, %mul3A_201 : vector<1000x128xf32>
    %get3A_203 = arith.constant 2 : index
    %get3A_204 = arith.constant 2 : index
    %get3A_205 = memref.load %arg1[%get3A_203, %get3A_204] : memref<5x8xf32, #tpu.memory_space<smem>>
    %get3A_206 = arith.constant 2 : index
    %get3A_207 = arith.constant 0 : index
    %get3A_208 = arith.constant 0 : index
    %get3A_209 = vector.load %arg2[%get3A_206, %get3A_207, %get3A_208] : memref<8x1000x128xf32, #tpu.memory_space<vmem>>, vector<1x1000x128xf32>
    %get3A_210 = vector.shape_cast %get3A_209 : vector<1x1000x128xf32> to vector<1000x128xf32>
    %mul3A_211 = vector.broadcast %get3A_205 : f32 to vector<1000x128xf32>
    %mul3A_212 = arith.mulf %mul3A_211, %get3A_210 : vector<1000x128xf32>
    %add3A_213 = arith.addf %add3A_202, %mul3A_212 : vector<1000x128xf32>
    %get3A_214 = arith.constant 2 : index
    %get3A_215 = arith.constant 3 : index
    %get3A_216 = memref.load %arg1[%get3A_214, %get3A_215] : memref<5x8xf32, #tpu.memory_space<smem>>
    %get3A_217 = arith.constant 3 : index
    %get3A_218 = arith.constant 0 : index
    %get3A_219 = arith.constant 0 : index
    %get3A_220 = vector.load %arg2[%get3A_217, %get3A_218, %get3A_219] : memref<8x1000x128xf32, #tpu.memory_space<vmem>>, vector<1x1000x128xf32>
    %get3A_221 = vector.shape_cast %get3A_220 : vector<1x1000x128xf32> to vector<1000x128xf32>
    %mul3A_222 = vector.broadcast %get3A_216 : f32 to vector<1000x128xf32>
    %mul3A_223 = arith.mulf %mul3A_222, %get3A_221 : vector<1000x128xf32>
    %add3A_224 = arith.addf %add3A_213, %mul3A_223 : vector<1000x128xf32>
    %get3A_225 = arith.constant 2 : index
    %get3A_226 = arith.constant 4 : index
    %get3A_227 = memref.load %arg1[%get3A_225, %get3A_226] : memref<5x8xf32, #tpu.memory_space<smem>>
    %get3A_228 = arith.constant 4 : index
    %get3A_229 = arith.constant 0 : index
    %get3A_230 = arith.constant 0 : index
    %get3A_231 = vector.load %arg2[%get3A_228, %get3A_229, %get3A_230] : memref<8x1000x128xf32, #tpu.memory_space<vmem>>, vector<1x1000x128xf32>
    %get3A_232 = vector.shape_cast %get3A_231 : vector<1x1000x128xf32> to vector<1000x128xf32>
    %mul3A_233 = vector.broadcast %get3A_227 : f32 to vector<1000x128xf32>
    %mul3A_234 = arith.mulf %mul3A_233, %get3A_232 : vector<1000x128xf32>
    %add3A_235 = arith.addf %add3A_224, %mul3A_234 : vector<1000x128xf32>
    %get3A_236 = arith.constant 2 : index
    %get3A_237 = arith.constant 5 : index
    %get3A_238 = memref.load %arg1[%get3A_236, %get3A_237] : memref<5x8xf32, #tpu.memory_space<smem>>
    %get3A_239 = arith.constant 5 : index
    %get3A_240 = arith.constant 0 : index
    %get3A_241 = arith.constant 0 : index
    %get3A_242 = vector.load %arg2[%get3A_239, %get3A_240, %get3A_241] : memref<8x1000x128xf32, #tpu.memory_space<vmem>>, vector<1x1000x128xf32>
    %get3A_243 = vector.shape_cast %get3A_242 : vector<1x1000x128xf32> to vector<1000x128xf32>
    %mul3A_244 = vector.broadcast %get3A_238 : f32 to vector<1000x128xf32>
    %mul3A_245 = arith.mulf %mul3A_244, %get3A_243 : vector<1000x128xf32>
    %add3A_246 = arith.addf %add3A_235, %mul3A_245 : vector<1000x128xf32>
    %get3A_247 = arith.constant 2 : index
    %get3A_248 = arith.constant 6 : index
    %get3A_249 = memref.load %arg1[%get3A_247, %get3A_248] : memref<5x8xf32, #tpu.memory_space<smem>>
    %get3A_250 = arith.constant 6 : index
    %get3A_251 = arith.constant 0 : index
    %get3A_252 = arith.constant 0 : index
    %get3A_253 = vector.load %arg2[%get3A_250, %get3A_251, %get3A_252] : memref<8x1000x128xf32, #tpu.memory_space<vmem>>, vector<1x1000x128xf32>
    %get3A_254 = vector.shape_cast %get3A_253 : vector<1x1000x128xf32> to vector<1000x128xf32>
    %mul3A_255 = vector.broadcast %get3A_249 : f32 to vector<1000x128xf32>
    %mul3A_256 = arith.mulf %mul3A_255, %get3A_254 : vector<1000x128xf32>
    %add3A_257 = arith.addf %add3A_246, %mul3A_256 : vector<1000x128xf32>
    %get3A_258 = arith.constant 2 : index
    %get3A_259 = arith.constant 7 : index
    %get3A_260 = memref.load %arg1[%get3A_258, %get3A_259] : memref<5x8xf32, #tpu.memory_space<smem>>
    %get3A_261 = arith.constant 7 : index
    %get3A_262 = arith.constant 0 : index
    %get3A_263 = arith.constant 0 : index
    %get3A_264 = vector.load %arg2[%get3A_261, %get3A_262, %get3A_263] : memref<8x1000x128xf32, #tpu.memory_space<vmem>>, vector<1x1000x128xf32>
    %get3A_265 = vector.shape_cast %get3A_264 : vector<1x1000x128xf32> to vector<1000x128xf32>
    %mul3A_266 = vector.broadcast %get3A_260 : f32 to vector<1000x128xf32>
    %mul3A_267 = arith.mulf %mul3A_266, %get3A_265 : vector<1000x128xf32>
    %add3A_268 = arith.addf %add3A_257, %mul3A_267 : vector<1000x128xf32>
    %swap3A_269 = arith.constant 2 : index
    %swap3A_270 = arith.constant 0 : index
    %swap3A_271 = arith.constant 0 : index
    %swap3A_272 = vector.load %arg3[%swap3A_269, %swap3A_270, %swap3A_271] : memref<5x1000x128xf32, #tpu.memory_space<vmem>>, vector<1x1000x128xf32>
    %swap3A_273 = vector.shape_cast %swap3A_272 : vector<1x1000x128xf32> to vector<1000x128xf32>
    %swap3A_274 = vector.shape_cast %add3A_268 : vector<1000x128xf32> to vector<1x1000x128xf32>
    tpu.vector_store %arg3[%swap3A_269, %swap3A_270, %swap3A_271], %swap3A_274 {strides = array<i32>} : memref<5x1000x128xf32, #tpu.memory_space<vmem>>, vector<1x1000x128xf32>,
    %get3A_275 = arith.constant 3 : index
    %get3A_276 = arith.constant 0 : index
    %get3A_277 = memref.load %arg1[%get3A_275, %get3A_276] : memref<5x8xf32, #tpu.memory_space<smem>>
    %get3A_278 = arith.constant 0 : index
    %get3A_279 = arith.constant 0 : index
    %get3A_280 = arith.constant 0 : index
    %get3A_281 = vector.load %arg2[%get3A_278, %get3A_279, %get3A_280] : memref<8x1000x128xf32, #tpu.memory_space<vmem>>, vector<1x1000x128xf32>
    %get3A_282 = vector.shape_cast %get3A_281 : vector<1x1000x128xf32> to vector<1000x128xf32>
    %mul3A_283 = vector.broadcast %get3A_277 : f32 to vector<1000x128xf32>
    %mul3A_284 = arith.mulf %mul3A_283, %get3A_282 : vector<1000x128xf32>
    %get3A_285 = arith.constant 3 : index
    %get3A_286 = arith.constant 1 : index
    %get3A_287 = memref.load %arg1[%get3A_285, %get3A_286] : memref<5x8xf32, #tpu.memory_space<smem>>
    %get3A_288 = arith.constant 1 : index
    %get3A_289 = arith.constant 0 : index
    %get3A_290 = arith.constant 0 : index
    %get3A_291 = vector.load %arg2[%get3A_288, %get3A_289, %get3A_290] : memref<8x1000x128xf32, #tpu.memory_space<vmem>>, vector<1x1000x128xf32>
    %get3A_292 = vector.shape_cast %get3A_291 : vector<1x1000x128xf32> to vector<1000x128xf32>
    %mul3A_293 = vector.broadcast %get3A_287 : f32 to vector<1000x128xf32>
    %mul3A_294 = arith.mulf %mul3A_293, %get3A_292 : vector<1000x128xf32>
    %add3A_295 = arith.addf %mul3A_284, %mul3A_294 : vector<1000x128xf32>
    %get3A_296 = arith.constant 3 : index
    %get3A_297 = arith.constant 2 : index
    %get3A_298 = memref.load %arg1[%get3A_296, %get3A_297] : memref<5x8xf32, #tpu.memory_space<smem>>
    %get3A_299 = arith.constant 2 : index
    %get3A_300 = arith.constant 0 : index
    %get3A_301 = arith.constant 0 : index
    %get3A_302 = vector.load %arg2[%get3A_299, %get3A_300, %get3A_301] : memref<8x1000x128xf32, #tpu.memory_space<vmem>>, vector<1x1000x128xf32>
    %get3A_303 = vector.shape_cast %get3A_302 : vector<1x1000x128xf32> to vector<1000x128xf32>
    %mul3A_304 = vector.broadcast %get3A_298 : f32 to vector<1000x128xf32>
    %mul3A_305 = arith.mulf %mul3A_304, %get3A_303 : vector<1000x128xf32>
    %add3A_306 = arith.addf %add3A_295, %mul3A_305 : vector<1000x128xf32>
    %get3A_307 = arith.constant 3 : index
    %get3A_308 = arith.constant 3 : index
    %get3A_309 = memref.load %arg1[%get3A_307, %get3A_308] : memref<5x8xf32, #tpu.memory_space<smem>>
    %get3A_310 = arith.constant 3 : index
    %get3A_311 = arith.constant 0 : index
    %get3A_312 = arith.constant 0 : index
    %get3A_313 = vector.load %arg2[%get3A_310, %get3A_311, %get3A_312] : memref<8x1000x128xf32, #tpu.memory_space<vmem>>, vector<1x1000x128xf32>
    %get3A_314 = vector.shape_cast %get3A_313 : vector<1x1000x128xf32> to vector<1000x128xf32>
    %mul3A_315 = vector.broadcast %get3A_309 : f32 to vector<1000x128xf32>
    %mul3A_316 = arith.mulf %mul3A_315, %get3A_314 : vector<1000x128xf32>
    %add3A_317 = arith.addf %add3A_306, %mul3A_316 : vector<1000x128xf32>
    %get3A_318 = arith.constant 3 : index
    %get3A_319 = arith.constant 4 : index
    %get3A_320 = memref.load %arg1[%get3A_318, %get3A_319] : memref<5x8xf32, #tpu.memory_space<smem>>
    %get3A_321 = arith.constant 4 : index
    %get3A_322 = arith.constant 0 : index
    %get3A_323 = arith.constant 0 : index
    %get3A_324 = vector.load %arg2[%get3A_321, %get3A_322, %get3A_323] : memref<8x1000x128xf32, #tpu.memory_space<vmem>>, vector<1x1000x128xf32>
    %get3A_325 = vector.shape_cast %get3A_324 : vector<1x1000x128xf32> to vector<1000x128xf32>
    %mul3A_326 = vector.broadcast %get3A_320 : f32 to vector<1000x128xf32>
    %mul3A_327 = arith.mulf %mul3A_326, %get3A_325 : vector<1000x128xf32>
    %add3A_328 = arith.addf %add3A_317, %mul3A_327 : vector<1000x128xf32>
    %get3A_329 = arith.constant 3 : index
    %get3A_330 = arith.constant 5 : index
    %get3A_331 = memref.load %arg1[%get3A_329, %get3A_330] : memref<5x8xf32, #tpu.memory_space<smem>>
    %get3A_332 = arith.constant 5 : index
    %get3A_333 = arith.constant 0 : index
    %get3A_334 = arith.constant 0 : index
    %get3A_335 = vector.load %arg2[%get3A_332, %get3A_333, %get3A_334] : memref<8x1000x128xf32, #tpu.memory_space<vmem>>, vector<1x1000x128xf32>
    %get3A_336 = vector.shape_cast %get3A_335 : vector<1x1000x128xf32> to vector<1000x128xf32>
    %mul3A_337 = vector.broadcast %get3A_331 : f32 to vector<1000x128xf32>
    %mul3A_338 = arith.mulf %mul3A_337, %get3A_336 : vector<1000x128xf32>
    %add3A_339 = arith.addf %add3A_328, %mul3A_338 : vector<1000x128xf32>
    %get3A_340 = arith.constant 3 : index
    %get3A_341 = arith.constant 6 : index
    %get3A_342 = memref.load %arg1[%get3A_340, %get3A_341] : memref<5x8xf32, #tpu.memory_space<smem>>
    %get3A_343 = arith.constant 6 : index
    %get3A_344 = arith.constant 0 : index
    %get3A_345 = arith.constant 0 : index
    %get3A_346 = vector.load %arg2[%get3A_343, %get3A_344, %get3A_345] : memref<8x1000x128xf32, #tpu.memory_space<vmem>>, vector<1x1000x128xf32>
    %get3A_347 = vector.shape_cast %get3A_346 : vector<1x1000x128xf32> to vector<1000x128xf32>
    %mul3A_348 = vector.broadcast %get3A_342 : f32 to vector<1000x128xf32>
    %mul3A_349 = arith.mulf %mul3A_348, %get3A_347 : vector<1000x128xf32>
    %add3A_350 = arith.addf %add3A_339, %mul3A_349 : vector<1000x128xf32>
    %get3A_351 = arith.constant 3 : index
    %get3A_352 = arith.constant 7 : index
    %get3A_353 = memref.load %arg1[%get3A_351, %get3A_352] : memref<5x8xf32, #tpu.memory_space<smem>>
    %get3A_354 = arith.constant 7 : index
    %get3A_355 = arith.constant 0 : index
    %get3A_356 = arith.constant 0 : index
    %get3A_357 = vector.load %arg2[%get3A_354, %get3A_355, %get3A_356] : memref<8x1000x128xf32, #tpu.memory_space<vmem>>, vector<1x1000x128xf32>
    %get3A_358 = vector.shape_cast %get3A_357 : vector<1x1000x128xf32> to vector<1000x128xf32>
    %mul3A_359 = vector.broadcast %get3A_353 : f32 to vector<1000x128xf32>
    %mul3A_360 = arith.mulf %mul3A_359, %get3A_358 : vector<1000x128xf32>
    %add3A_361 = arith.addf %add3A_350, %mul3A_360 : vector<1000x128xf32>
    %swap3A_362 = arith.constant 3 : index
    %swap3A_363 = arith.constant 0 : index
    %swap3A_364 = arith.constant 0 : index
    %swap3A_365 = vector.load %arg3[%swap3A_362, %swap3A_363, %swap3A_364] : memref<5x1000x128xf32, #tpu.memory_space<vmem>>, vector<1x1000x128xf32>
    %swap3A_366 = vector.shape_cast %swap3A_365 : vector<1x1000x128xf32> to vector<1000x128xf32>
    %swap3A_367 = vector.shape_cast %add3A_361 : vector<1000x128xf32> to vector<1x1000x128xf32>
    tpu.vector_store %arg3[%swap3A_362, %swap3A_363, %swap3A_364], %swap3A_367 {strides = array<i32>} : memref<5x1000x128xf32, #tpu.memory_space<vmem>>, vector<1x1000x128xf32>,
    %get3A_368 = arith.constant 4 : index
    %get3A_369 = arith.constant 0 : index
    %get3A_370 = memref.load %arg1[%get3A_368, %get3A_369] : memref<5x8xf32, #tpu.memory_space<smem>>
    %get3A_371 = arith.constant 0 : index
    %get3A_372 = arith.constant 0 : index
    %get3A_373 = arith.constant 0 : index
    %get3A_374 = vector.load %arg2[%get3A_371, %get3A_372, %get3A_373] : memref<8x1000x128xf32, #tpu.memory_space<vmem>>, vector<1x1000x128xf32>
    %get3A_375 = vector.shape_cast %get3A_374 : vector<1x1000x128xf32> to vector<1000x128xf32>
    %mul3A_376 = vector.broadcast %get3A_370 : f32 to vector<1000x128xf32>
    %mul3A_377 = arith.mulf %mul3A_376, %get3A_375 : vector<1000x128xf32>
    %get3A_378 = arith.constant 4 : index
    %get3A_379 = arith.constant 1 : index
    %get3A_380 = memref.load %arg1[%get3A_378, %get3A_379] : memref<5x8xf32, #tpu.memory_space<smem>>
    %get3A_381 = arith.constant 1 : index
    %get3A_382 = arith.constant 0 : index
    %get3A_383 = arith.constant 0 : index
    %get3A_384 = vector.load %arg2[%get3A_381, %get3A_382, %get3A_383] : memref<8x1000x128xf32, #tpu.memory_space<vmem>>, vector<1x1000x128xf32>
    %get3A_385 = vector.shape_cast %get3A_384 : vector<1x1000x128xf32> to vector<1000x128xf32>
    %mul3A_386 = vector.broadcast %get3A_380 : f32 to vector<1000x128xf32>
    %mul3A_387 = arith.mulf %mul3A_386, %get3A_385 : vector<1000x128xf32>
    %add3A_388 = arith.addf %mul3A_377, %mul3A_387 : vector<1000x128xf32>
    %get3A_389 = arith.constant 4 : index
    %get3A_390 = arith.constant 2 : index
    %get3A_391 = memref.load %arg1[%get3A_389, %get3A_390] : memref<5x8xf32, #tpu.memory_space<smem>>
    %get3A_392 = arith.constant 2 : index
    %get3A_393 = arith.constant 0 : index
    %get3A_394 = arith.constant 0 : index
    %get3A_395 = vector.load %arg2[%get3A_392, %get3A_393, %get3A_394] : memref<8x1000x128xf32, #tpu.memory_space<vmem>>, vector<1x1000x128xf32>
    %get3A_396 = vector.shape_cast %get3A_395 : vector<1x1000x128xf32> to vector<1000x128xf32>
    %mul3A_397 = vector.broadcast %get3A_391 : f32 to vector<1000x128xf32>
    %mul3A_398 = arith.mulf %mul3A_397, %get3A_396 : vector<1000x128xf32>
    %add3A_399 = arith.addf %add3A_388, %mul3A_398 : vector<1000x128xf32>
    %get3A_400 = arith.constant 4 : index
    %get3A_401 = arith.constant 3 : index
    %get3A_402 = memref.load %arg1[%get3A_400, %get3A_401] : memref<5x8xf32, #tpu.memory_space<smem>>
    %get3A_403 = arith.constant 3 : index
    %get3A_404 = arith.constant 0 : index
    %get3A_405 = arith.constant 0 : index
    %get3A_406 = vector.load %arg2[%get3A_403, %get3A_404, %get3A_405] : memref<8x1000x128xf32, #tpu.memory_space<vmem>>, vector<1x1000x128xf32>
    %get3A_407 = vector.shape_cast %get3A_406 : vector<1x1000x128xf32> to vector<1000x128xf32>
    %mul3A_408 = vector.broadcast %get3A_402 : f32 to vector<1000x128xf32>
    %mul3A_409 = arith.mulf %mul3A_408, %get3A_407 : vector<1000x128xf32>
    %add3A_410 = arith.addf %add3A_399, %mul3A_409 : vector<1000x128xf32>
    %get3A_411 = arith.constant 4 : index
    %get3A_412 = arith.constant 4 : index
    %get3A_413 = memref.load %arg1[%get3A_411, %get3A_412] : memref<5x8xf32, #tpu.memory_space<smem>>
    %get3A_414 = arith.constant 4 : index
    %get3A_415 = arith.constant 0 : index
    %get3A_416 = arith.constant 0 : index
    %get3A_417 = vector.load %arg2[%get3A_414, %get3A_415, %get3A_416] : memref<8x1000x128xf32, #tpu.memory_space<vmem>>, vector<1x1000x128xf32>
    %get3A_418 = vector.shape_cast %get3A_417 : vector<1x1000x128xf32> to vector<1000x128xf32>
    %mul3A_419 = vector.broadcast %get3A_413 : f32 to vector<1000x128xf32>
    %mul3A_420 = arith.mulf %mul3A_419, %get3A_418 : vector<1000x128xf32>
    %add3A_421 = arith.addf %add3A_410, %mul3A_420 : vector<1000x128xf32>
    %get3A_422 = arith.constant 4 : index
    %get3A_423 = arith.constant 5 : index
    %get3A_424 = memref.load %arg1[%get3A_422, %get3A_423] : memref<5x8xf32, #tpu.memory_space<smem>>
    %get3A_425 = arith.constant 5 : index
    %get3A_426 = arith.constant 0 : index
    %get3A_427 = arith.constant 0 : index
    %get3A_428 = vector.load %arg2[%get3A_425, %get3A_426, %get3A_427] : memref<8x1000x128xf32, #tpu.memory_space<vmem>>, vector<1x1000x128xf32>
    %get3A_429 = vector.shape_cast %get3A_428 : vector<1x1000x128xf32> to vector<1000x128xf32>
    %mul3A_430 = vector.broadcast %get3A_424 : f32 to vector<1000x128xf32>
    %mul3A_431 = arith.mulf %mul3A_430, %get3A_429 : vector<1000x128xf32>
    %add3A_432 = arith.addf %add3A_421, %mul3A_431 : vector<1000x128xf32>
    %get3A_433 = arith.constant 4 : index
    %get3A_434 = arith.constant 6 : index
    %get3A_435 = memref.load %arg1[%get3A_433, %get3A_434] : memref<5x8xf32, #tpu.memory_space<smem>>
    %get3A_436 = arith.constant 6 : index
    %get3A_437 = arith.constant 0 : index
    %get3A_438 = arith.constant 0 : index
    %get3A_439 = vector.load %arg2[%get3A_436, %get3A_437, %get3A_438] : memref<8x1000x128xf32, #tpu.memory_space<vmem>>, vector<1x1000x128xf32>
    %get3A_440 = vector.shape_cast %get3A_439 : vector<1x1000x128xf32> to vector<1000x128xf32>
    %mul3A_441 = vector.broadcast %get3A_435 : f32 to vector<1000x128xf32>
    %mul3A_442 = arith.mulf %mul3A_441, %get3A_440 : vector<1000x128xf32>
    %add3A_443 = arith.addf %add3A_432, %mul3A_442 : vector<1000x128xf32>
    %get3A_444 = arith.constant 4 : index
    %get3A_445 = arith.constant 7 : index
    %get3A_446 = memref.load %arg1[%get3A_444, %get3A_445] : memref<5x8xf32, #tpu.memory_space<smem>>
    %get3A_447 = arith.constant 7 : index
    %get3A_448 = arith.constant 0 : index
    %get3A_449 = arith.constant 0 : index
    %get3A_450 = vector.load %arg2[%get3A_447, %get3A_448, %get3A_449] : memref<8x1000x128xf32, #tpu.memory_space<vmem>>, vector<1x1000x128xf32>
    %get3A_451 = vector.shape_cast %get3A_450 : vector<1x1000x128xf32> to vector<1000x128xf32>
    %mul3A_452 = vector.broadcast %get3A_446 : f32 to vector<1000x128xf32>
    %mul3A_453 = arith.mulf %mul3A_452, %get3A_451 : vector<1000x128xf32>
    %add3A_454 = arith.addf %add3A_443, %mul3A_453 : vector<1000x128xf32>
    %swap3A_455 = arith.constant 4 : index
    %swap3A_456 = arith.constant 0 : index
    %swap3A_457 = arith.constant 0 : index
    %swap3A_458 = vector.load %arg3[%swap3A_455, %swap3A_456, %swap3A_457] : memref<5x1000x128xf32, #tpu.memory_space<vmem>>, vector<1x1000x128xf32>
    %swap3A_459 = vector.shape_cast %swap3A_458 : vector<1x1000x128xf32> to vector<1000x128xf32>
    %swap3A_460 = vector.shape_cast %add3A_454 : vector<1000x128xf32> to vector<1x1000x128xf32>
    tpu.vector_store %arg3[%swap3A_455, %swap3A_456, %swap3A_457], %swap3A_460 {strides = array<i32>} : memref<5x1000x128xf32, #tpu.memory_space<vmem>>, vector<1x1000x128xf32>,
    return
  }
  func.func @transform_0(%arg0: i32) -> (i32, i32) {
    %c0_i32 = arith.constant 0 : i32
    %c0_i32_0 = arith.constant 0 : i32
    %c0_i32_1 = arith.constant 0 : i32
    return %c0_i32, %c0_i32_0 : i32, i32
  }
  func.func @transform_1(%arg0: i32) -> (i32, i32, i32) {
    %c0_i32 = arith.constant 0 : i32
    %c0_i32_0 = arith.constant 0 : i32
    %c0_i32_1 = arith.constant 0 : i32
    return %c0_i32, %arg0, %c0_i32_0 : i32, i32, i32
  }
  func.func @transform_2(%arg0: i32) -> (i32, i32, i32) {
    %c0_i32 = arith.constant 0 : i32
    %c0_i32_0 = arith.constant 0 : i32
    %c0_i32_1 = arith.constant 0 : i32
    return %c0_i32, %arg0, %c0_i32_0 : i32, i32, i32
  }
}

module attributes {stable_mosaic.version = 14 : i64} {
  func.func @_user_emb_body(%arg0: memref<2x6016x128xf32, #tpu.memory_space<vmem>>, %arg1: memref<6016x128xf32, #tpu.memory_space<vmem>>, %arg2: memref<1x128xf32, #tpu.memory_space<vmem>>, %arg3: memref<6016x128xf32, #tpu.memory_space<vmem>>) attributes {dimension_semantics = [], scalar_prefetch = 0 : i64, scratch_operands = 0 : i64, tpu.core_type = #tpu.core_type<tc>} {
    %get3A = arith.constant 0 : index
    %get3A_0 = arith.constant 0 : index
    %get3A_1 = arith.constant 0 : index
    %get3A_2 = vector.load %arg0[%get3A, %get3A_0, %get3A_1] : memref<2x6016x128xf32, #tpu.memory_space<vmem>>, vector<1x6016x128xf32>
    %get3A_3 = vector.shape_cast %get3A_2 : vector<1x6016x128xf32> to vector<6016x128xf32>
    %get3A_4 = arith.constant 1 : index
    %get3A_5 = arith.constant 0 : index
    %get3A_6 = arith.constant 0 : index
    %get3A_7 = vector.load %arg0[%get3A_4, %get3A_5, %get3A_6] : memref<2x6016x128xf32, #tpu.memory_space<vmem>>, vector<1x6016x128xf32>
    %get3A_8 = vector.shape_cast %get3A_7 : vector<1x6016x128xf32> to vector<6016x128xf32>
    %add3A = arith.addf %get3A_3, %get3A_8 : vector<6016x128xf32>
    %get3A_9 = arith.constant 0 : index
    %get3A_10 = arith.constant 0 : index
    %get3A_11 = vector.load %arg1[%get3A_9, %get3A_10] : memref<6016x128xf32, #tpu.memory_space<vmem>>, vector<6016x128xf32>
    %add3A_12 = arith.addf %add3A, %get3A_11 : vector<6016x128xf32>
    %get3A_13 = arith.constant 0 : index
    %get3A_14 = arith.constant 0 : index
    %get3A_15 = vector.load %arg2[%get3A_13, %get3A_14] : memref<1x128xf32, #tpu.memory_space<vmem>>, vector<1x128xf32>
    %add3A_16 = vector.broadcast %get3A_15 : vector<1x128xf32> to vector<6016x128xf32>
    %add3A_17 = arith.addf %add3A_12, %add3A_16 : vector<6016x128xf32>
    %swap3A = arith.constant 0 : index
    %swap3A_18 = arith.constant 0 : index
    %swap3A_19 = vector.load %arg3[%swap3A, %swap3A_18] : memref<6016x128xf32, #tpu.memory_space<vmem>>, vector<6016x128xf32>
    tpu.vector_store %arg3[%swap3A, %swap3A_18], %add3A_17 {strides = array<i32>} : memref<6016x128xf32, #tpu.memory_space<vmem>>, vector<6016x128xf32>,
    return
  }
}

module attributes {stable_mosaic.version = 14 : i64} {
  func.func @_item_mean_body(%arg0: memref<2x4096x128xf32, #tpu.memory_space<vmem>>, %arg1: memref<4096x1xf32, #tpu.memory_space<vmem>>, %arg2: memref<4096x128xf32, #tpu.memory_space<vmem>>) attributes {dimension_semantics = [], scalar_prefetch = 0 : i64, scratch_operands = 0 : i64, tpu.core_type = #tpu.core_type<tc>} {
    %get3A = arith.constant 0 : index
    %get3A_0 = arith.constant 0 : index
    %get3A_1 = arith.constant 0 : index
    %get3A_2 = vector.load %arg0[%get3A, %get3A_0, %get3A_1] : memref<2x4096x128xf32, #tpu.memory_space<vmem>>, vector<1x4096x128xf32>
    %get3A_3 = vector.shape_cast %get3A_2 : vector<1x4096x128xf32> to vector<4096x128xf32>
    %get3A_4 = arith.constant 1 : index
    %get3A_5 = arith.constant 0 : index
    %get3A_6 = arith.constant 0 : index
    %get3A_7 = vector.load %arg0[%get3A_4, %get3A_5, %get3A_6] : memref<2x4096x128xf32, #tpu.memory_space<vmem>>, vector<1x4096x128xf32>
    %get3A_8 = vector.shape_cast %get3A_7 : vector<1x4096x128xf32> to vector<4096x128xf32>
    %add3A = arith.addf %get3A_3, %get3A_8 : vector<4096x128xf32>
    %get3A_9 = arith.constant 0 : index
    %get3A_10 = arith.constant 0 : index
    %get3A_11 = vector.load %arg1[%get3A_9, %get3A_10] : memref<4096x1xf32, #tpu.memory_space<vmem>>, vector<4096x1xf32>
    %max3A = arith.constant 1.000000e+00 : f32
    %max3A_12 = vector.broadcast %max3A : f32 to vector<4096x1xf32>
    %max3A_13 = arith.maximumf %get3A_11, %max3A_12 : vector<4096x1xf32>
    %div3A = vector.broadcast %max3A_13 : vector<4096x1xf32> to vector<4096x128xf32>
    %div3A_14 = arith.divf %add3A, %div3A : vector<4096x128xf32>
    %swap3A = arith.constant 0 : index
    %swap3A_15 = arith.constant 0 : index
    %swap3A_16 = vector.load %arg2[%swap3A, %swap3A_15] : memref<4096x128xf32, #tpu.memory_space<vmem>>, vector<4096x128xf32>
    tpu.vector_store %arg2[%swap3A, %swap3A_15], %div3A_14 {strides = array<i32>} : memref<4096x128xf32, #tpu.memory_space<vmem>>, vector<4096x128xf32>,
    return
  }
}

module attributes {stable_mosaic.version = 14 : i64} {
  func.func @_attn_body(%arg0: i32, %arg1: memref<1x512x128xf32, #tpu.memory_space<vmem>>, %arg2: memref<1x512x1xi32, #tpu.memory_space<vmem>>, %arg3: memref<128x128xf32, #tpu.memory_space<vmem>>, %arg4: memref<1x128xf32, #tpu.memory_space<vmem>>, %arg5: memref<128x128xf32, #tpu.memory_space<vmem>>, %arg6: memref<1x128xf32, #tpu.memory_space<vmem>>, %arg7: memref<128x128xf32, #tpu.memory_space<vmem>>, %arg8: memref<1x128xf32, #tpu.memory_space<vmem>>, %arg9: memref<1x512x128xf32, #tpu.memory_space<vmem>>, %arg10: memref<1x1x128xf32, #tpu.memory_space<vmem>>) attributes {dimension_semantics = [#tpu.dimension_semantics<arbitrary>], iteration_bounds = array<i64: 16>, scalar_prefetch = 0 : i64, scratch_operands = 0 : i64, tpu.core_type = #tpu.core_type<tc>, window_params = [{transform_indices = @transform_0, window_bounds = array<i64: 1, 512, 128>}, {transform_indices = @transform_1, window_bounds = array<i64: 1, 512, 1>}, {pipeline_mode = #tpu.pipeline_mode<synchronous>, transform_indices = @transform_2, window_bounds = array<i64: 128, 128>}, {pipeline_mode = #tpu.pipeline_mode<synchronous>, transform_indices = @transform_3, window_bounds = array<i64: 1, 128>}, {pipeline_mode = #tpu.pipeline_mode<synchronous>, transform_indices = @transform_4, window_bounds = array<i64: 128, 128>}, {pipeline_mode = #tpu.pipeline_mode<synchronous>, transform_indices = @transform_5, window_bounds = array<i64: 1, 128>}, {pipeline_mode = #tpu.pipeline_mode<synchronous>, transform_indices = @transform_6, window_bounds = array<i64: 128, 128>}, {pipeline_mode = #tpu.pipeline_mode<synchronous>, transform_indices = @transform_7, window_bounds = array<i64: 1, 128>}, {transform_indices = @transform_8, window_bounds = array<i64: 1, 512, 128>}, {transform_indices = @transform_9, window_bounds = array<i64: 1, 1, 128>}]} {
    %get3A = arith.constant 0 : index
    %get3A_0 = arith.constant 0 : index
    %get3A_1 = arith.constant 0 : index
    %get3A_2 = vector.load %arg1[%get3A, %get3A_0, %get3A_1] : memref<1x512x128xf32, #tpu.memory_space<vmem>>, vector<1x512x128xf32>
    %get3A_3 = vector.shape_cast %get3A_2 : vector<1x512x128xf32> to vector<512x128xf32>
    %get3A_4 = arith.constant 0 : index
    %get3A_5 = arith.constant 0 : index
    %get3A_6 = vector.load %arg3[%get3A_4, %get3A_5] : memref<128x128xf32, #tpu.memory_space<vmem>>, vector<128x128xf32>
    %dot_general3A = arith.constant dense<0.000000e+00> : vector<512x128xf32>
    %dot_general3A_7 = tpu.matmul %get3A_3, %get3A_6, %dot_general3A {dimension_numbers = #tpu.dot_dimension_numbers<[1], [0], [0], [1], [0, 0, 1, 1], [], []>, transpose_lhs_hint = false} : vector<512x128xf32>, vector<128x128xf32>, vector<512x128xf32> -> vector<512x128xf32>
    %tanh3A = math.tanh %dot_general3A_7 : vector<512x128xf32>
    %get3A_8 = arith.constant 0 : index
    %get3A_9 = arith.constant 0 : index
    %get3A_10 = vector.load %arg4[%get3A_8, %get3A_9] : memref<1x128xf32, #tpu.memory_space<vmem>>, vector<1x128xf32>
    %mul3A = vector.broadcast %get3A_10 : vector<1x128xf32> to vector<512x128xf32>
    %mul3A_11 = arith.mulf %tanh3A, %mul3A : vector<512x128xf32>
    %reduce_sum3A = arith.constant dense<0.000000e+00> : vector<512xf32>
    %reduce_sum3A_12 = vector.multi_reduction <add>, %mul3A_11, %reduce_sum3A [1] : vector<512x128xf32> to vector<512xf32>
    %broadcast_in_dim3A = vector.shape_cast %reduce_sum3A_12 : vector<512xf32> to vector<512x1xf32>
    %get3A_13 = arith.constant 0 : index
    %get3A_14 = arith.constant 0 : index
    %get3A_15 = arith.constant 0 : index
    %get3A_16 = vector.load %arg2[%get3A_13, %get3A_14, %get3A_15] : memref<1x512x1xi32, #tpu.memory_space<vmem>>, vector<1x512x1xi32>
    %get3A_17 = vector.shape_cast %get3A_16 : vector<1x512x1xi32> to vector<512x1xi32>
    %ge3A = arith.constant 0 : i32
    %ge3A_18 = vector.broadcast %ge3A : i32 to vector<512x1xi32>
    %ge3A_19 = arith.cmpi sge, %get3A_17, %ge3A_18 : vector<512x1xi32>
    %jit3A = arith.constant -1.000000e+09 : f32
    %broadcast_in_dim3A_20 = vector.broadcast %jit3A : f32 to vector<512x1xf32>
    %select_n3A = arith.select %ge3A_19, %broadcast_in_dim3A, %broadcast_in_dim3A_20 : vector<512x1xi1>, vector<512x1xf32>
    %reduce_max3A = arith.constant dense<0xFF800000> : vector<1xf32>
    %reduce_max3A_21 = vector.multi_reduction <maximumf>, %select_n3A, %reduce_max3A [0] : vector<512x1xf32> to vector<1xf32>
    %broadcast_in_dim3A_22 = vector.shape_cast %reduce_max3A_21 : vector<1xf32> to vector<1x1xf32>
    %sub3A = vector.broadcast %broadcast_in_dim3A_22 : vector<1x1xf32> to vector<512x1xf32>
    %sub3A_23 = arith.subf %select_n3A, %sub3A : vector<512x1xf32>
    %exp3A = math.exp %sub3A_23 : vector<512x1xf32>
    %reduce_sum3A_24 = arith.constant dense<0.000000e+00> : vector<1xf32>
    %reduce_sum3A_25 = vector.multi_reduction <add>, %exp3A, %reduce_sum3A_24 [0] : vector<512x1xf32> to vector<1xf32>
    %broadcast_in_dim3A_26 = vector.shape_cast %reduce_sum3A_25 : vector<1xf32> to vector<1x1xf32>
    %div3A = vector.broadcast %broadcast_in_dim3A_26 : vector<1x1xf32> to vector<512x1xf32>
    %div3A_27 = arith.divf %exp3A, %div3A : vector<512x1xf32>
    %mul3A_28 = vector.broadcast %div3A_27 : vector<512x1xf32> to vector<512x128xf32>
    %mul3A_29 = arith.mulf %get3A_3, %mul3A_28 : vector<512x128xf32>
    %swap3A = arith.constant 0 : index
    %swap3A_30 = arith.constant 0 : index
    %swap3A_31 = arith.constant 0 : index
    %swap3A_32 = vector.load %arg9[%swap3A, %swap3A_30, %swap3A_31] : memref<1x512x128xf32, #tpu.memory_space<vmem>>, vector<1x512x128xf32>
    %swap3A_33 = vector.shape_cast %swap3A_32 : vector<1x512x128xf32> to vector<512x128xf32>
    %swap3A_34 = vector.shape_cast %mul3A_29 : vector<512x128xf32> to vector<1x512x128xf32>
    tpu.vector_store %arg9[%swap3A, %swap3A_30, %swap3A_31], %swap3A_34 {strides = array<i32>} : memref<1x512x128xf32, #tpu.memory_space<vmem>>, vector<1x512x128xf32>,
    %reduce_sum3A_35 = arith.constant dense<0.000000e+00> : vector<128xf32>
    %reduce_sum3A_36 = vector.multi_reduction <add>, %mul3A_29, %reduce_sum3A_35 [0] : vector<512x128xf32> to vector<128xf32>
    %broadcast_in_dim3A_37 = vector.shape_cast %reduce_sum3A_36 : vector<128xf32> to vector<1x128xf32>
    %get3A_38 = arith.constant 0 : index
    %get3A_39 = arith.constant 0 : index
    %get3A_40 = vector.load %arg5[%get3A_38, %get3A_39] : memref<128x128xf32, #tpu.memory_space<vmem>>, vector<128x128xf32>
    %dot_general3A_41 = arith.constant dense<0.000000e+00> : vector<1x128xf32>
    %dot_general3A_42 = tpu.matmul %broadcast_in_dim3A_37, %get3A_40, %dot_general3A_41 {dimension_numbers = #tpu.dot_dimension_numbers<[1], [0], [0], [1], [0, 0, 1, 1], [], []>, transpose_lhs_hint = false} : vector<1x128xf32>, vector<128x128xf32>, vector<1x128xf32> -> vector<1x128xf32>
    %get3A_43 = arith.constant 0 : index
    %get3A_44 = arith.constant 0 : index
    %get3A_45 = vector.load %arg6[%get3A_43, %get3A_44] : memref<1x128xf32, #tpu.memory_space<vmem>>, vector<1x128xf32>
    %add3A = arith.addf %dot_general3A_42, %get3A_45 : vector<1x128xf32>
    %max3A = arith.constant 0.000000e+00 : f32
    %max3A_46 = vector.broadcast %max3A : f32 to vector<1x128xf32>
    %max3A_47 = arith.maximumf %add3A, %max3A_46 : vector<1x128xf32>
    %get3A_48 = arith.constant 0 : index
    %get3A_49 = arith.constant 0 : index
    %get3A_50 = vector.load %arg7[%get3A_48, %get3A_49] : memref<128x128xf32, #tpu.memory_space<vmem>>, vector<128x128xf32>
    %dot_general3A_51 = arith.constant dense<0.000000e+00> : vector<1x128xf32>
    %dot_general3A_52 = tpu.matmul %max3A_47, %get3A_50, %dot_general3A_51 {dimension_numbers = #tpu.dot_dimension_numbers<[1], [0], [0], [1], [0, 0, 1, 1], [], []>, transpose_lhs_hint = false} : vector<1x128xf32>, vector<128x128xf32>, vector<1x128xf32> -> vector<1x128xf32>
    %get3A_53 = arith.constant 0 : index
    %get3A_54 = arith.constant 0 : index
    %get3A_55 = vector.load %arg8[%get3A_53, %get3A_54] : memref<1x128xf32, #tpu.memory_space<vmem>>, vector<1x128xf32>
    %add3A_56 = arith.addf %dot_general3A_52, %get3A_55 : vector<1x128xf32>
    %max3A_57 = arith.constant 0.000000e+00 : f32
    %max3A_58 = vector.broadcast %max3A_57 : f32 to vector<1x128xf32>
    %max3A_59 = arith.maximumf %add3A_56, %max3A_58 : vector<1x128xf32>
    %swap3A_60 = arith.constant 0 : index
    %swap3A_61 = arith.constant 0 : index
    %swap3A_62 = arith.constant 0 : index
    %swap3A_63 = vector.load %arg10[%swap3A_60, %swap3A_61, %swap3A_62] : memref<1x1x128xf32, #tpu.memory_space<vmem>>, vector<1x1x128xf32>
    %swap3A_64 = vector.shape_cast %swap3A_63 : vector<1x1x128xf32> to vector<1x128xf32>
    %swap3A_65 = vector.shape_cast %max3A_59 : vector<1x128xf32> to vector<1x1x128xf32>
    tpu.vector_store %arg10[%swap3A_60, %swap3A_61, %swap3A_62], %swap3A_65 {strides = array<i32>} : memref<1x1x128xf32, #tpu.memory_space<vmem>>, vector<1x1x128xf32>,
    return
  }
  func.func @transform_0(%arg0: i32) -> (i32, i32, i32) {
    %c0_i32 = arith.constant 0 : i32
    %c0_i32_0 = arith.constant 0 : i32
    %c0_i32_1 = arith.constant 0 : i32
    return %arg0, %c0_i32, %c0_i32_0 : i32, i32, i32
  }
  func.func @transform_1(%arg0: i32) -> (i32, i32, i32) {
    %c0_i32 = arith.constant 0 : i32
    %c0_i32_0 = arith.constant 0 : i32
    %c0_i32_1 = arith.constant 0 : i32
    return %arg0, %c0_i32, %c0_i32_0 : i32, i32, i32
  }
  func.func @transform_2(%arg0: i32) -> (i32, i32) {
    %c0_i32 = arith.constant 0 : i32
    %c0_i32_0 = arith.constant 0 : i32
    %c0_i32_1 = arith.constant 0 : i32
    return %c0_i32, %c0_i32_0 : i32, i32
  }
  func.func @transform_3(%arg0: i32) -> (i32, i32) {
    %c0_i32 = arith.constant 0 : i32
    %c0_i32_0 = arith.constant 0 : i32
    %c0_i32_1 = arith.constant 0 : i32
    return %c0_i32, %c0_i32_0 : i32, i32
  }
  func.func @transform_4(%arg0: i32) -> (i32, i32) {
    %c0_i32 = arith.constant 0 : i32
    %c0_i32_0 = arith.constant 0 : i32
    %c0_i32_1 = arith.constant 0 : i32
    return %c0_i32, %c0_i32_0 : i32, i32
  }
  func.func @transform_5(%arg0: i32) -> (i32, i32) {
    %c0_i32 = arith.constant 0 : i32
    %c0_i32_0 = arith.constant 0 : i32
    %c0_i32_1 = arith.constant 0 : i32
    return %c0_i32, %c0_i32_0 : i32, i32
  }
  func.func @transform_6(%arg0: i32) -> (i32, i32) {
    %c0_i32 = arith.constant 0 : i32
    %c0_i32_0 = arith.constant 0 : i32
    %c0_i32_1 = arith.constant 0 : i32
    return %c0_i32, %c0_i32_0 : i32, i32
  }
  func.func @transform_7(%arg0: i32) -> (i32, i32) {
    %c0_i32 = arith.constant 0 : i32
    %c0_i32_0 = arith.constant 0 : i32
    %c0_i32_1 = arith.constant 0 : i32
    return %c0_i32, %c0_i32_0 : i32, i32
  }
  func.func @transform_8(%arg0: i32) -> (i32, i32, i32) {
    %c0_i32 = arith.constant 0 : i32
    %c0_i32_0 = arith.constant 0 : i32
    %c0_i32_1 = arith.constant 0 : i32
    return %arg0, %c0_i32, %c0_i32_0 : i32, i32, i32
  }
  func.func @transform_9(%arg0: i32) -> (i32, i32, i32) {
    %c0_i32 = arith.constant 0 : i32
    %c0_i32_0 = arith.constant 0 : i32
    %c0_i32_1 = arith.constant 0 : i32
    return %arg0, %c0_i32, %c0_i32_0 : i32, i32, i32
  }
}

</mosaic_0001>

<sc_bundles>
// kernel: kernel.12.cloned.1.call-start
scs
__scs_entry_jumppad:
0x0: {  	(pc) =	sbr.rel $0x88, $3  }
0x1: {  	(tag) =	ssettag $0x0;
	lr =	simm.s32 $0x1  }
0x2: {  	[smem:$0x3F93] =	sst lr;
	_ =	strace $0xD0000000  }
0x3: {  	_ = 	snop  }
0x4: {  	_ = 	snop  }
0x5: {  	_ = 	snop  }
0x6: {  	_ = 	snop  }
0x7: {  	_ = 	snop  }
__scs_overlays_trampoline_lowered:
0x8: {  	[smem:$0x3FA2] =	sst s0  }
0x9: {  	[smem:$0x3FA3] =	sst s1  }
0xa: {  	[smem:$0x3FA4] =	sst s2  }
0xb: {  	[smem:$0x3FA5] =	sst s3  }
0xc: {  	[smem:$0x3FA6] =	sst s4  }
0xd: {  	[smem:$0x3FA7] =	sst s5  }
0xe: {  	[smem:$0x3FA8] =	sst s6  }
0xf: {  	[smem:$0x3FA9] =	sst s7  }
0x10: {  	[smem:$0x3FAA] =	sst s8  }
0x11: {  	[smem:$0x3FAB] =	sst s9;
	s0 =	simm.s32 @!p0 $0x0  }
0x12: {  	s1 =	sld [smem:$0x3F91];
	s0 =	simm.s32 @p0 $0x1  }
0x13: {  	[smem:$0x3FAC] =	sst s0;
	s0 =	simm.s32 @!p1 $0x0  }
0x14: {  	s2 =	sld [smem:$0x3F90];
	s0 =	simm.s32 @p1 $0x1  }
0x15: {  	[smem:$0x3FAD] =	sst s0;
	s0 =	simm.s32 @!p2 $0x0  }
0x16: {  	s3 =	sld [smem:$0x3FDB];
	s0 =	simm.s32 @p2 $0x1  }
0x17: {  	s4 =	simm.s32 $0x1BF5;
	[smem:$0x3FAF] =	sst s0  }
0x18: {  	s0 =	sld [smem:$0x3F92];
	_ =	swait.ge [sflag:s4], $0x0  }
0x19: {  	s7 =	sld [smem:$0x3F93]  }
0x1a: {  	s8 =	sadd.s32 $0xFFFFE003, lr  }
0x1b: {  	s9 =	sadd.s32 $0xFFFFFEF7, lr;
	s5 =	simm.s32 $0xFFFFFFFF;
	p2 =	slt.u32 s8, $0xFFFFF086  }
0x1c: {  	p1 =	slt.u32 s9, $0xF7A;
	s5 =	simm.s32 @!p2 $0x0  }
0x1d: {  	s5 =	simm.s32 @p1 $0x1;
	p0 =	seq.s32 s7, s2  }
0x1e: {  	s7 =	smul.u32 @!p0 $0xF7A, s2;
	p2 =	seq.s32 @!p0 s5, $0x0  }
0x1f: {  	s9 =	smul.u32 $0xF7A, s1;
	s8 =	simm.s32 @!p0 $0x1BF5;
	p2 =	por !p2, p0  }
0x20: {  	[sflag:s8] =	ssyncset.s32 @!p0 $0xFFFFF086;
	s6 =	sadd.s32 @!p0 s3, s7;
	s7 =	simm.s32 @!p0 $0x108  }
0x21: {  	s3 =	sadd.s32 s3, s9;
	s6 =	sadd.s32 @!p0 $0x88, s6;
	s7 =	simm.s32 @p2 $0x1082  }
0x22: {  	[simem:s7], [sflag:s8] =	dma.local @!p0 [hbm:s6], $0xF7A  }
0x23: {  	s9 =	sor.u32 $0xD0000000, s2;
	s6 =	simm.s32 $0x108;
	_ =	swait.ge @!p0 [sflag:s8], $0x0  }
0x24: {  	s3 =	sadd.s32 $0x88, s3;
	s6 =	simm.s32 @!p1 $0x1082;
	[sflag:s4] =	ssyncset.s32 $0xFFFFF086  }
0x25: {  	[simem:s6], [sflag:s4] =	dma.local [hbm:s3], $0xF7A  }
0x26: {  	[smem:$0x3F93] =	sst s1;
	(tag) =	ssettag s2;
	_ =	strace s9  }
0x27: {  	s1 =	sld [smem:$0x3FA3]  }
0x28: {  	s2 =	sld [smem:$0x3FA4]  }
0x29: {  	s4 =	sld [smem:$0x3FA6]  }
0x2a: {  	p0 =	seq.s32 s5, $0x0;
	s5 =	sld [smem:$0x3FA7]  }
0x2b: {  	s6 =	sld [smem:$0x3FA8]  }
0x2c: {  	s7 =	sld [smem:$0x3FA9]  }
0x2d: {  	s3 =	simm.s32 $0x108;
	s8 =	sld [smem:$0x3FAA]  }
0x2e: {  	s3 =	simm.s32 @!p0 $0x1082;
	s9 =	sld [smem:$0x3FAB]  }
0x2f: {  	lr =	sadd.s32 s0, s3;
	s0 =	sld [smem:$0x3FA2]  }
0x30: {  	s3 =	sld [smem:$0x3FA5]  }
0x31: {  	[smem:$0x3FAE] =	sst s10  }
0x32: {  	s10 =	sld [smem:$0x3FAC];
	_ =	sdelay $0x3  }
0x33: {  	p0 =	seq.s32 s10, $0x1;
	s10 =	sld [smem:$0x3FAE];
	_ =	sdelay $0x3  }
0x34: {  	[smem:$0x3FAE] =	sst s10  }
0x35: {  	s10 =	sld [smem:$0x3FAD];
	_ =	sdelay $0x3  }
0x36: {  	p1 =	seq.s32 s10, $0x1;
	s10 =	sld [smem:$0x3FAE];
	_ =	sdelay $0x3  }
0x37: {  	[smem:$0x3FAE] =	sst s10  }
0x38: {  	s10 =	sld [smem:$0x3FAF]  }
0x39: {  	_ = 	snop;
	(pc) =	sbr.ind lr, $3  }
0x3a: {  	_ = 	snop  }
0x3b: {  	_ = 	snop  }
0x3c: {  	p2 =	seq.s32 s10, $0x1;
	s10 =	sld [smem:$0x3FAE]  }
0x3d: {  	_ =	shalt  }
0x3e: {  	_ =	shalt  }
0x3f: {  	_ =	shalt  }
0x40: {  	_ =	shalt  }
0x41: {  	_ =	shalt  }
0x42: {  	_ =	shalt  }
0x43: {  	_ =	shalt  }
0x44: {  	_ =	shalt  }
0x45: {  	_ =	shalt  }
0x46: {  	_ =	shalt  }
0x47: {  	_ =	shalt  }
0x48: {  	_ =	shalt  }
0x49: {  	_ =	shalt  }
0x4a: {  	_ =	shalt  }
0x4b: {  	_ =	shalt  }
0x4c: {  	_ =	shalt  }
0x4d: {  	_ =	shalt  }
0x4e: {  	_ =	shalt  }
0x4f: {  	_ =	shalt  }
0x50: {  	_ =	shalt  }
0x51: {  	_ =	shalt  }
0x52: {  	_ =	shalt  }
0x53: {  	_ =	shalt  }
0x54: {  	_ =	shalt  }
0x55: {  	_ =	shalt  }
0x56: {  	_ =	shalt  }
0x57: {  	_ =	shalt  }
0x58: {  	_ =	shalt  }
0x59: {  	_ =	shalt  }
0x5a: {  	_ =	shalt  }
0x5b: {  	_ =	shalt  }
0x5c: {  	_ =	shalt  }
0x5d: {  	_ =	shalt  }
0x5e: {  	_ =	shalt  }
0x5f: {  	_ =	shalt  }
0x60: {  	_ =	shalt  }
0x61: {  	_ =	shalt  }
0x62: {  	_ =	shalt  }
0x63: {  	_ =	shalt  }
0x64: {  	_ =	shalt  }
0x65: {  	_ =	shalt  }
0x66: {  	_ =	shalt  }
0x67: {  	_ =	shalt  }
0x68: {  	_ =	shalt  }
0x69: {  	_ =	shalt  }
0x6a: {  	_ =	shalt  }
0x6b: {  	_ =	shalt  }
0x6c: {  	_ =	shalt  }
0x6d: {  	_ =	shalt  }
0x6e: {  	_ =	shalt  }
0x6f: {  	_ =	shalt  }
0x70: {  	_ =	shalt  }
0x71: {  	_ =	shalt  }
0x72: {  	_ =	shalt  }
0x73: {  	_ =	shalt  }
0x74: {  	_ =	shalt  }
0x75: {  	_ =	shalt  }
0x76: {  	_ =	shalt  }
0x77: {  	_ =	shalt  }
0x78: {  	_ =	shalt  }
0x79: {  	_ =	shalt  }
0x7a: {  	_ =	shalt  }
0x7b: {  	_ =	shalt  }
0x7c: {  	_ =	shalt  }
0x7d: {  	_ =	shalt  }
0x7e: {  	_ =	shalt  }
0x7f: {  	_ =	shalt  }
0x80: {  	_ =	shalt  }
0x81: {  	_ =	shalt  }
0x82: {  	_ =	shalt  }
0x83: {  	_ =	shalt  }
0x84: {  	_ =	shalt  }
0x85: {  	_ =	shalt  }
0x86: {  	_ =	shalt  }
0x87: {  	_ =	shalt  }
.Lfunc_end0:
.L_simem_size_0:
called_computation.1_lowered:
.L_overlay_start_0:
0x88: {  	s2 =	sld [smem:$0x3FD9]  }
0x89: {  	s3 =	sld [smem:$0x3FFE];
	_ =	sdelay $0x1  }
0x8a: {  	s1 =	srdreg.scid  }
0x8b: {  	s0 =	sand.u32 $0x1, s1  }
0x8c: {  	s14 =	sshll.u32 s0, $0xA;
	s2 =	sadd.s32 s3, s2  }
0x8d: {  	s2 =	sadd.s32 s2, s14  }
0x8e: {  	[smem:$0x3FBA] =	sst s2  }
0x8f: {  	_ = 	snop  }
0x90: {  	s2 =	sld [smem:$0x3FD0];
	_ =	sdelay $0x2  }
0x91: {  	s15 =	simm.s32 $0xA;
	s4 =	simm.s32 $0x10  }
0x92: {  	[smem:s4], [sflag:s15] =	dma.local [hbm:s2], $0x1  }
0x93: {  	_ =	swait.eq [sflag:s15], $0x1  }
0x94: {  	[sflag:s15] =	ssyncset.done $0x0  }
0x95: {  	[sflag:s15] =	ssyncadd.s32 $0xFFFFFFFF  }
0x96: {  	s16 =	sld [smem:$0x11];
	(tm) =	ssettm $0x1  }
0x97: {  	s17 =	sld [smem:$0x3FFB];
	_ =	sdelay $0x3  }
0x98: {  	_ =	strace s17  }
0x99: {  	s3 =	sld [smem:$0x3FFC];
	_ =	sdelay $0x3  }
0x9a: {  	_ =	strace s3  }
0x9b: {  	s3 =	sld [smem:$0x3FFD];
	_ =	sdelay $0x3  }
0x9c: {  	_ =	strace s3  }
0x9d: {  	_ =	strace $0x8FFFFFFF  }
0x9e: {  	s18 =	sld [smem:$0x3FDB];
	_ =	sdelay $0x1  }
0x9f: {  	s19 =	simm.s32 $_scs_section_size  }
0xa0: {  	s5 =	simm.s32 $_size__tile_overlayer_lowered;
	s6 =	simm.s32 $_tile_overlayer_lowered  }
0xa1: {  	s22 =	simm.s32 $0x1BFF;
	s21 =	sshll.u32 s6, $0x1;
	s3 =	sadd.s32 s19, s18  }
0xa2: {  	s7 =	simm.s32 $0x0;
	s20 =	sshll.u32 s5, $0x1;
	s5 =	sadd.s32 s21, s3  }
0xa3: {  	[timem:s7], [sflag:s22] =	dma.local [hbm:s5], s20  }
0xa4: {  	_ =	swait.ge [sflag:s22], s20  }
0xa5: {  	s4 =	ssub.s32 $0x0, s20;
	[sflag:s22] =	ssyncset.done $0x0  }
0xa6: {  	[sflag:s22] =	ssyncadd.s32 s4;
	_ =	sdelay $0x1  }
0xa7: {  	s23 =	simm.s32 $0x1B8B  }
0xa8: {  	_ =	swait.ge [sflag:s23], $0x1  }
0xa9: {  	[sflag:s23] =	ssyncset.done $0x0  }
0xaa: {  	s25 =	simm.s32 $0x1B8E;
	s24 =	sld [smem:$0x3FFE];
	[sflag:s23] =	ssyncadd.s32 $0xFFFFFFFF  }
0xab: {  	s26 =	simm.s32 $execute0_lowered;
	[smem:$0x3FD2] =	sst s25  }
0xac: {  	s5 =	sshll.u32 s26, $0x1;
	_ =	strace $0x80000049;
	[dreg:$0x1] =	wrdreg $0xFFFFFFFF  }
0xad: {  	s28 =	simm.s32 $_size_execute0_lowered;
	s3 =	sadd.s32 s3, s5;
	[dreg:$0x0] =	wrdreg $0x0  }
0xae: {  	s5 =	sshll.u32 s28, $0x1;
	[dreg:$0x2] =	wrdreg s3  }
0xaf: {  	[dreg:$0x3] =	wrdreg s5  }
0xb0: {  	[dreg:$0x4] =	wrdreg $0xC0  }
0xb1: {  	_ =	task [dreg:s7], $0x5FFFF  }
0xb2: {  	[dreg:$0x1] =	wrdreg $0xFFFFFFFF  }
0xb3: {  	[dreg:$0x0] =	wrdreg $0x60  }
0xb4: {  	[dreg:$0x2] =	wrdreg s24  }
0xb5: {  	[dreg:$0x3] =	wrdreg s16  }
0xb6: {  	[dreg:$0x4] =	wrdreg $0x152000  }
0xb7: {  	[dreg:$0x5] =	wrdreg $0x9  }
0xb8: {  	_ =	task.clear_ibuf [dreg:s7], $0x6FFFF;
	_ =	strace $0x90000049  }
0xb9: {  	s29 =	simm.s32 $0x9;
	_ =	strace $0x8000004B  }
0xba: {  	_ =	swait.ge [sflag:s29], $0x1  }
0xbb: {  	[sflag:s29] =	ssyncadd.s32 $0xFFFFFFFF  }
0xbc: {  	_ =	strace $0x9000004B  }
0xbd: {  	_ =	sfence  }
0xbe: {  	s30 =	sld [smem:$0x0];
	_ =	sdelay $0x2  }
0xbf: {  	s31 =	sshll.u32 s1, $0xD;
	s1 =	sshrl.u32 s1, $0x2  }
0xc0: {  	s3 =	sand.u32 $0x4000, s31;
	s1 =	sadd.s32 s1, s30  }
0xc1: {  	s0 =	sor.u32 s3, s0;
	s1 =	sshll.u32 s1, $0x11  }
0xc2: {  	s0 =	sor.u32 s1, s0  }
0xc3: {  	s0 =	sadd.s32 $0x8F2B, s0  }
0xc4: {  	[sflag:s0] =	ssyncadd.remote.s32 $0x1  }
0xc5: {  	_ =	sfence.sel $0xFFFF  }
0xc6: {  	[dreg:$0x0] =	wrdreg $0xFFFFFFFF;
	(pc) =	sbr.abs _section_cstart, $3  }
0xc7: {  	[dreg:$0x1] =	wrdreg $0xFFFFFFFF  }
0xc8: {  	_ =	task.clear_ibuf [dreg:s7], $0x2FFFF;
	_ =	strace $0x9FFFFFFF  }
0xc9: {  	(tm) =	ssettm $0x7FFFFFFF  }
tec
execute0_lowered:
.L_overlay_start_1:
0x0: {  	(tag) =	ssettag $0x1  }
0x1: {  	s1 =	rddreg [dreg:$0x0]  }
0x2: {  	s0 =	srdreg.scid;
	s10 =	rddreg [dreg:$0x1]  }
0x3: {  	s7 =	stileid.u32;
	s2 =	rddreg [dreg:$0x2]  }
0x4: {  	s5 =	simm.s32 $0x0;
	s12 =	simm.s32 $0x5200;
	s13 =	simm.s32 $0xA  }
0x5: {  	s15 =	simm.s32 $0x9;
	s16 =	simm.s32 $0x80;
	s17 =	simm.s32 $0x9200  }
0x6: {  	s19 =	simm.s32 $0xD200;
	s21 =	simm.s32 $0x11200;
	s22 =	simm.s32 $0x1  }
0x7: {  	s23 =	simm.s32 $0x5000;
	s28 =	simm.s32 $0x5100;
	s29 =	simm.s32 $0x4  }
0x8: {  	s30 =	simm.s32 $0x5180;
	s31 =	simm.s32 $0x5;
	s14 =	simm.s32 $0x8  }
0x9: {  	s18 =	simm.s32 $0x0;
	s0 =	sand.u32 $0x1, s0;
	s4 =	smul.u32 $0x2800, s7  }
0xa: {  	[smem:$0x7FF] =	sst s5;
	s7 =	sshll.u32 s7, $0xF;
	s3 =	smul.u32 $0x28000, s0  }
0xb: {  	s24 =	ssub.s32 $0x2, s0;
	_ =	strace $0x8000004A;
	s5 =	sadd.s32 s7, s2  }
0xc: {  	s8 =	sor.u32 $0x4000, s7;
	s0 =	sshll.u32 s0, $0x13;
	s6 =	sshrl.u32 s24, $0x1  }
0xd: {  	s9 =	sor.u32 s7, s0;
	s0 =	sor.u32 s0, s8;
	s3 =	sadd.s32 s4, s3  }
0xe: {  	s4 =	sadd.s32 $0x17A00, s1;
	s25 =	ssub.s32 s24, s6;
	s6 =	sadd.s32 s8, s2  }
0xf: {  	s9 =	sshrl.u32 s9, $0x3;
	s0 =	sshrl.u32 s0, $0x3;
	s24 =	simm.s32 $0x2  }
0x10: {  	s3 =	sshrl.u32 s3, $0x3;
	s9 =	sadd.s32 s10, s9;
	s10 =	sadd.s32 s10, s0  }
0x11: {  	s11 =	smax.u32 s25, $0x1;
	s25 =	simm.s32 $0x5080;
	s3 =	sadd.s32 s3, s1  }
0x12: {  	s0 =	simm.s32 $0x7;
	s1 =	simm.s32 $0x6;
	s26 =	sadd.s32 $0xDA00, s3  }
0x13: {  	v0 =	vimm.f32 $0.0e+00;
	s8 =	sadd.s32 $0x3A00, s3;
	[dreg:$0x4] =	wrdreg s26;
	s26 =	simm.s32 $0x3  }
.LBB2_1:
0x14: {  	s3 =	simm.s32 $0x0;
	s20 =	simm.s32 $0x200  }
.LBB2_2:
0x15: {  	p0 =	sne.s32 s20, $0xFE00;
	[tilespmem:s3+$0x5270] =	vst v0  }
0x16: {  	[tilespmem:s3+$0x5200] =	vst v0  }
0x17: {  	[tilespmem:s3+$0x5210] =	vst v0  }
.Ltmp0:
0x18: {  	[tilespmem:s3+$0x5220] =	vst v0;
	(pc) =	sbr.rel @p0 .LBB2_2-.Ltmp0, $4  }
0x19: {  	[tilespmem:s3+$0x5230] =	vst v0  }
0x1a: {  	[tilespmem:s3+$0x5240] =	vst v0  }
0x1b: {  	[tilespmem:s3+$0x5250] =	vst v0  }
0x1c: {  	[tilespmem:s3+$0x5260] =	vst v0;
	s3 =	sshra.s32 s20, $0x2;
	s20 =	sadd.s32 $0x200, s20  }
0x1d: {  	[tilespmem:s3+$0x5270] =	vst v0  }
0x1e: {  	[tilespmem:s3+$0x5200] =	vst v0  }
0x1f: {  	[tilespmem:s3+$0x5210] =	vst v0  }
0x20: {  	[tilespmem:s3+$0x5220] =	vst v0  }
0x21: {  	[tilespmem:s3+$0x5230] =	vst v0  }
0x22: {  	[tilespmem:s3+$0x5240] =	vst v0  }
0x23: {  	[tilespmem:s3+$0x5250] =	vst v0  }
0x24: {  	[tilespmem:s3+$0x5260] =	vst v0  }
0x25: {  	[spmem:s5] =	stream.linear.scatter [tilespmem:s12], [sflag:$0xA], $0x4000, $0x38;
	[tilespmem:$0x1D200] =	vst v63  }
0x26: {  	_ =	swait.ge [sflag:s13], $0x4000  }
0x27: {  	[sflag:s13] =	ssyncset.done $0x0  }
0x28: {  	[sflag:s13] =	ssyncadd.s32 $0xFFFFC000  }
0x29: {  	[spmem:s6] =	stream.linear.scatter [tilespmem:s12], [sflag:$0xA], $0x4000, $0x38;
	[tilespmem:$0x1D200] =	vst v63  }
0x2a: {  	_ =	swait.ge [sflag:s13], $0x4000  }
0x2b: {  	[sflag:s13] =	ssyncset.done $0x0  }
0x2c: {  	[sflag:s13] =	ssyncadd.s32 $0xFFFFC000  }
0x2d: {  	[bflag:$0x0] =	sbarrier.arrive $0xFFFF  }
0x2e: {  	s3 =	simm.s32 $0x0;
	s7 =	rddreg [dreg:$0x4]  }
0x2f: {  	[tilespmem:s3], [sflag:$0x9] =	stream.linear.gather [hbm4b:s7+s3], $0x2800, $0x38;
	[tilespmem:$0x1D200] =	vst v63  }
0x30: {  	s20 =	simm.s32 $0x2800  }
0x31: {  	[tilespmem:s20], [sflag:$0x9] =	stream.linear.gather [hbm4b:s8+s3], $0x2800, $0x38;
	[tilespmem:$0x1D200] =	vst v63  }
0x32: {  	_ =	swait.ge [sflag:s15], $0x2800  }
0x33: {  	[sflag:s15] =	ssyncset.done $0x0  }
0x34: {  	[sflag:s15] =	ssyncadd.s32 $0xFFFFD800  }
0x35: {  	_ =	swait.ge [sflag:s15], $0x2800  }
0x36: {  	[sflag:s15] =	ssyncset.done $0x0  }
0x37: {  	s3 =	simm.s32 $0x0;
	s20 =	simm.s32 $0x40;
	[sflag:s15] =	ssyncadd.s32 $0xFFFFD800  }
.LBB2_4:
0x38: {  	p0 =	sne.s32 s20, $0x9FC0;
	v1 =	vld [tilespmem:s3+$0x0];
	_ =	sdelay $0x1  }
.Ltmp1:
0x39: {  	(pc) =	sbr.rel @p0 .LBB2_4-.Ltmp1, $3  }
0x3a: {  	_ =	sdelay $0x1  }
0x3b: {  	v1 =	vadd.s32 $0xFFFFF060, v1  }
0x3c: {  	[tilespmem:s3+$0x0] =	vst v1;
	s3 =	sshra.s32 s20, $0x2;
	s20 =	sadd.s32 $0x40, s20  }
0x3d: {  	v1 =	vld [tilespmem:s3+$0x0];
	_ =	sdelay $0x4  }
0x3e: {  	v1 =	vadd.s32 $0xFFFFF060, v1  }
0x3f: {  	s20 =	simm.s32 $0x0;
	[tilespmem:s3+$0x0] =	vst v1  }
0x40: {  	[tilespmem:s12], [sflag:$0x1] =	stream.indirect.gather [hbm4b:s4+s16], $0x80, s20, s16, $0xb8;
	[tilespmem:$0x1D200] =	vst v63  }
0x41: {  	_ = 	snop  }
0x42: {  	[tilespmem:s17], [sflag:$0x2] =	stream.indirect.gather [hbm4b:s4+s16], $0x80, s16, s16, $0xb8;
	[tilespmem:$0x1D200] =	vst v63  }
0x43: {  	s7 =	simm.s32 $0x100  }
0x44: {  	[tilespmem:s19], [sflag:$0x3] =	stream.indirect.gather [hbm4b:s4+s16], $0x80, s7, s16, $0xb8;
	[tilespmem:$0x1D200] =	vst v63  }
0x45: {  	s20 =	simm.s32 $0x180  }
0x46: {  	[tilespmem:s21], [sflag:$0x4] =	stream.indirect.gather [hbm4b:s4+s16], $0x80, s20, s16, $0xb8;
	[tilespmem:$0x1D200] =	vst v63  }
0x47: {  	_ =	swait.ge [sflag:s22], $0x4000  }
0x48: {  	[sflag:s22] =	ssyncset.done $0x0  }
0x49: {  	s7 =	simm.s32 $0x0;
	[sflag:s22] =	ssyncadd.s32 $0xFFFFC000  }
0x4a: {  	v1 =	vld [tilespmem:s7+$0x2800];
	_ =	sdelay $0x4  }
0x4b: {  	[tilespmem:$0x5000] =	vst v1  }
0x4c: {  	v1 =	vld [tilespmem:s7+$0x2810];
	_ =	sdelay $0x4  }
0x4d: {  	[tilespmem:$0x5010] =	vst v1  }
0x4e: {  	v1 =	vld [tilespmem:s7+$0x2820];
	_ =	sdelay $0x4  }
0x4f: {  	[tilespmem:$0x5020] =	vst v1  }
0x50: {  	v1 =	vld [tilespmem:s7+$0x2830];
	_ =	sdelay $0x4  }
0x51: {  	[tilespmem:$0x5030] =	vst v1  }
0x52: {  	v1 =	vld [tilespmem:s7+$0x2840];
	_ =	sdelay $0x4  }
0x53: {  	[tilespmem:$0x5040] =	vst v1  }
0x54: {  	v1 =	vld [tilespmem:s7+$0x2850];
	_ =	sdelay $0x4  }
0x55: {  	[tilespmem:$0x5050] =	vst v1  }
0x56: {  	v1 =	vld [tilespmem:s7+$0x2860];
	_ =	sdelay $0x4  }
0x57: {  	[tilespmem:$0x5060] =	vst v1  }
0x58: {  	v1 =	vld [tilespmem:s7+$0x2870];
	_ =	sdelay $0x4  }
0x59: {  	[tilespmem:$0x5070] =	vst v1  }
0x5a: {  	[spmem:s2] =	stream.indirect.scatter.add.f32 [tilespmem:s12], [sflag:$0x5], $0x80, s23, s16, $0xb8;
	[tilespmem:$0x1D200] =	vst v63  }
0x5b: {  	_ =	swait.ge [sflag:s24], $0x4000  }
0x5c: {  	[sflag:s24] =	ssyncset.done $0x0  }
0x5d: {  	[sflag:s24] =	ssyncadd.s32 $0xFFFFC000  }
0x5e: {  	v1 =	vld [tilespmem:s7+$0x2880];
	_ =	sdelay $0x4  }
0x5f: {  	[tilespmem:$0x5080] =	vst v1  }
0x60: {  	v1 =	vld [tilespmem:s7+$0x2890];
	_ =	sdelay $0x4  }
0x61: {  	[tilespmem:$0x5090] =	vst v1  }
0x62: {  	v1 =	vld [tilespmem:s7+$0x28A0];
	_ =	sdelay $0x4  }
0x63: {  	[tilespmem:$0x50A0] =	vst v1  }
0x64: {  	v1 =	vld [tilespmem:s7+$0x28B0];
	_ =	sdelay $0x4  }
0x65: {  	[tilespmem:$0x50B0] =	vst v1  }
0x66: {  	v1 =	vld [tilespmem:s7+$0x28C0];
	_ =	sdelay $0x4  }
0x67: {  	[tilespmem:$0x50C0] =	vst v1  }
0x68: {  	v1 =	vld [tilespmem:s7+$0x28D0];
	_ =	sdelay $0x4  }
0x69: {  	[tilespmem:$0x50D0] =	vst v1  }
0x6a: {  	v1 =	vld [tilespmem:s7+$0x28E0];
	_ =	sdelay $0x4  }
0x6b: {  	[tilespmem:$0x50E0] =	vst v1  }
0x6c: {  	v1 =	vld [tilespmem:s7+$0x28F0];
	_ =	sdelay $0x4  }
0x6d: {  	[tilespmem:$0x50F0] =	vst v1  }
0x6e: {  	[spmem:s2] =	stream.indirect.scatter.add.f32 [tilespmem:s17], [sflag:$0x6], $0x80, s25, s16, $0xb8;
	[tilespmem:$0x1D200] =	vst v63  }
0x6f: {  	_ =	swait.ge [sflag:s26], $0x4000  }
0x70: {  	[sflag:s26] =	ssyncset.done $0x0  }
0x71: {  	[sflag:s26] =	ssyncadd.s32 $0xFFFFC000  }
0x72: {  	v1 =	vld [tilespmem:s7+$0x2900];
	_ =	sdelay $0x4  }
0x73: {  	[tilespmem:$0x5100] =	vst v1  }
0x74: {  	v1 =	vld [tilespmem:s7+$0x2910];
	_ =	sdelay $0x4  }
0x75: {  	[tilespmem:$0x5110] =	vst v1  }
0x76: {  	v1 =	vld [tilespmem:s7+$0x2920];
	_ =	sdelay $0x4  }
0x77: {  	[tilespmem:$0x5120] =	vst v1  }
0x78: {  	v1 =	vld [tilespmem:s7+$0x2930];
	_ =	sdelay $0x4  }
0x79: {  	[tilespmem:$0x5130] =	vst v1  }
0x7a: {  	v1 =	vld [tilespmem:s7+$0x2940];
	_ =	sdelay $0x4  }
0x7b: {  	[tilespmem:$0x5140] =	vst v1  }
0x7c: {  	v1 =	vld [tilespmem:s7+$0x2950];
	_ =	sdelay $0x4  }
0x7d: {  	[tilespmem:$0x5150] =	vst v1  }
0x7e: {  	v1 =	vld [tilespmem:s7+$0x2960];
	_ =	sdelay $0x4  }
0x7f: {  	[tilespmem:$0x5160] =	vst v1  }
0x80: {  	v1 =	vld [tilespmem:s7+$0x2970];
	_ =	sdelay $0x4  }
0x81: {  	[tilespmem:$0x5170] =	vst v1  }
0x82: {  	[spmem:s2] =	stream.indirect.scatter.add.f32 [tilespmem:s19], [sflag:$0x7], $0x80, s28, s16, $0xb8;
	[tilespmem:$0x1D200] =	vst v63  }
0x83: {  	_ =	swait.ge [sflag:s29], $0x4000  }
0x84: {  	[sflag:s29] =	ssyncset.done $0x0  }
0x85: {  	[sflag:s29] =	ssyncadd.s32 $0xFFFFC000  }
0x86: {  	v1 =	vld [tilespmem:s7+$0x2980];
	_ =	sdelay $0x4  }
0x87: {  	[tilespmem:$0x5180] =	vst v1  }
0x88: {  	v1 =	vld [tilespmem:s7+$0x2990];
	_ =	sdelay $0x4  }
0x89: {  	[tilespmem:$0x5190] =	vst v1  }
0x8a: {  	v1 =	vld [tilespmem:s7+$0x29A0];
	_ =	sdelay $0x4  }
0x8b: {  	[tilespmem:$0x51A0] =	vst v1  }
0x8c: {  	v1 =	vld [tilespmem:s7+$0x29B0];
	_ =	sdelay $0x4  }
0x8d: {  	[tilespmem:$0x51B0] =	vst v1  }
0x8e: {  	v1 =	vld [tilespmem:s7+$0x29C0];
	_ =	sdelay $0x4  }
0x8f: {  	[tilespmem:$0x51C0] =	vst v1  }
0x90: {  	v1 =	vld [tilespmem:s7+$0x29D0];
	_ =	sdelay $0x4  }
0x91: {  	[tilespmem:$0x51D0] =	vst v1  }
0x92: {  	v1 =	vld [tilespmem:s7+$0x29E0];
	_ =	sdelay $0x4  }
0x93: {  	[tilespmem:$0x51E0] =	vst v1  }
0x94: {  	v1 =	vld [tilespmem:s7+$0x29F0];
	_ =	sdelay $0x4  }
0x95: {  	[tilespmem:$0x51F0] =	vst v1  }
0x96: {  	[spmem:s2] =	stream.indirect.scatter.add.f32 [tilespmem:s21], [sflag:$0x8], $0x80, s30, s16, $0xb8;
	[tilespmem:$0x1D200] =	vst v63  }
0x97: {  	_ =	swait.ge [sflag:s31], $0x4000  }
0x98: {  	[sflag:s31] =	ssyncset.done $0x0  }
0x99: {  	s20 =	simm.s32 $0x200;
	[sflag:s31] =	ssyncadd.s32 $0xFFFFC000  }
0x9a: {  	[tilespmem:s12], [sflag:$0x1] =	stream.indirect.gather [hbm4b:s4+s16], $0x80, s20, s16, $0xb8;
	[tilespmem:$0x1D200] =	vst v63  }
0x9b: {  	_ =	swait.ge [sflag:s1], $0x4000  }
0x9c: {  	[sflag:s1] =	ssyncset.done $0x0  }
0x9d: {  	s7 =	simm.s32 $0x280;
	[sflag:s1] =	ssyncadd.s32 $0xFFFFC000  }
0x9e: {  	[tilespmem:s17], [sflag:$0x2] =	stream.indirect.gather [hbm4b:s4+s16], $0x80, s7, s16, $0xb8;
	[tilespmem:$0x1D200] =	vst v63  }
0x9f: {  	_ =	swait.ge [sflag:s0], $0x4000  }
0xa0: {  	[sflag:s0] =	ssyncset.done $0x0  }
0xa1: {  	s20 =	simm.s32 $0x300;
	[sflag:s0] =	ssyncadd.s32 $0xFFFFC000  }
0xa2: {  	[tilespmem:s19], [sflag:$0x3] =	stream.indirect.gather [hbm4b:s4+s16], $0x80, s20, s16, $0xb8;
	[tilespmem:$0x1D200] =	vst v63  }
0xa3: {  	_ =	swait.ge [sflag:s14], $0x4000  }
0xa4: {  	[sflag:s14] =	ssyncset.done $0x0  }
0xa5: {  	s3 =	simm.s32 $0x380;
	s20 =	simm.s32 $0x800;
	[sflag:s14] =	ssyncadd.s32 $0xFFFFC000  }
.LBB2_6:
0xa6: {  	[tilespmem:s21], [sflag:$0x4] =	stream.indirect.gather [hbm4b:s4+s16], $0x80, s3, s16, $0xb8;
	[tilespmem:$0x1D200] =	vst v63  }
0xa7: {  	s3 =	smov.u32 s20  }
0xa8: {  	p0 =	sne.s32 s20, $0x9000;
	s20 =	sadd.s32 $0x800, s20;
	_ =	swait.ge [sflag:s22], $0x4000  }
0xa9: {  	[sflag:s22] =	ssyncset.done $0x0  }
0xaa: {  	s3 =	sshra.s32 s3, $0x2;
	[sflag:s22] =	ssyncadd.s32 $0xFFFFC000  }
0xab: {  	v1 =	vld [tilespmem:s3+$0x2800];
	_ =	sdelay $0x4  }
0xac: {  	[tilespmem:$0x5000] =	vst v1  }
0xad: {  	v1 =	vld [tilespmem:s3+$0x2810];
	_ =	sdelay $0x4  }
0xae: {  	[tilespmem:$0x5010] =	vst v1  }
0xaf: {  	v1 =	vld [tilespmem:s3+$0x2820];
	_ =	sdelay $0x4  }
0xb0: {  	[tilespmem:$0x5020] =	vst v1  }
0xb1: {  	v1 =	vld [tilespmem:s3+$0x2830];
	_ =	sdelay $0x4  }
0xb2: {  	[tilespmem:$0x5030] =	vst v1  }
0xb3: {  	v1 =	vld [tilespmem:s3+$0x2840];
	_ =	sdelay $0x4  }
0xb4: {  	[tilespmem:$0x5040] =	vst v1  }
0xb5: {  	v1 =	vld [tilespmem:s3+$0x2850];
	_ =	sdelay $0x4  }
0xb6: {  	[tilespmem:$0x5050] =	vst v1  }
0xb7: {  	v1 =	vld [tilespmem:s3+$0x2860];
	_ =	sdelay $0x4  }
0xb8: {  	[tilespmem:$0x5060] =	vst v1  }
0xb9: {  	v1 =	vld [tilespmem:s3+$0x2870];
	_ =	sdelay $0x4  }
0xba: {  	[tilespmem:$0x5070] =	vst v1  }
0xbb: {  	[spmem:s2] =	stream.indirect.scatter.add.f32 [tilespmem:s12], [sflag:$0x5], $0x80, s23, s16, $0xb8;
	[tilespmem:$0x1D200] =	vst v63  }
0xbc: {  	_ =	swait.ge [sflag:s24], $0x4000  }
0xbd: {  	[sflag:s24] =	ssyncset.done $0x0  }
0xbe: {  	[sflag:s24] =	ssyncadd.s32 $0xFFFFC000  }
0xbf: {  	v1 =	vld [tilespmem:s3+$0x2880];
	_ =	sdelay $0x4  }
0xc0: {  	[tilespmem:$0x5080] =	vst v1  }
0xc1: {  	v1 =	vld [tilespmem:s3+$0x2890];
	_ =	sdelay $0x4  }
0xc2: {  	[tilespmem:$0x5090] =	vst v1  }
0xc3: {  	v1 =	vld [tilespmem:s3+$0x28A0];
	_ =	sdelay $0x4  }
0xc4: {  	[tilespmem:$0x50A0] =	vst v1  }
0xc5: {  	v1 =	vld [tilespmem:s3+$0x28B0];
	_ =	sdelay $0x4  }
0xc6: {  	[tilespmem:$0x50B0] =	vst v1  }
0xc7: {  	v1 =	vld [tilespmem:s3+$0x28C0];
	_ =	sdelay $0x4  }
0xc8: {  	[tilespmem:$0x50C0] =	vst v1  }
0xc9: {  	v1 =	vld [tilespmem:s3+$0x28D0];
	_ =	sdelay $0x4  }
0xca: {  	[tilespmem:$0x50D0] =	vst v1  }
0xcb: {  	v1 =	vld [tilespmem:s3+$0x28E0];
	_ =	sdelay $0x4  }
0xcc: {  	[tilespmem:$0x50E0] =	vst v1  }
0xcd: {  	v1 =	vld [tilespmem:s3+$0x28F0];
	_ =	sdelay $0x4  }
0xce: {  	[tilespmem:$0x50F0] =	vst v1  }
0xcf: {  	[spmem:s2] =	stream.indirect.scatter.add.f32 [tilespmem:s17], [sflag:$0x6], $0x80, s25, s16, $0xb8;
	[tilespmem:$0x1D200] =	vst v63  }
0xd0: {  	_ =	swait.ge [sflag:s26], $0x4000  }
0xd1: {  	[sflag:s26] =	ssyncset.done $0x0  }
0xd2: {  	[sflag:s26] =	ssyncadd.s32 $0xFFFFC000  }
0xd3: {  	v1 =	vld [tilespmem:s3+$0x2900];
	_ =	sdelay $0x4  }
0xd4: {  	[tilespmem:$0x5100] =	vst v1  }
0xd5: {  	v1 =	vld [tilespmem:s3+$0x2910];
	_ =	sdelay $0x4  }
0xd6: {  	[tilespmem:$0x5110] =	vst v1  }
0xd7: {  	v1 =	vld [tilespmem:s3+$0x2920];
	_ =	sdelay $0x4  }
0xd8: {  	[tilespmem:$0x5120] =	vst v1  }
0xd9: {  	v1 =	vld [tilespmem:s3+$0x2930];
	_ =	sdelay $0x4  }
0xda: {  	[tilespmem:$0x5130] =	vst v1  }
0xdb: {  	v1 =	vld [tilespmem:s3+$0x2940];
	_ =	sdelay $0x4  }
0xdc: {  	[tilespmem:$0x5140] =	vst v1  }
0xdd: {  	v1 =	vld [tilespmem:s3+$0x2950];
	_ =	sdelay $0x4  }
0xde: {  	[tilespmem:$0x5150] =	vst v1  }
0xdf: {  	v1 =	vld [tilespmem:s3+$0x2960];
	_ =	sdelay $0x4  }
0xe0: {  	[tilespmem:$0x5160] =	vst v1  }
0xe1: {  	v1 =	vld [tilespmem:s3+$0x2970];
	_ =	sdelay $0x4  }
0xe2: {  	[tilespmem:$0x5170] =	vst v1  }
0xe3: {  	[spmem:s2] =	stream.indirect.scatter.add.f32 [tilespmem:s19], [sflag:$0x7], $0x80, s28, s16, $0xb8;
	[tilespmem:$0x1D200] =	vst v63  }
0xe4: {  	_ =	swait.ge [sflag:s29], $0x4000  }
0xe5: {  	[sflag:s29] =	ssyncset.done $0x0  }
0xe6: {  	[sflag:s29] =	ssyncadd.s32 $0xFFFFC000  }
0xe7: {  	v1 =	vld [tilespmem:s3+$0x2980];
	_ =	sdelay $0x4  }
0xe8: {  	[tilespmem:$0x5180] =	vst v1  }
0xe9: {  	v1 =	vld [tilespmem:s3+$0x2990];
	_ =	sdelay $0x4  }
0xea: {  	[tilespmem:$0x5190] =	vst v1  }
0xeb: {  	v1 =	vld [tilespmem:s3+$0x29A0];
	_ =	sdelay $0x4  }
0xec: {  	[tilespmem:$0x51A0] =	vst v1  }
0xed: {  	v1 =	vld [tilespmem:s3+$0x29B0];
	_ =	sdelay $0x4  }
0xee: {  	[tilespmem:$0x51B0] =	vst v1  }
0xef: {  	v1 =	vld [tilespmem:s3+$0x29C0];
	_ =	sdelay $0x4  }
0xf0: {  	[tilespmem:$0x51C0] =	vst v1  }
0xf1: {  	v1 =	vld [tilespmem:s3+$0x29D0];
	_ =	sdelay $0x4  }
0xf2: {  	[tilespmem:$0x51D0] =	vst v1  }
0xf3: {  	v1 =	vld [tilespmem:s3+$0x29E0];
	_ =	sdelay $0x4  }
0xf4: {  	[tilespmem:$0x51E0] =	vst v1  }
0xf5: {  	v1 =	vld [tilespmem:s3+$0x29F0];
	_ =	sdelay $0x4  }
0xf6: {  	[tilespmem:$0x51F0] =	vst v1  }
0xf7: {  	[spmem:s2] =	stream.indirect.scatter.add.f32 [tilespmem:s21], [sflag:$0x8], $0x80, s30, s16, $0xb8;
	[tilespmem:$0x1D200] =	vst v63  }
0xf8: {  	_ =	swait.ge [sflag:s31], $0x4000  }
0xf9: {  	[sflag:s31] =	ssyncset.done $0x0  }
0xfa: {  	s7 =	sadd.s32 $0x200, s3;
	[sflag:s31] =	ssyncadd.s32 $0xFFFFC000  }
0xfb: {  	[tilespmem:s12], [sflag:$0x1] =	stream.indirect.gather [hbm4b:s4+s16], $0x80, s7, s16, $0xb8;
	[tilespmem:$0x1D200] =	vst v63  }
0xfc: {  	_ =	swait.ge [sflag:s1], $0x4000  }
0xfd: {  	[sflag:s1] =	ssyncset.done $0x0  }
0xfe: {  	s7 =	sadd.s32 $0x280, s3;
	[sflag:s1] =	ssyncadd.s32 $0xFFFFC000  }
0xff: {  	[tilespmem:s17], [sflag:$0x2] =	stream.indirect.gather [hbm4b:s4+s16], $0x80, s7, s16, $0xb8;
	[tilespmem:$0x1D200] =	vst v63  }
0x100: {  	_ =	swait.ge [sflag:s0], $0x4000  }
0x101: {  	[sflag:s0] =	ssyncset.done $0x0  }
.Ltmp2:
0x102: {  	s7 =	sadd.s32 $0x300, s3;
	[sflag:s0] =	ssyncadd.s32 $0xFFFFC000;
	(pc) =	sbr.rel @p0 .LBB2_6-.Ltmp2, $4  }
0x103: {  	[tilespmem:s19], [sflag:$0x3] =	stream.indirect.gather [hbm4b:s4+s16], $0x80, s7, s16, $0xb8;
	[tilespmem:$0x1D200] =	vst v63  }
0x104: {  	_ =	swait.ge [sflag:s14], $0x4000  }
0x105: {  	[sflag:s14] =	ssyncset.done $0x0  }
0x106: {  	s3 =	sadd.s32 $0x380, s3;
	[sflag:s14] =	ssyncadd.s32 $0xFFFFC000  }
0x107: {  	[tilespmem:s21], [sflag:$0x4] =	stream.indirect.gather [hbm4b:s4+s16], $0x80, s3, s16, $0xb8;
	[tilespmem:$0x1D200] =	vst v63  }
0x108: {  	_ =	swait.ge [sflag:s22], $0x4000  }
0x109: {  	[sflag:s22] =	ssyncset.done $0x0  }
0x10a: {  	[sflag:s22] =	ssyncadd.s32 $0xFFFFC000  }
0x10b: {  	v1 =	vld [tilespmem:$0x4E00]  }
0x10c: {  	v2 =	vld [tilespmem:$0x4E10]  }
0x10d: {  	v3 =	vld [tilespmem:$0x4E20]  }
0x10e: {  	v4 =	vld [tilespmem:$0x4E30]  }
0x10f: {  	v5 =	vld [tilespmem:$0x4E40]  }
0x110: {  	[tilespmem:$0x5000] =	vst v1;
	v1 =	vld [tilespmem:$0x4E50]  }
0x111: {  	[tilespmem:$0x5010] =	vst v2;
	v2 =	vld [tilespmem:$0x4E60]  }
0x112: {  	[tilespmem:$0x5020] =	vst v3;
	v3 =	vld [tilespmem:$0x4E70]  }
0x113: {  	[tilespmem:$0x5030] =	vst v4  }
0x114: {  	[tilespmem:$0x5040] =	vst v5  }
0x115: {  	[tilespmem:$0x5050] =	vst v1  }
0x116: {  	[tilespmem:$0x5060] =	vst v2  }
0x117: {  	[tilespmem:$0x5070] =	vst v3  }
0x118: {  	[spmem:s2] =	stream.indirect.scatter.add.f32 [tilespmem:s12], [sflag:$0x5], $0x80, s23, s16, $0xb8;
	[tilespmem:$0x1D200] =	vst v63  }
0x119: {  	_ =	swait.ge [sflag:s24], $0x4000  }
0x11a: {  	[sflag:s24] =	ssyncset.done $0x0  }
0x11b: {  	[sflag:s24] =	ssyncadd.s32 $0xFFFFC000  }
0x11c: {  	v1 =	vld [tilespmem:$0x4E80]  }
0x11d: {  	v2 =	vld [tilespmem:$0x4E90]  }
0x11e: {  	v3 =	vld [tilespmem:$0x4EA0]  }
0x11f: {  	v58 =	vld [tilespmem:$0x4EB0]  }
0x120: {  	v59 =	vld [tilespmem:$0x4EC0]  }
0x121: {  	[tilespmem:$0x5080] =	vst v1;
	v1 =	vld [tilespmem:$0x4ED0]  }
0x122: {  	[tilespmem:$0x5090] =	vst v2;
	v2 =	vld [tilespmem:$0x4EE0]  }
0x123: {  	[tilespmem:$0x50A0] =	vst v3;
	v3 =	vld [tilespmem:$0x4EF0]  }
0x124: {  	[tilespmem:$0x50B0] =	vst v58  }
0x125: {  	[tilespmem:$0x50C0] =	vst v59  }
0x126: {  	[tilespmem:$0x50D0] =	vst v1  }
0x127: {  	[tilespmem:$0x50E0] =	vst v2  }
0x128: {  	[tilespmem:$0x50F0] =	vst v3  }
0x129: {  	[spmem:s2] =	stream.indirect.scatter.add.f32 [tilespmem:s17], [sflag:$0x6], $0x80, s25, s16, $0xb8;
	[tilespmem:$0x1D200] =	vst v63  }
0x12a: {  	_ =	swait.ge [sflag:s26], $0x4000  }
0x12b: {  	[sflag:s26] =	ssyncset.done $0x0  }
0x12c: {  	[sflag:s26] =	ssyncadd.s32 $0xFFFFC000  }
0x12d: {  	v1 =	vld [tilespmem:$0x4F00]  }
0x12e: {  	v2 =	vld [tilespmem:$0x4F10]  }
0x12f: {  	v3 =	vld [tilespmem:$0x4F20]  }
0x130: {  	v60 =	vld [tilespmem:$0x4F30]  }
0x131: {  	v61 =	vld [tilespmem:$0x4F40]  }
0x132: {  	[tilespmem:$0x5100] =	vst v1;
	v1 =	vld [tilespmem:$0x4F50]  }
0x133: {  	[tilespmem:$0x5110] =	vst v2;
	v2 =	vld [tilespmem:$0x4F60]  }
0x134: {  	[tilespmem:$0x5120] =	vst v3;
	v3 =	vld [tilespmem:$0x4F70]  }
0x135: {  	[tilespmem:$0x5130] =	vst v60  }
0x136: {  	[tilespmem:$0x5140] =	vst v61  }
0x137: {  	[tilespmem:$0x5150] =	vst v1  }
0x138: {  	[tilespmem:$0x5160] =	vst v2  }
0x139: {  	[tilespmem:$0x5170] =	vst v3  }
0x13a: {  	[spmem:s2] =	stream.indirect.scatter.add.f32 [tilespmem:s19], [sflag:$0x7], $0x80, s28, s16, $0xb8;
	[tilespmem:$0x1D200] =	vst v63  }
0x13b: {  	_ =	swait.ge [sflag:s29], $0x4000  }
0x13c: {  	[sflag:s29] =	ssyncset.done $0x0  }
0x13d: {  	[sflag:s29] =	ssyncadd.s32 $0xFFFFC000  }
0x13e: {  	v1 =	vld [tilespmem:$0x4F80]  }
0x13f: {  	v2 =	vld [tilespmem:$0x4F90]  }
0x140: {  	v3 =	vld [tilespmem:$0x4FA0]  }
0x141: {  	v62 =	vld [tilespmem:$0x4FB0]  }
0x142: {  	v63 =	vld [tilespmem:$0x4FC0]  }
0x143: {  	[tilespmem:$0x5180] =	vst v1;
	v1 =	vld [tilespmem:$0x4FD0]  }
0x144: {  	[tilespmem:$0x5190] =	vst v2;
	v2 =	vld [tilespmem:$0x4FE0]  }
0x145: {  	[tilespmem:$0x51A0] =	vst v3;
	v3 =	vld [tilespmem:$0x4FF0]  }
0x146: {  	[tilespmem:$0x51B0] =	vst v62  }
0x147: {  	[tilespmem:$0x51C0] =	vst v63  }
0x148: {  	[tilespmem:$0x51D0] =	vst v1  }
0x149: {  	[tilespmem:$0x51E0] =	vst v2  }
0x14a: {  	[tilespmem:$0x51F0] =	vst v3  }
0x14b: {  	[spmem:s2] =	stream.indirect.scatter.add.f32 [tilespmem:s21], [sflag:$0x8], $0x80, s30, s16, $0xb8;
	[tilespmem:$0x1D200] =	vst v63  }
0x14c: {  	_ =	swait.ge [sflag:s31], $0x4000  }
0x14d: {  	[sflag:s31] =	ssyncset.done $0x0  }
0x14e: {  	[sflag:s31] =	ssyncadd.s32 $0xFFFFC000  }
0x14f: {  	_ =	swait.ge [sflag:s1], $0x4000  }
0x150: {  	[sflag:s1] =	ssyncset.done $0x0  }
0x151: {  	[sflag:s1] =	ssyncadd.s32 $0xFFFFC000  }
0x152: {  	_ =	swait.ge [sflag:s0], $0x4000  }
0x153: {  	[sflag:s0] =	ssyncset.done $0x0  }
0x154: {  	[sflag:s0] =	ssyncadd.s32 $0xFFFFC000  }
0x155: {  	_ =	swait.ge [sflag:s14], $0x4000  }
0x156: {  	[sflag:s14] =	ssyncset.done $0x0  }
0x157: {  	[sflag:s14] =	ssyncadd.s32 $0xFFFFC000  }
0x158: {  	[bflag:$0x0] =	sbarrier.arrive $0xFFFF  }
0x159: {  	[tilespmem:s12], [sflag:$0xA] =	stream.linear.gather [spmem:s5], $0x4000, $0x38;
	[tilespmem:$0x1D200] =	vst v63  }
0x15a: {  	_ =	swait.ge [sflag:s13], $0x4000  }
0x15b: {  	[sflag:s13] =	ssyncset.done $0x0  }
0x15c: {  	s20 =	simm.s32 $0x0;
	[sflag:s13] =	ssyncadd.s32 $0xFFFFC000  }
0x15d: {  	[hbm4b:s9+s20] =	stream.linear.scatter [tilespmem:s12], [sflag:$0xA], $0x4000, $0x38;
	[tilespmem:$0x1D200] =	vst v63  }
0x15e: {  	_ =	swait.ge [sflag:s13], $0x4000  }
0x15f: {  	[sflag:s13] =	ssyncset.done $0x0  }
0x160: {  	[sflag:s13] =	ssyncadd.s32 $0xFFFFC000  }
0x161: {  	[tilespmem:s12], [sflag:$0xA] =	stream.linear.gather [spmem:s6], $0x4000, $0x38;
	[tilespmem:$0x1D200] =	vst v63  }
0x162: {  	s18 =	sadd.s32 $0x1, s18;
	_ =	swait.ge [sflag:s13], $0x4000  }
0x163: {  	p0 =	sne.s32 s18, s11;
	[sflag:s13] =	ssyncset.done $0x0  }
.Ltmp3:
0x164: {  	[sflag:s13] =	ssyncadd.s32 $0xFFFFC000;
	(pc) =	sbr.rel @p0 .LBB2_1-.Ltmp3, $4  }
0x165: {  	[hbm4b:s10+s20] =	stream.linear.scatter [tilespmem:s12], [sflag:$0xA], $0x4000, $0x38;
	[tilespmem:$0x1D200] =	vst v63  }
0x166: {  	_ =	swait.ge [sflag:s13], $0x4000  }
0x167: {  	[sflag:s13] =	ssyncset.done $0x0  }
0x168: {  	[sflag:s13] =	ssyncadd.s32 $0xFFFFC000  }
0x169: {  	_ =	sfence.sel $0x180000  }
0x16a: {  	[bflag:$0x0] =	sbarrier.arrive $0xFFFF  }
0x16b: {  	_ =	strace $0x9000004A  }
0x16c: {  	s0 =	stileid.u32;
	[bflag:$0x2] =	sbarrier.arrive $0xFFFF  }
0x16d: {  	p0 =	sne.s32 s0, $0x0;
	s0 =	rddreg [dreg:$0x3]  }
0x16e: {  	s0 =	sadd.s32 @!p0 $0x100000, s0  }
0x16f: {  	[sflag:s0] =	ssyncadd.tile.s32 @!p0 $0x1;
	_ =	shalt  }
.Lfunc_end2:
_tile_overlayer_lowered:
.L_overlay_start_2:
0x170: {  	(tag) =	ssettag $0x2  }
0x171: {  	s0 =	rddreg [dreg:$0x0];
	s2 =	stileid.u32  }
0x172: {  	s1 =	rddreg [dreg:$0x1];
	p0 =	sne.s32 s2, $0x0  }
0x173: {  	s3 =	rddreg [dreg:$0x2];
	[bflag:$0x3] =	sbarrier.arrive $0xFFFF;
	s2 =	simm.s32 @!p0 $0x1C0A  }
0x174: {  	[timem:s3], [sflag:s2] =	dma.local @!p0 [hbm:s0], s1  }
0x175: {  	s0 =	simm.s32 @!p0 $0xA  }
0x176: {  	_ =	swait.ge @!p0 [sflag:s0], s1  }
0x177: {  	s1 =	ssub.s32 @!p0 $0x0, s1;
	[sflag:s0] =	ssyncset.done @!p0 $0x0  }
0x178: {  	[sflag:s0] =	ssyncadd.s32 @!p0 s1  }
0x179: {  	[bflag:$0x3] =	sbarrier.arrive $0xFFFF  }
0x17a: {  	_ =	shalt  }

// kernel: kernel.15.cloned.1.call-start
scs
__scs_entry_jumppad:
0x0: {  	(pc) =	sbr.rel $0x88, $3  }
0x1: {  	(tag) =	ssettag $0x0;
	lr =	simm.s32 $0x1  }
0x2: {  	[smem:$0x3F93] =	sst lr;
	_ =	strace $0xD0000000  }
0x3: {  	_ = 	snop  }
0x4: {  	_ = 	snop  }
0x5: {  	_ = 	snop  }
0x6: {  	_ = 	snop  }
0x7: {  	_ = 	snop  }
__scs_overlays_trampoline_lowered:
0x8: {  	[smem:$0x3FA2] =	sst s0  }
0x9: {  	[smem:$0x3FA3] =	sst s1  }
0xa: {  	[smem:$0x3FA4] =	sst s2  }
0xb: {  	[smem:$0x3FA5] =	sst s3  }
0xc: {  	[smem:$0x3FA6] =	sst s4  }
0xd: {  	[smem:$0x3FA7] =	sst s5  }
0xe: {  	[smem:$0x3FA8] =	sst s6  }
0xf: {  	[smem:$0x3FA9] =	sst s7  }
0x10: {  	[smem:$0x3FAA] =	sst s8  }
0x11: {  	[smem:$0x3FAB] =	sst s9;
	s0 =	simm.s32 @!p0 $0x0  }
0x12: {  	s1 =	sld [smem:$0x3F91];
	s0 =	simm.s32 @p0 $0x1  }
0x13: {  	[smem:$0x3FAC] =	sst s0;
	s0 =	simm.s32 @!p1 $0x0  }
0x14: {  	s2 =	sld [smem:$0x3F90];
	s0 =	simm.s32 @p1 $0x1  }
0x15: {  	[smem:$0x3FAD] =	sst s0;
	s0 =	simm.s32 @!p2 $0x0  }
0x16: {  	s3 =	sld [smem:$0x3FDB];
	s0 =	simm.s32 @p2 $0x1  }
0x17: {  	s4 =	simm.s32 $0x1BF5;
	[smem:$0x3FAF] =	sst s0  }
0x18: {  	s0 =	sld [smem:$0x3F92];
	_ =	swait.ge [sflag:s4], $0x0  }
0x19: {  	s7 =	sld [smem:$0x3F93]  }
0x1a: {  	s8 =	sadd.s32 $0xFFFFE003, lr  }
0x1b: {  	s9 =	sadd.s32 $0xFFFFFEF7, lr;
	s5 =	simm.s32 $0xFFFFFFFF;
	p2 =	slt.u32 s8, $0xFFFFF086  }
0x1c: {  	p1 =	slt.u32 s9, $0xF7A;
	s5 =	simm.s32 @!p2 $0x0  }
0x1d: {  	s5 =	simm.s32 @p1 $0x1;
	p0 =	seq.s32 s7, s2  }
0x1e: {  	s7 =	smul.u32 @!p0 $0xF7A, s2;
	p2 =	seq.s32 @!p0 s5, $0x0  }
0x1f: {  	s9 =	smul.u32 $0xF7A, s1;
	s8 =	simm.s32 @!p0 $0x1BF5;
	p2 =	por !p2, p0  }
0x20: {  	[sflag:s8] =	ssyncset.s32 @!p0 $0xFFFFF086;
	s6 =	sadd.s32 @!p0 s3, s7;
	s7 =	simm.s32 @!p0 $0x108  }
0x21: {  	s3 =	sadd.s32 s3, s9;
	s6 =	sadd.s32 @!p0 $0x88, s6;
	s7 =	simm.s32 @p2 $0x1082  }
0x22: {  	[simem:s7], [sflag:s8] =	dma.local @!p0 [hbm:s6], $0xF7A  }
0x23: {  	s9 =	sor.u32 $0xD0000000, s2;
	s6 =	simm.s32 $0x108;
	_ =	swait.ge @!p0 [sflag:s8], $0x0  }
0x24: {  	s3 =	sadd.s32 $0x88, s3;
	s6 =	simm.s32 @!p1 $0x1082;
	[sflag:s4] =	ssyncset.s32 $0xFFFFF086  }
0x25: {  	[simem:s6], [sflag:s4] =	dma.local [hbm:s3], $0xF7A  }
0x26: {  	[smem:$0x3F93] =	sst s1;
	(tag) =	ssettag s2;
	_ =	strace s9  }
0x27: {  	s1 =	sld [smem:$0x3FA3]  }
0x28: {  	s2 =	sld [smem:$0x3FA4]  }
0x29: {  	s4 =	sld [smem:$0x3FA6]  }
0x2a: {  	p0 =	seq.s32 s5, $0x0;
	s5 =	sld [smem:$0x3FA7]  }
0x2b: {  	s6 =	sld [smem:$0x3FA8]  }
0x2c: {  	s7 =	sld [smem:$0x3FA9]  }
0x2d: {  	s3 =	simm.s32 $0x108;
	s8 =	sld [smem:$0x3FAA]  }
0x2e: {  	s3 =	simm.s32 @!p0 $0x1082;
	s9 =	sld [smem:$0x3FAB]  }
0x2f: {  	lr =	sadd.s32 s0, s3;
	s0 =	sld [smem:$0x3FA2]  }
0x30: {  	s3 =	sld [smem:$0x3FA5]  }
0x31: {  	[smem:$0x3FAE] =	sst s10  }
0x32: {  	s10 =	sld [smem:$0x3FAC];
	_ =	sdelay $0x3  }
0x33: {  	p0 =	seq.s32 s10, $0x1;
	s10 =	sld [smem:$0x3FAE];
	_ =	sdelay $0x3  }
0x34: {  	[smem:$0x3FAE] =	sst s10  }
0x35: {  	s10 =	sld [smem:$0x3FAD];
	_ =	sdelay $0x3  }
0x36: {  	p1 =	seq.s32 s10, $0x1;
	s10 =	sld [smem:$0x3FAE];
	_ =	sdelay $0x3  }
0x37: {  	[smem:$0x3FAE] =	sst s10  }
0x38: {  	s10 =	sld [smem:$0x3FAF]  }
0x39: {  	_ = 	snop;
	(pc) =	sbr.ind lr, $3  }
0x3a: {  	_ = 	snop  }
0x3b: {  	_ = 	snop  }
0x3c: {  	p2 =	seq.s32 s10, $0x1;
	s10 =	sld [smem:$0x3FAE]  }
0x3d: {  	_ =	shalt  }
0x3e: {  	_ =	shalt  }
0x3f: {  	_ =	shalt  }
0x40: {  	_ =	shalt  }
0x41: {  	_ =	shalt  }
0x42: {  	_ =	shalt  }
0x43: {  	_ =	shalt  }
0x44: {  	_ =	shalt  }
0x45: {  	_ =	shalt  }
0x46: {  	_ =	shalt  }
0x47: {  	_ =	shalt  }
0x48: {  	_ =	shalt  }
0x49: {  	_ =	shalt  }
0x4a: {  	_ =	shalt  }
0x4b: {  	_ =	shalt  }
0x4c: {  	_ =	shalt  }
0x4d: {  	_ =	shalt  }
0x4e: {  	_ =	shalt  }
0x4f: {  	_ =	shalt  }
0x50: {  	_ =	shalt  }
0x51: {  	_ =	shalt  }
0x52: {  	_ =	shalt  }
0x53: {  	_ =	shalt  }
0x54: {  	_ =	shalt  }
0x55: {  	_ =	shalt  }
0x56: {  	_ =	shalt  }
0x57: {  	_ =	shalt  }
0x58: {  	_ =	shalt  }
0x59: {  	_ =	shalt  }
0x5a: {  	_ =	shalt  }
0x5b: {  	_ =	shalt  }
0x5c: {  	_ =	shalt  }
0x5d: {  	_ =	shalt  }
0x5e: {  	_ =	shalt  }
0x5f: {  	_ =	shalt  }
0x60: {  	_ =	shalt  }
0x61: {  	_ =	shalt  }
0x62: {  	_ =	shalt  }
0x63: {  	_ =	shalt  }
0x64: {  	_ =	shalt  }
0x65: {  	_ =	shalt  }
0x66: {  	_ =	shalt  }
0x67: {  	_ =	shalt  }
0x68: {  	_ =	shalt  }
0x69: {  	_ =	shalt  }
0x6a: {  	_ =	shalt  }
0x6b: {  	_ =	shalt  }
0x6c: {  	_ =	shalt  }
0x6d: {  	_ =	shalt  }
0x6e: {  	_ =	shalt  }
0x6f: {  	_ =	shalt  }
0x70: {  	_ =	shalt  }
0x71: {  	_ =	shalt  }
0x72: {  	_ =	shalt  }
0x73: {  	_ =	shalt  }
0x74: {  	_ =	shalt  }
0x75: {  	_ =	shalt  }
0x76: {  	_ =	shalt  }
0x77: {  	_ =	shalt  }
0x78: {  	_ =	shalt  }
0x79: {  	_ =	shalt  }
0x7a: {  	_ =	shalt  }
0x7b: {  	_ =	shalt  }
0x7c: {  	_ =	shalt  }
0x7d: {  	_ =	shalt  }
0x7e: {  	_ =	shalt  }
0x7f: {  	_ =	shalt  }
0x80: {  	_ =	shalt  }
0x81: {  	_ =	shalt  }
0x82: {  	_ =	shalt  }
0x83: {  	_ =	shalt  }
0x84: {  	_ =	shalt  }
0x85: {  	_ =	shalt  }
0x86: {  	_ =	shalt  }
0x87: {  	_ =	shalt  }
.Lfunc_end0:
.L_simem_size_0:
called_computation.2_lowered:
.L_overlay_start_0:
0x88: {  	s2 =	sld [smem:$0x3FD9]  }
0x89: {  	s3 =	sld [smem:$0x3FFE];
	_ =	sdelay $0x1  }
0x8a: {  	s1 =	srdreg.scid  }
0x8b: {  	s0 =	sand.u32 $0x1, s1  }
0x8c: {  	s14 =	sshll.u32 s0, $0xA;
	s2 =	sadd.s32 s3, s2  }
0x8d: {  	s2 =	sadd.s32 s2, s14  }
0x8e: {  	[smem:$0x3FBA] =	sst s2  }
0x8f: {  	_ = 	snop  }
0x90: {  	s2 =	sld [smem:$0x3FD0];
	_ =	sdelay $0x2  }
0x91: {  	s15 =	simm.s32 $0xA;
	s4 =	simm.s32 $0x10  }
0x92: {  	[smem:s4], [sflag:s15] =	dma.local [hbm:s2], $0x1  }
0x93: {  	_ =	swait.eq [sflag:s15], $0x1  }
0x94: {  	[sflag:s15] =	ssyncset.done $0x0  }
0x95: {  	[sflag:s15] =	ssyncadd.s32 $0xFFFFFFFF  }
0x96: {  	s16 =	sld [smem:$0x11];
	(tm) =	ssettm $0x1  }
0x97: {  	s17 =	sld [smem:$0x3FFB];
	_ =	sdelay $0x3  }
0x98: {  	_ =	strace s17  }
0x99: {  	s3 =	sld [smem:$0x3FFC];
	_ =	sdelay $0x3  }
0x9a: {  	_ =	strace s3  }
0x9b: {  	s3 =	sld [smem:$0x3FFD];
	_ =	sdelay $0x3  }
0x9c: {  	_ =	strace s3  }
0x9d: {  	_ =	strace $0x8FFFFFFF  }
0x9e: {  	s18 =	sld [smem:$0x3FDB];
	_ =	sdelay $0x1  }
0x9f: {  	s19 =	simm.s32 $_scs_section_size  }
0xa0: {  	s5 =	simm.s32 $_size__tile_overlayer_lowered;
	s6 =	simm.s32 $_tile_overlayer_lowered  }
0xa1: {  	s22 =	simm.s32 $0x1BFF;
	s21 =	sshll.u32 s6, $0x1;
	s3 =	sadd.s32 s19, s18  }
0xa2: {  	s7 =	simm.s32 $0x0;
	s20 =	sshll.u32 s5, $0x1;
	s5 =	sadd.s32 s21, s3  }
0xa3: {  	[timem:s7], [sflag:s22] =	dma.local [hbm:s5], s20  }
0xa4: {  	_ =	swait.ge [sflag:s22], s20  }
0xa5: {  	s4 =	ssub.s32 $0x0, s20;
	[sflag:s22] =	ssyncset.done $0x0  }
0xa6: {  	[sflag:s22] =	ssyncadd.s32 s4;
	_ =	sdelay $0x1  }
0xa7: {  	s23 =	simm.s32 $0x1B8B  }
0xa8: {  	_ =	swait.ge [sflag:s23], $0x1  }
0xa9: {  	[sflag:s23] =	ssyncset.done $0x0  }
0xaa: {  	s25 =	simm.s32 $0x1B8E;
	s24 =	sld [smem:$0x3FFE];
	[sflag:s23] =	ssyncadd.s32 $0xFFFFFFFF  }
0xab: {  	s26 =	simm.s32 $execute0_lowered;
	[smem:$0x3FD2] =	sst s25  }
0xac: {  	s5 =	sshll.u32 s26, $0x1;
	_ =	strace $0x8000004C;
	[dreg:$0x1] =	wrdreg $0xFFFFFFFF  }
0xad: {  	s28 =	simm.s32 $_size_execute0_lowered;
	s3 =	sadd.s32 s3, s5;
	[dreg:$0x0] =	wrdreg $0x0  }
0xae: {  	s5 =	sshll.u32 s28, $0x1;
	[dreg:$0x2] =	wrdreg s3  }
0xaf: {  	[dreg:$0x3] =	wrdreg s5  }
0xb0: {  	[dreg:$0x4] =	wrdreg $0xC0  }
0xb1: {  	_ =	task [dreg:s7], $0x5FFFF  }
0xb2: {  	[dreg:$0x1] =	wrdreg $0xFFFFFFFF  }
0xb3: {  	[dreg:$0x0] =	wrdreg $0x60  }
0xb4: {  	[dreg:$0x2] =	wrdreg s24  }
0xb5: {  	[dreg:$0x3] =	wrdreg s16  }
0xb6: {  	[dreg:$0x4] =	wrdreg $0x9  }
0xb7: {  	_ =	task.clear_ibuf [dreg:s7], $0x5FFFF;
	_ =	strace $0x9000004C  }
0xb8: {  	s29 =	simm.s32 $0x9;
	_ =	strace $0x8000004E  }
0xb9: {  	_ =	swait.ge [sflag:s29], $0x1  }
0xba: {  	[sflag:s29] =	ssyncadd.s32 $0xFFFFFFFF  }
0xbb: {  	_ =	strace $0x9000004E  }
0xbc: {  	_ =	sfence  }
0xbd: {  	s30 =	sld [smem:$0x0];
	_ =	sdelay $0x2  }
0xbe: {  	s31 =	sshll.u32 s1, $0xD;
	s1 =	sshrl.u32 s1, $0x2  }
0xbf: {  	s3 =	sand.u32 $0x4000, s31;
	s1 =	sadd.s32 s1, s30  }
0xc0: {  	s0 =	sor.u32 s3, s0;
	s1 =	sshll.u32 s1, $0x11  }
0xc1: {  	s0 =	sor.u32 s1, s0  }
0xc2: {  	s0 =	sadd.s32 $0x8F2B, s0  }
0xc3: {  	[sflag:s0] =	ssyncadd.remote.s32 $0x1  }
0xc4: {  	_ =	sfence.sel $0xFFFF  }
0xc5: {  	[dreg:$0x0] =	wrdreg $0xFFFFFFFF;
	(pc) =	sbr.abs _section_cstart, $3  }
0xc6: {  	[dreg:$0x1] =	wrdreg $0xFFFFFFFF  }
0xc7: {  	_ =	task.clear_ibuf [dreg:s7], $0x2FFFF;
	_ =	strace $0x9FFFFFFF  }
0xc8: {  	(tm) =	ssettm $0x7FFFFFFF  }
0xc9: {  	_ =	shalt  }
tec
execute0_lowered:
.L_overlay_start_1:
0x0: {  	(tag) =	ssettag $0x1  }
0x1: {  	s1 =	srdreg.scid  }
0x2: {  	s0 =	stileid.u32;
	s10 =	sand.u32 $0x1, s1  }
0x3: {  	s5 =	rddreg [dreg:$0x0];
	s30 =	sshll.u32 s0, $0x9;
	s2 =	sshll.u32 s10, $0x8  }
0x4: {  	s9 =	rddreg [dreg:$0x1];
	s11 =	sor.u32 s2, s30  }
0x5: {  	s1 =	rddreg [dreg:$0x2];
	s2 =	simm.s32 $0x0;
	s3 =	sshrl.u32 s11, $0x3  }
0x6: {  	[smem:$0x7FF] =	sst s2;
	s3 =	sadd.s32 s3, s5  }
0x7: {  	_ =	strace $0x8000004D;
	s4 =	sadd.s32 $0x2F200, s3;
	s3 =	simm.s32 $0x2  }
0x8: {  	[tilespmem:s2], [sflag:$0x2] =	stream.linear.gather [hbm4b:s4+s2], $0x100, $0x38;
	[tilespmem:$0x4100] =	vst v63  }
0x9: {  	_ =	swait.ge [sflag:s3], $0x100  }
0xa: {  	s6 =	simm.s32 $0x80;
	s7 =	simm.s32 $0x100;
	[sflag:s3] =	ssyncset.done $0x0  }
0xb: {  	s8 =	simm.s32 $0x1;
	s5 =	sadd.s32 $0x3A00, s5;
	[sflag:s3] =	ssyncadd.s32 $0xFFFFFF00  }
0xc: {  	[tilespmem:s7], [sflag:$0x1] =	stream.indirect.gather [hbm4b:s5+s6], $0x80, s2, s6, $0xb8;
	[tilespmem:$0x4100] =	vst v63  }
0xd: {  	_ =	swait.ge [sflag:s8], $0x4000  }
0xe: {  	s11 =	sshll.u32 s11, $0x4;
	[sflag:s8] =	ssyncset.done $0x0  }
0xf: {  	s10 =	ssub.s32 $0x2, s10;
	s9 =	sadd.s32 s9, s11;
	[sflag:s8] =	ssyncadd.s32 $0xFFFFC000  }
0x10: {  	[hbm4b:s9+s2] =	stream.linear.scatter [tilespmem:s7], [sflag:$0x2], $0x4000, $0x38;
	[tilespmem:$0x4100] =	vst v63  }
0x11: {  	s31 =	sshrl.u32 s10, $0x1;
	_ =	swait.ge [sflag:s3], $0x4000  }
0x12: {  	s11 =	ssub.s32 s10, s31;
	[sflag:s3] =	ssyncset.done $0x0  }
0x13: {  	s11 =	smax.u32 s11, $0x1;
	[sflag:s3] =	ssyncadd.s32 $0xFFFFC000  }
0x14: {  	[tilespmem:s7], [sflag:$0x1] =	stream.indirect.gather [hbm4b:s5+s6], $0x80, s6, s6, $0xb8;
	[tilespmem:$0x4100] =	vst v63  }
0x15: {  	p0 =	sne.s32 s11, $0x1;
	_ =	swait.ge [sflag:s8], $0x4000  }
.Ltmp0:
0x16: {  	[sflag:s8] =	ssyncset.done $0x0;
	(pc) =	sbr.rel @!p0 .LBB2_2-.Ltmp0, $4  }
0x17: {  	s10 =	sadd.s32 $0x800, s9;
	[sflag:s8] =	ssyncadd.s32 $0xFFFFC000  }
0x18: {  	[hbm4b:s10+s2] =	stream.linear.scatter [tilespmem:s7], [sflag:$0x2], $0x4000, $0x38;
	[tilespmem:$0x4100] =	vst v63  }
0x19: {  	_ =	swait.ge [sflag:s3], $0x4000  }
0x1a: {  	s11 =	sadd.s32 $0xFFFFFFFF, s11;
	[sflag:s3] =	ssyncset.done $0x0  }
.LBB2_1:
0x1b: {  	p0 =	sne.s32 s11, $0x1;
	s11 =	sadd.s32 $0xFFFFFFFF, s11;
	[sflag:s3] =	ssyncadd.s32 $0xFFFFC000  }
0x1c: {  	[tilespmem:s2], [sflag:$0x2] =	stream.linear.gather [hbm4b:s4+s2], $0x100, $0x38;
	[tilespmem:$0x4100] =	vst v63  }
0x1d: {  	_ =	swait.ge [sflag:s3], $0x100  }
0x1e: {  	[sflag:s3] =	ssyncset.done $0x0  }
0x1f: {  	[sflag:s3] =	ssyncadd.s32 $0xFFFFFF00  }
0x20: {  	[tilespmem:s7], [sflag:$0x1] =	stream.indirect.gather [hbm4b:s5+s6], $0x80, s2, s6, $0xb8;
	[tilespmem:$0x4100] =	vst v63  }
0x21: {  	_ =	swait.ge [sflag:s8], $0x4000  }
0x22: {  	[sflag:s8] =	ssyncset.done $0x0  }
0x23: {  	[sflag:s8] =	ssyncadd.s32 $0xFFFFC000  }
0x24: {  	[hbm4b:s9+s2] =	stream.linear.scatter [tilespmem:s7], [sflag:$0x2], $0x4000, $0x38;
	[tilespmem:$0x4100] =	vst v63  }
0x25: {  	_ =	swait.ge [sflag:s3], $0x4000  }
0x26: {  	[sflag:s3] =	ssyncset.done $0x0  }
0x27: {  	[sflag:s3] =	ssyncadd.s32 $0xFFFFC000  }
0x28: {  	[tilespmem:s7], [sflag:$0x1] =	stream.indirect.gather [hbm4b:s5+s6], $0x80, s6, s6, $0xb8;
	[tilespmem:$0x4100] =	vst v63  }
0x29: {  	_ =	swait.ge [sflag:s8], $0x4000  }
.Ltmp1:
0x2a: {  	[sflag:s8] =	ssyncset.done $0x0;
	(pc) =	sbr.rel @p0 .LBB2_1-.Ltmp1, $4  }
0x2b: {  	[sflag:s8] =	ssyncadd.s32 $0xFFFFC000  }
0x2c: {  	[hbm4b:s10+s2] =	stream.linear.scatter [tilespmem:s7], [sflag:$0x2], $0x4000, $0x38;
	[tilespmem:$0x4100] =	vst v63  }
0x2d: {  	_ =	swait.ge [sflag:s3], $0x4000  }
0x2e: {  	[sflag:s3] =	ssyncset.done $0x0  }
.LBB2_2:
0x2f: {  	[sflag:s3] =	ssyncadd.s32 $0xFFFFC000  }
0x30: {  	_ =	sfence.sel $0x180000  }
0x31: {  	[bflag:$0x0] =	sbarrier.arrive $0xFFFF  }
0x32: {  	p0 =	sne.s32 s0, $0x0;
	_ =	strace $0x9000004D  }
0x33: {  	s0 =	sadd.s32 @!p0 $0x100000, s1;
	[bflag:$0x2] =	sbarrier.arrive $0xFFFF  }
0x34: {  	[sflag:s0] =	ssyncadd.tile.s32 @!p0 $0x1;
	_ =	shalt  }
.Lfunc_end2:
_tile_overlayer_lowered:
.L_overlay_start_2:
0x35: {  	(tag) =	ssettag $0x2  }
0x36: {  	s0 =	rddreg [dreg:$0x0];
	s2 =	stileid.u32  }
0x37: {  	s1 =	rddreg [dreg:$0x1];
	p0 =	sne.s32 s2, $0x0  }
0x38: {  	s3 =	rddreg [dreg:$0x2];
	[bflag:$0x3] =	sbarrier.arrive $0xFFFF;
	s2 =	simm.s32 @!p0 $0x1C02  }
0x39: {  	[timem:s3], [sflag:s2] =	dma.local @!p0 [hbm:s0], s1  }
0x3a: {  	s0 =	simm.s32 @!p0 $0x2  }
0x3b: {  	_ =	swait.ge @!p0 [sflag:s0], s1  }
0x3c: {  	s1 =	ssub.s32 @!p0 $0x0, s1;
	[sflag:s0] =	ssyncset.done @!p0 $0x0  }
0x3d: {  	[sflag:s0] =	ssyncadd.s32 @!p0 s1  }
0x3e: {  	[bflag:$0x3] =	sbarrier.arrive $0xFFFF  }
0x3f: {  	_ =	shalt  }

// kernel: kernel.9.cloned.1.call-start
scs
__scs_entry_jumppad:
0x0: {  	(pc) =	sbr.rel $0x88, $3  }
0x1: {  	(tag) =	ssettag $0x0;
	lr =	simm.s32 $0x1  }
0x2: {  	[smem:$0x3F93] =	sst lr;
	_ =	strace $0xD0000000  }
0x3: {  	_ = 	snop  }
0x4: {  	_ = 	snop  }
0x5: {  	_ = 	snop  }
0x6: {  	_ = 	snop  }
0x7: {  	_ = 	snop  }
__scs_overlays_trampoline_lowered:
0x8: {  	[smem:$0x3FA2] =	sst s0  }
0x9: {  	[smem:$0x3FA3] =	sst s1  }
0xa: {  	[smem:$0x3FA4] =	sst s2  }
0xb: {  	[smem:$0x3FA5] =	sst s3  }
0xc: {  	[smem:$0x3FA6] =	sst s4  }
0xd: {  	[smem:$0x3FA7] =	sst s5  }
0xe: {  	[smem:$0x3FA8] =	sst s6  }
0xf: {  	[smem:$0x3FA9] =	sst s7  }
0x10: {  	[smem:$0x3FAA] =	sst s8  }
0x11: {  	[smem:$0x3FAB] =	sst s9;
	s0 =	simm.s32 @!p0 $0x0  }
0x12: {  	s1 =	sld [smem:$0x3F91];
	s0 =	simm.s32 @p0 $0x1  }
0x13: {  	[smem:$0x3FAC] =	sst s0;
	s0 =	simm.s32 @!p1 $0x0  }
0x14: {  	s2 =	sld [smem:$0x3F90];
	s0 =	simm.s32 @p1 $0x1  }
0x15: {  	[smem:$0x3FAD] =	sst s0;
	s0 =	simm.s32 @!p2 $0x0  }
0x16: {  	s3 =	sld [smem:$0x3FDB];
	s0 =	simm.s32 @p2 $0x1  }
0x17: {  	s4 =	simm.s32 $0x1BF5;
	[smem:$0x3FAF] =	sst s0  }
0x18: {  	s0 =	sld [smem:$0x3F92];
	_ =	swait.ge [sflag:s4], $0x0  }
0x19: {  	s7 =	sld [smem:$0x3F93]  }
0x1a: {  	s8 =	sadd.s32 $0xFFFFE003, lr  }
0x1b: {  	s9 =	sadd.s32 $0xFFFFFEF7, lr;
	s5 =	simm.s32 $0xFFFFFFFF;
	p2 =	slt.u32 s8, $0xFFFFF086  }
0x1c: {  	p1 =	slt.u32 s9, $0xF7A;
	s5 =	simm.s32 @!p2 $0x0  }
0x1d: {  	s5 =	simm.s32 @p1 $0x1;
	p0 =	seq.s32 s7, s2  }
0x1e: {  	s7 =	smul.u32 @!p0 $0xF7A, s2;
	p2 =	seq.s32 @!p0 s5, $0x0  }
0x1f: {  	s9 =	smul.u32 $0xF7A, s1;
	s8 =	simm.s32 @!p0 $0x1BF5;
	p2 =	por !p2, p0  }
0x20: {  	[sflag:s8] =	ssyncset.s32 @!p0 $0xFFFFF086;
	s6 =	sadd.s32 @!p0 s3, s7;
	s7 =	simm.s32 @!p0 $0x108  }
0x21: {  	s3 =	sadd.s32 s3, s9;
	s6 =	sadd.s32 @!p0 $0x88, s6;
	s7 =	simm.s32 @p2 $0x1082  }
0x22: {  	[simem:s7], [sflag:s8] =	dma.local @!p0 [hbm:s6], $0xF7A  }
0x23: {  	s9 =	sor.u32 $0xD0000000, s2;
	s6 =	simm.s32 $0x108;
	_ =	swait.ge @!p0 [sflag:s8], $0x0  }
0x24: {  	s3 =	sadd.s32 $0x88, s3;
	s6 =	simm.s32 @!p1 $0x1082;
	[sflag:s4] =	ssyncset.s32 $0xFFFFF086  }
0x25: {  	[simem:s6], [sflag:s4] =	dma.local [hbm:s3], $0xF7A  }
0x26: {  	[smem:$0x3F93] =	sst s1;
	(tag) =	ssettag s2;
	_ =	strace s9  }
0x27: {  	s1 =	sld [smem:$0x3FA3]  }
0x28: {  	s2 =	sld [smem:$0x3FA4]  }
0x29: {  	s4 =	sld [smem:$0x3FA6]  }
0x2a: {  	p0 =	seq.s32 s5, $0x0;
	s5 =	sld [smem:$0x3FA7]  }
0x2b: {  	s6 =	sld [smem:$0x3FA8]  }
0x2c: {  	s7 =	sld [smem:$0x3FA9]  }
0x2d: {  	s3 =	simm.s32 $0x108;
	s8 =	sld [smem:$0x3FAA]  }
0x2e: {  	s3 =	simm.s32 @!p0 $0x1082;
	s9 =	sld [smem:$0x3FAB]  }
0x2f: {  	lr =	sadd.s32 s0, s3;
	s0 =	sld [smem:$0x3FA2]  }
0x30: {  	s3 =	sld [smem:$0x3FA5]  }
0x31: {  	[smem:$0x3FAE] =	sst s10  }
0x32: {  	s10 =	sld [smem:$0x3FAC];
	_ =	sdelay $0x3  }
0x33: {  	p0 =	seq.s32 s10, $0x1;
	s10 =	sld [smem:$0x3FAE];
	_ =	sdelay $0x3  }
0x34: {  	[smem:$0x3FAE] =	sst s10  }
0x35: {  	s10 =	sld [smem:$0x3FAD];
	_ =	sdelay $0x3  }
0x36: {  	p1 =	seq.s32 s10, $0x1;
	s10 =	sld [smem:$0x3FAE];
	_ =	sdelay $0x3  }
0x37: {  	[smem:$0x3FAE] =	sst s10  }
0x38: {  	s10 =	sld [smem:$0x3FAF]  }
0x39: {  	_ = 	snop;
	(pc) =	sbr.ind lr, $3  }
0x3a: {  	_ = 	snop  }
0x3b: {  	_ = 	snop  }
0x3c: {  	p2 =	seq.s32 s10, $0x1;
	s10 =	sld [smem:$0x3FAE]  }
0x3d: {  	_ =	shalt  }
0x3e: {  	_ =	shalt  }
0x3f: {  	_ =	shalt  }
0x40: {  	_ =	shalt  }
0x41: {  	_ =	shalt  }
0x42: {  	_ =	shalt  }
0x43: {  	_ =	shalt  }
0x44: {  	_ =	shalt  }
0x45: {  	_ =	shalt  }
0x46: {  	_ =	shalt  }
0x47: {  	_ =	shalt  }
0x48: {  	_ =	shalt  }
0x49: {  	_ =	shalt  }
0x4a: {  	_ =	shalt  }
0x4b: {  	_ =	shalt  }
0x4c: {  	_ =	shalt  }
0x4d: {  	_ =	shalt  }
0x4e: {  	_ =	shalt  }
0x4f: {  	_ =	shalt  }
0x50: {  	_ =	shalt  }
0x51: {  	_ =	shalt  }
0x52: {  	_ =	shalt  }
0x53: {  	_ =	shalt  }
0x54: {  	_ =	shalt  }
0x55: {  	_ =	shalt  }
0x56: {  	_ =	shalt  }
0x57: {  	_ =	shalt  }
0x58: {  	_ =	shalt  }
0x59: {  	_ =	shalt  }
0x5a: {  	_ =	shalt  }
0x5b: {  	_ =	shalt  }
0x5c: {  	_ =	shalt  }
0x5d: {  	_ =	shalt  }
0x5e: {  	_ =	shalt  }
0x5f: {  	_ =	shalt  }
0x60: {  	_ =	shalt  }
0x61: {  	_ =	shalt  }
0x62: {  	_ =	shalt  }
0x63: {  	_ =	shalt  }
0x64: {  	_ =	shalt  }
0x65: {  	_ =	shalt  }
0x66: {  	_ =	shalt  }
0x67: {  	_ =	shalt  }
0x68: {  	_ =	shalt  }
0x69: {  	_ =	shalt  }
0x6a: {  	_ =	shalt  }
0x6b: {  	_ =	shalt  }
0x6c: {  	_ =	shalt  }
0x6d: {  	_ =	shalt  }
0x6e: {  	_ =	shalt  }
0x6f: {  	_ =	shalt  }
0x70: {  	_ =	shalt  }
0x71: {  	_ =	shalt  }
0x72: {  	_ =	shalt  }
0x73: {  	_ =	shalt  }
0x74: {  	_ =	shalt  }
0x75: {  	_ =	shalt  }
0x76: {  	_ =	shalt  }
0x77: {  	_ =	shalt  }
0x78: {  	_ =	shalt  }
0x79: {  	_ =	shalt  }
0x7a: {  	_ =	shalt  }
0x7b: {  	_ =	shalt  }
0x7c: {  	_ =	shalt  }
0x7d: {  	_ =	shalt  }
0x7e: {  	_ =	shalt  }
0x7f: {  	_ =	shalt  }
0x80: {  	_ =	shalt  }
0x81: {  	_ =	shalt  }
0x82: {  	_ =	shalt  }
0x83: {  	_ =	shalt  }
0x84: {  	_ =	shalt  }
0x85: {  	_ =	shalt  }
0x86: {  	_ =	shalt  }
0x87: {  	_ =	shalt  }
.Lfunc_end0:
.L_simem_size_0:
called_computation_lowered:
.L_overlay_start_0:
0x88: {  	s2 =	sld [smem:$0x3FD9]  }
0x89: {  	s3 =	sld [smem:$0x3FFE];
	_ =	sdelay $0x1  }
0x8a: {  	s1 =	srdreg.scid  }
0x8b: {  	s0 =	sand.u32 $0x1, s1  }
0x8c: {  	s14 =	sshll.u32 s0, $0xA;
	s2 =	sadd.s32 s3, s2  }
0x8d: {  	s2 =	sadd.s32 s2, s14  }
0x8e: {  	[smem:$0x3FBA] =	sst s2  }
0x8f: {  	_ = 	snop  }
0x90: {  	s2 =	sld [smem:$0x3FD0];
	_ =	sdelay $0x2  }
0x91: {  	s15 =	simm.s32 $0xA;
	s4 =	simm.s32 $0x10  }
0x92: {  	[smem:s4], [sflag:s15] =	dma.local [hbm:s2], $0x1  }
0x93: {  	_ =	swait.eq [sflag:s15], $0x1  }
0x94: {  	[sflag:s15] =	ssyncset.done $0x0  }
0x95: {  	[sflag:s15] =	ssyncadd.s32 $0xFFFFFFFF  }
0x96: {  	s16 =	sld [smem:$0x11];
	(tm) =	ssettm $0x1  }
0x97: {  	s17 =	sld [smem:$0x3FFB];
	_ =	sdelay $0x3  }
0x98: {  	_ =	strace s17  }
0x99: {  	s3 =	sld [smem:$0x3FFC];
	_ =	sdelay $0x3  }
0x9a: {  	_ =	strace s3  }
0x9b: {  	s3 =	sld [smem:$0x3FFD];
	_ =	sdelay $0x3  }
0x9c: {  	_ =	strace s3  }
0x9d: {  	_ =	strace $0x8FFFFFFF  }
0x9e: {  	s18 =	sld [smem:$0x3FDB];
	_ =	sdelay $0x1  }
0x9f: {  	s19 =	simm.s32 $_scs_section_size  }
0xa0: {  	s5 =	simm.s32 $_size__tile_overlayer_lowered;
	s6 =	simm.s32 $_tile_overlayer_lowered  }
0xa1: {  	s22 =	simm.s32 $0x1BFF;
	s21 =	sshll.u32 s6, $0x1;
	s3 =	sadd.s32 s19, s18  }
0xa2: {  	s7 =	simm.s32 $0x0;
	s20 =	sshll.u32 s5, $0x1;
	s5 =	sadd.s32 s21, s3  }
0xa3: {  	[timem:s7], [sflag:s22] =	dma.local [hbm:s5], s20  }
0xa4: {  	_ =	swait.ge [sflag:s22], s20  }
0xa5: {  	s4 =	ssub.s32 $0x0, s20;
	[sflag:s22] =	ssyncset.done $0x0  }
0xa6: {  	[sflag:s22] =	ssyncadd.s32 s4;
	_ =	sdelay $0x1  }
0xa7: {  	s23 =	simm.s32 $0x1B8B  }
0xa8: {  	_ =	swait.ge [sflag:s23], $0x1  }
0xa9: {  	[sflag:s23] =	ssyncset.done $0x0  }
0xaa: {  	s25 =	simm.s32 $0x1B8E;
	s24 =	sld [smem:$0x3FFE];
	[sflag:s23] =	ssyncadd.s32 $0xFFFFFFFF  }
0xab: {  	s26 =	simm.s32 $execute0_lowered;
	[smem:$0x3FD2] =	sst s25  }
0xac: {  	s5 =	sshll.u32 s26, $0x1;
	_ =	strace $0x80000046;
	[dreg:$0x1] =	wrdreg $0xFFFFFFFF  }
0xad: {  	s28 =	simm.s32 $_size_execute0_lowered;
	s3 =	sadd.s32 s3, s5;
	[dreg:$0x0] =	wrdreg $0x0  }
0xae: {  	s5 =	sshll.u32 s28, $0x1;
	[dreg:$0x2] =	wrdreg s3  }
0xaf: {  	[dreg:$0x3] =	wrdreg s5  }
0xb0: {  	[dreg:$0x4] =	wrdreg $0xC0  }
0xb1: {  	_ =	task [dreg:s7], $0x5FFFF  }
0xb2: {  	[dreg:$0x1] =	wrdreg $0xFFFFFFFF  }
0xb3: {  	[dreg:$0x0] =	wrdreg $0x60  }
0xb4: {  	[dreg:$0x2] =	wrdreg s24  }
0xb5: {  	[dreg:$0x3] =	wrdreg s16  }
0xb6: {  	[dreg:$0x4] =	wrdreg $0x11D800  }
0xb7: {  	[dreg:$0x5] =	wrdreg $0x1D9800  }
0xb8: {  	[dreg:$0x6] =	wrdreg $0x9  }
0xb9: {  	_ =	task.clear_ibuf [dreg:s7], $0x7FFFF;
	_ =	strace $0x90000046  }
0xba: {  	s29 =	simm.s32 $0x9;
	_ =	strace $0x80000048  }
0xbb: {  	_ =	swait.ge [sflag:s29], $0x1  }
0xbc: {  	[sflag:s29] =	ssyncadd.s32 $0xFFFFFFFF  }
0xbd: {  	_ =	strace $0x90000048  }
0xbe: {  	_ =	sfence  }
0xbf: {  	s30 =	sld [smem:$0x0];
	_ =	sdelay $0x2  }
0xc0: {  	s31 =	sshll.u32 s1, $0xD;
	s1 =	sshrl.u32 s1, $0x2  }
0xc1: {  	s3 =	sand.u32 $0x4000, s31;
	s1 =	sadd.s32 s1, s30  }
0xc2: {  	s0 =	sor.u32 s3, s0;
	s1 =	sshll.u32 s1, $0x11  }
0xc3: {  	s0 =	sor.u32 s1, s0  }
0xc4: {  	s0 =	sadd.s32 $0x8F2B, s0  }
0xc5: {  	[sflag:s0] =	ssyncadd.remote.s32 $0x1  }
0xc6: {  	_ =	sfence.sel $0xFFFF  }
0xc7: {  	[dreg:$0x0] =	wrdreg $0xFFFFFFFF;
	(pc) =	sbr.abs _section_cstart, $3  }
0xc8: {  	[dreg:$0x1] =	wrdreg $0xFFFFFFFF  }
0xc9: {  	_ =	task.clear_ibuf [dreg:s7], $0x2FFFF;
	_ =	strace $0x9FFFFFFF  }
0xca: {  	(tm) =	ssettm $0x7FFFFFFF  }
0xcb: {  	_ =	shalt  }
tec
execute0_lowered:
.L_overlay_start_1:
0x0: {  	(tag) =	ssettag $0x1  }
0x1: {  	s0 =	rddreg [dreg:$0x0]  }
0x2: {  	s1 =	rddreg [dreg:$0x1]  }
0x3: {  	s2 =	rddreg [dreg:$0x2]  }
0x4: {  	s3 =	rddreg [dreg:$0x3];
	s4 =	simm.s32 $0x0  }
0x5: {  	s22 =	srdreg.scid;
	s8 =	stileid.u32;
	s30 =	simm.s32 $0x9D00  }
0x6: {  	[smem:$0x7FF] =	sst s4;
	s5 =	sadd.s32 $0x3A00, s0;
	s10 =	smul.u32 $0x2F000, s8  }
0x7: {  	s6 =	sadd.s32 $0xDA00, s0;
	s4 =	sand.u32 $0x1, s22;
	s13 =	smul.u32 $0xBC00, s8  }
0x8: {  	s7 =	sadd.s32 $0x17A00, s0;
	s11 =	sadd.s32 $0x65C00, s0;
	s25 =	smul.u32 $0x5000, s8  }
0x9: {  	s0 =	sadd.s32 $0x94C00, s0;
	s18 =	smul.u32 $0x2800, s8;
	_ =	strace $0x80000047  }
0xa: {  	s9 =	ssub.s32 $0x2, s4;
	[dreg:$0x5] =	wrdreg s0;
	s14 =	smul.u32 $0x28000, s4  }
0xb: {  	s20 =	smul.u32 $0xBC000, s4;
	s12 =	sshrl.u32 s9, $0x1;
	s26 =	sadd.s32 $0x8000, s13  }
0xc: {  	s23 =	sshrl.u32 s10, $0x2;
	s10 =	sshrl.u32 s25, $0x3;
	s15 =	sadd.s32 s26, s2  }
0xd: {  	s24 =	sadd.s32 $0x4000, s13;
	s16 =	sadd.s32 s1, s10;
	[dreg:$0x7] =	wrdreg s15  }
0xe: {  	s0 =	ssub.s32 s9, s12;
	s19 =	sadd.s32 s6, s10;
	[dreg:$0x8] =	wrdreg s16  }
0xf: {  	s29 =	sadd.s32 s24, s2;
	s17 =	sor.u32 $0x100, s10;
	[dreg:$0x9] =	wrdreg s19  }
0x10: {  	s9 =	sadd.s32 s20, s24;
	s24 =	sadd.s32 s1, s17;
	[dreg:$0x6] =	wrdreg s29  }
0x11: {  	s21 =	sadd.s32 $0x200, s10;
	s25 =	sadd.s32 s6, s17;
	[dreg:$0xe] =	wrdreg s24  }
0x12: {  	s12 =	sadd.s32 s20, s26;
	s26 =	sadd.s32 s5, s17;
	[dreg:$0xf] =	wrdreg s25  }
0x13: {  	s4 =	sor.u32 s8, s4;
	s17 =	sadd.s32 s1, s21;
	[dreg:$0x10] =	wrdreg s26  }
0x14: {  	s14 =	sadd.s32 s18, s14;
	s18 =	sadd.s32 s6, s21;
	[dreg:$0x11] =	wrdreg s17  }
0x15: {  	s22 =	sadd.s32 $0x300, s10;
	s19 =	sadd.s32 s5, s21;
	[dreg:$0x12] =	wrdreg s18  }
0x16: {  	s13 =	sadd.s32 s13, s20;
	s20 =	sadd.s32 s1, s22;
	[dreg:$0x13] =	wrdreg s19  }
0x17: {  	p1 =	sne.s32 s4, $0x0;
	s21 =	sadd.s32 s6, s22;
	[dreg:$0x14] =	wrdreg s20  }
0x18: {  	s4 =	sadd.s32 $0x600, s10;
	s22 =	sadd.s32 s5, s22;
	[dreg:$0x15] =	wrdreg s21  }
0x19: {  	p0 =	sne.s32 s8, $0x0;
	s15 =	sadd.s32 s6, s4;
	[dreg:$0x16] =	wrdreg s22  }
0x1a: {  	s13 =	sshrl.u32 s13, $0x3;
	s0 =	smax.u32 s0, $0x1;
	[dreg:$0x1e] =	wrdreg s15  }
0x1b: {  	s9 =	sshrl.u32 s9, $0x3;
	s13 =	sadd.s32 s11, s13;
	[smem:$0x7FB] =	sst s0  }
0x1c: {  	s8 =	sadd.s32 $0x500, s10;
	s9 =	sadd.s32 s11, s9;
	[dreg:$0xa] =	wrdreg s13  }
0x1d: {  	s28 =	sadd.s32 s23, s2;
	s25 =	sadd.s32 s1, s8;
	[dreg:$0xb] =	wrdreg s9  }
0x1e: {  	s23 =	sshrl.u32 s12, $0x3;
	s26 =	sadd.s32 s6, s8;
	[dreg:$0x1a] =	wrdreg s25  }
0x1f: {  	s12 =	sadd.s32 $0x800, s10;
	s8 =	sadd.s32 s5, s8;
	[dreg:$0x1b] =	wrdreg s26  }
0x20: {  	s31 =	simm.s32 $0x4;
	s19 =	sadd.s32 s1, s12;
	[dreg:$0x1c] =	wrdreg s8  }
0x21: {  	s20 =	sadd.s32 s6, s12;
	s21 =	sadd.s32 s5, s12;
	[smem:$0x7F5] =	sst s19  }
0x22: {  	s12 =	simm.s32 $0x1500;
	s15 =	simm.s32 $0x11D00;
	[smem:$0x7F6] =	sst s20  }
0x23: {  	s9 =	sadd.s32 s11, s23;
	s11 =	sadd.s32 $0x700, s10;
	[smem:$0x7F7] =	sst s21  }
0x24: {  	s13 =	sadd.s32 $0x900, s10;
	s25 =	sadd.s32 $0x4000, s3;
	[dreg:$0xc] =	wrdreg s9  }
0x25: {  	s26 =	sadd.s32 $0x8000, s3;
	s8 =	simm.s32 $0x1;
	[smem:$0x7FC] =	sst s25  }
0x26: {  	s9 =	sadd.s32 $0x400, s10;
	s10 =	sadd.s32 s5, s10;
	[smem:$0x7FD] =	sst s26  }
0x27: {  	s19 =	simm.s32 $0x80;
	s16 =	sadd.s32 s1, s11;
	[dreg:$0xd] =	wrdreg s10  }
0x28: {  	s20 =	simm.s32 $0x1080;
	s17 =	sadd.s32 s6, s11;
	[smem:$0x7F2] =	sst s16  }
0x29: {  	s21 =	simm.s32 $0xDD00;
	s18 =	sadd.s32 s5, s11;
	[smem:$0x7F3] =	sst s17  }
0x2a: {  	s22 =	sadd.s32 s1, s13;
	s25 =	simm.s32 $0x3;
	[smem:$0x7F4] =	sst s18  }
0x2b: {  	s26 =	simm.s32 $0x0;
	s23 =	sadd.s32 s1, s9;
	[smem:$0x7F8] =	sst s22  }
0x2c: {  	v0 =	vlaneseq.u32;
	s24 =	sadd.s32 s6, s9;
	s9 =	sadd.s32 s5, s9;
	[dreg:$0x17] =	wrdreg s23  }
0x2d: {  	v1 =	vimm.f32 $0.0e+00;
	v2 =	vimm.f32 $1.000000000e+00;
	v3 =	vor.u32 $0x10, v0;
	s10 =	sadd.s32 s1, s4;
	s4 =	sadd.s32 s5, s4;
	[dreg:$0x18] =	wrdreg s24  }
0x2e: {  	v4 =	vor.u32 $0x20, v0;
	v5 =	vor.u32 $0x30, v0;
	v6 =	vor.u32 $0x40, v0;
	s16 =	simm.s32 $0x1000;
	s17 =	simm.s32 $0x1100;
	[dreg:$0x19] =	wrdreg s9  }
0x2f: {  	v7 =	vor.u32 $0x50, v0;
	v8 =	vor.u32 $0x60, v0;
	v9 =	vor.u32 $0x70, v0;
	s18 =	simm.s32 $0x1200;
	s22 =	simm.s32 $0x2;
	[dreg:$0x1d] =	wrdreg s10  }
0x30: {  	v10 =	vor.u32 $0x80, v0;
	v11 =	vor.u32 $0x90, v0;
	v12 =	vor.u32 $0xA0, v0;
	[dreg:$0x1f] =	wrdreg s4;
	s23 =	sadd.s32 s6, s13;
	s24 =	sadd.s32 s5, s13  }
0x31: {  	v13 =	vor.u32 $0xB0, v0;
	v14 =	vor.u32 $0xC0, v0;
	v15 =	vor.u32 $0xD0, v0;
	s10 =	simm.s32 $0x800;
	s13 =	simm.s32 $0x10;
	[smem:$0x7F9] =	sst s23  }
0x32: {  	v16 =	vor.u32 $0xE0, v0;
	v17 =	vor.u32 $0xF0, v0;
	v18 =	vor.u32 $0x100, v0;
	[smem:$0x7FA] =	sst s24;
	s23 =	simm.s32 $0x1300;
	s24 =	simm.s32 $0x1380  }
.LBB2_1:
0x33: {  	s4 =	simm.s32 $0x0;
	s9 =	simm.s32 $0x200  }
.LBB2_2:
0x34: {  	p2 =	sne.s32 s9, $0x21E00;
	[tilespmem:s4+$0x1570] =	vst v1  }
0x35: {  	[tilespmem:s4+$0x1500] =	vst v1  }
0x36: {  	[tilespmem:s4+$0x1510] =	vst v1  }
.Ltmp0:
0x37: {  	[tilespmem:s4+$0x1520] =	vst v1;
	(pc) =	sbr.rel @p2 .LBB2_2-.Ltmp0, $4  }
0x38: {  	[tilespmem:s4+$0x1530] =	vst v1  }
0x39: {  	[tilespmem:s4+$0x1540] =	vst v1  }
0x3a: {  	[tilespmem:s4+$0x1550] =	vst v1  }
0x3b: {  	[tilespmem:s4+$0x1560] =	vst v1;
	s4 =	sshra.s32 s9, $0x2;
	s9 =	sadd.s32 $0x200, s9  }
0x3c: {  	[tilespmem:s4+$0x1570] =	vst v1  }
0x3d: {  	[tilespmem:s4+$0x1500] =	vst v1  }
0x3e: {  	[tilespmem:s4+$0x1510] =	vst v1  }
0x3f: {  	[tilespmem:s4+$0x1520] =	vst v1  }
0x40: {  	[tilespmem:s4+$0x1530] =	vst v1  }
0x41: {  	[tilespmem:s4+$0x1540] =	vst v1  }
0x42: {  	[tilespmem:s4+$0x1550] =	vst v1  }
0x43: {  	[tilespmem:s4+$0x1560] =	vst v1;
	s4 =	simm.s32 $0x0;
	s9 =	simm.s32 $0x200  }
.LBB2_4:
0x44: {  	p2 =	sne.s32 s9, $0xFE00;
	[tilespmem:s4+$0x9D70] =	vst v1  }
0x45: {  	[tilespmem:s4+$0x9D00] =	vst v1  }
0x46: {  	[tilespmem:s4+$0x9D10] =	vst v1  }
.Ltmp1:
0x47: {  	[tilespmem:s4+$0x9D20] =	vst v1;
	(pc) =	sbr.rel @p2 .LBB2_4-.Ltmp1, $4  }
0x48: {  	[tilespmem:s4+$0x9D30] =	vst v1  }
0x49: {  	[tilespmem:s4+$0x9D40] =	vst v1  }
0x4a: {  	[tilespmem:s4+$0x9D50] =	vst v1  }
0x4b: {  	[tilespmem:s4+$0x9D60] =	vst v1;
	s4 =	sshra.s32 s9, $0x2;
	s9 =	sadd.s32 $0x200, s9  }
0x4c: {  	[tilespmem:s4+$0x9D70] =	vst v1  }
0x4d: {  	[tilespmem:s4+$0x9D00] =	vst v1  }
0x4e: {  	[tilespmem:s4+$0x9D10] =	vst v1  }
0x4f: {  	[tilespmem:s4+$0x9D20] =	vst v1  }
0x50: {  	[tilespmem:s4+$0x9D30] =	vst v1  }
0x51: {  	[tilespmem:s4+$0x9D40] =	vst v1  }
0x52: {  	[tilespmem:s4+$0x9D50] =	vst v1  }
0x53: {  	[tilespmem:s4+$0x9D60] =	vst v1  }
0x54: {  	[spmem:s28] =	stream.linear.scatter [tilespmem:s30], [sflag:$0x4], $0x4000, $0x38;
	[tilespmem:$0x1E200] =	vst v63  }
0x55: {  	_ =	swait.ge [sflag:s31], $0x4000  }
0x56: {  	[sflag:s31] =	ssyncset.done $0x0  }
0x57: {  	[sflag:s31] =	ssyncadd.s32 $0xFFFFC000  }
0x58: {  	[spmem:s29] =	stream.linear.scatter [tilespmem:s30], [sflag:$0x4], $0x4000, $0x38;
	[tilespmem:$0x1E200] =	vst v63  }
0x59: {  	_ =	swait.ge [sflag:s31], $0x4000  }
0x5a: {  	[sflag:s31] =	ssyncset.done $0x0  }
0x5b: {  	s0 =	rddreg [dreg:$0x7];
	[sflag:s31] =	ssyncadd.s32 $0xFFFFC000  }
0x5c: {  	[spmem:s0] =	stream.linear.scatter [tilespmem:s30], [sflag:$0x4], $0x3C00, $0x38;
	[tilespmem:$0x1E200] =	vst v63  }
0x5d: {  	_ =	swait.ge [sflag:s31], $0x3C00  }
0x5e: {  	[sflag:s31] =	ssyncset.done $0x0  }
0x5f: {  	s4 =	simm.s32 @!p0 $0x9D00;
	s9 =	simm.s32 @!p0 $0x4;
	[sflag:s31] =	ssyncadd.s32 $0xFFFFC400  }
0x60: {  	[spmem:s3] =	stream.linear.scatter @!p0 [tilespmem:s4], [sflag:$0x4], $0x4000, $0x38;
	[tilespmem:$0x1E200] =	vst v63  }
0x61: {  	_ =	swait.ge @!p0 [sflag:s9], $0x4000  }
0x62: {  	s0 =	sld [smem:$0x7FC]  }
0x63: {  	[sflag:s9] =	ssyncset.done @!p0 $0x0  }
0x64: {  	[sflag:s9] =	ssyncadd.s32 @!p0 $0xFFFFC000  }
0x65: {  	[spmem:s0] =	stream.linear.scatter @!p0 [tilespmem:s4], [sflag:$0x4], $0x4000, $0x38;
	[tilespmem:$0x1E200] =	vst v63  }
0x66: {  	_ =	swait.ge @!p0 [sflag:s9], $0x4000  }
0x67: {  	s0 =	sld [smem:$0x7FD]  }
0x68: {  	[sflag:s9] =	ssyncset.done @!p0 $0x0  }
0x69: {  	[sflag:s9] =	ssyncadd.s32 @!p0 $0xFFFFC000  }
0x6a: {  	[spmem:s0] =	stream.linear.scatter @!p0 [tilespmem:s4], [sflag:$0x4], $0x800, $0x38;
	[tilespmem:$0x1E200] =	vst v63  }
0x6b: {  	_ =	swait.ge @!p0 [sflag:s9], $0x800  }
0x6c: {  	[sflag:s9] =	ssyncset.done @!p0 $0x0  }
0x6d: {  	[sflag:s9] =	ssyncadd.s32 @!p0 $0xFFFFF800  }
0x6e: {  	[bflag:$0x0] =	sbarrier.arrive $0xFFFF  }
0x6f: {  	s9 =	simm.s32 $0x0;
	s11 =	rddreg [dreg:$0x8]  }
0x70: {  	[tilespmem:s9], [sflag:$0x1] =	stream.linear.gather [hbm4b:s11+s9], $0x800, $0x38;
	[tilespmem:$0x1E200] =	vst v63  }
0x71: {  	s29 =	rddreg [dreg:$0x9]  }
0x72: {  	[tilespmem:s10], [sflag:$0x1] =	stream.linear.gather [hbm4b:s29+s9], $0x800, $0x38;
	[tilespmem:$0x1E200] =	vst v63  }
0x73: {  	_ =	swait.ge [sflag:s8], $0x800  }
0x74: {  	[sflag:s8] =	ssyncset.done $0x0  }
0x75: {  	[sflag:s8] =	ssyncadd.s32 $0xFFFFF800  }
0x76: {  	_ =	swait.ge [sflag:s8], $0x800  }
0x77: {  	[sflag:s8] =	ssyncset.done $0x0  }
0x78: {  	s4 =	simm.s32 $0x40;
	s9 =	simm.s32 $0x0;
	[sflag:s8] =	ssyncadd.s32 $0xFFFFF800  }
.LBB2_6:
0x79: {  	p2 =	sne.s32 s4, $0x1FC0;
	v19 =	vld [tilespmem:s9+$0x800];
	_ =	sdelay $0x1  }
0x7a: {  	v20 =	vld [tilespmem:s9+$0x0];
	_ =	sdelay $0x2  }
0x7b: {  	v19 =	vmul.u32 $0x5, v19;
	_ =	sdelay $0x1  }
0x7c: {  	v19 =	vadd.s32 v19, v20  }
0x7d: {  	v19 =	vadd.s32 $0xFFFFB1E0, v19  }
.Ltmp2:
0x7e: {  	(pc) =	sbr.rel @p2 .LBB2_6-.Ltmp2, $2  }
0x7f: {  	_ =	sdelay $0x2  }
0x80: {  	s9 =	sshra.s32 s4, $0x2;
	s4 =	sadd.s32 $0x40, s4;
	[tilespmem:v19+s12+$0x0] =	vst.idx.add.f32.msk $0xffff, v2  }
0x81: {  	v19 =	vld [tilespmem:s9+$0x800];
	_ =	sdelay $0x1  }
0x82: {  	v20 =	vld [tilespmem:s9+$0x0];
	_ =	sdelay $0x2  }
0x83: {  	v19 =	vmul.u32 $0x5, v19;
	_ =	sdelay $0x1  }
0x84: {  	v19 =	vadd.s32 v19, v20  }
0x85: {  	v19 =	vadd.s32 $0xFFFFB1E0, v19;
	_ =	sdelay $0x4  }
0x86: {  	s4 =	simm.s32 $0x0;
	s0 =	rddreg [dreg:$0xe];
	[tilespmem:v19+s12+$0x0] =	vst.idx.add.f32.msk $0xffff, v2  }
0x87: {  	[tilespmem:s4], [sflag:$0x1] =	stream.linear.gather [hbm4b:s0+s4], $0x800, $0x38;
	[tilespmem:$0x1E200] =	vst v63  }
0x88: {  	s29 =	rddreg [dreg:$0xf]  }
0x89: {  	[tilespmem:s10], [sflag:$0x1] =	stream.linear.gather [hbm4b:s29+s4], $0x800, $0x38;
	[tilespmem:$0x1E200] =	vst v63  }
0x8a: {  	_ =	swait.ge [sflag:s8], $0x800  }
0x8b: {  	[sflag:s8] =	ssyncset.done $0x0  }
0x8c: {  	[sflag:s8] =	ssyncadd.s32 $0xFFFFF800  }
0x8d: {  	_ =	swait.ge [sflag:s8], $0x800  }
0x8e: {  	[sflag:s8] =	ssyncset.done $0x0  }
0x8f: {  	s9 =	simm.s32 $0x0;
	s4 =	simm.s32 $0x40;
	[sflag:s8] =	ssyncadd.s32 $0xFFFFF800  }
.LBB2_8:
0x90: {  	p2 =	sne.s32 s4, $0x1FC0;
	v19 =	vld [tilespmem:s9+$0x800];
	_ =	sdelay $0x1  }
0x91: {  	v20 =	vld [tilespmem:s9+$0x0];
	_ =	sdelay $0x2  }
0x92: {  	v19 =	vmul.u32 $0x5, v19;
	_ =	sdelay $0x1  }
0x93: {  	v19 =	vadd.s32 v19, v20  }
0x94: {  	v19 =	vadd.s32 $0xFFFFB1E0, v19  }
.Ltmp3:
0x95: {  	(pc) =	sbr.rel @p2 .LBB2_8-.Ltmp3, $2  }
0x96: {  	_ =	sdelay $0x2  }
0x97: {  	s9 =	sshra.s32 s4, $0x2;
	s4 =	sadd.s32 $0x40, s4;
	[tilespmem:v19+s12+$0x0] =	vst.idx.add.f32.msk $0xffff, v2  }
0x98: {  	v19 =	vld [tilespmem:s9+$0x800];
	_ =	sdelay $0x1  }
0x99: {  	v20 =	vld [tilespmem:s9+$0x0];
	_ =	sdelay $0x2  }
0x9a: {  	v19 =	vmul.u32 $0x5, v19;
	_ =	sdelay $0x1  }
0x9b: {  	v19 =	vadd.s32 v19, v20  }
0x9c: {  	v19 =	vadd.s32 $0xFFFFB1E0, v19;
	_ =	sdelay $0x4  }
0x9d: {  	s4 =	simm.s32 $0x0;
	s0 =	rddreg [dreg:$0x11];
	[tilespmem:v19+s12+$0x0] =	vst.idx.add.f32.msk $0xffff, v2  }
0x9e: {  	[tilespmem:s4], [sflag:$0x1] =	stream.linear.gather [hbm4b:s0+s4], $0x800, $0x38;
	[tilespmem:$0x1E200] =	vst v63  }
0x9f: {  	s29 =	rddreg [dreg:$0x12]  }
0xa0: {  	[tilespmem:s10], [sflag:$0x1] =	stream.linear.gather [hbm4b:s29+s4], $0x800, $0x38;
	[tilespmem:$0x1E200] =	vst v63  }
0xa1: {  	_ =	swait.ge [sflag:s8], $0x800  }
0xa2: {  	[sflag:s8] =	ssyncset.done $0x0  }
0xa3: {  	[sflag:s8] =	ssyncadd.s32 $0xFFFFF800  }
0xa4: {  	_ =	swait.ge [sflag:s8], $0x800  }
0xa5: {  	[sflag:s8] =	ssyncset.done $0x0  }
0xa6: {  	s9 =	simm.s32 $0x0;
	s4 =	simm.s32 $0x40;
	[sflag:s8] =	ssyncadd.s32 $0xFFFFF800  }
.LBB2_10:
0xa7: {  	p2 =	sne.s32 s4, $0x1FC0;
	v19 =	vld [tilespmem:s9+$0x800];
	_ =	sdelay $0x1  }
0xa8: {  	v20 =	vld [tilespmem:s9+$0x0];
	_ =	sdelay $0x2  }
0xa9: {  	v19 =	vmul.u32 $0x5, v19;
	_ =	sdelay $0x1  }
0xaa: {  	v19 =	vadd.s32 v19, v20  }
0xab: {  	v19 =	vadd.s32 $0xFFFFB1E0, v19  }
.Ltmp4:
0xac: {  	(pc) =	sbr.rel @p2 .LBB2_10-.Ltmp4, $2  }
0xad: {  	_ =	sdelay $0x2  }
0xae: {  	s9 =	sshra.s32 s4, $0x2;
	s4 =	sadd.s32 $0x40, s4;
	[tilespmem:v19+s12+$0x0] =	vst.idx.add.f32.msk $0xffff, v2  }
0xaf: {  	v19 =	vld [tilespmem:s9+$0x800];
	_ =	sdelay $0x1  }
0xb0: {  	v20 =	vld [tilespmem:s9+$0x0];
	_ =	sdelay $0x2  }
0xb1: {  	v19 =	vmul.u32 $0x5, v19;
	_ =	sdelay $0x1  }
0xb2: {  	v19 =	vadd.s32 v19, v20  }
0xb3: {  	v19 =	vadd.s32 $0xFFFFB1E0, v19;
	_ =	sdelay $0x4  }
0xb4: {  	s4 =	simm.s32 $0x0;
	s0 =	rddreg [dreg:$0x14];
	[tilespmem:v19+s12+$0x0] =	vst.idx.add.f32.msk $0xffff, v2  }
0xb5: {  	[tilespmem:s4], [sflag:$0x1] =	stream.linear.gather [hbm4b:s0+s4], $0x800, $0x38;
	[tilespmem:$0x1E200] =	vst v63  }
0xb6: {  	s29 =	rddreg [dreg:$0x15]  }
0xb7: {  	[tilespmem:s10], [sflag:$0x1] =	stream.linear.gather [hbm4b:s29+s4], $0x800, $0x38;
	[tilespmem:$0x1E200] =	vst v63  }
0xb8: {  	_ =	swait.ge [sflag:s8], $0x800  }
0xb9: {  	[sflag:s8] =	ssyncset.done $0x0  }
0xba: {  	[sflag:s8] =	ssyncadd.s32 $0xFFFFF800  }
0xbb: {  	_ =	swait.ge [sflag:s8], $0x800  }
0xbc: {  	[sflag:s8] =	ssyncset.done $0x0  }
0xbd: {  	s9 =	simm.s32 $0x0;
	s4 =	simm.s32 $0x40;
	[sflag:s8] =	ssyncadd.s32 $0xFFFFF800  }
.LBB2_12:
0xbe: {  	p2 =	sne.s32 s4, $0x1FC0;
	v19 =	vld [tilespmem:s9+$0x800];
	_ =	sdelay $0x1  }
0xbf: {  	v20 =	vld [tilespmem:s9+$0x0];
	_ =	sdelay $0x2  }
0xc0: {  	v19 =	vmul.u32 $0x5, v19;
	_ =	sdelay $0x1  }
0xc1: {  	v19 =	vadd.s32 v19, v20  }
0xc2: {  	v19 =	vadd.s32 $0xFFFFB1E0, v19  }
.Ltmp5:
0xc3: {  	(pc) =	sbr.rel @p2 .LBB2_12-.Ltmp5, $2  }
0xc4: {  	_ =	sdelay $0x2  }
0xc5: {  	s9 =	sshra.s32 s4, $0x2;
	s4 =	sadd.s32 $0x40, s4;
	[tilespmem:v19+s12+$0x0] =	vst.idx.add.f32.msk $0xffff, v2  }
0xc6: {  	v19 =	vld [tilespmem:s9+$0x800];
	_ =	sdelay $0x1  }
0xc7: {  	v20 =	vld [tilespmem:s9+$0x0];
	_ =	sdelay $0x2  }
0xc8: {  	v19 =	vmul.u32 $0x5, v19;
	_ =	sdelay $0x1  }
0xc9: {  	v19 =	vadd.s32 v19, v20  }
0xca: {  	v19 =	vadd.s32 $0xFFFFB1E0, v19;
	_ =	sdelay $0x4  }
0xcb: {  	s4 =	simm.s32 $0x0;
	s0 =	rddreg [dreg:$0x17];
	[tilespmem:v19+s12+$0x0] =	vst.idx.add.f32.msk $0xffff, v2  }
0xcc: {  	[tilespmem:s4], [sflag:$0x1] =	stream.linear.gather [hbm4b:s0+s4], $0x800, $0x38;
	[tilespmem:$0x1E200] =	vst v63  }
0xcd: {  	s29 =	rddreg [dreg:$0x18]  }
0xce: {  	[tilespmem:s10], [sflag:$0x1] =	stream.linear.gather [hbm4b:s29+s4], $0x800, $0x38;
	[tilespmem:$0x1E200] =	vst v63  }
0xcf: {  	_ =	swait.ge [sflag:s8], $0x800  }
0xd0: {  	[sflag:s8] =	ssyncset.done $0x0  }
0xd1: {  	[sflag:s8] =	ssyncadd.s32 $0xFFFFF800  }
0xd2: {  	_ =	swait.ge [sflag:s8], $0x800  }
0xd3: {  	[sflag:s8] =	ssyncset.done $0x0  }
0xd4: {  	s9 =	simm.s32 $0x0;
	s4 =	simm.s32 $0x40;
	[sflag:s8] =	ssyncadd.s32 $0xFFFFF800  }
.LBB2_14:
0xd5: {  	p2 =	sne.s32 s4, $0x1FC0;
	v19 =	vld [tilespmem:s9+$0x800];
	_ =	sdelay $0x1  }
0xd6: {  	v20 =	vld [tilespmem:s9+$0x0];
	_ =	sdelay $0x2  }
0xd7: {  	v19 =	vmul.u32 $0x5, v19;
	_ =	sdelay $0x1  }
0xd8: {  	v19 =	vadd.s32 v19, v20  }
0xd9: {  	v19 =	vadd.s32 $0xFFFFB1E0, v19  }
.Ltmp6:
0xda: {  	(pc) =	sbr.rel @p2 .LBB2_14-.Ltmp6, $2  }
0xdb: {  	_ =	sdelay $0x2  }
0xdc: {  	s9 =	sshra.s32 s4, $0x2;
	s4 =	sadd.s32 $0x40, s4;
	[tilespmem:v19+s12+$0x0] =	vst.idx.add.f32.msk $0xffff, v2  }
0xdd: {  	v19 =	vld [tilespmem:s9+$0x800];
	_ =	sdelay $0x1  }
0xde: {  	v20 =	vld [tilespmem:s9+$0x0];
	_ =	sdelay $0x2  }
0xdf: {  	v19 =	vmul.u32 $0x5, v19;
	_ =	sdelay $0x1  }
0xe0: {  	v19 =	vadd.s32 v19, v20  }
0xe1: {  	v19 =	vadd.s32 $0xFFFFB1E0, v19;
	_ =	sdelay $0x4  }
0xe2: {  	s4 =	simm.s32 $0x0;
	s0 =	rddreg [dreg:$0x1a];
	[tilespmem:v19+s12+$0x0] =	vst.idx.add.f32.msk $0xffff, v2  }
0xe3: {  	[tilespmem:s4], [sflag:$0x1] =	stream.linear.gather [hbm4b:s0+s4], $0x800, $0x38;
	[tilespmem:$0x1E200] =	vst v63  }
0xe4: {  	s29 =	rddreg [dreg:$0x1b]  }
0xe5: {  	[tilespmem:s10], [sflag:$0x1] =	stream.linear.gather [hbm4b:s29+s4], $0x800, $0x38;
	[tilespmem:$0x1E200] =	vst v63  }
0xe6: {  	_ =	swait.ge [sflag:s8], $0x800  }
0xe7: {  	[sflag:s8] =	ssyncset.done $0x0  }
0xe8: {  	[sflag:s8] =	ssyncadd.s32 $0xFFFFF800  }
0xe9: {  	_ =	swait.ge [sflag:s8], $0x800  }
0xea: {  	[sflag:s8] =	ssyncset.done $0x0  }
0xeb: {  	s9 =	simm.s32 $0x0;
	s4 =	simm.s32 $0x40;
	[sflag:s8] =	ssyncadd.s32 $0xFFFFF800  }
.LBB2_16:
0xec: {  	p2 =	sne.s32 s4, $0x1FC0;
	v19 =	vld [tilespmem:s9+$0x800];
	_ =	sdelay $0x1  }
0xed: {  	v20 =	vld [tilespmem:s9+$0x0];
	_ =	sdelay $0x2  }
0xee: {  	v19 =	vmul.u32 $0x5, v19;
	_ =	sdelay $0x1  }
0xef: {  	v19 =	vadd.s32 v19, v20  }
0xf0: {  	v19 =	vadd.s32 $0xFFFFB1E0, v19  }
.Ltmp7:
0xf1: {  	(pc) =	sbr.rel @p2 .LBB2_16-.Ltmp7, $2  }
0xf2: {  	_ =	sdelay $0x2  }
0xf3: {  	s9 =	sshra.s32 s4, $0x2;
	s4 =	sadd.s32 $0x40, s4;
	[tilespmem:v19+s12+$0x0] =	vst.idx.add.f32.msk $0xffff, v2  }
0xf4: {  	v19 =	vld [tilespmem:s9+$0x800];
	_ =	sdelay $0x1  }
0xf5: {  	v20 =	vld [tilespmem:s9+$0x0];
	_ =	sdelay $0x2  }
0xf6: {  	v19 =	vmul.u32 $0x5, v19;
	_ =	sdelay $0x1  }
0xf7: {  	v19 =	vadd.s32 v19, v20  }
0xf8: {  	v19 =	vadd.s32 $0xFFFFB1E0, v19;
	_ =	sdelay $0x4  }
0xf9: {  	s4 =	simm.s32 $0x0;
	s0 =	rddreg [dreg:$0x1d];
	[tilespmem:v19+s12+$0x0] =	vst.idx.add.f32.msk $0xffff, v2  }
0xfa: {  	[tilespmem:s4], [sflag:$0x1] =	stream.linear.gather [hbm4b:s0+s4], $0x800, $0x38;
	[tilespmem:$0x1E200] =	vst v63  }
0xfb: {  	s29 =	rddreg [dreg:$0x1e]  }
0xfc: {  	[tilespmem:s10], [sflag:$0x1] =	stream.linear.gather [hbm4b:s29+s4], $0x800, $0x38;
	[tilespmem:$0x1E200] =	vst v63  }
0xfd: {  	_ =	swait.ge [sflag:s8], $0x800  }
0xfe: {  	[sflag:s8] =	ssyncset.done $0x0  }
0xff: {  	[sflag:s8] =	ssyncadd.s32 $0xFFFFF800  }
0x100: {  	_ =	swait.ge [sflag:s8], $0x800  }
0x101: {  	[sflag:s8] =	ssyncset.done $0x0  }
0x102: {  	s9 =	simm.s32 $0x0;
	s4 =	simm.s32 $0x40;
	[sflag:s8] =	ssyncadd.s32 $0xFFFFF800  }
.LBB2_18:
0x103: {  	p2 =	sne.s32 s4, $0x1FC0;
	v19 =	vld [tilespmem:s9+$0x800];
	_ =	sdelay $0x1  }
0x104: {  	v20 =	vld [tilespmem:s9+$0x0];
	_ =	sdelay $0x2  }
0x105: {  	v19 =	vmul.u32 $0x5, v19;
	_ =	sdelay $0x1  }
0x106: {  	v19 =	vadd.s32 v19, v20  }
0x107: {  	v19 =	vadd.s32 $0xFFFFB1E0, v19  }
.Ltmp8:
0x108: {  	(pc) =	sbr.rel @p2 .LBB2_18-.Ltmp8, $2  }
0x109: {  	_ =	sdelay $0x2  }
0x10a: {  	s9 =	sshra.s32 s4, $0x2;
	s4 =	sadd.s32 $0x40, s4;
	[tilespmem:v19+s12+$0x0] =	vst.idx.add.f32.msk $0xffff, v2  }
0x10b: {  	v19 =	vld [tilespmem:s9+$0x800];
	_ =	sdelay $0x1  }
0x10c: {  	v20 =	vld [tilespmem:s9+$0x0];
	_ =	sdelay $0x2  }
0x10d: {  	v19 =	vmul.u32 $0x5, v19;
	_ =	sdelay $0x1  }
0x10e: {  	v19 =	vadd.s32 v19, v20  }
0x10f: {  	v19 =	vadd.s32 $0xFFFFB1E0, v19;
	_ =	sdelay $0x2  }
0x110: {  	s0 =	sld [smem:$0x7F2];
	_ =	sdelay $0x1  }
0x111: {  	s4 =	simm.s32 $0x0;
	s29 =	sld [smem:$0x7F3];
	[tilespmem:v19+s12+$0x0] =	vst.idx.add.f32.msk $0xffff, v2  }
0x112: {  	[tilespmem:s4], [sflag:$0x1] =	stream.linear.gather [hbm4b:s0+s4], $0x800, $0x38;
	[tilespmem:$0x1E200] =	vst v63  }
0x113: {  	_ = 	snop  }
0x114: {  	[tilespmem:s10], [sflag:$0x1] =	stream.linear.gather [hbm4b:s29+s4], $0x800, $0x38;
	[tilespmem:$0x1E200] =	vst v63  }
0x115: {  	_ =	swait.ge [sflag:s8], $0x800  }
0x116: {  	[sflag:s8] =	ssyncset.done $0x0  }
0x117: {  	[sflag:s8] =	ssyncadd.s32 $0xFFFFF800  }
0x118: {  	_ =	swait.ge [sflag:s8], $0x800  }
0x119: {  	[sflag:s8] =	ssyncset.done $0x0  }
0x11a: {  	s9 =	simm.s32 $0x0;
	s4 =	simm.s32 $0x40;
	[sflag:s8] =	ssyncadd.s32 $0xFFFFF800  }
.LBB2_20:
0x11b: {  	p2 =	sne.s32 s4, $0x1FC0;
	v19 =	vld [tilespmem:s9+$0x800];
	_ =	sdelay $0x1  }
0x11c: {  	v20 =	vld [tilespmem:s9+$0x0];
	_ =	sdelay $0x2  }
0x11d: {  	v19 =	vmul.u32 $0x5, v19;
	_ =	sdelay $0x1  }
0x11e: {  	v19 =	vadd.s32 v19, v20  }
0x11f: {  	v19 =	vadd.s32 $0xFFFFB1E0, v19  }
.Ltmp9:
0x120: {  	(pc) =	sbr.rel @p2 .LBB2_20-.Ltmp9, $2  }
0x121: {  	_ =	sdelay $0x2  }
0x122: {  	s9 =	sshra.s32 s4, $0x2;
	s4 =	sadd.s32 $0x40, s4;
	[tilespmem:v19+s12+$0x0] =	vst.idx.add.f32.msk $0xffff, v2  }
0x123: {  	v19 =	vld [tilespmem:s9+$0x800];
	_ =	sdelay $0x1  }
0x124: {  	v20 =	vld [tilespmem:s9+$0x0];
	_ =	sdelay $0x2  }
0x125: {  	v19 =	vmul.u32 $0x5, v19;
	_ =	sdelay $0x1  }
0x126: {  	v19 =	vadd.s32 v19, v20  }
0x127: {  	v19 =	vadd.s32 $0xFFFFB1E0, v19;
	_ =	sdelay $0x2  }
0x128: {  	s0 =	sld [smem:$0x7F5];
	_ =	sdelay $0x1  }
0x129: {  	s4 =	simm.s32 $0x0;
	s29 =	sld [smem:$0x7F6];
	[tilespmem:v19+s12+$0x0] =	vst.idx.add.f32.msk $0xffff, v2  }
0x12a: {  	[tilespmem:s4], [sflag:$0x1] =	stream.linear.gather [hbm4b:s0+s4], $0x800, $0x38;
	[tilespmem:$0x1E200] =	vst v63  }
0x12b: {  	_ = 	snop  }
0x12c: {  	[tilespmem:s10], [sflag:$0x1] =	stream.linear.gather [hbm4b:s29+s4], $0x800, $0x38;
	[tilespmem:$0x1E200] =	vst v63  }
0x12d: {  	_ =	swait.ge [sflag:s8], $0x800  }
0x12e: {  	[sflag:s8] =	ssyncset.done $0x0  }
0x12f: {  	[sflag:s8] =	ssyncadd.s32 $0xFFFFF800  }
0x130: {  	_ =	swait.ge [sflag:s8], $0x800  }
0x131: {  	[sflag:s8] =	ssyncset.done $0x0  }
0x132: {  	s9 =	simm.s32 $0x0;
	s4 =	simm.s32 $0x40;
	[sflag:s8] =	ssyncadd.s32 $0xFFFFF800  }
.LBB2_22:
0x133: {  	p2 =	sne.s32 s4, $0x1FC0;
	v19 =	vld [tilespmem:s9+$0x800];
	_ =	sdelay $0x1  }
0x134: {  	v20 =	vld [tilespmem:s9+$0x0];
	_ =	sdelay $0x2  }
0x135: {  	v19 =	vmul.u32 $0x5, v19;
	_ =	sdelay $0x1  }
0x136: {  	v19 =	vadd.s32 v19, v20  }
0x137: {  	v19 =	vadd.s32 $0xFFFFB1E0, v19  }
.Ltmp10:
0x138: {  	(pc) =	sbr.rel @p2 .LBB2_22-.Ltmp10, $2  }
0x139: {  	_ =	sdelay $0x2  }
0x13a: {  	s9 =	sshra.s32 s4, $0x2;
	s4 =	sadd.s32 $0x40, s4;
	[tilespmem:v19+s12+$0x0] =	vst.idx.add.f32.msk $0xffff, v2  }
0x13b: {  	v19 =	vld [tilespmem:s9+$0x800];
	_ =	sdelay $0x1  }
0x13c: {  	v20 =	vld [tilespmem:s9+$0x0];
	_ =	sdelay $0x2  }
0x13d: {  	v19 =	vmul.u32 $0x5, v19;
	_ =	sdelay $0x1  }
0x13e: {  	v19 =	vadd.s32 v19, v20  }
0x13f: {  	v19 =	vadd.s32 $0xFFFFB1E0, v19;
	_ =	sdelay $0x2  }
0x140: {  	s0 =	sld [smem:$0x7F8];
	_ =	sdelay $0x1  }
0x141: {  	s4 =	simm.s32 $0x0;
	s29 =	sld [smem:$0x7F9];
	[tilespmem:v19+s12+$0x0] =	vst.idx.add.f32.msk $0xffff, v2  }
0x142: {  	[tilespmem:s4], [sflag:$0x1] =	stream.linear.gather [hbm4b:s0+s4], $0x800, $0x38;
	[tilespmem:$0x1E200] =	vst v63  }
0x143: {  	_ = 	snop  }
0x144: {  	[tilespmem:s10], [sflag:$0x1] =	stream.linear.gather [hbm4b:s29+s4], $0x800, $0x38;
	[tilespmem:$0x1E200] =	vst v63  }
0x145: {  	_ =	swait.ge [sflag:s8], $0x800  }
0x146: {  	[sflag:s8] =	ssyncset.done $0x0  }
0x147: {  	[sflag:s8] =	ssyncadd.s32 $0xFFFFF800  }
0x148: {  	_ =	swait.ge [sflag:s8], $0x800  }
0x149: {  	[sflag:s8] =	ssyncset.done $0x0  }
0x14a: {  	s9 =	simm.s32 $0x0;
	s4 =	simm.s32 $0x40;
	[sflag:s8] =	ssyncadd.s32 $0xFFFFF800  }
.LBB2_24:
0x14b: {  	p2 =	sne.s32 s4, $0x1FC0;
	v19 =	vld [tilespmem:s9+$0x800];
	_ =	sdelay $0x1  }
0x14c: {  	v20 =	vld [tilespmem:s9+$0x0];
	_ =	sdelay $0x2  }
0x14d: {  	v19 =	vmul.u32 $0x5, v19;
	_ =	sdelay $0x1  }
0x14e: {  	v19 =	vadd.s32 v19, v20  }
0x14f: {  	v19 =	vadd.s32 $0xFFFFB1E0, v19  }
.Ltmp11:
0x150: {  	(pc) =	sbr.rel @p2 .LBB2_24-.Ltmp11, $2  }
0x151: {  	_ =	sdelay $0x2  }
0x152: {  	s9 =	sshra.s32 s4, $0x2;
	s4 =	sadd.s32 $0x40, s4;
	[tilespmem:v19+s12+$0x0] =	vst.idx.add.f32.msk $0xffff, v2  }
0x153: {  	v19 =	vld [tilespmem:s9+$0x800];
	_ =	sdelay $0x1  }
0x154: {  	v20 =	vld [tilespmem:s9+$0x0];
	_ =	sdelay $0x2  }
0x155: {  	v19 =	vmul.u32 $0x5, v19;
	_ =	sdelay $0x1  }
0x156: {  	v19 =	vadd.s32 v19, v20  }
0x157: {  	v19 =	vadd.s32 $0xFFFFB1E0, v19;
	_ =	sdelay $0x4  }
0x158: {  	s4 =	simm.s32 $0x0;
	s0 =	rddreg [dreg:$0xd];
	[tilespmem:v19+s12+$0x0] =	vst.idx.add.f32.msk $0xffff, v2  }
0x159: {  	[tilespmem:s4], [sflag:$0x4] =	stream.linear.gather [hbm4b:s0+s4], $0x800, $0x38;
	[tilespmem:$0x1E200] =	vst v63  }
0x15a: {  	_ =	swait.ge [sflag:s31], $0x800  }
0x15b: {  	[sflag:s31] =	ssyncset.done $0x0  }
0x15c: {  	s9 =	simm.s32 $0x0;
	s4 =	simm.s32 $0x40;
	[sflag:s31] =	ssyncadd.s32 $0xFFFFF800  }
.LBB2_26:
0x15d: {  	p2 =	sne.s32 s4, $0x1FC0;
	v19 =	vld [tilespmem:s9+$0x0];
	_ =	sdelay $0x4  }
0x15e: {  	v19 =	vadd.s32 $0x7800, v19  }
.Ltmp12:
0x15f: {  	(pc) =	sbr.rel @p2 .LBB2_26-.Ltmp12, $2  }
0x160: {  	_ =	sdelay $0x2  }
0x161: {  	s9 =	sshra.s32 s4, $0x2;
	s4 =	sadd.s32 $0x40, s4;
	[tilespmem:v19+s12+$0x0] =	vst.idx.add.f32.msk $0xffff, v2  }
0x162: {  	v19 =	vld [tilespmem:s9+$0x0];
	_ =	sdelay $0x4  }
0x163: {  	v19 =	vadd.s32 $0x7800, v19;
	_ =	sdelay $0x4  }
0x164: {  	s4 =	simm.s32 $0x0;
	s0 =	rddreg [dreg:$0x10];
	[tilespmem:v19+s12+$0x0] =	vst.idx.add.f32.msk $0xffff, v2  }
0x165: {  	[tilespmem:s4], [sflag:$0x4] =	stream.linear.gather [hbm4b:s0+s4], $0x800, $0x38;
	[tilespmem:$0x1E200] =	vst v63  }
0x166: {  	_ =	swait.ge [sflag:s31], $0x800  }
0x167: {  	[sflag:s31] =	ssyncset.done $0x0  }
0x168: {  	s9 =	simm.s32 $0x0;
	s4 =	simm.s32 $0x40;
	[sflag:s31] =	ssyncadd.s32 $0xFFFFF800  }
.LBB2_28:
0x169: {  	p2 =	sne.s32 s4, $0x1FC0;
	v19 =	vld [tilespmem:s9+$0x0];
	_ =	sdelay $0x4  }
0x16a: {  	v19 =	vadd.s32 $0x7800, v19  }
.Ltmp13:
0x16b: {  	(pc) =	sbr.rel @p2 .LBB2_28-.Ltmp13, $2  }
0x16c: {  	_ =	sdelay $0x2  }
0x16d: {  	s9 =	sshra.s32 s4, $0x2;
	s4 =	sadd.s32 $0x40, s4;
	[tilespmem:v19+s12+$0x0] =	vst.idx.add.f32.msk $0xffff, v2  }
0x16e: {  	v19 =	vld [tilespmem:s9+$0x0];
	_ =	sdelay $0x4  }
0x16f: {  	v19 =	vadd.s32 $0x7800, v19;
	_ =	sdelay $0x4  }
0x170: {  	s4 =	simm.s32 $0x0;
	s0 =	rddreg [dreg:$0x13];
	[tilespmem:v19+s12+$0x0] =	vst.idx.add.f32.msk $0xffff, v2  }
0x171: {  	[tilespmem:s4], [sflag:$0x4] =	stream.linear.gather [hbm4b:s0+s4], $0x800, $0x38;
	[tilespmem:$0x1E200] =	vst v63  }
0x172: {  	_ =	swait.ge [sflag:s31], $0x800  }
0x173: {  	[sflag:s31] =	ssyncset.done $0x0  }
0x174: {  	s9 =	simm.s32 $0x0;
	s4 =	simm.s32 $0x40;
	[sflag:s31] =	ssyncadd.s32 $0xFFFFF800  }
.LBB2_30:
0x175: {  	p2 =	sne.s32 s4, $0x1FC0;
	v19 =	vld [tilespmem:s9+$0x0];
	_ =	sdelay $0x4  }
0x176: {  	v19 =	vadd.s32 $0x7800, v19  }
.Ltmp14:
0x177: {  	(pc) =	sbr.rel @p2 .LBB2_30-.Ltmp14, $2  }
0x178: {  	_ =	sdelay $0x2  }
0x179: {  	s9 =	sshra.s32 s4, $0x2;
	s4 =	sadd.s32 $0x40, s4;
	[tilespmem:v19+s12+$0x0] =	vst.idx.add.f32.msk $0xffff, v2  }
0x17a: {  	v19 =	vld [tilespmem:s9+$0x0];
	_ =	sdelay $0x4  }
0x17b: {  	v19 =	vadd.s32 $0x7800, v19;
	_ =	sdelay $0x4  }
0x17c: {  	s4 =	simm.s32 $0x0;
	s0 =	rddreg [dreg:$0x16];
	[tilespmem:v19+s12+$0x0] =	vst.idx.add.f32.msk $0xffff, v2  }
0x17d: {  	[tilespmem:s4], [sflag:$0x4] =	stream.linear.gather [hbm4b:s0+s4], $0x800, $0x38;
	[tilespmem:$0x1E200] =	vst v63  }
0x17e: {  	_ =	swait.ge [sflag:s31], $0x800  }
0x17f: {  	[sflag:s31] =	ssyncset.done $0x0  }
0x180: {  	s9 =	simm.s32 $0x0;
	s4 =	simm.s32 $0x40;
	[sflag:s31] =	ssyncadd.s32 $0xFFFFF800  }
.LBB2_32:
0x181: {  	p2 =	sne.s32 s4, $0x1FC0;
	v19 =	vld [tilespmem:s9+$0x0];
	_ =	sdelay $0x4  }
0x182: {  	v19 =	vadd.s32 $0x7800, v19  }
.Ltmp15:
0x183: {  	(pc) =	sbr.rel @p2 .LBB2_32-.Ltmp15, $2  }
0x184: {  	_ =	sdelay $0x2  }
0x185: {  	s9 =	sshra.s32 s4, $0x2;
	s4 =	sadd.s32 $0x40, s4;
	[tilespmem:v19+s12+$0x0] =	vst.idx.add.f32.msk $0xffff, v2  }
0x186: {  	v19 =	vld [tilespmem:s9+$0x0];
	_ =	sdelay $0x4  }
0x187: {  	v19 =	vadd.s32 $0x7800, v19;
	_ =	sdelay $0x4  }
0x188: {  	s4 =	simm.s32 $0x0;
	s0 =	rddreg [dreg:$0x19];
	[tilespmem:v19+s12+$0x0] =	vst.idx.add.f32.msk $0xffff, v2  }
0x189: {  	[tilespmem:s4], [sflag:$0x4] =	stream.linear.gather [hbm4b:s0+s4], $0x800, $0x38;
	[tilespmem:$0x1E200] =	vst v63  }
0x18a: {  	_ =	swait.ge [sflag:s31], $0x800  }
0x18b: {  	[sflag:s31] =	ssyncset.done $0x0  }
0x18c: {  	s9 =	simm.s32 $0x0;
	s4 =	simm.s32 $0x40;
	[sflag:s31] =	ssyncadd.s32 $0xFFFFF800  }
.LBB2_34:
0x18d: {  	p2 =	sne.s32 s4, $0x1FC0;
	v19 =	vld [tilespmem:s9+$0x0];
	_ =	sdelay $0x4  }
0x18e: {  	v19 =	vadd.s32 $0x7800, v19  }
.Ltmp16:
0x18f: {  	(pc) =	sbr.rel @p2 .LBB2_34-.Ltmp16, $2  }
0x190: {  	_ =	sdelay $0x2  }
0x191: {  	s9 =	sshra.s32 s4, $0x2;
	s4 =	sadd.s32 $0x40, s4;
	[tilespmem:v19+s12+$0x0] =	vst.idx.add.f32.msk $0xffff, v2  }
0x192: {  	v19 =	vld [tilespmem:s9+$0x0];
	_ =	sdelay $0x4  }
0x193: {  	v19 =	vadd.s32 $0x7800, v19;
	_ =	sdelay $0x4  }
0x194: {  	s4 =	simm.s32 $0x0;
	s0 =	rddreg [dreg:$0x1c];
	[tilespmem:v19+s12+$0x0] =	vst.idx.add.f32.msk $0xffff, v2  }
0x195: {  	[tilespmem:s4], [sflag:$0x4] =	stream.linear.gather [hbm4b:s0+s4], $0x800, $0x38;
	[tilespmem:$0x1E200] =	vst v63  }
0x196: {  	_ =	swait.ge [sflag:s31], $0x800  }
0x197: {  	[sflag:s31] =	ssyncset.done $0x0  }
0x198: {  	s9 =	simm.s32 $0x0;
	s4 =	simm.s32 $0x40;
	[sflag:s31] =	ssyncadd.s32 $0xFFFFF800  }
.LBB2_36:
0x199: {  	p2 =	sne.s32 s4, $0x1FC0;
	v19 =	vld [tilespmem:s9+$0x0];
	_ =	sdelay $0x4  }
0x19a: {  	v19 =	vadd.s32 $0x7800, v19  }
.Ltmp17:
0x19b: {  	(pc) =	sbr.rel @p2 .LBB2_36-.Ltmp17, $2  }
0x19c: {  	_ =	sdelay $0x2  }
0x19d: {  	s9 =	sshra.s32 s4, $0x2;
	s4 =	sadd.s32 $0x40, s4;
	[tilespmem:v19+s12+$0x0] =	vst.idx.add.f32.msk $0xffff, v2  }
0x19e: {  	v19 =	vld [tilespmem:s9+$0x0];
	_ =	sdelay $0x4  }
0x19f: {  	v19 =	vadd.s32 $0x7800, v19;
	_ =	sdelay $0x4  }
0x1a0: {  	s4 =	simm.s32 $0x0;
	s0 =	rddreg [dreg:$0x1f];
	[tilespmem:v19+s12+$0x0] =	vst.idx.add.f32.msk $0xffff, v2  }
0x1a1: {  	[tilespmem:s4], [sflag:$0x4] =	stream.linear.gather [hbm4b:s0+s4], $0x800, $0x38;
	[tilespmem:$0x1E200] =	vst v63  }
0x1a2: {  	_ =	swait.ge [sflag:s31], $0x800  }
0x1a3: {  	[sflag:s31] =	ssyncset.done $0x0  }
0x1a4: {  	s9 =	simm.s32 $0x0;
	s4 =	simm.s32 $0x40;
	[sflag:s31] =	ssyncadd.s32 $0xFFFFF800  }
.LBB2_38:
0x1a5: {  	p2 =	sne.s32 s4, $0x1FC0;
	v19 =	vld [tilespmem:s9+$0x0];
	_ =	sdelay $0x4  }
0x1a6: {  	v19 =	vadd.s32 $0x7800, v19  }
.Ltmp18:
0x1a7: {  	(pc) =	sbr.rel @p2 .LBB2_38-.Ltmp18, $2  }
0x1a8: {  	_ =	sdelay $0x2  }
0x1a9: {  	s9 =	sshra.s32 s4, $0x2;
	s4 =	sadd.s32 $0x40, s4;
	[tilespmem:v19+s12+$0x0] =	vst.idx.add.f32.msk $0xffff, v2  }
0x1aa: {  	v19 =	vld [tilespmem:s9+$0x0];
	_ =	sdelay $0x4  }
0x1ab: {  	v19 =	vadd.s32 $0x7800, v19;
	_ =	sdelay $0x2  }
0x1ac: {  	s0 =	sld [smem:$0x7F4];
	_ =	sdelay $0x1  }
0x1ad: {  	s4 =	simm.s32 $0x0;
	[tilespmem:v19+s12+$0x0] =	vst.idx.add.f32.msk $0xffff, v2  }
0x1ae: {  	[tilespmem:s4], [sflag:$0x4] =	stream.linear.gather [hbm4b:s0+s4], $0x800, $0x38;
	[tilespmem:$0x1E200] =	vst v63  }
0x1af: {  	_ =	swait.ge [sflag:s31], $0x800  }
0x1b0: {  	[sflag:s31] =	ssyncset.done $0x0  }
0x1b1: {  	s9 =	simm.s32 $0x0;
	s4 =	simm.s32 $0x40;
	[sflag:s31] =	ssyncadd.s32 $0xFFFFF800  }
.LBB2_40:
0x1b2: {  	p2 =	sne.s32 s4, $0x1FC0;
	v19 =	vld [tilespmem:s9+$0x0];
	_ =	sdelay $0x4  }
0x1b3: {  	v19 =	vadd.s32 $0x7800, v19  }
.Ltmp19:
0x1b4: {  	(pc) =	sbr.rel @p2 .LBB2_40-.Ltmp19, $2  }
0x1b5: {  	_ =	sdelay $0x2  }
0x1b6: {  	s9 =	sshra.s32 s4, $0x2;
	s4 =	sadd.s32 $0x40, s4;
	[tilespmem:v19+s12+$0x0] =	vst.idx.add.f32.msk $0xffff, v2  }
0x1b7: {  	v19 =	vld [tilespmem:s9+$0x0];
	_ =	sdelay $0x4  }
0x1b8: {  	v19 =	vadd.s32 $0x7800, v19;
	_ =	sdelay $0x2  }
0x1b9: {  	s0 =	sld [smem:$0x7F7];
	_ =	sdelay $0x1  }
0x1ba: {  	s4 =	simm.s32 $0x0;
	[tilespmem:v19+s12+$0x0] =	vst.idx.add.f32.msk $0xffff, v2  }
0x1bb: {  	[tilespmem:s4], [sflag:$0x4] =	stream.linear.gather [hbm4b:s0+s4], $0x800, $0x38;
	[tilespmem:$0x1E200] =	vst v63  }
0x1bc: {  	_ =	swait.ge [sflag:s31], $0x800  }
0x1bd: {  	[sflag:s31] =	ssyncset.done $0x0  }
0x1be: {  	s9 =	simm.s32 $0x0;
	s4 =	simm.s32 $0x40;
	[sflag:s31] =	ssyncadd.s32 $0xFFFFF800  }
.LBB2_42:
0x1bf: {  	p2 =	sne.s32 s4, $0x1FC0;
	v19 =	vld [tilespmem:s9+$0x0];
	_ =	sdelay $0x4  }
0x1c0: {  	v19 =	vadd.s32 $0x7800, v19  }
.Ltmp20:
0x1c1: {  	(pc) =	sbr.rel @p2 .LBB2_42-.Ltmp20, $2  }
0x1c2: {  	_ =	sdelay $0x2  }
0x1c3: {  	s9 =	sshra.s32 s4, $0x2;
	s4 =	sadd.s32 $0x40, s4;
	[tilespmem:v19+s12+$0x0] =	vst.idx.add.f32.msk $0xffff, v2  }
0x1c4: {  	v19 =	vld [tilespmem:s9+$0x0];
	_ =	sdelay $0x4  }
0x1c5: {  	v19 =	vadd.s32 $0x7800, v19;
	_ =	sdelay $0x2  }
0x1c6: {  	s29 =	sld [smem:$0x7FA];
	_ =	sdelay $0x1  }
0x1c7: {  	s4 =	simm.s32 $0x0;
	[tilespmem:v19+s12+$0x0] =	vst.idx.add.f32.msk $0xffff, v2  }
0x1c8: {  	[tilespmem:s4], [sflag:$0x4] =	stream.linear.gather [hbm4b:s29+s4], $0x800, $0x38;
	[tilespmem:$0x1E200] =	vst v63  }
0x1c9: {  	_ =	swait.ge [sflag:s31], $0x800  }
0x1ca: {  	s0 =	smov.u32 s28;
	[sflag:s31] =	ssyncset.done $0x0  }
0x1cb: {  	s9 =	simm.s32 $0x0;
	s4 =	simm.s32 $0x40;
	[sflag:s31] =	ssyncadd.s32 $0xFFFFF800  }
.LBB2_44:
0x1cc: {  	p2 =	sne.s32 s4, $0x1FC0;
	v19 =	vld [tilespmem:s9+$0x0];
	_ =	sdelay $0x4  }
0x1cd: {  	v19 =	vadd.s32 $0x7800, v19  }
.Ltmp21:
0x1ce: {  	(pc) =	sbr.rel @p2 .LBB2_44-.Ltmp21, $2  }
0x1cf: {  	_ =	sdelay $0x2  }
0x1d0: {  	s9 =	sshra.s32 s4, $0x2;
	s4 =	sadd.s32 $0x40, s4;
	[tilespmem:v19+s12+$0x0] =	vst.idx.add.f32.msk $0xffff, v2  }
0x1d1: {  	v19 =	vld [tilespmem:s9+$0x0];
	_ =	sdelay $0x4  }
0x1d2: {  	v19 =	vadd.s32 $0x7800, v19;
	_ =	sdelay $0x4  }
0x1d3: {  	[tilespmem:v19+s12+$0x0] =	vst.idx.add.f32.msk $0xffff, v2  }
0x1d4: {  	[tilespmem:$0x11D00] =	vst v0  }
0x1d5: {  	[spmem:s3] =	stream.indirect.scatter.add.f32 [tilespmem:s12], [sflag:$0x4], $0x80, s15, s13, $0xb8;
	[tilespmem:$0x1E200] =	vst v63  }
0x1d6: {  	_ =	swait.ge [sflag:s31], $0x800  }
0x1d7: {  	[sflag:s31] =	ssyncset.done $0x0  }
0x1d8: {  	[sflag:s31] =	ssyncadd.s32 $0xFFFFF800  }
0x1d9: {  	s4 =	simm.s32 $0x1D00;
	[tilespmem:$0x11D00] =	vst v3  }
0x1da: {  	[spmem:s3] =	stream.indirect.scatter.add.f32 [tilespmem:s4], [sflag:$0x4], $0x80, s15, s13, $0xb8;
	[tilespmem:$0x1E200] =	vst v63  }
0x1db: {  	_ =	swait.ge [sflag:s31], $0x800  }
0x1dc: {  	[sflag:s31] =	ssyncset.done $0x0  }
0x1dd: {  	[sflag:s31] =	ssyncadd.s32 $0xFFFFF800  }
0x1de: {  	s9 =	simm.s32 $0x2500;
	[tilespmem:$0x11D00] =	vst v4  }
0x1df: {  	[spmem:s3] =	stream.indirect.scatter.add.f32 [tilespmem:s9], [sflag:$0x4], $0x80, s15, s13, $0xb8;
	[tilespmem:$0x1E200] =	vst v63  }
0x1e0: {  	_ =	swait.ge [sflag:s31], $0x800  }
0x1e1: {  	[sflag:s31] =	ssyncset.done $0x0  }
0x1e2: {  	[sflag:s31] =	ssyncadd.s32 $0xFFFFF800  }
0x1e3: {  	s10 =	simm.s32 $0x2D00;
	[tilespmem:$0x11D00] =	vst v5  }
0x1e4: {  	[spmem:s3] =	stream.indirect.scatter.add.f32 [tilespmem:s10], [sflag:$0x4], $0x80, s15, s13, $0xb8;
	[tilespmem:$0x1E200] =	vst v63  }
0x1e5: {  	_ =	swait.ge [sflag:s31], $0x800  }
0x1e6: {  	[sflag:s31] =	ssyncset.done $0x0  }
0x1e7: {  	[sflag:s31] =	ssyncadd.s32 $0xFFFFF800  }
0x1e8: {  	s11 =	simm.s32 $0x3500;
	[tilespmem:$0x11D00] =	vst v6  }
0x1e9: {  	[spmem:s3] =	stream.indirect.scatter.add.f32 [tilespmem:s11], [sflag:$0x4], $0x80, s15, s13, $0xb8;
	[tilespmem:$0x1E200] =	vst v63  }
0x1ea: {  	_ =	swait.ge [sflag:s31], $0x800  }
0x1eb: {  	[sflag:s31] =	ssyncset.done $0x0  }
0x1ec: {  	[sflag:s31] =	ssyncadd.s32 $0xFFFFF800  }
0x1ed: {  	s9 =	simm.s32 $0x3D00;
	[tilespmem:$0x11D00] =	vst v7  }
0x1ee: {  	[spmem:s3] =	stream.indirect.scatter.add.f32 [tilespmem:s9], [sflag:$0x4], $0x80, s15, s13, $0xb8;
	[tilespmem:$0x1E200] =	vst v63  }
0x1ef: {  	_ =	swait.ge [sflag:s31], $0x800  }
0x1f0: {  	[sflag:s31] =	ssyncset.done $0x0  }
0x1f1: {  	[sflag:s31] =	ssyncadd.s32 $0xFFFFF800  }
0x1f2: {  	s10 =	simm.s32 $0x4500;
	[tilespmem:$0x11D00] =	vst v8  }
0x1f3: {  	[spmem:s3] =	stream.indirect.scatter.add.f32 [tilespmem:s10], [sflag:$0x4], $0x80, s15, s13, $0xb8;
	[tilespmem:$0x1E200] =	vst v63  }
0x1f4: {  	_ =	swait.ge [sflag:s31], $0x800  }
0x1f5: {  	[sflag:s31] =	ssyncset.done $0x0  }
0x1f6: {  	[sflag:s31] =	ssyncadd.s32 $0xFFFFF800  }
0x1f7: {  	s11 =	simm.s32 $0x4D00;
	[tilespmem:$0x11D00] =	vst v9  }
0x1f8: {  	[spmem:s3] =	stream.indirect.scatter.add.f32 [tilespmem:s11], [sflag:$0x4], $0x80, s15, s13, $0xb8;
	[tilespmem:$0x1E200] =	vst v63  }
0x1f9: {  	_ =	swait.ge [sflag:s31], $0x800  }
0x1fa: {  	[sflag:s31] =	ssyncset.done $0x0  }
0x1fb: {  	[sflag:s31] =	ssyncadd.s32 $0xFFFFF800  }
0x1fc: {  	s9 =	simm.s32 $0x5500;
	[tilespmem:$0x11D00] =	vst v10  }
0x1fd: {  	[spmem:s3] =	stream.indirect.scatter.add.f32 [tilespmem:s9], [sflag:$0x4], $0x80, s15, s13, $0xb8;
	[tilespmem:$0x1E200] =	vst v63  }
0x1fe: {  	_ =	swait.ge [sflag:s31], $0x800  }
0x1ff: {  	[sflag:s31] =	ssyncset.done $0x0  }
0x200: {  	[sflag:s31] =	ssyncadd.s32 $0xFFFFF800  }
0x201: {  	s10 =	simm.s32 $0x5D00;
	[tilespmem:$0x11D00] =	vst v11  }
0x202: {  	[spmem:s3] =	stream.indirect.scatter.add.f32 [tilespmem:s10], [sflag:$0x4], $0x80, s15, s13, $0xb8;
	[tilespmem:$0x1E200] =	vst v63  }
0x203: {  	_ =	swait.ge [sflag:s31], $0x800  }
0x204: {  	[sflag:s31] =	ssyncset.done $0x0  }
0x205: {  	[sflag:s31] =	ssyncadd.s32 $0xFFFFF800  }
0x206: {  	s11 =	simm.s32 $0x6500;
	[tilespmem:$0x11D00] =	vst v12  }
0x207: {  	[spmem:s3] =	stream.indirect.scatter.add.f32 [tilespmem:s11], [sflag:$0x4], $0x80, s15, s13, $0xb8;
	[tilespmem:$0x1E200] =	vst v63  }
0x208: {  	_ =	swait.ge [sflag:s31], $0x800  }
0x209: {  	[sflag:s31] =	ssyncset.done $0x0  }
0x20a: {  	[sflag:s31] =	ssyncadd.s32 $0xFFFFF800  }
0x20b: {  	s9 =	simm.s32 $0x6D00;
	[tilespmem:$0x11D00] =	vst v13  }
0x20c: {  	[spmem:s3] =	stream.indirect.scatter.add.f32 [tilespmem:s9], [sflag:$0x4], $0x80, s15, s13, $0xb8;
	[tilespmem:$0x1E200] =	vst v63  }
0x20d: {  	_ =	swait.ge [sflag:s31], $0x800  }
0x20e: {  	[sflag:s31] =	ssyncset.done $0x0  }
0x20f: {  	[sflag:s31] =	ssyncadd.s32 $0xFFFFF800  }
0x210: {  	s10 =	simm.s32 $0x7500;
	[tilespmem:$0x11D00] =	vst v14  }
0x211: {  	[spmem:s3] =	stream.indirect.scatter.add.f32 [tilespmem:s10], [sflag:$0x4], $0x80, s15, s13, $0xb8;
	[tilespmem:$0x1E200] =	vst v63  }
0x212: {  	_ =	swait.ge [sflag:s31], $0x800  }
0x213: {  	[sflag:s31] =	ssyncset.done $0x0  }
0x214: {  	[sflag:s31] =	ssyncadd.s32 $0xFFFFF800  }
0x215: {  	s11 =	simm.s32 $0x7D00;
	[tilespmem:$0x11D00] =	vst v15  }
0x216: {  	[spmem:s3] =	stream.indirect.scatter.add.f32 [tilespmem:s11], [sflag:$0x4], $0x80, s15, s13, $0xb8;
	[tilespmem:$0x1E200] =	vst v63  }
0x217: {  	_ =	swait.ge [sflag:s31], $0x800  }
0x218: {  	[sflag:s31] =	ssyncset.done $0x0  }
0x219: {  	[sflag:s31] =	ssyncadd.s32 $0xFFFFF800  }
0x21a: {  	s9 =	simm.s32 $0x8500;
	[tilespmem:$0x11D00] =	vst v16  }
0x21b: {  	[spmem:s3] =	stream.indirect.scatter.add.f32 [tilespmem:s9], [sflag:$0x4], $0x80, s15, s13, $0xb8;
	[tilespmem:$0x1E200] =	vst v63  }
0x21c: {  	_ =	swait.ge [sflag:s31], $0x800  }
0x21d: {  	[sflag:s31] =	ssyncset.done $0x0  }
0x21e: {  	[sflag:s31] =	ssyncadd.s32 $0xFFFFF800  }
0x21f: {  	s10 =	simm.s32 $0x8D00;
	[tilespmem:$0x11D00] =	vst v17  }
0x220: {  	[spmem:s3] =	stream.indirect.scatter.add.f32 [tilespmem:s10], [sflag:$0x4], $0x80, s15, s13, $0xb8;
	[tilespmem:$0x1E200] =	vst v63  }
0x221: {  	_ =	swait.ge [sflag:s31], $0x800  }
0x222: {  	[sflag:s31] =	ssyncset.done $0x0  }
0x223: {  	[sflag:s31] =	ssyncadd.s32 $0xFFFFF800  }
0x224: {  	s11 =	simm.s32 $0x9500;
	[tilespmem:$0x11D00] =	vst v18  }
0x225: {  	[spmem:s3] =	stream.indirect.scatter.add.f32 [tilespmem:s11], [sflag:$0x4], $0x80, s15, s13, $0xb8;
	[tilespmem:$0x1E200] =	vst v63  }
0x226: {  	_ =	swait.ge [sflag:s31], $0x800  }
0x227: {  	[sflag:s31] =	ssyncset.done $0x0  }
0x228: {  	[sflag:s31] =	ssyncadd.s32 $0xFFFFF800  }
0x229: {  	[bflag:$0x0] =	sbarrier.arrive $0xFFFF  }
0x22a: {  	[tilespmem:s12], [sflag:$0x4] =	stream.linear.gather [spmem:s3], $0x8800, $0x38;
	[tilespmem:$0x1E200] =	vst v63  }
0x22b: {  	_ =	swait.ge [sflag:s31], $0x8800  }
0x22c: {  	s4 =	simm.s32 @!p1 $0x0;
	[sflag:s31] =	ssyncset.done $0x0  }
0x22d: {  	s9 =	simm.s32 @!p1 $0x8D00;
	s10 =	rddreg [dreg:$0x5];
	[sflag:s31] =	ssyncadd.s32 $0xFFFF7800  }
0x22e: {  	[hbm4b:s10+s4] =	stream.linear.scatter @!p1 [tilespmem:s9], [sflag:$0x4], $0x1000, $0x38;
	[tilespmem:$0x1E200] =	vst v63  }
0x22f: {  	s4 =	simm.s32 @!p1 $0x4  }
0x230: {  	_ =	swait.ge @!p1 [sflag:s4], $0x1000  }
0x231: {  	[sflag:s4] =	ssyncset.done @!p1 $0x0  }
0x232: {  	s28 =	simm.s32 $0x0;
	s29 =	simm.s32 $0x0;
	[sflag:s4] =	ssyncadd.s32 @!p1 $0xFFFFF000  }
.LBB2_46:
0x233: {  	s4 =	sshll.u32 s29, $0x8  }
0x234: {  	s4 =	sadd.s32 s4, s14  }
0x235: {  	s4 =	sshrl.u32 s4, $0x3  }
0x236: {  	s9 =	sadd.s32 s1, s4  }
0x237: {  	[tilespmem:s16], [sflag:$0x1] =	stream.linear.gather [hbm4b:s9+s28], $0x100, $0x38;
	[tilespmem:$0x1E200] =	vst v63  }
0x238: {  	s11 =	sadd.s32 s5, s4  }
0x239: {  	[tilespmem:s17], [sflag:$0x1] =	stream.linear.gather [hbm4b:s11+s28], $0x100, $0x38;
	[tilespmem:$0x1E200] =	vst v63  }
0x23a: {  	s4 =	sadd.s32 s6, s4  }
0x23b: {  	[tilespmem:s18], [sflag:$0x1] =	stream.linear.gather [hbm4b:s4+s28], $0x100, $0x38;
	[tilespmem:$0x1E200] =	vst v63  }
0x23c: {  	_ =	swait.ge [sflag:s8], $0x100  }
0x23d: {  	[sflag:s8] =	ssyncset.done $0x0  }
0x23e: {  	[sflag:s8] =	ssyncadd.s32 $0xFFFFFF00  }
0x23f: {  	_ =	swait.ge [sflag:s8], $0x100  }
0x240: {  	[sflag:s8] =	ssyncset.done $0x0  }
0x241: {  	[sflag:s8] =	ssyncadd.s32 $0xFFFFFF00  }
0x242: {  	_ =	swait.ge [sflag:s8], $0x100  }
0x243: {  	[sflag:s8] =	ssyncset.done $0x0  }
0x244: {  	s4 =	simm.s32 $0x0;
	[sflag:s8] =	ssyncadd.s32 $0xFFFFFF00  }
0x245: {  	v19 =	vld [tilespmem:s4+$0x1200];
	_ =	sdelay $0x1  }
0x246: {  	v20 =	vld [tilespmem:s4+$0x1000];
	_ =	sdelay $0x2  }
0x247: {  	v19 =	vmul.u32 $0x5, v19;
	_ =	sdelay $0x1  }
0x248: {  	v19 =	vadd.s32 v19, v20  }
0x249: {  	v19 =	vadd.s32 $0xFFFFB1E0, v19  }
0x24a: {  	v21 =	vld [tilespmem:s4+$0x1100];
	_ =	sdelay $0x2  }
0x24b: {  	v20 =	vmul.u32 $0xFA0, v20  }
0x24c: {  	v19 =	vld.idx.msk [tilespmem:v19+s12+$0x0], $0xffff  }
0x24d: {  	v20 =	vadd.s32 v21, v20  }
0x24e: {  	s9 =	simm.s32 $0x10;
	[tilespmem:s4+$0x1000] =	vst v20  }
0x24f: {  	s10 =	simm.s32 $0x80;
	s11 =	simm.s32 $0xC0;
	v20 =	vld [tilespmem:s9+$0x1200]  }
.LBB2_47:
0x250: {  	p2 =	sne.s32 s11, $0x3C0  }
0x251: {  	v21 =	vld [tilespmem:s9+$0x1000];
	(erf) = vrcp.f32 v19;
	_ =	sdelay $0x2  }
0x252: {  	v19 =	vmul.u32 $0x5, v20;
	_ =	sdelay $0x1  }
0x253: {  	v20 =	vld [tilespmem:s9+$0x1100];
	v19 =	vadd.s32 v19, v21  }
0x254: {  	v19 =	vadd.s32 $0xFFFFB1E0, v19;
	_ =	sdelay $0x1  }
0x255: {  	v21 =	vmul.u32 $0xFA0, v21  }
0x256: {  	v22 =	vpop (erf)  }
0x257: {  	v20 =	vadd.s32 v20, v21;
	[tilespmem:s4+$0x1400] =	vst v22;
	s4 =	smov.u32 s9  }
.Ltmp22:
0x258: {  	v19 =	vld.idx.msk [tilespmem:v19+s12+$0x0], $0xffff;
	[tilespmem:s4+$0x1000] =	vst v20;
	(pc) =	sbr.rel @p2 .LBB2_47-.Ltmp22, $3  }
0x259: {  	_ =	sdelay $0x1  }
0x25a: {  	s9 =	sshra.s32 s10, $0x2;
	s10 =	smov.u32 s11  }
0x25b: {  	s11 =	sadd.s32 $0x40, s11;
	v20 =	vld [tilespmem:s9+$0x1200]  }
0x25c: {  	_ = 	snop  }
0x25d: {  	v21 =	vld [tilespmem:s9+$0x1000];
	(erf) = vrcp.f32 v19;
	_ =	sdelay $0x2  }
0x25e: {  	v19 =	vmul.u32 $0x5, v20;
	_ =	sdelay $0x1  }
0x25f: {  	v19 =	vadd.s32 v19, v21  }
0x260: {  	v19 =	vadd.s32 $0xFFFFB1E0, v19  }
0x261: {  	v20 =	vld [tilespmem:s9+$0x1100];
	_ =	sdelay $0x1  }
0x262: {  	v22 =	vpop (erf)  }
0x263: {  	v21 =	vmul.u32 $0xFA0, v21;
	[tilespmem:s4+$0x1400] =	vst v22  }
0x264: {  	v19 =	vld.idx.msk [tilespmem:v19+s12+$0x0], $0xffff  }
0x265: {  	v20 =	vadd.s32 v20, v21  }
0x266: {  	s11 =	sshra.s32 s10, $0x2;
	[tilespmem:s9+$0x1000] =	vst v20  }
0x267: {  	v20 =	vld [tilespmem:s11+$0x1200];
	_ =	sdelay $0x1  }
0x268: {  	v53 =	vld [tilespmem:s11+$0x1000];
	(erf) = vrcp.f32 v19;
	_ =	sdelay $0x2  }
0x269: {  	v19 =	vmul.u32 $0x5, v20;
	_ =	sdelay $0x1  }
0x26a: {  	v19 =	vadd.s32 v19, v53  }
0x26b: {  	v19 =	vadd.s32 $0xFFFFB1E0, v19;
	_ =	sdelay $0x2  }
0x26c: {  	v54 =	vpop (erf)  }
0x26d: {  	v20 =	vld [tilespmem:s11+$0x1100];
	[tilespmem:s9+$0x1400] =	vst v54  }
0x26e: {  	v19 =	vld.idx.msk [tilespmem:v19+s12+$0x0], $0xffff;
	_ =	sdelay $0x4  }
0x26f: {  	(erf) = vrcp.f32 v19;
	_ =	sdelay $0x3  }
0x270: {  	v19 =	vmul.u32 $0xFA0, v53;
	_ =	sdelay $0x1  }
0x271: {  	v19 =	vadd.s32 v20, v19;
	_ =	sdelay $0x2  }
0x272: {  	[tilespmem:s11+$0x1000] =	vst v19;
	v19 =	vpop (erf)  }
0x273: {  	[tilespmem:s11+$0x1400] =	vst v19  }
0x274: {  	v19 =	vld [tilespmem:$0x1200]  }
0x275: {  	v20 =	vld [tilespmem:$0x1210]  }
0x276: {  	v55 =	vld [tilespmem:$0x1220]  }
0x277: {  	v22 =	vld [tilespmem:$0x1230]  }
0x278: {  	v23 =	vld [tilespmem:$0x1240]  }
0x279: {  	v24 =	vld [tilespmem:$0x1250];
	v19 =	vadd.s32 $0xFFFFF060, v19  }
0x27a: {  	[tilespmem:$0x1300] =	vst v19;
	v19 =	vadd.s32 $0xFFFFF060, v20;
	v20 =	vld [tilespmem:$0x1260]  }
0x27b: {  	v56 =	vld [tilespmem:$0x1270];
	[tilespmem:$0x1310] =	vst v19;
	v19 =	vadd.s32 $0xFFFFF060, v55  }
0x27c: {  	v57 =	vld [tilespmem:$0x1280];
	[tilespmem:$0x1320] =	vst v19;
	v19 =	vadd.s32 $0xFFFFF060, v22  }
0x27d: {  	v58 =	vld [tilespmem:$0x1290];
	[tilespmem:$0x1330] =	vst v19;
	v19 =	vadd.s32 $0xFFFFF060, v23  }
0x27e: {  	v59 =	vld [tilespmem:$0x12A0];
	[tilespmem:$0x1340] =	vst v19;
	v19 =	vadd.s32 $0xFFFFF060, v24  }
0x27f: {  	[tilespmem:$0x1350] =	vst v19;
	v19 =	vadd.s32 $0xFFFFF060, v20;
	v20 =	vld [tilespmem:$0x12B0]  }
0x280: {  	v60 =	vld [tilespmem:$0x12C0];
	[tilespmem:$0x1360] =	vst v19;
	v19 =	vadd.s32 $0xFFFFF060, v56  }
0x281: {  	v61 =	vld [tilespmem:$0x12D0];
	[tilespmem:$0x1370] =	vst v19;
	v19 =	vadd.s32 $0xFFFFF060, v57  }
0x282: {  	v62 =	vld [tilespmem:$0x12E0];
	[tilespmem:$0x1380] =	vst v19;
	v19 =	vadd.s32 $0xFFFFF060, v58  }
0x283: {  	v63 =	vld [tilespmem:$0x12F0];
	[tilespmem:$0x1390] =	vst v19;
	v19 =	vadd.s32 $0xFFFFF060, v59  }
0x284: {  	[tilespmem:$0x13A0] =	vst v19;
	v19 =	vadd.s32 $0xFFFFF060, v20  }
0x285: {  	[tilespmem:$0x13B0] =	vst v19;
	v19 =	vadd.s32 $0xFFFFF060, v60  }
0x286: {  	[tilespmem:$0x13C0] =	vst v19;
	v19 =	vadd.s32 $0xFFFFF060, v61  }
0x287: {  	[tilespmem:$0x13D0] =	vst v19;
	v19 =	vadd.s32 $0xFFFFF060, v62  }
0x288: {  	[tilespmem:$0x13E0] =	vst v19;
	v19 =	vadd.s32 $0xFFFFF060, v63  }
0x289: {  	[tilespmem:$0x13F0] =	vst v19  }
0x28a: {  	[tilespmem:s30], [sflag:$0x2] =	stream.indirect.gather [hbm4b:s7+s19], $0x80, s16, s19, $0xb8;
	[tilespmem:$0x1E200] =	vst v63  }
0x28b: {  	_ = 	snop  }
0x28c: {  	[tilespmem:s21], [sflag:$0x2] =	stream.indirect.gather [hbm4b:s7+s19], $0x80, s20, s19, $0xb8;
	[tilespmem:$0x1E200] =	vst v63  }
0x28d: {  	_ =	swait.ge [sflag:s22], $0x4000  }
0x28e: {  	[sflag:s22] =	ssyncset.done $0x0  }
0x28f: {  	[sflag:s22] =	ssyncadd.s32 $0xFFFFC000  }
0x290: {  	[spmem:s2] =	stream.indirect.scatter.add.f32 [tilespmem:s30], [sflag:$0x3], $0x80, s23, s19, $0xb8;
	[tilespmem:$0x1E200] =	vst v63  }
0x291: {  	_ =	swait.ge [sflag:s22], $0x4000  }
0x292: {  	[sflag:s22] =	ssyncset.done $0x0  }
0x293: {  	s29 =	sadd.s32 $0x1, s29;
	[sflag:s22] =	ssyncadd.s32 $0xFFFFC000  }
0x294: {  	[spmem:s2] =	stream.indirect.scatter.add.f32 [tilespmem:s21], [sflag:$0x3], $0x80, s24, s19, $0xb8;
	[tilespmem:$0x1E200] =	vst v63  }
0x295: {  	p2 =	sne.s32 s29, $0x28;
	_ =	swait.ge [sflag:s25], $0x4000  }
.Ltmp23:
0x296: {  	[sflag:s25] =	ssyncset.done $0x0;
	(pc) =	sbr.rel @p2 .LBB2_46-.Ltmp23, $4  }
0x297: {  	[sflag:s25] =	ssyncadd.s32 $0xFFFFC000  }
0x298: {  	_ =	swait.ge [sflag:s25], $0x4000  }
0x299: {  	[sflag:s25] =	ssyncset.done $0x0  }
0x29a: {  	[sflag:s25] =	ssyncadd.s32 $0xFFFFC000  }
0x29b: {  	[bflag:$0x0] =	sbarrier.arrive $0xFFFF  }
0x29c: {  	[tilespmem:s30], [sflag:$0x4] =	stream.linear.gather [spmem:s0], $0x4000, $0x38;
	[tilespmem:$0x1E200] =	vst v63  }
0x29d: {  	_ =	swait.ge [sflag:s31], $0x4000  }
0x29e: {  	[sflag:s31] =	ssyncset.done $0x0  }
0x29f: {  	s4 =	simm.s32 $0x0;
	s10 =	rddreg [dreg:$0xa];
	[sflag:s31] =	ssyncadd.s32 $0xFFFFC000  }
0x2a0: {  	[hbm4b:s10+s4] =	stream.linear.scatter [tilespmem:s30], [sflag:$0x4], $0x4000, $0x38;
	[tilespmem:$0x1E200] =	vst v63  }
0x2a1: {  	_ =	swait.ge [sflag:s31], $0x4000  }
0x2a2: {  	[sflag:s31] =	ssyncset.done $0x0  }
0x2a3: {  	s29 =	rddreg [dreg:$0x6];
	[sflag:s31] =	ssyncadd.s32 $0xFFFFC000  }
0x2a4: {  	[tilespmem:s30], [sflag:$0x4] =	stream.linear.gather [spmem:s29], $0x4000, $0x38;
	[tilespmem:$0x1E200] =	vst v63  }
0x2a5: {  	_ =	swait.ge [sflag:s31], $0x4000  }
0x2a6: {  	[sflag:s31] =	ssyncset.done $0x0  }
0x2a7: {  	s11 =	rddreg [dreg:$0xb];
	[sflag:s31] =	ssyncadd.s32 $0xFFFFC000  }
0x2a8: {  	[hbm4b:s11+s4] =	stream.linear.scatter [tilespmem:s30], [sflag:$0x4], $0x4000, $0x38;
	[tilespmem:$0x1E200] =	vst v63  }
0x2a9: {  	_ =	swait.ge [sflag:s31], $0x4000  }
0x2aa: {  	[sflag:s31] =	ssyncset.done $0x0  }
0x2ab: {  	s9 =	rddreg [dreg:$0x7];
	[sflag:s31] =	ssyncadd.s32 $0xFFFFC000  }
0x2ac: {  	[tilespmem:s30], [sflag:$0x4] =	stream.linear.gather [spmem:s9], $0x3C00, $0x38;
	[tilespmem:$0x1E200] =	vst v63  }
0x2ad: {  	_ =	swait.ge [sflag:s31], $0x3C00  }
0x2ae: {  	[sflag:s31] =	ssyncset.done $0x0  }
0x2af: {  	s10 =	rddreg [dreg:$0xc];
	[sflag:s31] =	ssyncadd.s32 $0xFFFFC400  }
0x2b0: {  	[hbm4b:s10+s4] =	stream.linear.scatter [tilespmem:s30], [sflag:$0x4], $0x3C00, $0x38;
	[tilespmem:$0x1E200] =	vst v63  }
0x2b1: {  	_ =	swait.ge [sflag:s31], $0x3C00  }
0x2b2: {  	s11 =	sld [smem:$0x7FB];
	_ =	sdelay $0x1  }
0x2b3: {  	s26 =	sadd.s32 $0x1, s26  }
0x2b4: {  	p2 =	sne.s32 s26, s11  }
.Ltmp24:
0x2b5: {  	_ = 	snop;
	(pc) =	sbr.rel @p2 .LBB2_1-.Ltmp24, $3  }
0x2b6: {  	_ =	sdelay $0x1  }
0x2b7: {  	[sflag:s31] =	ssyncset.done $0x0  }
0x2b8: {  	s28 =	smov.u32 s0;
	s10 =	simm.s32 $0x800;
	[sflag:s31] =	ssyncadd.s32 $0xFFFFC400  }
0x2b9: {  	_ =	sfence.sel $0x180000  }
0x2ba: {  	[bflag:$0x0] =	sbarrier.arrive $0xFFFF  }
0x2bb: {  	_ =	strace $0x90000047  }
0x2bc: {  	[bflag:$0x2] =	sbarrier.arrive $0xFFFF  }
0x2bd: {  	s0 =	rddreg [dreg:$0x4]  }
0x2be: {  	s0 =	sadd.s32 @!p0 $0x100000, s0  }
0x2bf: {  	[sflag:s0] =	ssyncadd.tile.s32 @!p0 $0x1;
	_ =	shalt  }
.Lfunc_end2:
_tile_overlayer_lowered:
.L_overlay_start_2:
0x2c0: {  	(tag) =	ssettag $0x2  }
0x2c1: {  	s0 =	rddreg [dreg:$0x0];
	s2 =	stileid.u32  }
0x2c2: {  	s1 =	rddreg [dreg:$0x1];
	p0 =	sne.s32 s2, $0x0  }
0x2c3: {  	s3 =	rddreg [dreg:$0x2];
	[bflag:$0x3] =	sbarrier.arrive $0xFFFF;
	s2 =	simm.s32 @!p0 $0x1C04  }
0x2c4: {  	[timem:s3], [sflag:s2] =	dma.local @!p0 [hbm:s0], s1  }
0x2c5: {  	s0 =	simm.s32 @!p0 $0x4  }
0x2c6: {  	_ =	swait.ge @!p0 [sflag:s0], s1  }
0x2c7: {  	s1 =	ssub.s32 @!p0 $0x0, s1;
	[sflag:s0] =	ssyncset.done @!p0 $0x0  }
0x2c8: {  	[sflag:s0] =	ssyncadd.s32 @!p0 s1  }
0x2c9: {  	[bflag:$0x3] =	sbarrier.arrive $0xFFFF  }
0x2ca: {  	_ =	shalt  }

</sc_bundles>
